<compile_context>
chip_gen: v7x
topology: tpu7x:2x2x1
jax: 0.10.2.dev20260603
libtpu: 0.0.44.dev20260713+nightly
codegen_flags: <defaults>
</compile_context>

<pallas_src>
import functools

import jax
import jax.numpy as jnp
from jax import lax
from jax.experimental import pallas as pl
from jax.experimental.pallas import tpu as pltpu
from jax.experimental.pallas import tpu_sc as plsc

F32 = jnp.float32
I32 = jnp.int32

B = 8
Q, C, T = 900, 10, 128
LQ, PF, TL = 100, 60, 32
QP = 912
LQP = 112
BIG = 1.0e30
BIGC = 3.0e30
OKTHR = 1.0e29
IBIG = 2 ** 30

DET_W = T * QP
LANE_W = TL * LQP



def _stage1_body(olT_ref, obT_ref, tb_ref, lab_ref, val_ref, ll_ref, lpT_ref,
                 ltg_ref, lval_ref,
                 costd_ref, cmind_ref, cargd_ref, costl_ref, cminl_ref,
                 cargl_ref, bce1_ref, bce2_ref, nv_ref, lnv_ref):
    olT = olT_ref[0]
    obT = obT_ref[0]
    tb = tb_ref[0]
    lab = lab_ref[0]
    val = val_ref[0]
    probsT = 1.0 / (1.0 + jnp.exp(-olT))

    gath = jnp.zeros((T, Q), F32)
    for c in range(C):
        gath = jnp.where(lab == c, probsT[c:c + 1, :], gath)
    class_cost = 1.0 - gath

    def bdiff(d):
        return jnp.abs(obT[d:d + 1, :] - tb[:, d:d + 1])

    center_cost = bdiff(0) + bdiff(1) + bdiff(2)
    size_cost = (jnp.abs(jnp.abs(obT[3:4, :]) - jnp.abs(tb[:, 3:4]))
                 + jnp.abs(jnp.abs(obT[4:5, :]) - jnp.abs(tb[:, 4:5]))
                 + jnp.abs(jnp.abs(obT[5:6, :]) - jnp.abs(tb[:, 5:6])))
    dy = obT[6:7, :] - tb[:, 6:7]
    yaw_cost = jnp.abs(jnp.arctan2(jnp.sin(dy), jnp.cos(dy)))
    vel_cost = bdiff(7) + bdiff(8)
    cost = (2.0 * class_cost + 2.0 * center_cost + 1.0 * size_cost
            + 0.5 * yaw_cost + 0.5 * vel_cost)
    cost = jnp.where(val != 0.0, cost, BIG)
    costd_ref[0, :, 0:Q] = cost
    costd_ref[0, :, Q:QP] = jnp.full((T, QP - Q), BIG, F32)

    m_t = jnp.min(cost, axis=1, keepdims=True)
    qio = lax.broadcasted_iota(I32, (T, Q), 1)
    a_t = jnp.min(jnp.where(cost == m_t, qio, IBIG), axis=1, keepdims=True)
    cmind_ref[0] = m_t
    cargd_ref[0] = a_t

    lpT = lpT_ref[0]
    ltg = ltg_ref[0]
    lval = lval_ref[0]
    lacc = jnp.zeros((TL, LQ), F32)
    for j in range(PF):
        lacc = lacc + jnp.abs(lpT[j:j + 1, :] - ltg[:, j:j + 1])
    lcost = (lacc / F32(PF)) * 4.0
    lcost = jnp.where(lval != 0.0, lcost, BIG)
    costl_ref[0, :, 0:LQ] = lcost
    costl_ref[0, :, LQ:LQP] = jnp.full((TL, LQP - LQ), BIG, F32)

    lm_t = jnp.min(lcost, axis=1, keepdims=True)
    lqio = lax.broadcasted_iota(I32, (TL, LQ), 1)
    la_t = jnp.min(jnp.where(lcost == lm_t, lqio, IBIG), axis=1, keepdims=True)
    cminl_ref[0] = lm_t
    cargl_ref[0] = la_t

    bce1_ref[0] = jnp.full((1, 1), jnp.sum(jnp.maximum(olT, 0.0)
                                           + jnp.log1p(jnp.exp(-jnp.abs(olT)))))
    ll = ll_ref[0]
    bce2_ref[0] = jnp.full((1, 1), jnp.sum(jnp.maximum(ll, 0.0)
                                           + jnp.log1p(jnp.exp(-jnp.abs(ll)))))
    nv_ref[0] = jnp.full((1, 1), jnp.sum(val))
    lnv_ref[0] = jnp.full((1, 1), jnp.sum(lval))


def _stage1(olT, obT, tb, lab3, val3, ll3, lpT, ltg3, lval3):
    spec = lambda *shape: pl.BlockSpec((1,) + shape, lambda b: (b, 0, 0))
    return pl.pallas_call(
        _stage1_body,
        grid=(B,),
        in_specs=[
            spec(C, Q), spec(9, Q), spec(T, 9), spec(T, 1), spec(T, 1),
            spec(1, LQ), spec(PF, LQ), spec(TL, PF), spec(TL, 1),
        ],
        out_specs=[
            spec(T, QP), spec(T, 1), spec(T, 1),
            spec(TL, LQP), spec(TL, 1), spec(TL, 1),
            spec(1, 1), spec(1, 1), spec(1, 1), spec(1, 1),
        ],
        out_shape=[
            jax.ShapeDtypeStruct((B, T, QP), F32),
            jax.ShapeDtypeStruct((B, T, 1), F32),
            jax.ShapeDtypeStruct((B, T, 1), I32),
            jax.ShapeDtypeStruct((B, TL, LQP), F32),
            jax.ShapeDtypeStruct((B, TL, 1), F32),
            jax.ShapeDtypeStruct((B, TL, 1), I32),
            jax.ShapeDtypeStruct((B, 1, 1), F32),
            jax.ShapeDtypeStruct((B, 1, 1), F32),
            jax.ShapeDtypeStruct((B, 1, 1), F32),
            jax.ShapeDtypeStruct((B, 1, 1), F32),
        ],
    )(olT, obT, tb, lab3, val3, ll3, lpT, ltg3, lval3)



def _sc_scatter1(ref, idx, value, lane0):
    plsc.store_scatter(ref, [jnp.full((16,), idx, I32)],
                       jnp.full((16,), value, ref.dtype), mask=lane0)


def _greedy(nt, qp, cost_v, cmin_v, carg_v, rpen_v, mr_v, mc_v, mo_v):
    nchunk_t = nt // 16
    nchunk_q = qp // 16
    lanes = lax.iota(I32, 16)
    lane0 = lanes == 0

    for ch in range(nchunk_q):
        rpen_v[pl.ds(ch * 16, 16)] = jnp.zeros((16,), F32)

    def compute_m():
        acc = jnp.full((16,), F32(3.5e30), F32)
        for j in range(nchunk_t):
            acc = jnp.minimum(acc, cmin_v[pl.ds(j * 16, 16)])
        return jnp.min(acc)

    def first_stale(m):
        sacc = jnp.full((16,), IBIG, I32)
        for j in range(nchunk_t):
            cm = cmin_v[pl.ds(j * 16, 16)]
            ca = carg_v[pl.ds(j * 16, 16)]
            g = plsc.load_gather(rpen_v, [jnp.maximum(ca, 0)])
            st = (cm == m) & (ca >= 0) & (g > 0.0)
            sacc = jnp.minimum(sacc, jnp.where(st, lanes + j * 16, IBIG))
        return jnp.min(sacc)

    def stale_or_none(m):
        return jnp.where(m < OKTHR, first_stale(m), IBIG)

    def step(k, _):
        def fix_body(carry):
            _, jc = carry
            base = jc * qp

            def chunk(ch, c2):
                bmin, brow = c2
                v = (cost_v[pl.ds(base + ch * 16, 16)]
                     + rpen_v[pl.ds(ch * 16, 16)])
                rows = lanes + ch * 16
                brow = jnp.where(v < bmin, rows, brow)
                return jnp.minimum(bmin, v), brow

            bmin, brow = lax.fori_loop(
                0, nchunk_q, chunk,
                (jnp.full((16,), F32(3.5e30), F32), jnp.zeros((16,), I32)))
            m2 = jnp.min(bmin)
            r2 = jnp.min(jnp.where(bmin == m2, brow, IBIG))
            _sc_scatter1(cmin_v, jc, m2, lane0)
            _sc_scatter1(carg_v, jc, r2, lane0)
            mn = compute_m()
            return mn, stale_or_none(mn)

        m0 = compute_m()
        m, _ = lax.while_loop(lambda c: c[1] < IBIG, fix_body,
                              (m0, stale_or_none(m0)))

        kacc = jnp.full((16,), IBIG, I32)
        for j in range(nchunk_t):
            cm = cmin_v[pl.ds(j * 16, 16)]
            ca = carg_v[pl.ds(j * 16, 16)]
            key = ca * 128 + (lanes + j * 16)
            kacc = jnp.minimum(kacc, jnp.where(cm == m, key, IBIG))
        kmin = jnp.min(kacc)
        col = jnp.bitwise_and(kmin, 127)
        r = jnp.right_shift(kmin, 7)
        ok = m < OKTHR

        _sc_scatter1(mr_v, k, r, lane0)
        _sc_scatter1(mc_v, k, col, lane0)
        _sc_scatter1(mo_v, k, ok.astype(I32), lane0)

        @pl.when(ok)
        def _consume():
            _sc_scatter1(rpen_v, r, BIG, lane0)
            _sc_scatter1(cmin_v, col, BIGC, lane0)
            _sc_scatter1(carg_v, col, jnp.int32(-1), lane0)

        return 0

    lax.fori_loop(0, nt, step, 0)


def _sc_match(costd_f, cmind_f, cargd_f, costl_f, cminl_f, cargl_f):
    mesh = plsc.VectorSubcoreMesh(core_axis_name="c", subcore_axis_name="s")

    @functools.partial(
        pl.kernel,
        mesh=mesh,
        compiler_params=pltpu.CompilerParams(needs_layout_passes=False),
        out_type=[
            jax.ShapeDtypeStruct((B * T,), I32),
            jax.ShapeDtypeStruct((B * T,), I32),
            jax.ShapeDtypeStruct((B * T,), I32),
            jax.ShapeDtypeStruct((B * TL,), I32),
            jax.ShapeDtypeStruct((B * TL,), I32),
            jax.ShapeDtypeStruct((B * TL,), I32),
        ],
        scratch_types=[
            pltpu.VMEM((DET_W,), F32),
            pltpu.VMEM((T,), F32),
            pltpu.VMEM((T,), I32),
            pltpu.VMEM((QP,), F32),
            pltpu.VMEM((T,), I32),
            pltpu.VMEM((T,), I32),
            pltpu.VMEM((T,), I32),
        ],
    )
    def k(costd, cmind, cargd, costl, cminl, cargl,
          outdr, outdc, outdo, outlr, outlc, outlo,
          cost_v, cmin_v, carg_v, rpen_v, mr_v, mc_v, mo_v):
        wid = lax.axis_index("s") * 2 + lax.axis_index("c")

        @pl.when(wid < B)
        def _det():
            b = wid
            pltpu.sync_copy(costd.at[pl.ds(b * DET_W, DET_W)], cost_v)
            pltpu.sync_copy(cmind.at[pl.ds(b * T, T)], cmin_v)
            pltpu.sync_copy(cargd.at[pl.ds(b * T, T)], carg_v)
            _greedy(T, QP, cost_v, cmin_v, carg_v, rpen_v, mr_v, mc_v, mo_v)
            pltpu.sync_copy(mr_v, outdr.at[pl.ds(b * T, T)])
            pltpu.sync_copy(mc_v, outdc.at[pl.ds(b * T, T)])
            pltpu.sync_copy(mo_v, outdo.at[pl.ds(b * T, T)])

        @pl.when((wid >= B) & (wid < 2 * B))
        def _lane():
            b = wid - B
            pltpu.sync_copy(costl.at[pl.ds(b * LANE_W, LANE_W)],
                            cost_v.at[pl.ds(0, LANE_W)])
            pltpu.sync_copy(cminl.at[pl.ds(b * TL, TL)],
                            cmin_v.at[pl.ds(0, TL)])
            pltpu.sync_copy(cargl.at[pl.ds(b * TL, TL)],
                            carg_v.at[pl.ds(0, TL)])
            _greedy(TL, LQP, cost_v, cmin_v, carg_v, rpen_v, mr_v, mc_v, mo_v)
            pltpu.sync_copy(mr_v.at[pl.ds(0, TL)], outlr.at[pl.ds(b * TL, TL)])
            pltpu.sync_copy(mc_v.at[pl.ds(0, TL)], outlc.at[pl.ds(b * TL, TL)])
            pltpu.sync_copy(mo_v.at[pl.ds(0, TL)], outlo.at[pl.ds(b * TL, TL)])

    return k(costd_f, cmind_f, cargd_f, costl_f, cminl_f, cargl_f)



def _stage3_body(mrd_ref, mcd_ref, mod_ref, mrl_ref, mcl_ref, mol_ref,
                 ob_ref, tb_ref, ol_ref, lab_ref, ll_ref, lp_ref, ltg_ref,
                 bce1_ref, bce2_ref, nv_ref, lnv_ref, out_ref):
    hi = jax.lax.Precision.HIGHEST
    tot_box = F32(0.0)
    tot_pos = F32(0.0)
    tot_lshape = F32(0.0)
    tot_lpos = F32(0.0)
    for b in range(B):
        mr = mrd_ref[b]
        mc = mcd_ref[b]
        mo = mod_ref[b].astype(F32)
        qio = lax.broadcasted_iota(I32, (T, Q), 1)
        ohr = (mr == qio).astype(F32)
        tio = lax.broadcasted_iota(I32, (T, T), 1)
        ohc = (mc == tio).astype(F32)
        pred = jnp.dot(ohr, ob_ref[b], precision=hi)
        tgt = jnp.dot(ohc, tb_ref[b], precision=hi)
        d = pred - tgt
        ad = jnp.abs(d)
        sl1 = jnp.where(ad < 1.0, 0.5 * d * d, ad - 0.5)
        tot_box = tot_box + jnp.sum(sl1 * mo)
        glog = jnp.dot(ohr, ol_ref[b], precision=hi)
        cio = lax.broadcasted_iota(I32, (T, C), 1)
        lab_oh = (lab_ref[b] == cio).astype(F32)
        glab = jnp.dot(ohc, lab_oh, precision=hi)
        tot_pos = tot_pos + jnp.sum(glog * glab * mo)

        lmr = mrl_ref[b]
        lmc = mcl_ref[b]
        lmo = mol_ref[b].astype(F32)
        lqio = lax.broadcasted_iota(I32, (TL, LQ), 1)
        ohlr = (lmr == lqio).astype(F32)
        ltio = lax.broadcasted_iota(I32, (TL, TL), 1)
        ohlc = (lmc == ltio).astype(F32)
        predl = jnp.dot(ohlr, lp_ref[b], precision=hi)
        tgtl = jnp.dot(ohlc, ltg_ref[b], precision=hi)
        dl = predl - tgtl
        adl = jnp.abs(dl)
        sl1l = jnp.where(adl < 1.0, 0.5 * dl * dl, adl - 0.5)
        tot_lshape = tot_lshape + jnp.sum(sl1l * lmo)
        tot_lpos = tot_lpos + jnp.sum(ohlr * ll_ref[b] * lmo)

    bce1 = jnp.sum(bce1_ref[...])
    bce2 = jnp.sum(bce2_ref[...])
    norm = jnp.maximum(jnp.sum(nv_ref[...]), 1.0)
    lnorm = jnp.maximum(jnp.sum(lnv_ref[...]), 1.0)
    oio = lax.broadcasted_iota(I32, (1, 6), 1)
    out_ref[...] = ((oio == 1).astype(F32) * ((bce1 - tot_pos) / norm)
                    + (oio == 2).astype(F32) * (tot_box / norm)
                    + (oio == 4).astype(F32) * ((bce2 - tot_lpos) / lnorm)
                    + (oio == 5).astype(F32) * (tot_lshape / lnorm))


def _stage3(mrd, mcd, mod_, mrl, mcl, mol, ob, tb, ol, lab3, ll3, lpf, ltg3,
            bce1, bce2, nv, lnv):
    return pl.pallas_call(
        _stage3_body,
        out_shape=jax.ShapeDtypeStruct((1, 6), F32),
    )(mrd, mcd, mod_, mrl, mcl, mol, ob, tb, ol, lab3, ll3, lpf, ltg3,
      bce1, bce2, nv, lnv)



def kernel(object_logits, object_boxes, lane_logits, lane_polylines,
           od_boxes, od_labels, od_valid, lane_targets, lane_valid):
    ol = object_logits.astype(F32)
    ob = object_boxes.astype(F32)
    ll = lane_logits.astype(F32)
    lp = lane_polylines.astype(F32)
    tb = od_boxes.astype(F32)
    ltg = lane_targets.astype(F32)

    olT = jnp.transpose(ol, (0, 2, 1))
    obT = jnp.transpose(ob, (0, 2, 1))
    lpf = lp.reshape(B, LQ, PF)
    lpT = jnp.transpose(lpf, (0, 2, 1))
    ltg3 = ltg.reshape(B, TL, PF)
    lab3 = od_labels.astype(I32).reshape(B, T, 1)
    val3 = od_valid.astype(F32).reshape(B, T, 1)
    lval3 = lane_valid.astype(F32).reshape(B, TL, 1)
    ll3 = ll.reshape(B, 1, LQ)

    (costd, cmind, cargd, costl, cminl, cargl,
     bce1, bce2, nv, lnv) = _stage1(olT, obT, tb, lab3, val3, ll3, lpT,
                                    ltg3, lval3)

    mrd, mcd, mod_, mrl, mcl, mol = _sc_match(
        costd.reshape(-1), cmind.reshape(-1), cargd.reshape(-1),
        costl.reshape(-1), cminl.reshape(-1), cargl.reshape(-1))

    out = _stage3(mrd.reshape(B, T, 1), mcd.reshape(B, T, 1),
                  mod_.reshape(B, T, 1), mrl.reshape(B, TL, 1),
                  mcl.reshape(B, TL, 1), mol.reshape(B, TL, 1),
                  ob, tb, ol, lab3, ll3, lpf, ltg3, bce1, bce2, nv, lnv)
    return out.reshape(6)

# --- scband reference (transcript-rebuilt; emitter-appended) ---
"""Pipeline reference for scband-multitask-criterion-69999376990493 (READ-ONLY COPY).

The authoritative reference and input builder live on the scoring server;
editing this copy changes nothing except your own understanding.
"""

import jax, jax.numpy as jnp
import numpy as np


def _greedy_assignment(cost):
    H, W = cost.shape
    n = min(H, W)

    def step(c, _):
        flat = c.reshape(-1)
        idx = jnp.argmin(flat)
        r = idx // W
        col = idx % W
        ok = jnp.isfinite(flat[idx])
        c = c.at[r, :].set(jnp.inf)
        c = c.at[:, col].set(jnp.inf)
        return c, (r, col, ok)

    _, (rows, cols, oks) = jax.lax.scan(step, cost, None, length=n)
    return rows, cols, oks


def _smooth_l1_sum(pred, target):
    d = pred - target
    ad = jnp.abs(d)
    return jnp.sum(jnp.where(ad < 1.0, 0.5 * d * d, ad - 0.5))


def _bce_logits_sum(x, z):
    return jnp.sum(jnp.maximum(x, 0.0) - x * z + jnp.log1p(jnp.exp(-jnp.abs(x))))


def _det_match(ol, ob, tb, tl, tv):
    B, Q, C = ol.shape
    tc = jnp.zeros((B, Q, C), dtype=jnp.float32)
    matches = []
    total_gt = jnp.zeros((), dtype=jnp.int32)
    for b in range(B):
        v = tv[b]
        labels = tl[b]
        probs = 1.0 / (1.0 + jnp.exp(-ol[b]))
        class_cost = 1.0 - probs[:, labels]
        center_cost = jnp.abs(ob[b][:, None, :3] - tb[b][None, :, :3]).sum(-1)
        size_cost = jnp.abs(jnp.abs(ob[b][:, None, 3:6]) - jnp.abs(tb[b][None, :, 3:6])).sum(-1)
        dy = ob[b][:, 6][:, None] - tb[b][:, 6][None, :]
        yaw_cost = jnp.abs(jnp.arctan2(jnp.sin(dy), jnp.cos(dy)))
        vel_cost = jnp.abs(ob[b][:, None, 7:9] - tb[b][None, :, 7:9]).sum(-1)
    # weights: class=2.0 center=2.0 size=1.0 yaw=0.5 velocity=0.5
        cost = 2.0 * class_cost + 2.0 * center_cost + 1.0 * size_cost + 0.5 * yaw_cost + 0.5 * vel_cost
        cost = jnp.where(v[None, :], cost, jnp.inf)
        pi, ti, ok = _greedy_assignment(cost)
        okf = ok.astype(jnp.float32)
        tc = tc.at[b, pi, labels[ti]].max(okf)
        matches.append((b, pi, ti, ok))
        total_gt = total_gt + jnp.sum(v).astype(jnp.int32)
    return tc, matches, jnp.maximum(total_gt, 1).astype(jnp.float32)


def _lane_match(lp, lt, lv):
    B, LQ = lp.shape[0], lp.shape[1]
    tvm = jnp.zeros((B, LQ), dtype=jnp.float32)
    matches = []
    total = jnp.zeros((), dtype=jnp.int32)
    for b in range(B):
        v = lv[b]
        cost = jnp.abs(lp[b][:, None] - lt[b][None, :]).mean(axis=(-1, -2)) * 4.0
        cost = jnp.where(v[None, :], cost, jnp.inf)
        pi, ti, ok = _greedy_assignment(cost)
        okf = ok.astype(jnp.float32)
        tvm = tvm.at[b, pi].max(okf)
        matches.append((b, pi, ti, ok))
        total = total + jnp.sum(v).astype(jnp.int32)
    return tvm, matches, jnp.maximum(total, 1).astype(jnp.float32)


def setup_inputs(seed: int = 0):
    key = jax.random.key(seed)
    ks = jax.random.split(key, 9)
    B, Q, C = 8, 900, 10
    LQ, P = 100, 20
    T, TL = 128, 32
    return {
        "object_logits": jax.random.normal(ks[0], (B, Q, C), dtype=jnp.float32),
        "object_boxes": jax.random.normal(ks[1], (B, Q, 9), dtype=jnp.float32),
        "lane_logits": jax.random.normal(ks[2], (B, LQ), dtype=jnp.float32),
        "lane_polylines": jax.random.normal(ks[3], (B, LQ, P, 3), dtype=jnp.float32),
        "od_boxes": jax.random.normal(ks[4], (B, T, 9), dtype=jnp.float32),
        "od_labels": jax.random.randint(ks[5], (B, T), 0, C),
        "od_valid": jax.random.randint(ks[6], (B, T), 0, 2).astype(bool),
        "lane_targets": jax.random.normal(ks[7], (B, TL, P, 3), dtype=jnp.float32),
        "lane_valid": jax.random.randint(ks[8], (B, TL), 0, 2).astype(bool),
    }


def reference(object_logits, object_boxes, lane_logits, lane_polylines, od_boxes, od_labels, od_valid, lane_targets, lane_valid):
    ol = object_logits.astype(jnp.float32)
    ob = object_boxes.astype(jnp.float32)
    ll = lane_logits.astype(jnp.float32)
    lp = lane_polylines.astype(jnp.float32)
    tb = od_boxes.astype(jnp.float32)
    ltg = lane_targets.astype(jnp.float32)
    tc, det_matches, norm = _det_match(ol, ob, tb, od_labels, od_valid)
    tvm, lane_matches, lnorm = _lane_match(lp, ltg, lane_valid)
    zero = jnp.sum(ol) * 0.0
    total_box = zero
    for b, pi, fti, ok in det_matches:
        pred = jnp.where(ok[:, None], ob[b][pi], tb[b][fti])
        total_box = total_box + _smooth_l1_sum(pred, tb[b][fti])
    cls_loss = _bce_logits_sum(ol, tc) / norm
    box_loss = total_box / norm
    lzero = jnp.sum(ll) * 0.0
    total_shape = lzero
    for b, pi, fti, ok in lane_matches:
        pred = jnp.where(ok[:, None, None], lp[b][pi], ltg[b][fti])
        total_shape = total_shape + _smooth_l1_sum(pred, ltg[b][fti])
    lane_logit_loss = _bce_logits_sum(ll, tvm) / lnorm
    lane_shape_loss = total_shape / lnorm
    # [objectness, object_cls, object_box, object_ref, lane_logits, lane_shape]
    return jnp.stack([zero, cls_loss, box_loss, zero * 1.0, lane_logit_loss, lane_shape_loss])

if __name__ == "__main__":
    import jax
    _d = setup_inputs()
    print(jax.jit(kernel)(*tuple(_d.values())))

</pallas_src>

<mosaic_0001>
#map = affine_map<(d0, d1) -> (0)>
module attributes {stable_mosaic.version = 14 : i64} {
  func.func @k(%arg0: i32, %arg1: i32, %arg2: memref<933888xf32, #tpu.memory_space<hbm>>, %arg3: memref<1024xf32, #tpu.memory_space<hbm>>, %arg4: memref<1024xi32, #tpu.memory_space<hbm>>, %arg5: memref<28672xf32, #tpu.memory_space<hbm>>, %arg6: memref<256xf32, #tpu.memory_space<hbm>>, %arg7: memref<256xi32, #tpu.memory_space<hbm>>, %arg8: memref<1024xi32, #tpu.memory_space<hbm>>, %arg9: memref<1024xi32, #tpu.memory_space<hbm>>, %arg10: memref<1024xi32, #tpu.memory_space<hbm>>, %arg11: memref<256xi32, #tpu.memory_space<hbm>>, %arg12: memref<256xi32, #tpu.memory_space<hbm>>, %arg13: memref<256xi32, #tpu.memory_space<hbm>>, %arg14: memref<116736xf32, #tpu.memory_space<vmem>>, %arg15: memref<128xf32, #tpu.memory_space<vmem>>, %arg16: memref<128xi32, #tpu.memory_space<vmem>>, %arg17: memref<912xf32, #tpu.memory_space<vmem>>, %arg18: memref<128xi32, #tpu.memory_space<vmem>>, %arg19: memref<128xi32, #tpu.memory_space<vmem>>, %arg20: memref<128xi32, #tpu.memory_space<vmem>>) attributes {dimension_semantics = [#tpu.dimension_semantics<core_parallel>, #tpu.dimension_semantics<subcore_parallel>], iteration_bounds = array<i64: 2, 16>, scalar_prefetch = 0 : i64, scratch_operands = 7 : i64, tpu.core_type = #tpu.core_type<sc_vector_subcore>, window_params = [{transform_indices = #map}, {transform_indices = #map}, {transform_indices = #map}, {transform_indices = #map}, {transform_indices = #map}, {transform_indices = #map}, {transform_indices = #map}, {transform_indices = #map}, {transform_indices = #map}, {transform_indices = #map}, {transform_indices = #map}, {transform_indices = #map}]} {
    %mul3A = arith.constant 2 : i32
    %mul3A_0 = arith.muli %arg1, %mul3A : i32
    %add3A = arith.addi %mul3A_0, %arg0 : i32
    %lt3A = arith.constant 8 : i32
    %lt3A_1 = arith.cmpi slt, %add3A, %lt3A : i32
    %convert_element_type3A = arith.extui %lt3A_1 : i1 to i32
    %cond3A = arith.constant 0 : i32
    %cond3A_2 = arith.cmpi ne, %convert_element_type3A, %cond3A : i32
    scf.if %cond3A_2 {
      %mul3A_9 = arith.constant 116736 : i32
      %mul3A_10 = arith.muli %add3A, %mul3A_9 : i32
      "tpu.region"() ({
        %run_scoped3A = tpu.sem_alloc : memref<!tpu.dma_semaphore, #tpu.memory_space<semaphore_mem>>
        %dma_start3A = tpu.memref_slice %arg2[%mul3A_10] : memref<933888xf32, #tpu.memory_space<hbm>> -> memref<116736xf32, #tpu.memory_space<hbm>>
        %dma_start3A_255 = tpu.memref_slice %arg2[%mul3A_10] : memref<933888xf32, #tpu.memory_space<hbm>> -> memref<116736xf32, #tpu.memory_space<hbm>>
        tpu.enqueue_dma source(%dma_start3A_255 : memref<116736xf32, #tpu.memory_space<hbm>>) target(%arg14 : memref<116736xf32, #tpu.memory_space<vmem>>) target_semaphore(%run_scoped3A : memref<!tpu.dma_semaphore, #tpu.memory_space<semaphore_mem>>)
        %dma_wait3A = tpu.memref_slice %arg2[%mul3A_10] : memref<933888xf32, #tpu.memory_space<hbm>> -> memref<116736xf32, #tpu.memory_space<hbm>>
        %dma_wait3A_256 = tpu.memref_slice %arg2[%mul3A_10] : memref<933888xf32, #tpu.memory_space<hbm>> -> memref<116736xf32, #tpu.memory_space<hbm>>
        tpu.wait_dma2 semaphore(%run_scoped3A : memref<!tpu.dma_semaphore, #tpu.memory_space<semaphore_mem>>) src(%dma_wait3A_256 : memref<116736xf32, #tpu.memory_space<hbm>>) dst(%arg14 : memref<116736xf32, #tpu.memory_space<vmem>>)
        tpu.yield
      }) : () -> ()
      %mul3A_11 = arith.constant 128 : i32
      %mul3A_12 = arith.muli %add3A, %mul3A_11 : i32
      "tpu.region"() ({
        %run_scoped3A = tpu.sem_alloc : memref<!tpu.dma_semaphore, #tpu.memory_space<semaphore_mem>>
        %dma_start3A = tpu.memref_slice %arg3[%mul3A_12] : memref<1024xf32, #tpu.memory_space<hbm>> -> memref<128xf32, #tpu.memory_space<hbm>>
        %dma_start3A_255 = tpu.memref_slice %arg3[%mul3A_12] : memref<1024xf32, #tpu.memory_space<hbm>> -> memref<128xf32, #tpu.memory_space<hbm>>
        tpu.enqueue_dma source(%dma_start3A_255 : memref<128xf32, #tpu.memory_space<hbm>>) target(%arg15 : memref<128xf32, #tpu.memory_space<vmem>>) target_semaphore(%run_scoped3A : memref<!tpu.dma_semaphore, #tpu.memory_space<semaphore_mem>>)
        %dma_wait3A = tpu.memref_slice %arg3[%mul3A_12] : memref<1024xf32, #tpu.memory_space<hbm>> -> memref<128xf32, #tpu.memory_space<hbm>>
        %dma_wait3A_256 = tpu.memref_slice %arg3[%mul3A_12] : memref<1024xf32, #tpu.memory_space<hbm>> -> memref<128xf32, #tpu.memory_space<hbm>>
        tpu.wait_dma2 semaphore(%run_scoped3A : memref<!tpu.dma_semaphore, #tpu.memory_space<semaphore_mem>>) src(%dma_wait3A_256 : memref<128xf32, #tpu.memory_space<hbm>>) dst(%arg15 : memref<128xf32, #tpu.memory_space<vmem>>)
        tpu.yield
      }) : () -> ()
      %mul3A_13 = arith.constant 128 : i32
      %mul3A_14 = arith.muli %add3A, %mul3A_13 : i32
      "tpu.region"() ({
        %run_scoped3A = tpu.sem_alloc : memref<!tpu.dma_semaphore, #tpu.memory_space<semaphore_mem>>
        %dma_start3A = tpu.memref_slice %arg4[%mul3A_14] : memref<1024xi32, #tpu.memory_space<hbm>> -> memref<128xi32, #tpu.memory_space<hbm>>
        %dma_start3A_255 = tpu.memref_slice %arg4[%mul3A_14] : memref<1024xi32, #tpu.memory_space<hbm>> -> memref<128xi32, #tpu.memory_space<hbm>>
        tpu.enqueue_dma source(%dma_start3A_255 : memref<128xi32, #tpu.memory_space<hbm>>) target(%arg16 : memref<128xi32, #tpu.memory_space<vmem>>) target_semaphore(%run_scoped3A : memref<!tpu.dma_semaphore, #tpu.memory_space<semaphore_mem>>)
        %dma_wait3A = tpu.memref_slice %arg4[%mul3A_14] : memref<1024xi32, #tpu.memory_space<hbm>> -> memref<128xi32, #tpu.memory_space<hbm>>
        %dma_wait3A_256 = tpu.memref_slice %arg4[%mul3A_14] : memref<1024xi32, #tpu.memory_space<hbm>> -> memref<128xi32, #tpu.memory_space<hbm>>
        tpu.wait_dma2 semaphore(%run_scoped3A : memref<!tpu.dma_semaphore, #tpu.memory_space<semaphore_mem>>) src(%dma_wait3A_256 : memref<128xi32, #tpu.memory_space<hbm>>) dst(%arg16 : memref<128xi32, #tpu.memory_space<vmem>>)
        tpu.yield
      }) : () -> ()
      %iota3A = tpu.iota {dimensions = array<i32: 0>} : vector<16xi32>
      %eq3A = arith.constant 0 : i32
      %eq3A_15 = vector.broadcast %eq3A : i32 to vector<16xi32>
      %eq3A_16 = arith.cmpi eq, %iota3A, %eq3A_15 : vector<16xi32>
      %broadcast_in_dim3A = arith.constant 0.000000e+00 : f32
      %broadcast_in_dim3A_17 = vector.broadcast %broadcast_in_dim3A : f32 to vector<16xf32>
      %swap3A = arith.constant 0 : index
      %swap3A_18 = tpu.vector_load %arg17[%swap3A] {strides = array<i32>} : memref<912xf32, #tpu.memory_space<vmem>>, vector<16xf32>,
      tpu.vector_store %arg17[%swap3A], %broadcast_in_dim3A_17 {strides = array<i32>} : memref<912xf32, #tpu.memory_space<vmem>>, vector<16xf32>,
      %broadcast_in_dim3A_19 = arith.constant 0.000000e+00 : f32
      %broadcast_in_dim3A_20 = vector.broadcast %broadcast_in_dim3A_19 : f32 to vector<16xf32>
      %swap3A_21 = arith.constant 16 : index
      %swap3A_22 = tpu.vector_load %arg17[%swap3A_21] {strides = array<i32>} : memref<912xf32, #tpu.memory_space<vmem>>, vector<16xf32>,
      tpu.vector_store %arg17[%swap3A_21], %broadcast_in_dim3A_20 {strides = array<i32>} : memref<912xf32, #tpu.memory_space<vmem>>, vector<16xf32>,
      %broadcast_in_dim3A_23 = arith.constant 0.000000e+00 : f32
      %broadcast_in_dim3A_24 = vector.broadcast %broadcast_in_dim3A_23 : f32 to vector<16xf32>
      %swap3A_25 = arith.constant 32 : index
      %swap3A_26 = tpu.vector_load %arg17[%swap3A_25] {strides = array<i32>} : memref<912xf32, #tpu.memory_space<vmem>>, vector<16xf32>,
      tpu.vector_store %arg17[%swap3A_25], %broadcast_in_dim3A_24 {strides = array<i32>} : memref<912xf32, #tpu.memory_space<vmem>>, vector<16xf32>,
      %broadcast_in_dim3A_27 = arith.constant 0.000000e+00 : f32
      %broadcast_in_dim3A_28 = vector.broadcast %broadcast_in_dim3A_27 : f32 to vector<16xf32>
      %swap3A_29 = arith.constant 48 : index
      %swap3A_30 = tpu.vector_load %arg17[%swap3A_29] {strides = array<i32>} : memref<912xf32, #tpu.memory_space<vmem>>, vector<16xf32>,
      tpu.vector_store %arg17[%swap3A_29], %broadcast_in_dim3A_28 {strides = array<i32>} : memref<912xf32, #tpu.memory_space<vmem>>, vector<16xf32>,
      %broadcast_in_dim3A_31 = arith.constant 0.000000e+00 : f32
      %broadcast_in_dim3A_32 = vector.broadcast %broadcast_in_dim3A_31 : f32 to vector<16xf32>
      %swap3A_33 = arith.constant 64 : index
      %swap3A_34 = tpu.vector_load %arg17[%swap3A_33] {strides = array<i32>} : memref<912xf32, #tpu.memory_space<vmem>>, vector<16xf32>,
      tpu.vector_store %arg17[%swap3A_33], %broadcast_in_dim3A_32 {strides = array<i32>} : memref<912xf32, #tpu.memory_space<vmem>>, vector<16xf32>,
      %broadcast_in_dim3A_35 = arith.constant 0.000000e+00 : f32
      %broadcast_in_dim3A_36 = vector.broadcast %broadcast_in_dim3A_35 : f32 to vector<16xf32>
      %swap3A_37 = arith.constant 80 : index
      %swap3A_38 = tpu.vector_load %arg17[%swap3A_37] {strides = array<i32>} : memref<912xf32, #tpu.memory_space<vmem>>, vector<16xf32>,
      tpu.vector_store %arg17[%swap3A_37], %broadcast_in_dim3A_36 {strides = array<i32>} : memref<912xf32, #tpu.memory_space<vmem>>, vector<16xf32>,
      %broadcast_in_dim3A_39 = arith.constant 0.000000e+00 : f32
      %broadcast_in_dim3A_40 = vector.broadcast %broadcast_in_dim3A_39 : f32 to vector<16xf32>
      %swap3A_41 = arith.constant 96 : index
      %swap3A_42 = tpu.vector_load %arg17[%swap3A_41] {strides = array<i32>} : memref<912xf32, #tpu.memory_space<vmem>>, vector<16xf32>,
      tpu.vector_store %arg17[%swap3A_41], %broadcast_in_dim3A_40 {strides = array<i32>} : memref<912xf32, #tpu.memory_space<vmem>>, vector<16xf32>,
      %broadcast_in_dim3A_43 = arith.constant 0.000000e+00 : f32
      %broadcast_in_dim3A_44 = vector.broadcast %broadcast_in_dim3A_43 : f32 to vector<16xf32>
      %swap3A_45 = arith.constant 112 : index
      %swap3A_46 = tpu.vector_load %arg17[%swap3A_45] {strides = array<i32>} : memref<912xf32, #tpu.memory_space<vmem>>, vector<16xf32>,
      tpu.vector_store %arg17[%swap3A_45], %broadcast_in_dim3A_44 {strides = array<i32>} : memref<912xf32, #tpu.memory_space<vmem>>, vector<16xf32>,
      %broadcast_in_dim3A_47 = arith.constant 0.000000e+00 : f32
      %broadcast_in_dim3A_48 = vector.broadcast %broadcast_in_dim3A_47 : f32 to vector<16xf32>
      %swap3A_49 = arith.constant 128 : index
      %swap3A_50 = tpu.vector_load %arg17[%swap3A_49] {strides = array<i32>} : memref<912xf32, #tpu.memory_space<vmem>>, vector<16xf32>,
      tpu.vector_store %arg17[%swap3A_49], %broadcast_in_dim3A_48 {strides = array<i32>} : memref<912xf32, #tpu.memory_space<vmem>>, vector<16xf32>,
      %broadcast_in_dim3A_51 = arith.constant 0.000000e+00 : f32
      %broadcast_in_dim3A_52 = vector.broadcast %broadcast_in_dim3A_51 : f32 to vector<16xf32>
      %swap3A_53 = arith.constant 144 : index
      %swap3A_54 = tpu.vector_load %arg17[%swap3A_53] {strides = array<i32>} : memref<912xf32, #tpu.memory_space<vmem>>, vector<16xf32>,
      tpu.vector_store %arg17[%swap3A_53], %broadcast_in_dim3A_52 {strides = array<i32>} : memref<912xf32, #tpu.memory_space<vmem>>, vector<16xf32>,
      %broadcast_in_dim3A_55 = arith.constant 0.000000e+00 : f32
      %broadcast_in_dim3A_56 = vector.broadcast %broadcast_in_dim3A_55 : f32 to vector<16xf32>
      %swap3A_57 = arith.constant 160 : index
      %swap3A_58 = tpu.vector_load %arg17[%swap3A_57] {strides = array<i32>} : memref<912xf32, #tpu.memory_space<vmem>>, vector<16xf32>,
      tpu.vector_store %arg17[%swap3A_57], %broadcast_in_dim3A_56 {strides = array<i32>} : memref<912xf32, #tpu.memory_space<vmem>>, vector<16xf32>,
      %broadcast_in_dim3A_59 = arith.constant 0.000000e+00 : f32
      %broadcast_in_dim3A_60 = vector.broadcast %broadcast_in_dim3A_59 : f32 to vector<16xf32>
      %swap3A_61 = arith.constant 176 : index
      %swap3A_62 = tpu.vector_load %arg17[%swap3A_61] {strides = array<i32>} : memref<912xf32, #tpu.memory_space<vmem>>, vector<16xf32>,
      tpu.vector_store %arg17[%swap3A_61], %broadcast_in_dim3A_60 {strides = array<i32>} : memref<912xf32, #tpu.memory_space<vmem>>, vector<16xf32>,
      %broadcast_in_dim3A_63 = arith.constant 0.000000e+00 : f32
      %broadcast_in_dim3A_64 = vector.broadcast %broadcast_in_dim3A_63 : f32 to vector<16xf32>
      %swap3A_65 = arith.constant 192 : index
      %swap3A_66 = tpu.vector_load %arg17[%swap3A_65] {strides = array<i32>} : memref<912xf32, #tpu.memory_space<vmem>>, vector<16xf32>,
      tpu.vector_store %arg17[%swap3A_65], %broadcast_in_dim3A_64 {strides = array<i32>} : memref<912xf32, #tpu.memory_space<vmem>>, vector<16xf32>,
      %broadcast_in_dim3A_67 = arith.constant 0.000000e+00 : f32
      %broadcast_in_dim3A_68 = vector.broadcast %broadcast_in_dim3A_67 : f32 to vector<16xf32>
      %swap3A_69 = arith.constant 208 : index
      %swap3A_70 = tpu.vector_load %arg17[%swap3A_69] {strides = array<i32>} : memref<912xf32, #tpu.memory_space<vmem>>, vector<16xf32>,
      tpu.vector_store %arg17[%swap3A_69], %broadcast_in_dim3A_68 {strides = array<i32>} : memref<912xf32, #tpu.memory_space<vmem>>, vector<16xf32>,
      %broadcast_in_dim3A_71 = arith.constant 0.000000e+00 : f32
      %broadcast_in_dim3A_72 = vector.broadcast %broadcast_in_dim3A_71 : f32 to vector<16xf32>
      %swap3A_73 = arith.constant 224 : index
      %swap3A_74 = tpu.vector_load %arg17[%swap3A_73] {strides = array<i32>} : memref<912xf32, #tpu.memory_space<vmem>>, vector<16xf32>,
      tpu.vector_store %arg17[%swap3A_73], %broadcast_in_dim3A_72 {strides = array<i32>} : memref<912xf32, #tpu.memory_space<vmem>>, vector<16xf32>,
      %broadcast_in_dim3A_75 = arith.constant 0.000000e+00 : f32
      %broadcast_in_dim3A_76 = vector.broadcast %broadcast_in_dim3A_75 : f32 to vector<16xf32>
      %swap3A_77 = arith.constant 240 : index
      %swap3A_78 = tpu.vector_load %arg17[%swap3A_77] {strides = array<i32>} : memref<912xf32, #tpu.memory_space<vmem>>, vector<16xf32>,
      tpu.vector_store %arg17[%swap3A_77], %broadcast_in_dim3A_76 {strides = array<i32>} : memref<912xf32, #tpu.memory_space<vmem>>, vector<16xf32>,
      %broadcast_in_dim3A_79 = arith.constant 0.000000e+00 : f32
      %broadcast_in_dim3A_80 = vector.broadcast %broadcast_in_dim3A_79 : f32 to vector<16xf32>
      %swap3A_81 = arith.constant 256 : index
      %swap3A_82 = tpu.vector_load %arg17[%swap3A_81] {strides = array<i32>} : memref<912xf32, #tpu.memory_space<vmem>>, vector<16xf32>,
      tpu.vector_store %arg17[%swap3A_81], %broadcast_in_dim3A_80 {strides = array<i32>} : memref<912xf32, #tpu.memory_space<vmem>>, vector<16xf32>,
      %broadcast_in_dim3A_83 = arith.constant 0.000000e+00 : f32
      %broadcast_in_dim3A_84 = vector.broadcast %broadcast_in_dim3A_83 : f32 to vector<16xf32>
      %swap3A_85 = arith.constant 272 : index
      %swap3A_86 = tpu.vector_load %arg17[%swap3A_85] {strides = array<i32>} : memref<912xf32, #tpu.memory_space<vmem>>, vector<16xf32>,
      tpu.vector_store %arg17[%swap3A_85], %broadcast_in_dim3A_84 {strides = array<i32>} : memref<912xf32, #tpu.memory_space<vmem>>, vector<16xf32>,
      %broadcast_in_dim3A_87 = arith.constant 0.000000e+00 : f32
      %broadcast_in_dim3A_88 = vector.broadcast %broadcast_in_dim3A_87 : f32 to vector<16xf32>
      %swap3A_89 = arith.constant 288 : index
      %swap3A_90 = tpu.vector_load %arg17[%swap3A_89] {strides = array<i32>} : memref<912xf32, #tpu.memory_space<vmem>>, vector<16xf32>,
      tpu.vector_store %arg17[%swap3A_89], %broadcast_in_dim3A_88 {strides = array<i32>} : memref<912xf32, #tpu.memory_space<vmem>>, vector<16xf32>,
      %broadcast_in_dim3A_91 = arith.constant 0.000000e+00 : f32
      %broadcast_in_dim3A_92 = vector.broadcast %broadcast_in_dim3A_91 : f32 to vector<16xf32>
      %swap3A_93 = arith.constant 304 : index
      %swap3A_94 = tpu.vector_load %arg17[%swap3A_93] {strides = array<i32>} : memref<912xf32, #tpu.memory_space<vmem>>, vector<16xf32>,
      tpu.vector_store %arg17[%swap3A_93], %broadcast_in_dim3A_92 {strides = array<i32>} : memref<912xf32, #tpu.memory_space<vmem>>, vector<16xf32>,
      %broadcast_in_dim3A_95 = arith.constant 0.000000e+00 : f32
      %broadcast_in_dim3A_96 = vector.broadcast %broadcast_in_dim3A_95 : f32 to vector<16xf32>
      %swap3A_97 = arith.constant 320 : index
      %swap3A_98 = tpu.vector_load %arg17[%swap3A_97] {strides = array<i32>} : memref<912xf32, #tpu.memory_space<vmem>>, vector<16xf32>,
      tpu.vector_store %arg17[%swap3A_97], %broadcast_in_dim3A_96 {strides = array<i32>} : memref<912xf32, #tpu.memory_space<vmem>>, vector<16xf32>,
      %broadcast_in_dim3A_99 = arith.constant 0.000000e+00 : f32
      %broadcast_in_dim3A_100 = vector.broadcast %broadcast_in_dim3A_99 : f32 to vector<16xf32>
      %swap3A_101 = arith.constant 336 : index
      %swap3A_102 = tpu.vector_load %arg17[%swap3A_101] {strides = array<i32>} : memref<912xf32, #tpu.memory_space<vmem>>, vector<16xf32>,
      tpu.vector_store %arg17[%swap3A_101], %broadcast_in_dim3A_100 {strides = array<i32>} : memref<912xf32, #tpu.memory_space<vmem>>, vector<16xf32>,
      %broadcast_in_dim3A_103 = arith.constant 0.000000e+00 : f32
      %broadcast_in_dim3A_104 = vector.broadcast %broadcast_in_dim3A_103 : f32 to vector<16xf32>
      %swap3A_105 = arith.constant 352 : index
      %swap3A_106 = tpu.vector_load %arg17[%swap3A_105] {strides = array<i32>} : memref<912xf32, #tpu.memory_space<vmem>>, vector<16xf32>,
      tpu.vector_store %arg17[%swap3A_105], %broadcast_in_dim3A_104 {strides = array<i32>} : memref<912xf32, #tpu.memory_space<vmem>>, vector<16xf32>,
      %broadcast_in_dim3A_107 = arith.constant 0.000000e+00 : f32
      %broadcast_in_dim3A_108 = vector.broadcast %broadcast_in_dim3A_107 : f32 to vector<16xf32>
      %swap3A_109 = arith.constant 368 : index
      %swap3A_110 = tpu.vector_load %arg17[%swap3A_109] {strides = array<i32>} : memref<912xf32, #tpu.memory_space<vmem>>, vector<16xf32>,
      tpu.vector_store %arg17[%swap3A_109], %broadcast_in_dim3A_108 {strides = array<i32>} : memref<912xf32, #tpu.memory_space<vmem>>, vector<16xf32>,
      %broadcast_in_dim3A_111 = arith.constant 0.000000e+00 : f32
      %broadcast_in_dim3A_112 = vector.broadcast %broadcast_in_dim3A_111 : f32 to vector<16xf32>
      %swap3A_113 = arith.constant 384 : index
      %swap3A_114 = tpu.vector_load %arg17[%swap3A_113] {strides = array<i32>} : memref<912xf32, #tpu.memory_space<vmem>>, vector<16xf32>,
      tpu.vector_store %arg17[%swap3A_113], %broadcast_in_dim3A_112 {strides = array<i32>} : memref<912xf32, #tpu.memory_space<vmem>>, vector<16xf32>,
      %broadcast_in_dim3A_115 = arith.constant 0.000000e+00 : f32
      %broadcast_in_dim3A_116 = vector.broadcast %broadcast_in_dim3A_115 : f32 to vector<16xf32>
      %swap3A_117 = arith.constant 400 : index
      %swap3A_118 = tpu.vector_load %arg17[%swap3A_117] {strides = array<i32>} : memref<912xf32, #tpu.memory_space<vmem>>, vector<16xf32>,
      tpu.vector_store %arg17[%swap3A_117], %broadcast_in_dim3A_116 {strides = array<i32>} : memref<912xf32, #tpu.memory_space<vmem>>, vector<16xf32>,
      %broadcast_in_dim3A_119 = arith.constant 0.000000e+00 : f32
      %broadcast_in_dim3A_120 = vector.broadcast %broadcast_in_dim3A_119 : f32 to vector<16xf32>
      %swap3A_121 = arith.constant 416 : index
      %swap3A_122 = tpu.vector_load %arg17[%swap3A_121] {strides = array<i32>} : memref<912xf32, #tpu.memory_space<vmem>>, vector<16xf32>,
      tpu.vector_store %arg17[%swap3A_121], %broadcast_in_dim3A_120 {strides = array<i32>} : memref<912xf32, #tpu.memory_space<vmem>>, vector<16xf32>,
      %broadcast_in_dim3A_123 = arith.constant 0.000000e+00 : f32
      %broadcast_in_dim3A_124 = vector.broadcast %broadcast_in_dim3A_123 : f32 to vector<16xf32>
      %swap3A_125 = arith.constant 432 : index
      %swap3A_126 = tpu.vector_load %arg17[%swap3A_125] {strides = array<i32>} : memref<912xf32, #tpu.memory_space<vmem>>, vector<16xf32>,
      tpu.vector_store %arg17[%swap3A_125], %broadcast_in_dim3A_124 {strides = array<i32>} : memref<912xf32, #tpu.memory_space<vmem>>, vector<16xf32>,
      %broadcast_in_dim3A_127 = arith.constant 0.000000e+00 : f32
      %broadcast_in_dim3A_128 = vector.broadcast %broadcast_in_dim3A_127 : f32 to vector<16xf32>
      %swap3A_129 = arith.constant 448 : index
      %swap3A_130 = tpu.vector_load %arg17[%swap3A_129] {strides = array<i32>} : memref<912xf32, #tpu.memory_space<vmem>>, vector<16xf32>,
      tpu.vector_store %arg17[%swap3A_129], %broadcast_in_dim3A_128 {strides = array<i32>} : memref<912xf32, #tpu.memory_space<vmem>>, vector<16xf32>,
      %broadcast_in_dim3A_131 = arith.constant 0.000000e+00 : f32
      %broadcast_in_dim3A_132 = vector.broadcast %broadcast_in_dim3A_131 : f32 to vector<16xf32>
      %swap3A_133 = arith.constant 464 : index
      %swap3A_134 = tpu.vector_load %arg17[%swap3A_133] {strides = array<i32>} : memref<912xf32, #tpu.memory_space<vmem>>, vector<16xf32>,
      tpu.vector_store %arg17[%swap3A_133], %broadcast_in_dim3A_132 {strides = array<i32>} : memref<912xf32, #tpu.memory_space<vmem>>, vector<16xf32>,
      %broadcast_in_dim3A_135 = arith.constant 0.000000e+00 : f32
      %broadcast_in_dim3A_136 = vector.broadcast %broadcast_in_dim3A_135 : f32 to vector<16xf32>
      %swap3A_137 = arith.constant 480 : index
      %swap3A_138 = tpu.vector_load %arg17[%swap3A_137] {strides = array<i32>} : memref<912xf32, #tpu.memory_space<vmem>>, vector<16xf32>,
      tpu.vector_store %arg17[%swap3A_137], %broadcast_in_dim3A_136 {strides = array<i32>} : memref<912xf32, #tpu.memory_space<vmem>>, vector<16xf32>,
      %broadcast_in_dim3A_139 = arith.constant 0.000000e+00 : f32
      %broadcast_in_dim3A_140 = vector.broadcast %broadcast_in_dim3A_139 : f32 to vector<16xf32>
      %swap3A_141 = arith.constant 496 : index
      %swap3A_142 = tpu.vector_load %arg17[%swap3A_141] {strides = array<i32>} : memref<912xf32, #tpu.memory_space<vmem>>, vector<16xf32>,
      tpu.vector_store %arg17[%swap3A_141], %broadcast_in_dim3A_140 {strides = array<i32>} : memref<912xf32, #tpu.memory_space<vmem>>, vector<16xf32>,
      %broadcast_in_dim3A_143 = arith.constant 0.000000e+00 : f32
      %broadcast_in_dim3A_144 = vector.broadcast %broadcast_in_dim3A_143 : f32 to vector<16xf32>
      %swap3A_145 = arith.constant 512 : index
      %swap3A_146 = tpu.vector_load %arg17[%swap3A_145] {strides = array<i32>} : memref<912xf32, #tpu.memory_space<vmem>>, vector<16xf32>,
      tpu.vector_store %arg17[%swap3A_145], %broadcast_in_dim3A_144 {strides = array<i32>} : memref<912xf32, #tpu.memory_space<vmem>>, vector<16xf32>,
      %broadcast_in_dim3A_147 = arith.constant 0.000000e+00 : f32
      %broadcast_in_dim3A_148 = vector.broadcast %broadcast_in_dim3A_147 : f32 to vector<16xf32>
      %swap3A_149 = arith.constant 528 : index
      %swap3A_150 = tpu.vector_load %arg17[%swap3A_149] {strides = array<i32>} : memref<912xf32, #tpu.memory_space<vmem>>, vector<16xf32>,
      tpu.vector_store %arg17[%swap3A_149], %broadcast_in_dim3A_148 {strides = array<i32>} : memref<912xf32, #tpu.memory_space<vmem>>, vector<16xf32>,
      %broadcast_in_dim3A_151 = arith.constant 0.000000e+00 : f32
      %broadcast_in_dim3A_152 = vector.broadcast %broadcast_in_dim3A_151 : f32 to vector<16xf32>
      %swap3A_153 = arith.constant 544 : index
      %swap3A_154 = tpu.vector_load %arg17[%swap3A_153] {strides = array<i32>} : memref<912xf32, #tpu.memory_space<vmem>>, vector<16xf32>,
      tpu.vector_store %arg17[%swap3A_153], %broadcast_in_dim3A_152 {strides = array<i32>} : memref<912xf32, #tpu.memory_space<vmem>>, vector<16xf32>,
      %broadcast_in_dim3A_155 = arith.constant 0.000000e+00 : f32
      %broadcast_in_dim3A_156 = vector.broadcast %broadcast_in_dim3A_155 : f32 to vector<16xf32>
      %swap3A_157 = arith.constant 560 : index
      %swap3A_158 = tpu.vector_load %arg17[%swap3A_157] {strides = array<i32>} : memref<912xf32, #tpu.memory_space<vmem>>, vector<16xf32>,
      tpu.vector_store %arg17[%swap3A_157], %broadcast_in_dim3A_156 {strides = array<i32>} : memref<912xf32, #tpu.memory_space<vmem>>, vector<16xf32>,
      %broadcast_in_dim3A_159 = arith.constant 0.000000e+00 : f32
      %broadcast_in_dim3A_160 = vector.broadcast %broadcast_in_dim3A_159 : f32 to vector<16xf32>
      %swap3A_161 = arith.constant 576 : index
      %swap3A_162 = tpu.vector_load %arg17[%swap3A_161] {strides = array<i32>} : memref<912xf32, #tpu.memory_space<vmem>>, vector<16xf32>,
      tpu.vector_store %arg17[%swap3A_161], %broadcast_in_dim3A_160 {strides = array<i32>} : memref<912xf32, #tpu.memory_space<vmem>>, vector<16xf32>,
      %broadcast_in_dim3A_163 = arith.constant 0.000000e+00 : f32
      %broadcast_in_dim3A_164 = vector.broadcast %broadcast_in_dim3A_163 : f32 to vector<16xf32>
      %swap3A_165 = arith.constant 592 : index
      %swap3A_166 = tpu.vector_load %arg17[%swap3A_165] {strides = array<i32>} : memref<912xf32, #tpu.memory_space<vmem>>, vector<16xf32>,
      tpu.vector_store %arg17[%swap3A_165], %broadcast_in_dim3A_164 {strides = array<i32>} : memref<912xf32, #tpu.memory_space<vmem>>, vector<16xf32>,
      %broadcast_in_dim3A_167 = arith.constant 0.000000e+00 : f32
      %broadcast_in_dim3A_168 = vector.broadcast %broadcast_in_dim3A_167 : f32 to vector<16xf32>
      %swap3A_169 = arith.constant 608 : index
      %swap3A_170 = tpu.vector_load %arg17[%swap3A_169] {strides = array<i32>} : memref<912xf32, #tpu.memory_space<vmem>>, vector<16xf32>,
      tpu.vector_store %arg17[%swap3A_169], %broadcast_in_dim3A_168 {strides = array<i32>} : memref<912xf32, #tpu.memory_space<vmem>>, vector<16xf32>,
      %broadcast_in_dim3A_171 = arith.constant 0.000000e+00 : f32
      %broadcast_in_dim3A_172 = vector.broadcast %broadcast_in_dim3A_171 : f32 to vector<16xf32>
      %swap3A_173 = arith.constant 624 : index
      %swap3A_174 = tpu.vector_load %arg17[%swap3A_173] {strides = array<i32>} : memref<912xf32, #tpu.memory_space<vmem>>, vector<16xf32>,
      tpu.vector_store %arg17[%swap3A_173], %broadcast_in_dim3A_172 {strides = array<i32>} : memref<912xf32, #tpu.memory_space<vmem>>, vector<16xf32>,
      %broadcast_in_dim3A_175 = arith.constant 0.000000e+00 : f32
      %broadcast_in_dim3A_176 = vector.broadcast %broadcast_in_dim3A_175 : f32 to vector<16xf32>
      %swap3A_177 = arith.constant 640 : index
      %swap3A_178 = tpu.vector_load %arg17[%swap3A_177] {strides = array<i32>} : memref<912xf32, #tpu.memory_space<vmem>>, vector<16xf32>,
      tpu.vector_store %arg17[%swap3A_177], %broadcast_in_dim3A_176 {strides = array<i32>} : memref<912xf32, #tpu.memory_space<vmem>>, vector<16xf32>,
      %broadcast_in_dim3A_179 = arith.constant 0.000000e+00 : f32
      %broadcast_in_dim3A_180 = vector.broadcast %broadcast_in_dim3A_179 : f32 to vector<16xf32>
      %swap3A_181 = arith.constant 656 : index
      %swap3A_182 = tpu.vector_load %arg17[%swap3A_181] {strides = array<i32>} : memref<912xf32, #tpu.memory_space<vmem>>, vector<16xf32>,
      tpu.vector_store %arg17[%swap3A_181], %broadcast_in_dim3A_180 {strides = array<i32>} : memref<912xf32, #tpu.memory_space<vmem>>, vector<16xf32>,
      %broadcast_in_dim3A_183 = arith.constant 0.000000e+00 : f32
      %broadcast_in_dim3A_184 = vector.broadcast %broadcast_in_dim3A_183 : f32 to vector<16xf32>
      %swap3A_185 = arith.constant 672 : index
      %swap3A_186 = tpu.vector_load %arg17[%swap3A_185] {strides = array<i32>} : memref<912xf32, #tpu.memory_space<vmem>>, vector<16xf32>,
      tpu.vector_store %arg17[%swap3A_185], %broadcast_in_dim3A_184 {strides = array<i32>} : memref<912xf32, #tpu.memory_space<vmem>>, vector<16xf32>,
      %broadcast_in_dim3A_187 = arith.constant 0.000000e+00 : f32
      %broadcast_in_dim3A_188 = vector.broadcast %broadcast_in_dim3A_187 : f32 to vector<16xf32>
      %swap3A_189 = arith.constant 688 : index
      %swap3A_190 = tpu.vector_load %arg17[%swap3A_189] {strides = array<i32>} : memref<912xf32, #tpu.memory_space<vmem>>, vector<16xf32>,
      tpu.vector_store %arg17[%swap3A_189], %broadcast_in_dim3A_188 {strides = array<i32>} : memref<912xf32, #tpu.memory_space<vmem>>, vector<16xf32>,
      %broadcast_in_dim3A_191 = arith.constant 0.000000e+00 : f32
      %broadcast_in_dim3A_192 = vector.broadcast %broadcast_in_dim3A_191 : f32 to vector<16xf32>
      %swap3A_193 = arith.constant 704 : index
      %swap3A_194 = tpu.vector_load %arg17[%swap3A_193] {strides = array<i32>} : memref<912xf32, #tpu.memory_space<vmem>>, vector<16xf32>,
      tpu.vector_store %arg17[%swap3A_193], %broadcast_in_dim3A_192 {strides = array<i32>} : memref<912xf32, #tpu.memory_space<vmem>>, vector<16xf32>,
      %broadcast_in_dim3A_195 = arith.constant 0.000000e+00 : f32
      %broadcast_in_dim3A_196 = vector.broadcast %broadcast_in_dim3A_195 : f32 to vector<16xf32>
      %swap3A_197 = arith.constant 720 : index
      %swap3A_198 = tpu.vector_load %arg17[%swap3A_197] {strides = array<i32>} : memref<912xf32, #tpu.memory_space<vmem>>, vector<16xf32>,
      tpu.vector_store %arg17[%swap3A_197], %broadcast_in_dim3A_196 {strides = array<i32>} : memref<912xf32, #tpu.memory_space<vmem>>, vector<16xf32>,
      %broadcast_in_dim3A_199 = arith.constant 0.000000e+00 : f32
      %broadcast_in_dim3A_200 = vector.broadcast %broadcast_in_dim3A_199 : f32 to vector<16xf32>
      %swap3A_201 = arith.constant 736 : index
      %swap3A_202 = tpu.vector_load %arg17[%swap3A_201] {strides = array<i32>} : memref<912xf32, #tpu.memory_space<vmem>>, vector<16xf32>,
      tpu.vector_store %arg17[%swap3A_201], %broadcast_in_dim3A_200 {strides = array<i32>} : memref<912xf32, #tpu.memory_space<vmem>>, vector<16xf32>,
      %broadcast_in_dim3A_203 = arith.constant 0.000000e+00 : f32
      %broadcast_in_dim3A_204 = vector.broadcast %broadcast_in_dim3A_203 : f32 to vector<16xf32>
      %swap3A_205 = arith.constant 752 : index
      %swap3A_206 = tpu.vector_load %arg17[%swap3A_205] {strides = array<i32>} : memref<912xf32, #tpu.memory_space<vmem>>, vector<16xf32>,
      tpu.vector_store %arg17[%swap3A_205], %broadcast_in_dim3A_204 {strides = array<i32>} : memref<912xf32, #tpu.memory_space<vmem>>, vector<16xf32>,
      %broadcast_in_dim3A_207 = arith.constant 0.000000e+00 : f32
      %broadcast_in_dim3A_208 = vector.broadcast %broadcast_in_dim3A_207 : f32 to vector<16xf32>
      %swap3A_209 = arith.constant 768 : index
      %swap3A_210 = tpu.vector_load %arg17[%swap3A_209] {strides = array<i32>} : memref<912xf32, #tpu.memory_space<vmem>>, vector<16xf32>,
      tpu.vector_store %arg17[%swap3A_209], %broadcast_in_dim3A_208 {strides = array<i32>} : memref<912xf32, #tpu.memory_space<vmem>>, vector<16xf32>,
      %broadcast_in_dim3A_211 = arith.constant 0.000000e+00 : f32
      %broadcast_in_dim3A_212 = vector.broadcast %broadcast_in_dim3A_211 : f32 to vector<16xf32>
      %swap3A_213 = arith.constant 784 : index
      %swap3A_214 = tpu.vector_load %arg17[%swap3A_213] {strides = array<i32>} : memref<912xf32, #tpu.memory_space<vmem>>, vector<16xf32>,
      tpu.vector_store %arg17[%swap3A_213], %broadcast_in_dim3A_212 {strides = array<i32>} : memref<912xf32, #tpu.memory_space<vmem>>, vector<16xf32>,
      %broadcast_in_dim3A_215 = arith.constant 0.000000e+00 : f32
      %broadcast_in_dim3A_216 = vector.broadcast %broadcast_in_dim3A_215 : f32 to vector<16xf32>
      %swap3A_217 = arith.constant 800 : index
      %swap3A_218 = tpu.vector_load %arg17[%swap3A_217] {strides = array<i32>} : memref<912xf32, #tpu.memory_space<vmem>>, vector<16xf32>,
      tpu.vector_store %arg17[%swap3A_217], %broadcast_in_dim3A_216 {strides = array<i32>} : memref<912xf32, #tpu.memory_space<vmem>>, vector<16xf32>,
      %broadcast_in_dim3A_219 = arith.constant 0.000000e+00 : f32
      %broadcast_in_dim3A_220 = vector.broadcast %broadcast_in_dim3A_219 : f32 to vector<16xf32>
      %swap3A_221 = arith.constant 816 : index
      %swap3A_222 = tpu.vector_load %arg17[%swap3A_221] {strides = array<i32>} : memref<912xf32, #tpu.memory_space<vmem>>, vector<16xf32>,
      tpu.vector_store %arg17[%swap3A_221], %broadcast_in_dim3A_220 {strides = array<i32>} : memref<912xf32, #tpu.memory_space<vmem>>, vector<16xf32>,
      %broadcast_in_dim3A_223 = arith.constant 0.000000e+00 : f32
      %broadcast_in_dim3A_224 = vector.broadcast %broadcast_in_dim3A_223 : f32 to vector<16xf32>
      %swap3A_225 = arith.constant 832 : index
      %swap3A_226 = tpu.vector_load %arg17[%swap3A_225] {strides = array<i32>} : memref<912xf32, #tpu.memory_space<vmem>>, vector<16xf32>,
      tpu.vector_store %arg17[%swap3A_225], %broadcast_in_dim3A_224 {strides = array<i32>} : memref<912xf32, #tpu.memory_space<vmem>>, vector<16xf32>,
      %broadcast_in_dim3A_227 = arith.constant 0.000000e+00 : f32
      %broadcast_in_dim3A_228 = vector.broadcast %broadcast_in_dim3A_227 : f32 to vector<16xf32>
      %swap3A_229 = arith.constant 848 : index
      %swap3A_230 = tpu.vector_load %arg17[%swap3A_229] {strides = array<i32>} : memref<912xf32, #tpu.memory_space<vmem>>, vector<16xf32>,
      tpu.vector_store %arg17[%swap3A_229], %broadcast_in_dim3A_228 {strides = array<i32>} : memref<912xf32, #tpu.memory_space<vmem>>, vector<16xf32>,
      %broadcast_in_dim3A_231 = arith.constant 0.000000e+00 : f32
      %broadcast_in_dim3A_232 = vector.broadcast %broadcast_in_dim3A_231 : f32 to vector<16xf32>
      %swap3A_233 = arith.constant 864 : index
      %swap3A_234 = tpu.vector_load %arg17[%swap3A_233] {strides = array<i32>} : memref<912xf32, #tpu.memory_space<vmem>>, vector<16xf32>,
      tpu.vector_store %arg17[%swap3A_233], %broadcast_in_dim3A_232 {strides = array<i32>} : memref<912xf32, #tpu.memory_space<vmem>>, vector<16xf32>,
      %broadcast_in_dim3A_235 = arith.constant 0.000000e+00 : f32
      %broadcast_in_dim3A_236 = vector.broadcast %broadcast_in_dim3A_235 : f32 to vector<16xf32>
      %swap3A_237 = arith.constant 880 : index
      %swap3A_238 = tpu.vector_load %arg17[%swap3A_237] {strides = array<i32>} : memref<912xf32, #tpu.memory_space<vmem>>, vector<16xf32>,
      tpu.vector_store %arg17[%swap3A_237], %broadcast_in_dim3A_236 {strides = array<i32>} : memref<912xf32, #tpu.memory_space<vmem>>, vector<16xf32>,
      %broadcast_in_dim3A_239 = arith.constant 0.000000e+00 : f32
      %broadcast_in_dim3A_240 = vector.broadcast %broadcast_in_dim3A_239 : f32 to vector<16xf32>
      %swap3A_241 = arith.constant 896 : index
      %swap3A_242 = tpu.vector_load %arg17[%swap3A_241] {strides = array<i32>} : memref<912xf32, #tpu.memory_space<vmem>>, vector<16xf32>,
      tpu.vector_store %arg17[%swap3A_241], %broadcast_in_dim3A_240 {strides = array<i32>} : memref<912xf32, #tpu.memory_space<vmem>>, vector<16xf32>,
      %scan3A = arith.constant 0 : i32
      %scan3A_243 = arith.constant 0 : i32
      %scan3A_244 = arith.constant 128 : i32
      %scan3A_245 = arith.addi %scan3A_243, %scan3A_244 : i32
      %scan3A_246 = arith.constant 1 : i32
      %scan3A_247 = scf.for %scan3A_255 = %scan3A_243 to %scan3A_245 step %scan3A_246 iter_args(%scan3A_256 = %scan3A) -> (i32)  : i32 {
        %broadcast_in_dim3A_257 = arith.constant 3.500000e+30 : f32
        %broadcast_in_dim3A_258 = vector.broadcast %broadcast_in_dim3A_257 : f32 to vector<16xf32>
        %get3A = arith.constant 0 : index
        %get3A_259 = tpu.vector_load %arg15[%get3A] {strides = array<i32>} : memref<128xf32, #tpu.memory_space<vmem>>, vector<16xf32>,
        %min3A = arith.minimumf %broadcast_in_dim3A_258, %get3A_259 : vector<16xf32>
        %get3A_260 = arith.constant 16 : index
        %get3A_261 = tpu.vector_load %arg15[%get3A_260] {strides = array<i32>} : memref<128xf32, #tpu.memory_space<vmem>>, vector<16xf32>,
        %min3A_262 = arith.minimumf %min3A, %get3A_261 : vector<16xf32>
        %get3A_263 = arith.constant 32 : index
        %get3A_264 = tpu.vector_load %arg15[%get3A_263] {strides = array<i32>} : memref<128xf32, #tpu.memory_space<vmem>>, vector<16xf32>,
        %min3A_265 = arith.minimumf %min3A_262, %get3A_264 : vector<16xf32>
        %get3A_266 = arith.constant 48 : index
        %get3A_267 = tpu.vector_load %arg15[%get3A_266] {strides = array<i32>} : memref<128xf32, #tpu.memory_space<vmem>>, vector<16xf32>,
        %min3A_268 = arith.minimumf %min3A_265, %get3A_267 : vector<16xf32>
        %get3A_269 = arith.constant 64 : index
        %get3A_270 = tpu.vector_load %arg15[%get3A_269] {strides = array<i32>} : memref<128xf32, #tpu.memory_space<vmem>>, vector<16xf32>,
        %min3A_271 = arith.minimumf %min3A_268, %get3A_270 : vector<16xf32>
        %get3A_272 = arith.constant 80 : index
        %get3A_273 = tpu.vector_load %arg15[%get3A_272] {strides = array<i32>} : memref<128xf32, #tpu.memory_space<vmem>>, vector<16xf32>,
        %min3A_274 = arith.minimumf %min3A_271, %get3A_273 : vector<16xf32>
        %get3A_275 = arith.constant 96 : index
        %get3A_276 = tpu.vector_load %arg15[%get3A_275] {strides = array<i32>} : memref<128xf32, #tpu.memory_space<vmem>>, vector<16xf32>,
        %min3A_277 = arith.minimumf %min3A_274, %get3A_276 : vector<16xf32>
        %get3A_278 = arith.constant 112 : index
        %get3A_279 = tpu.vector_load %arg15[%get3A_278] {strides = array<i32>} : memref<128xf32, #tpu.memory_space<vmem>>, vector<16xf32>,
        %min3A_280 = arith.minimumf %min3A_277, %get3A_279 : vector<16xf32>
        %reduce_min3A = arith.constant true
        %reduce_min3A_281 = vector.broadcast %reduce_min3A : i1 to vector<16xi1>
        %reduce_min3A_282 = tpu.scan <min>, %min3A_280 masked %reduce_min3A_281 : vector<16xf32>, vector<16xi1> -> vector<16xf32>
        %reduce_min3A_283 = vector.extract %reduce_min3A_282[15] : f32 from vector<16xf32>
        %lt3A_284 = arith.constant 1.000000e+29 : f32
        %lt3A_285 = arith.cmpf olt, %reduce_min3A_283, %lt3A_284 : f32
        %broadcast_in_dim3A_286 = arith.constant 1073741824 : i32
        %broadcast_in_dim3A_287 = vector.broadcast %broadcast_in_dim3A_286 : i32 to vector<16xi32>
        %get3A_288 = arith.constant 0 : index
        %get3A_289 = tpu.vector_load %arg15[%get3A_288] {strides = array<i32>} : memref<128xf32, #tpu.memory_space<vmem>>, vector<16xf32>,
        %get3A_290 = arith.constant 0 : index
        %get3A_291 = tpu.vector_load %arg16[%get3A_290] {strides = array<i32>} : memref<128xi32, #tpu.memory_space<vmem>>, vector<16xi32>,
        %max3A = arith.constant 0 : i32
        %max3A_292 = vector.broadcast %max3A : i32 to vector<16xi32>
        %max3A_293 = arith.maxsi %get3A_291, %max3A_292 : vector<16xi32>
        %gather3A = tpu.vector_load_idx %arg17[%max3A_293] : memref<912xf32, #tpu.memory_space<vmem>>[vector<16xi32>], vector<16xf32>,
        %eq3A_294 = vector.broadcast %reduce_min3A_283 : f32 to vector<16xf32>
        %eq3A_295 = arith.cmpf oeq, %get3A_289, %eq3A_294 : vector<16xf32>
        %ge3A_296 = arith.constant 0 : i32
        %ge3A_297 = vector.broadcast %ge3A_296 : i32 to vector<16xi32>
        %ge3A_298 = arith.cmpi sge, %get3A_291, %ge3A_297 : vector<16xi32>
        %and3A_299 = arith.andi %eq3A_295, %ge3A_298 : vector<16xi1>
        %gt3A = arith.constant 0.000000e+00 : f32
        %gt3A_300 = vector.broadcast %gt3A : f32 to vector<16xf32>
        %gt3A_301 = arith.cmpf ogt, %gather3A, %gt3A_300 : vector<16xf32>
        %and3A_302 = arith.andi %and3A_299, %gt3A_301 : vector<16xi1>
        %add3A_303 = arith.constant 0 : i32
        %add3A_304 = vector.broadcast %add3A_303 : i32 to vector<16xi32>
        %add3A_305 = arith.addi %iota3A, %add3A_304 : vector<16xi32>
        %jit3A = arith.constant 1073741824 : i32
        %broadcast_in_dim3A_306 = vector.broadcast %jit3A : i32 to vector<16xi32>
        %select_n3A = arith.select %and3A_302, %add3A_305, %broadcast_in_dim3A_306 : vector<16xi1>, vector<16xi32>
        %min3A_307 = arith.minsi %broadcast_in_dim3A_287, %select_n3A : vector<16xi32>
        %get3A_308 = arith.constant 16 : index
        %get3A_309 = tpu.vector_load %arg15[%get3A_308] {strides = array<i32>} : memref<128xf32, #tpu.memory_space<vmem>>, vector<16xf32>,
        %get3A_310 = arith.constant 16 : index
        %get3A_311 = tpu.vector_load %arg16[%get3A_310] {strides = array<i32>} : memref<128xi32, #tpu.memory_space<vmem>>, vector<16xi32>,
        %max3A_312 = arith.constant 0 : i32
        %max3A_313 = vector.broadcast %max3A_312 : i32 to vector<16xi32>
        %max3A_314 = arith.maxsi %get3A_311, %max3A_313 : vector<16xi32>
        %gather3A_315 = tpu.vector_load_idx %arg17[%max3A_314] : memref<912xf32, #tpu.memory_space<vmem>>[vector<16xi32>], vector<16xf32>,
        %eq3A_316 = vector.broadcast %reduce_min3A_283 : f32 to vector<16xf32>
        %eq3A_317 = arith.cmpf oeq, %get3A_309, %eq3A_316 : vector<16xf32>
        %ge3A_318 = arith.constant 0 : i32
        %ge3A_319 = vector.broadcast %ge3A_318 : i32 to vector<16xi32>
        %ge3A_320 = arith.cmpi sge, %get3A_311, %ge3A_319 : vector<16xi32>
        %and3A_321 = arith.andi %eq3A_317, %ge3A_320 : vector<16xi1>
        %gt3A_322 = arith.constant 0.000000e+00 : f32
        %gt3A_323 = vector.broadcast %gt3A_322 : f32 to vector<16xf32>
        %gt3A_324 = arith.cmpf ogt, %gather3A_315, %gt3A_323 : vector<16xf32>
        %and3A_325 = arith.andi %and3A_321, %gt3A_324 : vector<16xi1>
        %add3A_326 = arith.constant 16 : i32
        %add3A_327 = vector.broadcast %add3A_326 : i32 to vector<16xi32>
        %add3A_328 = arith.addi %iota3A, %add3A_327 : vector<16xi32>
        %jit3A_329 = arith.constant 1073741824 : i32
        %broadcast_in_dim3A_330 = vector.broadcast %jit3A_329 : i32 to vector<16xi32>
        %select_n3A_331 = arith.select %and3A_325, %add3A_328, %broadcast_in_dim3A_330 : vector<16xi1>, vector<16xi32>
        %min3A_332 = arith.minsi %min3A_307, %select_n3A_331 : vector<16xi32>
        %get3A_333 = arith.constant 32 : index
        %get3A_334 = tpu.vector_load %arg15[%get3A_333] {strides = array<i32>} : memref<128xf32, #tpu.memory_space<vmem>>, vector<16xf32>,
        %get3A_335 = arith.constant 32 : index
        %get3A_336 = tpu.vector_load %arg16[%get3A_335] {strides = array<i32>} : memref<128xi32, #tpu.memory_space<vmem>>, vector<16xi32>,
        %max3A_337 = arith.constant 0 : i32
        %max3A_338 = vector.broadcast %max3A_337 : i32 to vector<16xi32>
        %max3A_339 = arith.maxsi %get3A_336, %max3A_338 : vector<16xi32>
        %gather3A_340 = tpu.vector_load_idx %arg17[%max3A_339] : memref<912xf32, #tpu.memory_space<vmem>>[vector<16xi32>], vector<16xf32>,
        %eq3A_341 = vector.broadcast %reduce_min3A_283 : f32 to vector<16xf32>
        %eq3A_342 = arith.cmpf oeq, %get3A_334, %eq3A_341 : vector<16xf32>
        %ge3A_343 = arith.constant 0 : i32
        %ge3A_344 = vector.broadcast %ge3A_343 : i32 to vector<16xi32>
        %ge3A_345 = arith.cmpi sge, %get3A_336, %ge3A_344 : vector<16xi32>
        %and3A_346 = arith.andi %eq3A_342, %ge3A_345 : vector<16xi1>
        %gt3A_347 = arith.constant 0.000000e+00 : f32
        %gt3A_348 = vector.broadcast %gt3A_347 : f32 to vector<16xf32>
        %gt3A_349 = arith.cmpf ogt, %gather3A_340, %gt3A_348 : vector<16xf32>
        %and3A_350 = arith.andi %and3A_346, %gt3A_349 : vector<16xi1>
        %add3A_351 = arith.constant 32 : i32
        %add3A_352 = vector.broadcast %add3A_351 : i32 to vector<16xi32>
        %add3A_353 = arith.addi %iota3A, %add3A_352 : vector<16xi32>
        %jit3A_354 = arith.constant 1073741824 : i32
        %broadcast_in_dim3A_355 = vector.broadcast %jit3A_354 : i32 to vector<16xi32>
        %select_n3A_356 = arith.select %and3A_350, %add3A_353, %broadcast_in_dim3A_355 : vector<16xi1>, vector<16xi32>
        %min3A_357 = arith.minsi %min3A_332, %select_n3A_356 : vector<16xi32>
        %get3A_358 = arith.constant 48 : index
        %get3A_359 = tpu.vector_load %arg15[%get3A_358] {strides = array<i32>} : memref<128xf32, #tpu.memory_space<vmem>>, vector<16xf32>,
        %get3A_360 = arith.constant 48 : index
        %get3A_361 = tpu.vector_load %arg16[%get3A_360] {strides = array<i32>} : memref<128xi32, #tpu.memory_space<vmem>>, vector<16xi32>,
        %max3A_362 = arith.constant 0 : i32
        %max3A_363 = vector.broadcast %max3A_362 : i32 to vector<16xi32>
        %max3A_364 = arith.maxsi %get3A_361, %max3A_363 : vector<16xi32>
        %gather3A_365 = tpu.vector_load_idx %arg17[%max3A_364] : memref<912xf32, #tpu.memory_space<vmem>>[vector<16xi32>], vector<16xf32>,
        %eq3A_366 = vector.broadcast %reduce_min3A_283 : f32 to vector<16xf32>
        %eq3A_367 = arith.cmpf oeq, %get3A_359, %eq3A_366 : vector<16xf32>
        %ge3A_368 = arith.constant 0 : i32
        %ge3A_369 = vector.broadcast %ge3A_368 : i32 to vector<16xi32>
        %ge3A_370 = arith.cmpi sge, %get3A_361, %ge3A_369 : vector<16xi32>
        %and3A_371 = arith.andi %eq3A_367, %ge3A_370 : vector<16xi1>
        %gt3A_372 = arith.constant 0.000000e+00 : f32
        %gt3A_373 = vector.broadcast %gt3A_372 : f32 to vector<16xf32>
        %gt3A_374 = arith.cmpf ogt, %gather3A_365, %gt3A_373 : vector<16xf32>
        %and3A_375 = arith.andi %and3A_371, %gt3A_374 : vector<16xi1>
        %add3A_376 = arith.constant 48 : i32
        %add3A_377 = vector.broadcast %add3A_376 : i32 to vector<16xi32>
        %add3A_378 = arith.addi %iota3A, %add3A_377 : vector<16xi32>
        %jit3A_379 = arith.constant 1073741824 : i32
        %broadcast_in_dim3A_380 = vector.broadcast %jit3A_379 : i32 to vector<16xi32>
        %select_n3A_381 = arith.select %and3A_375, %add3A_378, %broadcast_in_dim3A_380 : vector<16xi1>, vector<16xi32>
        %min3A_382 = arith.minsi %min3A_357, %select_n3A_381 : vector<16xi32>
        %get3A_383 = arith.constant 64 : index
        %get3A_384 = tpu.vector_load %arg15[%get3A_383] {strides = array<i32>} : memref<128xf32, #tpu.memory_space<vmem>>, vector<16xf32>,
        %get3A_385 = arith.constant 64 : index
        %get3A_386 = tpu.vector_load %arg16[%get3A_385] {strides = array<i32>} : memref<128xi32, #tpu.memory_space<vmem>>, vector<16xi32>,
        %max3A_387 = arith.constant 0 : i32
        %max3A_388 = vector.broadcast %max3A_387 : i32 to vector<16xi32>
        %max3A_389 = arith.maxsi %get3A_386, %max3A_388 : vector<16xi32>
        %gather3A_390 = tpu.vector_load_idx %arg17[%max3A_389] : memref<912xf32, #tpu.memory_space<vmem>>[vector<16xi32>], vector<16xf32>,
        %eq3A_391 = vector.broadcast %reduce_min3A_283 : f32 to vector<16xf32>
        %eq3A_392 = arith.cmpf oeq, %get3A_384, %eq3A_391 : vector<16xf32>
        %ge3A_393 = arith.constant 0 : i32
        %ge3A_394 = vector.broadcast %ge3A_393 : i32 to vector<16xi32>
        %ge3A_395 = arith.cmpi sge, %get3A_386, %ge3A_394 : vector<16xi32>
        %and3A_396 = arith.andi %eq3A_392, %ge3A_395 : vector<16xi1>
        %gt3A_397 = arith.constant 0.000000e+00 : f32
        %gt3A_398 = vector.broadcast %gt3A_397 : f32 to vector<16xf32>
        %gt3A_399 = arith.cmpf ogt, %gather3A_390, %gt3A_398 : vector<16xf32>
        %and3A_400 = arith.andi %and3A_396, %gt3A_399 : vector<16xi1>
        %add3A_401 = arith.constant 64 : i32
        %add3A_402 = vector.broadcast %add3A_401 : i32 to vector<16xi32>
        %add3A_403 = arith.addi %iota3A, %add3A_402 : vector<16xi32>
        %jit3A_404 = arith.constant 1073741824 : i32
        %broadcast_in_dim3A_405 = vector.broadcast %jit3A_404 : i32 to vector<16xi32>
        %select_n3A_406 = arith.select %and3A_400, %add3A_403, %broadcast_in_dim3A_405 : vector<16xi1>, vector<16xi32>
        %min3A_407 = arith.minsi %min3A_382, %select_n3A_406 : vector<16xi32>
        %get3A_408 = arith.constant 80 : index
        %get3A_409 = tpu.vector_load %arg15[%get3A_408] {strides = array<i32>} : memref<128xf32, #tpu.memory_space<vmem>>, vector<16xf32>,
        %get3A_410 = arith.constant 80 : index
        %get3A_411 = tpu.vector_load %arg16[%get3A_410] {strides = array<i32>} : memref<128xi32, #tpu.memory_space<vmem>>, vector<16xi32>,
        %max3A_412 = arith.constant 0 : i32
        %max3A_413 = vector.broadcast %max3A_412 : i32 to vector<16xi32>
        %max3A_414 = arith.maxsi %get3A_411, %max3A_413 : vector<16xi32>
        %gather3A_415 = tpu.vector_load_idx %arg17[%max3A_414] : memref<912xf32, #tpu.memory_space<vmem>>[vector<16xi32>], vector<16xf32>,
        %eq3A_416 = vector.broadcast %reduce_min3A_283 : f32 to vector<16xf32>
        %eq3A_417 = arith.cmpf oeq, %get3A_409, %eq3A_416 : vector<16xf32>
        %ge3A_418 = arith.constant 0 : i32
        %ge3A_419 = vector.broadcast %ge3A_418 : i32 to vector<16xi32>
        %ge3A_420 = arith.cmpi sge, %get3A_411, %ge3A_419 : vector<16xi32>
        %and3A_421 = arith.andi %eq3A_417, %ge3A_420 : vector<16xi1>
        %gt3A_422 = arith.constant 0.000000e+00 : f32
        %gt3A_423 = vector.broadcast %gt3A_422 : f32 to vector<16xf32>
        %gt3A_424 = arith.cmpf ogt, %gather3A_415, %gt3A_423 : vector<16xf32>
        %and3A_425 = arith.andi %and3A_421, %gt3A_424 : vector<16xi1>
        %add3A_426 = arith.constant 80 : i32
        %add3A_427 = vector.broadcast %add3A_426 : i32 to vector<16xi32>
        %add3A_428 = arith.addi %iota3A, %add3A_427 : vector<16xi32>
        %jit3A_429 = arith.constant 1073741824 : i32
        %broadcast_in_dim3A_430 = vector.broadcast %jit3A_429 : i32 to vector<16xi32>
        %select_n3A_431 = arith.select %and3A_425, %add3A_428, %broadcast_in_dim3A_430 : vector<16xi1>, vector<16xi32>
        %min3A_432 = arith.minsi %min3A_407, %select_n3A_431 : vector<16xi32>
        %get3A_433 = arith.constant 96 : index
        %get3A_434 = tpu.vector_load %arg15[%get3A_433] {strides = array<i32>} : memref<128xf32, #tpu.memory_space<vmem>>, vector<16xf32>,
        %get3A_435 = arith.constant 96 : index
        %get3A_436 = tpu.vector_load %arg16[%get3A_435] {strides = array<i32>} : memref<128xi32, #tpu.memory_space<vmem>>, vector<16xi32>,
        %max3A_437 = arith.constant 0 : i32
        %max3A_438 = vector.broadcast %max3A_437 : i32 to vector<16xi32>
        %max3A_439 = arith.maxsi %get3A_436, %max3A_438 : vector<16xi32>
        %gather3A_440 = tpu.vector_load_idx %arg17[%max3A_439] : memref<912xf32, #tpu.memory_space<vmem>>[vector<16xi32>], vector<16xf32>,
        %eq3A_441 = vector.broadcast %reduce_min3A_283 : f32 to vector<16xf32>
        %eq3A_442 = arith.cmpf oeq, %get3A_434, %eq3A_441 : vector<16xf32>
        %ge3A_443 = arith.constant 0 : i32
        %ge3A_444 = vector.broadcast %ge3A_443 : i32 to vector<16xi32>
        %ge3A_445 = arith.cmpi sge, %get3A_436, %ge3A_444 : vector<16xi32>
        %and3A_446 = arith.andi %eq3A_442, %ge3A_445 : vector<16xi1>
        %gt3A_447 = arith.constant 0.000000e+00 : f32
        %gt3A_448 = vector.broadcast %gt3A_447 : f32 to vector<16xf32>
        %gt3A_449 = arith.cmpf ogt, %gather3A_440, %gt3A_448 : vector<16xf32>
        %and3A_450 = arith.andi %and3A_446, %gt3A_449 : vector<16xi1>
        %add3A_451 = arith.constant 96 : i32
        %add3A_452 = vector.broadcast %add3A_451 : i32 to vector<16xi32>
        %add3A_453 = arith.addi %iota3A, %add3A_452 : vector<16xi32>
        %jit3A_454 = arith.constant 1073741824 : i32
        %broadcast_in_dim3A_455 = vector.broadcast %jit3A_454 : i32 to vector<16xi32>
        %select_n3A_456 = arith.select %and3A_450, %add3A_453, %broadcast_in_dim3A_455 : vector<16xi1>, vector<16xi32>
        %min3A_457 = arith.minsi %min3A_432, %select_n3A_456 : vector<16xi32>
        %get3A_458 = arith.constant 112 : index
        %get3A_459 = tpu.vector_load %arg15[%get3A_458] {strides = array<i32>} : memref<128xf32, #tpu.memory_space<vmem>>, vector<16xf32>,
        %get3A_460 = arith.constant 112 : index
        %get3A_461 = tpu.vector_load %arg16[%get3A_460] {strides = array<i32>} : memref<128xi32, #tpu.memory_space<vmem>>, vector<16xi32>,
        %max3A_462 = arith.constant 0 : i32
        %max3A_463 = vector.broadcast %max3A_462 : i32 to vector<16xi32>
        %max3A_464 = arith.maxsi %get3A_461, %max3A_463 : vector<16xi32>
        %gather3A_465 = tpu.vector_load_idx %arg17[%max3A_464] : memref<912xf32, #tpu.memory_space<vmem>>[vector<16xi32>], vector<16xf32>,
        %eq3A_466 = vector.broadcast %reduce_min3A_283 : f32 to vector<16xf32>
        %eq3A_467 = arith.cmpf oeq, %get3A_459, %eq3A_466 : vector<16xf32>
        %ge3A_468 = arith.constant 0 : i32
        %ge3A_469 = vector.broadcast %ge3A_468 : i32 to vector<16xi32>
        %ge3A_470 = arith.cmpi sge, %get3A_461, %ge3A_469 : vector<16xi32>
        %and3A_471 = arith.andi %eq3A_467, %ge3A_470 : vector<16xi1>
        %gt3A_472 = arith.constant 0.000000e+00 : f32
        %gt3A_473 = vector.broadcast %gt3A_472 : f32 to vector<16xf32>
        %gt3A_474 = arith.cmpf ogt, %gather3A_465, %gt3A_473 : vector<16xf32>
        %and3A_475 = arith.andi %and3A_471, %gt3A_474 : vector<16xi1>
        %add3A_476 = arith.constant 112 : i32
        %add3A_477 = vector.broadcast %add3A_476 : i32 to vector<16xi32>
        %add3A_478 = arith.addi %iota3A, %add3A_477 : vector<16xi32>
        %jit3A_479 = arith.constant 1073741824 : i32
        %broadcast_in_dim3A_480 = vector.broadcast %jit3A_479 : i32 to vector<16xi32>
        %select_n3A_481 = arith.select %and3A_475, %add3A_478, %broadcast_in_dim3A_480 : vector<16xi1>, vector<16xi32>
        %min3A_482 = arith.minsi %min3A_457, %select_n3A_481 : vector<16xi32>
        %reduce_min3A_483 = arith.constant true
        %reduce_min3A_484 = vector.broadcast %reduce_min3A_483 : i1 to vector<16xi1>
        %reduce_min3A_485 = arith.constant -2147483648 : i32
        %reduce_min3A_486 = vector.broadcast %reduce_min3A_485 : i32 to vector<16xi32>
        %reduce_min3A_487 = arith.xori %min3A_482, %reduce_min3A_486 : vector<16xi32>
        %reduce_min3A_488 = tpu.scan <min>, %reduce_min3A_487 masked %reduce_min3A_484 : vector<16xi32>, vector<16xi1> -> vector<16xi32>
        %reduce_min3A_489 = arith.xori %reduce_min3A_488, %reduce_min3A_486 : vector<16xi32>
        %reduce_min3A_490 = vector.extract %reduce_min3A_489[15] : i32 from vector<16xi32>
        %jit3A_491 = arith.constant 1073741824 : i32
        %select_n3A_492 = arith.select %lt3A_285, %reduce_min3A_490, %jit3A_491 : i32
        %while3A:2 = scf.while (%while3A_655 = %reduce_min3A_283, %while3A_656 = %select_n3A_492) : (f32, i32) -> (f32, i32) {
          %lt3A_657 = arith.constant 1073741824 : i32
          %lt3A_658 = arith.cmpi slt, %while3A_656, %lt3A_657 : i32
          scf.condition(%lt3A_658) %while3A_655, %while3A_656 : f32, i32
        } do {
        ^bb0(%while3A_655: f32, %while3A_656: i32):
          %mul3A_657 = arith.constant 912 : i32
          %mul3A_658 = arith.muli %while3A_656, %mul3A_657 : i32
          %broadcast_in_dim3A_659 = arith.constant 3.500000e+30 : f32
          %broadcast_in_dim3A_660 = vector.broadcast %broadcast_in_dim3A_659 : f32 to vector<16xf32>
          %broadcast_in_dim3A_661 = arith.constant 0 : i32
          %broadcast_in_dim3A_662 = vector.broadcast %broadcast_in_dim3A_661 : i32 to vector<16xi32>
          %scan3A_663 = arith.constant 0 : i32
          %scan3A_664 = arith.constant 57 : i32
          %scan3A_665 = arith.addi %scan3A_663, %scan3A_664 : i32
          %scan3A_666 = arith.constant 1 : i32
          %scan3A_667:2 = scf.for %scan3A_934 = %scan3A_663 to %scan3A_665 step %scan3A_666 iter_args(%scan3A_935 = %broadcast_in_dim3A_660, %scan3A_936 = %broadcast_in_dim3A_662) -> (vector<16xf32>, vector<16xi32>)  : i32 {
            %mul3A_937 = arith.constant 16 : i32
            %mul3A_938 = arith.muli %scan3A_934, %mul3A_937 : i32
            %add3A_939 = arith.addi %mul3A_658, %mul3A_938 : i32
            %get3A_940 = arith.index_cast %add3A_939 : i32 to index
            %get3A_941 = tpu.vector_load %arg14[%get3A_940] {strides = array<i32>} : memref<116736xf32, #tpu.memory_space<vmem>>, vector<16xf32>,
            %mul3A_942 = arith.constant 16 : i32
            %mul3A_943 = arith.muli %scan3A_934, %mul3A_942 : i32
            %get3A_944 = arith.index_cast %mul3A_943 : i32 to index
            %get3A_945 = tpu.vector_load %arg17[%get3A_944] {strides = array<i32>} : memref<912xf32, #tpu.memory_space<vmem>>, vector<16xf32>,
            %add3A_946 = arith.addf %get3A_941, %get3A_945 : vector<16xf32>
            %mul3A_947 = arith.constant 16 : i32
            %mul3A_948 = arith.muli %scan3A_934, %mul3A_947 : i32
            %add3A_949 = vector.broadcast %mul3A_948 : i32 to vector<16xi32>
            %add3A_950 = arith.addi %iota3A, %add3A_949 : vector<16xi32>
            %lt3A_951 = arith.cmpf olt, %add3A_946, %scan3A_935 : vector<16xf32>
            %select_n3A_952 = arith.select %lt3A_951, %add3A_950, %scan3A_936 : vector<16xi1>, vector<16xi32>
            %min3A_953 = arith.minimumf %scan3A_935, %add3A_946 : vector<16xf32>
            scf.yield %min3A_953, %select_n3A_952 : vector<16xf32>, vector<16xi32>
          }
          %scan3A_668 = arith.constant 57 : i32
          %reduce_min3A_669 = arith.constant true
          %reduce_min3A_670 = vector.broadcast %reduce_min3A_669 : i1 to vector<16xi1>
          %reduce_min3A_671 = tpu.scan <min>, %scan3A_667#0 masked %reduce_min3A_670 : vector<16xf32>, vector<16xi1> -> vector<16xf32>
          %reduce_min3A_672 = vector.extract %reduce_min3A_671[15] : f32 from vector<16xf32>
          %eq3A_673 = vector.broadcast %reduce_min3A_672 : f32 to vector<16xf32>
          %eq3A_674 = arith.cmpf oeq, %scan3A_667#0, %eq3A_673 : vector<16xf32>
          %jit3A_675 = arith.constant 1073741824 : i32
          %broadcast_in_dim3A_676 = vector.broadcast %jit3A_675 : i32 to vector<16xi32>
          %select_n3A_677 = arith.select %eq3A_674, %scan3A_667#1, %broadcast_in_dim3A_676 : vector<16xi1>, vector<16xi32>
          %reduce_min3A_678 = arith.constant true
          %reduce_min3A_679 = vector.broadcast %reduce_min3A_678 : i1 to vector<16xi1>
          %reduce_min3A_680 = arith.constant -2147483648 : i32
          %reduce_min3A_681 = vector.broadcast %reduce_min3A_680 : i32 to vector<16xi32>
          %reduce_min3A_682 = arith.xori %select_n3A_677, %reduce_min3A_681 : vector<16xi32>
          %reduce_min3A_683 = tpu.scan <min>, %reduce_min3A_682 masked %reduce_min3A_679 : vector<16xi32>, vector<16xi1> -> vector<16xi32>
          %reduce_min3A_684 = arith.xori %reduce_min3A_683, %reduce_min3A_681 : vector<16xi32>
          %reduce_min3A_685 = vector.extract %reduce_min3A_684[15] : i32 from vector<16xi32>
          %broadcast_in_dim3A_686 = vector.broadcast %while3A_656 : i32 to vector<16xi32>
          %broadcast_in_dim3A_687 = vector.broadcast %reduce_min3A_672 : f32 to vector<16xf32>
          tpu.vector_store_idx %arg15[%broadcast_in_dim3A_686], %broadcast_in_dim3A_687 masked %eq3A_16 : memref<128xf32, #tpu.memory_space<vmem>>[vector<16xi32>], vector<16xf32>, vector<16xi1>
          %broadcast_in_dim3A_688 = vector.broadcast %while3A_656 : i32 to vector<16xi32>
          %broadcast_in_dim3A_689 = vector.broadcast %reduce_min3A_685 : i32 to vector<16xi32>
          tpu.vector_store_idx %arg16[%broadcast_in_dim3A_688], %broadcast_in_dim3A_689 masked %eq3A_16 : memref<128xi32, #tpu.memory_space<vmem>>[vector<16xi32>], vector<16xi32>, vector<16xi1>
          %broadcast_in_dim3A_690 = arith.constant 3.500000e+30 : f32
          %broadcast_in_dim3A_691 = vector.broadcast %broadcast_in_dim3A_690 : f32 to vector<16xf32>
          %get3A_692 = arith.constant 0 : index
          %get3A_693 = tpu.vector_load %arg15[%get3A_692] {strides = array<i32>} : memref<128xf32, #tpu.memory_space<vmem>>, vector<16xf32>,
          %min3A_694 = arith.minimumf %broadcast_in_dim3A_691, %get3A_693 : vector<16xf32>
          %get3A_695 = arith.constant 16 : index
          %get3A_696 = tpu.vector_load %arg15[%get3A_695] {strides = array<i32>} : memref<128xf32, #tpu.memory_space<vmem>>, vector<16xf32>,
          %min3A_697 = arith.minimumf %min3A_694, %get3A_696 : vector<16xf32>
          %get3A_698 = arith.constant 32 : index
          %get3A_699 = tpu.vector_load %arg15[%get3A_698] {strides = array<i32>} : memref<128xf32, #tpu.memory_space<vmem>>, vector<16xf32>,
          %min3A_700 = arith.minimumf %min3A_697, %get3A_699 : vector<16xf32>
          %get3A_701 = arith.constant 48 : index
          %get3A_702 = tpu.vector_load %arg15[%get3A_701] {strides = array<i32>} : memref<128xf32, #tpu.memory_space<vmem>>, vector<16xf32>,
          %min3A_703 = arith.minimumf %min3A_700, %get3A_702 : vector<16xf32>
          %get3A_704 = arith.constant 64 : index
          %get3A_705 = tpu.vector_load %arg15[%get3A_704] {strides = array<i32>} : memref<128xf32, #tpu.memory_space<vmem>>, vector<16xf32>,
          %min3A_706 = arith.minimumf %min3A_703, %get3A_705 : vector<16xf32>
          %get3A_707 = arith.constant 80 : index
          %get3A_708 = tpu.vector_load %arg15[%get3A_707] {strides = array<i32>} : memref<128xf32, #tpu.memory_space<vmem>>, vector<16xf32>,
          %min3A_709 = arith.minimumf %min3A_706, %get3A_708 : vector<16xf32>
          %get3A_710 = arith.constant 96 : index
          %get3A_711 = tpu.vector_load %arg15[%get3A_710] {strides = array<i32>} : memref<128xf32, #tpu.memory_space<vmem>>, vector<16xf32>,
          %min3A_712 = arith.minimumf %min3A_709, %get3A_711 : vector<16xf32>
          %get3A_713 = arith.constant 112 : index
          %get3A_714 = tpu.vector_load %arg15[%get3A_713] {strides = array<i32>} : memref<128xf32, #tpu.memory_space<vmem>>, vector<16xf32>,
          %min3A_715 = arith.minimumf %min3A_712, %get3A_714 : vector<16xf32>
          %reduce_min3A_716 = arith.constant true
          %reduce_min3A_717 = vector.broadcast %reduce_min3A_716 : i1 to vector<16xi1>
          %reduce_min3A_718 = tpu.scan <min>, %min3A_715 masked %reduce_min3A_717 : vector<16xf32>, vector<16xi1> -> vector<16xf32>
          %reduce_min3A_719 = vector.extract %reduce_min3A_718[15] : f32 from vector<16xf32>
          %lt3A_720 = arith.constant 1.000000e+29 : f32
          %lt3A_721 = arith.cmpf olt, %reduce_min3A_719, %lt3A_720 : f32
          %broadcast_in_dim3A_722 = arith.constant 1073741824 : i32
          %broadcast_in_dim3A_723 = vector.broadcast %broadcast_in_dim3A_722 : i32 to vector<16xi32>
          %get3A_724 = arith.constant 0 : index
          %get3A_725 = tpu.vector_load %arg15[%get3A_724] {strides = array<i32>} : memref<128xf32, #tpu.memory_space<vmem>>, vector<16xf32>,
          %get3A_726 = arith.constant 0 : index
          %get3A_727 = tpu.vector_load %arg16[%get3A_726] {strides = array<i32>} : memref<128xi32, #tpu.memory_space<vmem>>, vector<16xi32>,
          %max3A_728 = arith.constant 0 : i32
          %max3A_729 = vector.broadcast %max3A_728 : i32 to vector<16xi32>
          %max3A_730 = arith.maxsi %get3A_727, %max3A_729 : vector<16xi32>
          %gather3A_731 = tpu.vector_load_idx %arg17[%max3A_730] : memref<912xf32, #tpu.memory_space<vmem>>[vector<16xi32>], vector<16xf32>,
          %eq3A_732 = vector.broadcast %reduce_min3A_719 : f32 to vector<16xf32>
          %eq3A_733 = arith.cmpf oeq, %get3A_725, %eq3A_732 : vector<16xf32>
          %ge3A_734 = arith.constant 0 : i32
          %ge3A_735 = vector.broadcast %ge3A_734 : i32 to vector<16xi32>
          %ge3A_736 = arith.cmpi sge, %get3A_727, %ge3A_735 : vector<16xi32>
          %and3A_737 = arith.andi %eq3A_733, %ge3A_736 : vector<16xi1>
          %gt3A_738 = arith.constant 0.000000e+00 : f32
          %gt3A_739 = vector.broadcast %gt3A_738 : f32 to vector<16xf32>
          %gt3A_740 = arith.cmpf ogt, %gather3A_731, %gt3A_739 : vector<16xf32>
          %and3A_741 = arith.andi %and3A_737, %gt3A_740 : vector<16xi1>
          %add3A_742 = arith.constant 0 : i32
          %add3A_743 = vector.broadcast %add3A_742 : i32 to vector<16xi32>
          %add3A_744 = arith.addi %iota3A, %add3A_743 : vector<16xi32>
          %jit3A_745 = arith.constant 1073741824 : i32
          %broadcast_in_dim3A_746 = vector.broadcast %jit3A_745 : i32 to vector<16xi32>
          %select_n3A_747 = arith.select %and3A_741, %add3A_744, %broadcast_in_dim3A_746 : vector<16xi1>, vector<16xi32>
          %min3A_748 = arith.minsi %broadcast_in_dim3A_723, %select_n3A_747 : vector<16xi32>
          %get3A_749 = arith.constant 16 : index
          %get3A_750 = tpu.vector_load %arg15[%get3A_749] {strides = array<i32>} : memref<128xf32, #tpu.memory_space<vmem>>, vector<16xf32>,
          %get3A_751 = arith.constant 16 : index
          %get3A_752 = tpu.vector_load %arg16[%get3A_751] {strides = array<i32>} : memref<128xi32, #tpu.memory_space<vmem>>, vector<16xi32>,
          %max3A_753 = arith.constant 0 : i32
          %max3A_754 = vector.broadcast %max3A_753 : i32 to vector<16xi32>
          %max3A_755 = arith.maxsi %get3A_752, %max3A_754 : vector<16xi32>
          %gather3A_756 = tpu.vector_load_idx %arg17[%max3A_755] : memref<912xf32, #tpu.memory_space<vmem>>[vector<16xi32>], vector<16xf32>,
          %eq3A_757 = vector.broadcast %reduce_min3A_719 : f32 to vector<16xf32>
          %eq3A_758 = arith.cmpf oeq, %get3A_750, %eq3A_757 : vector<16xf32>
          %ge3A_759 = arith.constant 0 : i32
          %ge3A_760 = vector.broadcast %ge3A_759 : i32 to vector<16xi32>
          %ge3A_761 = arith.cmpi sge, %get3A_752, %ge3A_760 : vector<16xi32>
          %and3A_762 = arith.andi %eq3A_758, %ge3A_761 : vector<16xi1>
          %gt3A_763 = arith.constant 0.000000e+00 : f32
          %gt3A_764 = vector.broadcast %gt3A_763 : f32 to vector<16xf32>
          %gt3A_765 = arith.cmpf ogt, %gather3A_756, %gt3A_764 : vector<16xf32>
          %and3A_766 = arith.andi %and3A_762, %gt3A_765 : vector<16xi1>
          %add3A_767 = arith.constant 16 : i32
          %add3A_768 = vector.broadcast %add3A_767 : i32 to vector<16xi32>
          %add3A_769 = arith.addi %iota3A, %add3A_768 : vector<16xi32>
          %jit3A_770 = arith.constant 1073741824 : i32
          %broadcast_in_dim3A_771 = vector.broadcast %jit3A_770 : i32 to vector<16xi32>
          %select_n3A_772 = arith.select %and3A_766, %add3A_769, %broadcast_in_dim3A_771 : vector<16xi1>, vector<16xi32>
          %min3A_773 = arith.minsi %min3A_748, %select_n3A_772 : vector<16xi32>
          %get3A_774 = arith.constant 32 : index
          %get3A_775 = tpu.vector_load %arg15[%get3A_774] {strides = array<i32>} : memref<128xf32, #tpu.memory_space<vmem>>, vector<16xf32>,
          %get3A_776 = arith.constant 32 : index
          %get3A_777 = tpu.vector_load %arg16[%get3A_776] {strides = array<i32>} : memref<128xi32, #tpu.memory_space<vmem>>, vector<16xi32>,
          %max3A_778 = arith.constant 0 : i32
          %max3A_779 = vector.broadcast %max3A_778 : i32 to vector<16xi32>
          %max3A_780 = arith.maxsi %get3A_777, %max3A_779 : vector<16xi32>
          %gather3A_781 = tpu.vector_load_idx %arg17[%max3A_780] : memref<912xf32, #tpu.memory_space<vmem>>[vector<16xi32>], vector<16xf32>,
          %eq3A_782 = vector.broadcast %reduce_min3A_719 : f32 to vector<16xf32>
          %eq3A_783 = arith.cmpf oeq, %get3A_775, %eq3A_782 : vector<16xf32>
          %ge3A_784 = arith.constant 0 : i32
          %ge3A_785 = vector.broadcast %ge3A_784 : i32 to vector<16xi32>
          %ge3A_786 = arith.cmpi sge, %get3A_777, %ge3A_785 : vector<16xi32>
          %and3A_787 = arith.andi %eq3A_783, %ge3A_786 : vector<16xi1>
          %gt3A_788 = arith.constant 0.000000e+00 : f32
          %gt3A_789 = vector.broadcast %gt3A_788 : f32 to vector<16xf32>
          %gt3A_790 = arith.cmpf ogt, %gather3A_781, %gt3A_789 : vector<16xf32>
          %and3A_791 = arith.andi %and3A_787, %gt3A_790 : vector<16xi1>
          %add3A_792 = arith.constant 32 : i32
          %add3A_793 = vector.broadcast %add3A_792 : i32 to vector<16xi32>
          %add3A_794 = arith.addi %iota3A, %add3A_793 : vector<16xi32>
          %jit3A_795 = arith.constant 1073741824 : i32
          %broadcast_in_dim3A_796 = vector.broadcast %jit3A_795 : i32 to vector<16xi32>
          %select_n3A_797 = arith.select %and3A_791, %add3A_794, %broadcast_in_dim3A_796 : vector<16xi1>, vector<16xi32>
          %min3A_798 = arith.minsi %min3A_773, %select_n3A_797 : vector<16xi32>
          %get3A_799 = arith.constant 48 : index
          %get3A_800 = tpu.vector_load %arg15[%get3A_799] {strides = array<i32>} : memref<128xf32, #tpu.memory_space<vmem>>, vector<16xf32>,
          %get3A_801 = arith.constant 48 : index
          %get3A_802 = tpu.vector_load %arg16[%get3A_801] {strides = array<i32>} : memref<128xi32, #tpu.memory_space<vmem>>, vector<16xi32>,
          %max3A_803 = arith.constant 0 : i32
          %max3A_804 = vector.broadcast %max3A_803 : i32 to vector<16xi32>
          %max3A_805 = arith.maxsi %get3A_802, %max3A_804 : vector<16xi32>
          %gather3A_806 = tpu.vector_load_idx %arg17[%max3A_805] : memref<912xf32, #tpu.memory_space<vmem>>[vector<16xi32>], vector<16xf32>,
          %eq3A_807 = vector.broadcast %reduce_min3A_719 : f32 to vector<16xf32>
          %eq3A_808 = arith.cmpf oeq, %get3A_800, %eq3A_807 : vector<16xf32>
          %ge3A_809 = arith.constant 0 : i32
          %ge3A_810 = vector.broadcast %ge3A_809 : i32 to vector<16xi32>
          %ge3A_811 = arith.cmpi sge, %get3A_802, %ge3A_810 : vector<16xi32>
          %and3A_812 = arith.andi %eq3A_808, %ge3A_811 : vector<16xi1>
          %gt3A_813 = arith.constant 0.000000e+00 : f32
          %gt3A_814 = vector.broadcast %gt3A_813 : f32 to vector<16xf32>
          %gt3A_815 = arith.cmpf ogt, %gather3A_806, %gt3A_814 : vector<16xf32>
          %and3A_816 = arith.andi %and3A_812, %gt3A_815 : vector<16xi1>
          %add3A_817 = arith.constant 48 : i32
          %add3A_818 = vector.broadcast %add3A_817 : i32 to vector<16xi32>
          %add3A_819 = arith.addi %iota3A, %add3A_818 : vector<16xi32>
          %jit3A_820 = arith.constant 1073741824 : i32
          %broadcast_in_dim3A_821 = vector.broadcast %jit3A_820 : i32 to vector<16xi32>
          %select_n3A_822 = arith.select %and3A_816, %add3A_819, %broadcast_in_dim3A_821 : vector<16xi1>, vector<16xi32>
          %min3A_823 = arith.minsi %min3A_798, %select_n3A_822 : vector<16xi32>
          %get3A_824 = arith.constant 64 : index
          %get3A_825 = tpu.vector_load %arg15[%get3A_824] {strides = array<i32>} : memref<128xf32, #tpu.memory_space<vmem>>, vector<16xf32>,
          %get3A_826 = arith.constant 64 : index
          %get3A_827 = tpu.vector_load %arg16[%get3A_826] {strides = array<i32>} : memref<128xi32, #tpu.memory_space<vmem>>, vector<16xi32>,
          %max3A_828 = arith.constant 0 : i32
          %max3A_829 = vector.broadcast %max3A_828 : i32 to vector<16xi32>
          %max3A_830 = arith.maxsi %get3A_827, %max3A_829 : vector<16xi32>
          %gather3A_831 = tpu.vector_load_idx %arg17[%max3A_830] : memref<912xf32, #tpu.memory_space<vmem>>[vector<16xi32>], vector<16xf32>,
          %eq3A_832 = vector.broadcast %reduce_min3A_719 : f32 to vector<16xf32>
          %eq3A_833 = arith.cmpf oeq, %get3A_825, %eq3A_832 : vector<16xf32>
          %ge3A_834 = arith.constant 0 : i32
          %ge3A_835 = vector.broadcast %ge3A_834 : i32 to vector<16xi32>
          %ge3A_836 = arith.cmpi sge, %get3A_827, %ge3A_835 : vector<16xi32>
          %and3A_837 = arith.andi %eq3A_833, %ge3A_836 : vector<16xi1>
          %gt3A_838 = arith.constant 0.000000e+00 : f32
          %gt3A_839 = vector.broadcast %gt3A_838 : f32 to vector<16xf32>
          %gt3A_840 = arith.cmpf ogt, %gather3A_831, %gt3A_839 : vector<16xf32>
          %and3A_841 = arith.andi %and3A_837, %gt3A_840 : vector<16xi1>
          %add3A_842 = arith.constant 64 : i32
          %add3A_843 = vector.broadcast %add3A_842 : i32 to vector<16xi32>
          %add3A_844 = arith.addi %iota3A, %add3A_843 : vector<16xi32>
          %jit3A_845 = arith.constant 1073741824 : i32
          %broadcast_in_dim3A_846 = vector.broadcast %jit3A_845 : i32 to vector<16xi32>
          %select_n3A_847 = arith.select %and3A_841, %add3A_844, %broadcast_in_dim3A_846 : vector<16xi1>, vector<16xi32>
          %min3A_848 = arith.minsi %min3A_823, %select_n3A_847 : vector<16xi32>
          %get3A_849 = arith.constant 80 : index
          %get3A_850 = tpu.vector_load %arg15[%get3A_849] {strides = array<i32>} : memref<128xf32, #tpu.memory_space<vmem>>, vector<16xf32>,
          %get3A_851 = arith.constant 80 : index
          %get3A_852 = tpu.vector_load %arg16[%get3A_851] {strides = array<i32>} : memref<128xi32, #tpu.memory_space<vmem>>, vector<16xi32>,
          %max3A_853 = arith.constant 0 : i32
          %max3A_854 = vector.broadcast %max3A_853 : i32 to vector<16xi32>
          %max3A_855 = arith.maxsi %get3A_852, %max3A_854 : vector<16xi32>
          %gather3A_856 = tpu.vector_load_idx %arg17[%max3A_855] : memref<912xf32, #tpu.memory_space<vmem>>[vector<16xi32>], vector<16xf32>,
          %eq3A_857 = vector.broadcast %reduce_min3A_719 : f32 to vector<16xf32>
          %eq3A_858 = arith.cmpf oeq, %get3A_850, %eq3A_857 : vector<16xf32>
          %ge3A_859 = arith.constant 0 : i32
          %ge3A_860 = vector.broadcast %ge3A_859 : i32 to vector<16xi32>
          %ge3A_861 = arith.cmpi sge, %get3A_852, %ge3A_860 : vector<16xi32>
          %and3A_862 = arith.andi %eq3A_858, %ge3A_861 : vector<16xi1>
          %gt3A_863 = arith.constant 0.000000e+00 : f32
          %gt3A_864 = vector.broadcast %gt3A_863 : f32 to vector<16xf32>
          %gt3A_865 = arith.cmpf ogt, %gather3A_856, %gt3A_864 : vector<16xf32>
          %and3A_866 = arith.andi %and3A_862, %gt3A_865 : vector<16xi1>
          %add3A_867 = arith.constant 80 : i32
          %add3A_868 = vector.broadcast %add3A_867 : i32 to vector<16xi32>
          %add3A_869 = arith.addi %iota3A, %add3A_868 : vector<16xi32>
          %jit3A_870 = arith.constant 1073741824 : i32
          %broadcast_in_dim3A_871 = vector.broadcast %jit3A_870 : i32 to vector<16xi32>
          %select_n3A_872 = arith.select %and3A_866, %add3A_869, %broadcast_in_dim3A_871 : vector<16xi1>, vector<16xi32>
          %min3A_873 = arith.minsi %min3A_848, %select_n3A_872 : vector<16xi32>
          %get3A_874 = arith.constant 96 : index
          %get3A_875 = tpu.vector_load %arg15[%get3A_874] {strides = array<i32>} : memref<128xf32, #tpu.memory_space<vmem>>, vector<16xf32>,
          %get3A_876 = arith.constant 96 : index
          %get3A_877 = tpu.vector_load %arg16[%get3A_876] {strides = array<i32>} : memref<128xi32, #tpu.memory_space<vmem>>, vector<16xi32>,
          %max3A_878 = arith.constant 0 : i32
          %max3A_879 = vector.broadcast %max3A_878 : i32 to vector<16xi32>
          %max3A_880 = arith.maxsi %get3A_877, %max3A_879 : vector<16xi32>
          %gather3A_881 = tpu.vector_load_idx %arg17[%max3A_880] : memref<912xf32, #tpu.memory_space<vmem>>[vector<16xi32>], vector<16xf32>,
          %eq3A_882 = vector.broadcast %reduce_min3A_719 : f32 to vector<16xf32>
          %eq3A_883 = arith.cmpf oeq, %get3A_875, %eq3A_882 : vector<16xf32>
          %ge3A_884 = arith.constant 0 : i32
          %ge3A_885 = vector.broadcast %ge3A_884 : i32 to vector<16xi32>
          %ge3A_886 = arith.cmpi sge, %get3A_877, %ge3A_885 : vector<16xi32>
          %and3A_887 = arith.andi %eq3A_883, %ge3A_886 : vector<16xi1>
          %gt3A_888 = arith.constant 0.000000e+00 : f32
          %gt3A_889 = vector.broadcast %gt3A_888 : f32 to vector<16xf32>
          %gt3A_890 = arith.cmpf ogt, %gather3A_881, %gt3A_889 : vector<16xf32>
          %and3A_891 = arith.andi %and3A_887, %gt3A_890 : vector<16xi1>
          %add3A_892 = arith.constant 96 : i32
          %add3A_893 = vector.broadcast %add3A_892 : i32 to vector<16xi32>
          %add3A_894 = arith.addi %iota3A, %add3A_893 : vector<16xi32>
          %jit3A_895 = arith.constant 1073741824 : i32
          %broadcast_in_dim3A_896 = vector.broadcast %jit3A_895 : i32 to vector<16xi32>
          %select_n3A_897 = arith.select %and3A_891, %add3A_894, %broadcast_in_dim3A_896 : vector<16xi1>, vector<16xi32>
          %min3A_898 = arith.minsi %min3A_873, %select_n3A_897 : vector<16xi32>
          %get3A_899 = arith.constant 112 : index
          %get3A_900 = tpu.vector_load %arg15[%get3A_899] {strides = array<i32>} : memref<128xf32, #tpu.memory_space<vmem>>, vector<16xf32>,
          %get3A_901 = arith.constant 112 : index
          %get3A_902 = tpu.vector_load %arg16[%get3A_901] {strides = array<i32>} : memref<128xi32, #tpu.memory_space<vmem>>, vector<16xi32>,
          %max3A_903 = arith.constant 0 : i32
          %max3A_904 = vector.broadcast %max3A_903 : i32 to vector<16xi32>
          %max3A_905 = arith.maxsi %get3A_902, %max3A_904 : vector<16xi32>
          %gather3A_906 = tpu.vector_load_idx %arg17[%max3A_905] : memref<912xf32, #tpu.memory_space<vmem>>[vector<16xi32>], vector<16xf32>,
          %eq3A_907 = vector.broadcast %reduce_min3A_719 : f32 to vector<16xf32>
          %eq3A_908 = arith.cmpf oeq, %get3A_900, %eq3A_907 : vector<16xf32>
          %ge3A_909 = arith.constant 0 : i32
          %ge3A_910 = vector.broadcast %ge3A_909 : i32 to vector<16xi32>
          %ge3A_911 = arith.cmpi sge, %get3A_902, %ge3A_910 : vector<16xi32>
          %and3A_912 = arith.andi %eq3A_908, %ge3A_911 : vector<16xi1>
          %gt3A_913 = arith.constant 0.000000e+00 : f32
          %gt3A_914 = vector.broadcast %gt3A_913 : f32 to vector<16xf32>
          %gt3A_915 = arith.cmpf ogt, %gather3A_906, %gt3A_914 : vector<16xf32>
          %and3A_916 = arith.andi %and3A_912, %gt3A_915 : vector<16xi1>
          %add3A_917 = arith.constant 112 : i32
          %add3A_918 = vector.broadcast %add3A_917 : i32 to vector<16xi32>
          %add3A_919 = arith.addi %iota3A, %add3A_918 : vector<16xi32>
          %jit3A_920 = arith.constant 1073741824 : i32
          %broadcast_in_dim3A_921 = vector.broadcast %jit3A_920 : i32 to vector<16xi32>
          %select_n3A_922 = arith.select %and3A_916, %add3A_919, %broadcast_in_dim3A_921 : vector<16xi1>, vector<16xi32>
          %min3A_923 = arith.minsi %min3A_898, %select_n3A_922 : vector<16xi32>
          %reduce_min3A_924 = arith.constant true
          %reduce_min3A_925 = vector.broadcast %reduce_min3A_924 : i1 to vector<16xi1>
          %reduce_min3A_926 = arith.constant -2147483648 : i32
          %reduce_min3A_927 = vector.broadcast %reduce_min3A_926 : i32 to vector<16xi32>
          %reduce_min3A_928 = arith.xori %min3A_923, %reduce_min3A_927 : vector<16xi32>
          %reduce_min3A_929 = tpu.scan <min>, %reduce_min3A_928 masked %reduce_min3A_925 : vector<16xi32>, vector<16xi1> -> vector<16xi32>
          %reduce_min3A_930 = arith.xori %reduce_min3A_929, %reduce_min3A_927 : vector<16xi32>
          %reduce_min3A_931 = vector.extract %reduce_min3A_930[15] : i32 from vector<16xi32>
          %jit3A_932 = arith.constant 1073741824 : i32
          %select_n3A_933 = arith.select %lt3A_721, %reduce_min3A_931, %jit3A_932 : i32
          scf.yield %reduce_min3A_719, %select_n3A_933 : f32, i32
        }
        %broadcast_in_dim3A_493 = arith.constant 1073741824 : i32
        %broadcast_in_dim3A_494 = vector.broadcast %broadcast_in_dim3A_493 : i32 to vector<16xi32>
        %get3A_495 = arith.constant 0 : index
        %get3A_496 = tpu.vector_load %arg15[%get3A_495] {strides = array<i32>} : memref<128xf32, #tpu.memory_space<vmem>>, vector<16xf32>,
        %get3A_497 = arith.constant 0 : index
        %get3A_498 = tpu.vector_load %arg16[%get3A_497] {strides = array<i32>} : memref<128xi32, #tpu.memory_space<vmem>>, vector<16xi32>,
        %mul3A_499 = arith.constant 128 : i32
        %mul3A_500 = vector.broadcast %mul3A_499 : i32 to vector<16xi32>
        %mul3A_501 = arith.muli %get3A_498, %mul3A_500 : vector<16xi32>
        %add3A_502 = arith.constant 0 : i32
        %add3A_503 = vector.broadcast %add3A_502 : i32 to vector<16xi32>
        %add3A_504 = arith.addi %iota3A, %add3A_503 : vector<16xi32>
        %add3A_505 = arith.addi %mul3A_501, %add3A_504 : vector<16xi32>
        %eq3A_506 = vector.broadcast %while3A#0 : f32 to vector<16xf32>
        %eq3A_507 = arith.cmpf oeq, %get3A_496, %eq3A_506 : vector<16xf32>
        %jit3A_508 = arith.constant 1073741824 : i32
        %broadcast_in_dim3A_509 = vector.broadcast %jit3A_508 : i32 to vector<16xi32>
        %select_n3A_510 = arith.select %eq3A_507, %add3A_505, %broadcast_in_dim3A_509 : vector<16xi1>, vector<16xi32>
        %min3A_511 = arith.minsi %broadcast_in_dim3A_494, %select_n3A_510 : vector<16xi32>
        %get3A_512 = arith.constant 16 : index
        %get3A_513 = tpu.vector_load %arg15[%get3A_512] {strides = array<i32>} : memref<128xf32, #tpu.memory_space<vmem>>, vector<16xf32>,
        %get3A_514 = arith.constant 16 : index
        %get3A_515 = tpu.vector_load %arg16[%get3A_514] {strides = array<i32>} : memref<128xi32, #tpu.memory_space<vmem>>, vector<16xi32>,
        %mul3A_516 = arith.constant 128 : i32
        %mul3A_517 = vector.broadcast %mul3A_516 : i32 to vector<16xi32>
        %mul3A_518 = arith.muli %get3A_515, %mul3A_517 : vector<16xi32>
        %add3A_519 = arith.constant 16 : i32
        %add3A_520 = vector.broadcast %add3A_519 : i32 to vector<16xi32>
        %add3A_521 = arith.addi %iota3A, %add3A_520 : vector<16xi32>
        %add3A_522 = arith.addi %mul3A_518, %add3A_521 : vector<16xi32>
        %eq3A_523 = vector.broadcast %while3A#0 : f32 to vector<16xf32>
        %eq3A_524 = arith.cmpf oeq, %get3A_513, %eq3A_523 : vector<16xf32>
        %jit3A_525 = arith.constant 1073741824 : i32
        %broadcast_in_dim3A_526 = vector.broadcast %jit3A_525 : i32 to vector<16xi32>
        %select_n3A_527 = arith.select %eq3A_524, %add3A_522, %broadcast_in_dim3A_526 : vector<16xi1>, vector<16xi32>
        %min3A_528 = arith.minsi %min3A_511, %select_n3A_527 : vector<16xi32>
        %get3A_529 = arith.constant 32 : index
        %get3A_530 = tpu.vector_load %arg15[%get3A_529] {strides = array<i32>} : memref<128xf32, #tpu.memory_space<vmem>>, vector<16xf32>,
        %get3A_531 = arith.constant 32 : index
        %get3A_532 = tpu.vector_load %arg16[%get3A_531] {strides = array<i32>} : memref<128xi32, #tpu.memory_space<vmem>>, vector<16xi32>,
        %mul3A_533 = arith.constant 128 : i32
        %mul3A_534 = vector.broadcast %mul3A_533 : i32 to vector<16xi32>
        %mul3A_535 = arith.muli %get3A_532, %mul3A_534 : vector<16xi32>
        %add3A_536 = arith.constant 32 : i32
        %add3A_537 = vector.broadcast %add3A_536 : i32 to vector<16xi32>
        %add3A_538 = arith.addi %iota3A, %add3A_537 : vector<16xi32>
        %add3A_539 = arith.addi %mul3A_535, %add3A_538 : vector<16xi32>
        %eq3A_540 = vector.broadcast %while3A#0 : f32 to vector<16xf32>
        %eq3A_541 = arith.cmpf oeq, %get3A_530, %eq3A_540 : vector<16xf32>
        %jit3A_542 = arith.constant 1073741824 : i32
        %broadcast_in_dim3A_543 = vector.broadcast %jit3A_542 : i32 to vector<16xi32>
        %select_n3A_544 = arith.select %eq3A_541, %add3A_539, %broadcast_in_dim3A_543 : vector<16xi1>, vector<16xi32>
        %min3A_545 = arith.minsi %min3A_528, %select_n3A_544 : vector<16xi32>
        %get3A_546 = arith.constant 48 : index
        %get3A_547 = tpu.vector_load %arg15[%get3A_546] {strides = array<i32>} : memref<128xf32, #tpu.memory_space<vmem>>, vector<16xf32>,
        %get3A_548 = arith.constant 48 : index
        %get3A_549 = tpu.vector_load %arg16[%get3A_548] {strides = array<i32>} : memref<128xi32, #tpu.memory_space<vmem>>, vector<16xi32>,
        %mul3A_550 = arith.constant 128 : i32
        %mul3A_551 = vector.broadcast %mul3A_550 : i32 to vector<16xi32>
        %mul3A_552 = arith.muli %get3A_549, %mul3A_551 : vector<16xi32>
        %add3A_553 = arith.constant 48 : i32
        %add3A_554 = vector.broadcast %add3A_553 : i32 to vector<16xi32>
        %add3A_555 = arith.addi %iota3A, %add3A_554 : vector<16xi32>
        %add3A_556 = arith.addi %mul3A_552, %add3A_555 : vector<16xi32>
        %eq3A_557 = vector.broadcast %while3A#0 : f32 to vector<16xf32>
        %eq3A_558 = arith.cmpf oeq, %get3A_547, %eq3A_557 : vector<16xf32>
        %jit3A_559 = arith.constant 1073741824 : i32
        %broadcast_in_dim3A_560 = vector.broadcast %jit3A_559 : i32 to vector<16xi32>
        %select_n3A_561 = arith.select %eq3A_558, %add3A_556, %broadcast_in_dim3A_560 : vector<16xi1>, vector<16xi32>
        %min3A_562 = arith.minsi %min3A_545, %select_n3A_561 : vector<16xi32>
        %get3A_563 = arith.constant 64 : index
        %get3A_564 = tpu.vector_load %arg15[%get3A_563] {strides = array<i32>} : memref<128xf32, #tpu.memory_space<vmem>>, vector<16xf32>,
        %get3A_565 = arith.constant 64 : index
        %get3A_566 = tpu.vector_load %arg16[%get3A_565] {strides = array<i32>} : memref<128xi32, #tpu.memory_space<vmem>>, vector<16xi32>,
        %mul3A_567 = arith.constant 128 : i32
        %mul3A_568 = vector.broadcast %mul3A_567 : i32 to vector<16xi32>
        %mul3A_569 = arith.muli %get3A_566, %mul3A_568 : vector<16xi32>
        %add3A_570 = arith.constant 64 : i32
        %add3A_571 = vector.broadcast %add3A_570 : i32 to vector<16xi32>
        %add3A_572 = arith.addi %iota3A, %add3A_571 : vector<16xi32>
        %add3A_573 = arith.addi %mul3A_569, %add3A_572 : vector<16xi32>
        %eq3A_574 = vector.broadcast %while3A#0 : f32 to vector<16xf32>
        %eq3A_575 = arith.cmpf oeq, %get3A_564, %eq3A_574 : vector<16xf32>
        %jit3A_576 = arith.constant 1073741824 : i32
        %broadcast_in_dim3A_577 = vector.broadcast %jit3A_576 : i32 to vector<16xi32>
        %select_n3A_578 = arith.select %eq3A_575, %add3A_573, %broadcast_in_dim3A_577 : vector<16xi1>, vector<16xi32>
        %min3A_579 = arith.minsi %min3A_562, %select_n3A_578 : vector<16xi32>
        %get3A_580 = arith.constant 80 : index
        %get3A_581 = tpu.vector_load %arg15[%get3A_580] {strides = array<i32>} : memref<128xf32, #tpu.memory_space<vmem>>, vector<16xf32>,
        %get3A_582 = arith.constant 80 : index
        %get3A_583 = tpu.vector_load %arg16[%get3A_582] {strides = array<i32>} : memref<128xi32, #tpu.memory_space<vmem>>, vector<16xi32>,
        %mul3A_584 = arith.constant 128 : i32
        %mul3A_585 = vector.broadcast %mul3A_584 : i32 to vector<16xi32>
        %mul3A_586 = arith.muli %get3A_583, %mul3A_585 : vector<16xi32>
        %add3A_587 = arith.constant 80 : i32
        %add3A_588 = vector.broadcast %add3A_587 : i32 to vector<16xi32>
        %add3A_589 = arith.addi %iota3A, %add3A_588 : vector<16xi32>
        %add3A_590 = arith.addi %mul3A_586, %add3A_589 : vector<16xi32>
        %eq3A_591 = vector.broadcast %while3A#0 : f32 to vector<16xf32>
        %eq3A_592 = arith.cmpf oeq, %get3A_581, %eq3A_591 : vector<16xf32>
        %jit3A_593 = arith.constant 1073741824 : i32
        %broadcast_in_dim3A_594 = vector.broadcast %jit3A_593 : i32 to vector<16xi32>
        %select_n3A_595 = arith.select %eq3A_592, %add3A_590, %broadcast_in_dim3A_594 : vector<16xi1>, vector<16xi32>
        %min3A_596 = arith.minsi %min3A_579, %select_n3A_595 : vector<16xi32>
        %get3A_597 = arith.constant 96 : index
        %get3A_598 = tpu.vector_load %arg15[%get3A_597] {strides = array<i32>} : memref<128xf32, #tpu.memory_space<vmem>>, vector<16xf32>,
        %get3A_599 = arith.constant 96 : index
        %get3A_600 = tpu.vector_load %arg16[%get3A_599] {strides = array<i32>} : memref<128xi32, #tpu.memory_space<vmem>>, vector<16xi32>,
        %mul3A_601 = arith.constant 128 : i32
        %mul3A_602 = vector.broadcast %mul3A_601 : i32 to vector<16xi32>
        %mul3A_603 = arith.muli %get3A_600, %mul3A_602 : vector<16xi32>
        %add3A_604 = arith.constant 96 : i32
        %add3A_605 = vector.broadcast %add3A_604 : i32 to vector<16xi32>
        %add3A_606 = arith.addi %iota3A, %add3A_605 : vector<16xi32>
        %add3A_607 = arith.addi %mul3A_603, %add3A_606 : vector<16xi32>
        %eq3A_608 = vector.broadcast %while3A#0 : f32 to vector<16xf32>
        %eq3A_609 = arith.cmpf oeq, %get3A_598, %eq3A_608 : vector<16xf32>
        %jit3A_610 = arith.constant 1073741824 : i32
        %broadcast_in_dim3A_611 = vector.broadcast %jit3A_610 : i32 to vector<16xi32>
        %select_n3A_612 = arith.select %eq3A_609, %add3A_607, %broadcast_in_dim3A_611 : vector<16xi1>, vector<16xi32>
        %min3A_613 = arith.minsi %min3A_596, %select_n3A_612 : vector<16xi32>
        %get3A_614 = arith.constant 112 : index
        %get3A_615 = tpu.vector_load %arg15[%get3A_614] {strides = array<i32>} : memref<128xf32, #tpu.memory_space<vmem>>, vector<16xf32>,
        %get3A_616 = arith.constant 112 : index
        %get3A_617 = tpu.vector_load %arg16[%get3A_616] {strides = array<i32>} : memref<128xi32, #tpu.memory_space<vmem>>, vector<16xi32>,
        %mul3A_618 = arith.constant 128 : i32
        %mul3A_619 = vector.broadcast %mul3A_618 : i32 to vector<16xi32>
        %mul3A_620 = arith.muli %get3A_617, %mul3A_619 : vector<16xi32>
        %add3A_621 = arith.constant 112 : i32
        %add3A_622 = vector.broadcast %add3A_621 : i32 to vector<16xi32>
        %add3A_623 = arith.addi %iota3A, %add3A_622 : vector<16xi32>
        %add3A_624 = arith.addi %mul3A_620, %add3A_623 : vector<16xi32>
        %eq3A_625 = vector.broadcast %while3A#0 : f32 to vector<16xf32>
        %eq3A_626 = arith.cmpf oeq, %get3A_615, %eq3A_625 : vector<16xf32>
        %jit3A_627 = arith.constant 1073741824 : i32
        %broadcast_in_dim3A_628 = vector.broadcast %jit3A_627 : i32 to vector<16xi32>
        %select_n3A_629 = arith.select %eq3A_626, %add3A_624, %broadcast_in_dim3A_628 : vector<16xi1>, vector<16xi32>
        %min3A_630 = arith.minsi %min3A_613, %select_n3A_629 : vector<16xi32>
        %reduce_min3A_631 = arith.constant true
        %reduce_min3A_632 = vector.broadcast %reduce_min3A_631 : i1 to vector<16xi1>
        %reduce_min3A_633 = arith.constant -2147483648 : i32
        %reduce_min3A_634 = vector.broadcast %reduce_min3A_633 : i32 to vector<16xi32>
        %reduce_min3A_635 = arith.xori %min3A_630, %reduce_min3A_634 : vector<16xi32>
        %reduce_min3A_636 = tpu.scan <min>, %reduce_min3A_635 masked %reduce_min3A_632 : vector<16xi32>, vector<16xi1> -> vector<16xi32>
        %reduce_min3A_637 = arith.xori %reduce_min3A_636, %reduce_min3A_634 : vector<16xi32>
        %reduce_min3A_638 = vector.extract %reduce_min3A_637[15] : i32 from vector<16xi32>
        %and3A_639 = arith.constant 127 : i32
        %and3A_640 = arith.andi %reduce_min3A_638, %and3A_639 : i32
        %shift_right_arithmetic3A = arith.constant 7 : i32
        %shift_right_arithmetic3A_641 = arith.shrsi %reduce_min3A_638, %shift_right_arithmetic3A : i32
        %lt3A_642 = arith.constant 1.000000e+29 : f32
        %lt3A_643 = arith.cmpf olt, %while3A#0, %lt3A_642 : f32
        %broadcast_in_dim3A_644 = vector.broadcast %scan3A_255 : i32 to vector<16xi32>
        %broadcast_in_dim3A_645 = vector.broadcast %shift_right_arithmetic3A_641 : i32 to vector<16xi32>
        tpu.vector_store_idx %arg18[%broadcast_in_dim3A_644], %broadcast_in_dim3A_645 masked %eq3A_16 : memref<128xi32, #tpu.memory_space<vmem>>[vector<16xi32>], vector<16xi32>, vector<16xi1>
        %broadcast_in_dim3A_646 = vector.broadcast %scan3A_255 : i32 to vector<16xi32>
        %broadcast_in_dim3A_647 = vector.broadcast %and3A_640 : i32 to vector<16xi32>
        tpu.vector_store_idx %arg19[%broadcast_in_dim3A_646], %broadcast_in_dim3A_647 masked %eq3A_16 : memref<128xi32, #tpu.memory_space<vmem>>[vector<16xi32>], vector<16xi32>, vector<16xi1>
        %convert_element_type3A_648 = arith.extui %lt3A_643 : i1 to i32
        %broadcast_in_dim3A_649 = vector.broadcast %scan3A_255 : i32 to vector<16xi32>
        %broadcast_in_dim3A_650 = vector.broadcast %convert_element_type3A_648 : i32 to vector<16xi32>
        tpu.vector_store_idx %arg20[%broadcast_in_dim3A_649], %broadcast_in_dim3A_650 masked %eq3A_16 : memref<128xi32, #tpu.memory_space<vmem>>[vector<16xi32>], vector<16xi32>, vector<16xi1>
        %convert_element_type3A_651 = arith.extui %lt3A_643 : i1 to i32
        %cond3A_652 = arith.constant 0 : i32
        %cond3A_653 = arith.cmpi ne, %convert_element_type3A_651, %cond3A_652 : i32
        scf.if %cond3A_653 {
          %broadcast_in_dim3A_655 = vector.broadcast %shift_right_arithmetic3A_641 : i32 to vector<16xi32>
          %broadcast_in_dim3A_656 = arith.constant 1.000000e+30 : f32
          %broadcast_in_dim3A_657 = vector.broadcast %broadcast_in_dim3A_656 : f32 to vector<16xf32>
          tpu.vector_store_idx %arg17[%broadcast_in_dim3A_655], %broadcast_in_dim3A_657 masked %eq3A_16 : memref<912xf32, #tpu.memory_space<vmem>>[vector<16xi32>], vector<16xf32>, vector<16xi1>
          %broadcast_in_dim3A_658 = vector.broadcast %and3A_640 : i32 to vector<16xi32>
          %broadcast_in_dim3A_659 = arith.constant 3.000000e+30 : f32
          %broadcast_in_dim3A_660 = vector.broadcast %broadcast_in_dim3A_659 : f32 to vector<16xf32>
          tpu.vector_store_idx %arg15[%broadcast_in_dim3A_658], %broadcast_in_dim3A_660 masked %eq3A_16 : memref<128xf32, #tpu.memory_space<vmem>>[vector<16xi32>], vector<16xf32>, vector<16xi1>
          %broadcast_in_dim3A_661 = vector.broadcast %and3A_640 : i32 to vector<16xi32>
          %broadcast_in_dim3A_662 = arith.constant -1 : i32
          %broadcast_in_dim3A_663 = vector.broadcast %broadcast_in_dim3A_662 : i32 to vector<16xi32>
          tpu.vector_store_idx %arg16[%broadcast_in_dim3A_661], %broadcast_in_dim3A_663 masked %eq3A_16 : memref<128xi32, #tpu.memory_space<vmem>>[vector<16xi32>], vector<16xi32>, vector<16xi1>
        } else {
        }
        %scan3A_654 = arith.constant 0 : i32
        scf.yield %scan3A_654 : i32
      }
      %scan3A_248 = arith.constant 128 : i32
      %mul3A_249 = arith.constant 128 : i32
      %mul3A_250 = arith.muli %add3A, %mul3A_249 : i32
      "tpu.region"() ({
        %run_scoped3A = tpu.sem_alloc : memref<!tpu.dma_semaphore, #tpu.memory_space<semaphore_mem>>
        %dma_start3A = tpu.memref_slice %arg8[%mul3A_250] : memref<1024xi32, #tpu.memory_space<hbm>> -> memref<128xi32, #tpu.memory_space<hbm>>
        %dma_start3A_255 = tpu.memref_slice %arg8[%mul3A_250] : memref<1024xi32, #tpu.memory_space<hbm>> -> memref<128xi32, #tpu.memory_space<hbm>>
        tpu.enqueue_dma source(%arg18 : memref<128xi32, #tpu.memory_space<vmem>>) target(%dma_start3A_255 : memref<128xi32, #tpu.memory_space<hbm>>) target_semaphore(%run_scoped3A : memref<!tpu.dma_semaphore, #tpu.memory_space<semaphore_mem>>)
        %dma_wait3A = tpu.memref_slice %arg8[%mul3A_250] : memref<1024xi32, #tpu.memory_space<hbm>> -> memref<128xi32, #tpu.memory_space<hbm>>
        %dma_wait3A_256 = tpu.memref_slice %arg8[%mul3A_250] : memref<1024xi32, #tpu.memory_space<hbm>> -> memref<128xi32, #tpu.memory_space<hbm>>
        tpu.wait_dma2 semaphore(%run_scoped3A : memref<!tpu.dma_semaphore, #tpu.memory_space<semaphore_mem>>) src(%arg18 : memref<128xi32, #tpu.memory_space<vmem>>) dst(%dma_wait3A_256 : memref<128xi32, #tpu.memory_space<hbm>>)
        tpu.yield
      }) : () -> ()
      %mul3A_251 = arith.constant 128 : i32
      %mul3A_252 = arith.muli %add3A, %mul3A_251 : i32
      "tpu.region"() ({
        %run_scoped3A = tpu.sem_alloc : memref<!tpu.dma_semaphore, #tpu.memory_space<semaphore_mem>>
        %dma_start3A = tpu.memref_slice %arg9[%mul3A_252] : memref<1024xi32, #tpu.memory_space<hbm>> -> memref<128xi32, #tpu.memory_space<hbm>>
        %dma_start3A_255 = tpu.memref_slice %arg9[%mul3A_252] : memref<1024xi32, #tpu.memory_space<hbm>> -> memref<128xi32, #tpu.memory_space<hbm>>
        tpu.enqueue_dma source(%arg19 : memref<128xi32, #tpu.memory_space<vmem>>) target(%dma_start3A_255 : memref<128xi32, #tpu.memory_space<hbm>>) target_semaphore(%run_scoped3A : memref<!tpu.dma_semaphore, #tpu.memory_space<semaphore_mem>>)
        %dma_wait3A = tpu.memref_slice %arg9[%mul3A_252] : memref<1024xi32, #tpu.memory_space<hbm>> -> memref<128xi32, #tpu.memory_space<hbm>>
        %dma_wait3A_256 = tpu.memref_slice %arg9[%mul3A_252] : memref<1024xi32, #tpu.memory_space<hbm>> -> memref<128xi32, #tpu.memory_space<hbm>>
        tpu.wait_dma2 semaphore(%run_scoped3A : memref<!tpu.dma_semaphore, #tpu.memory_space<semaphore_mem>>) src(%arg19 : memref<128xi32, #tpu.memory_space<vmem>>) dst(%dma_wait3A_256 : memref<128xi32, #tpu.memory_space<hbm>>)
        tpu.yield
      }) : () -> ()
      %mul3A_253 = arith.constant 128 : i32
      %mul3A_254 = arith.muli %add3A, %mul3A_253 : i32
      "tpu.region"() ({
        %run_scoped3A = tpu.sem_alloc : memref<!tpu.dma_semaphore, #tpu.memory_space<semaphore_mem>>
        %dma_start3A = tpu.memref_slice %arg10[%mul3A_254] : memref<1024xi32, #tpu.memory_space<hbm>> -> memref<128xi32, #tpu.memory_space<hbm>>
        %dma_start3A_255 = tpu.memref_slice %arg10[%mul3A_254] : memref<1024xi32, #tpu.memory_space<hbm>> -> memref<128xi32, #tpu.memory_space<hbm>>
        tpu.enqueue_dma source(%arg20 : memref<128xi32, #tpu.memory_space<vmem>>) target(%dma_start3A_255 : memref<128xi32, #tpu.memory_space<hbm>>) target_semaphore(%run_scoped3A : memref<!tpu.dma_semaphore, #tpu.memory_space<semaphore_mem>>)
        %dma_wait3A = tpu.memref_slice %arg10[%mul3A_254] : memref<1024xi32, #tpu.memory_space<hbm>> -> memref<128xi32, #tpu.memory_space<hbm>>
        %dma_wait3A_256 = tpu.memref_slice %arg10[%mul3A_254] : memref<1024xi32, #tpu.memory_space<hbm>> -> memref<128xi32, #tpu.memory_space<hbm>>
        tpu.wait_dma2 semaphore(%run_scoped3A : memref<!tpu.dma_semaphore, #tpu.memory_space<semaphore_mem>>) src(%arg20 : memref<128xi32, #tpu.memory_space<vmem>>) dst(%dma_wait3A_256 : memref<128xi32, #tpu.memory_space<hbm>>)
        tpu.yield
      }) : () -> ()
    } else {
    }
    %ge3A = arith.constant 8 : i32
    %ge3A_3 = arith.cmpi sge, %add3A, %ge3A : i32
    %lt3A_4 = arith.constant 16 : i32
    %lt3A_5 = arith.cmpi slt, %add3A, %lt3A_4 : i32
    %and3A = arith.andi %ge3A_3, %lt3A_5 : i1
    %convert_element_type3A_6 = arith.extui %and3A : i1 to i32
    %cond3A_7 = arith.constant 0 : i32
    %cond3A_8 = arith.cmpi ne, %convert_element_type3A_6, %cond3A_7 : i32
    scf.if %cond3A_8 {
      %sub3A = arith.constant 8 : i32
      %sub3A_9 = arith.subi %add3A, %sub3A : i32
      %mul3A_10 = arith.constant 3584 : i32
      %mul3A_11 = arith.muli %sub3A_9, %mul3A_10 : i32
      "tpu.region"() ({
        %run_scoped3A = tpu.sem_alloc : memref<!tpu.dma_semaphore, #tpu.memory_space<semaphore_mem>>
        %dma_start3A = arith.constant 0 : i32
        %dma_start3A_56 = tpu.memref_slice %arg14[%dma_start3A] : memref<116736xf32, #tpu.memory_space<vmem>> -> memref<3584xf32, #tpu.memory_space<vmem>>
        %dma_start3A_57 = tpu.memref_slice %arg5[%mul3A_11] : memref<28672xf32, #tpu.memory_space<hbm>> -> memref<3584xf32, #tpu.memory_space<hbm>>
        %dma_start3A_58 = arith.constant 0 : i32
        %dma_start3A_59 = tpu.memref_slice %arg14[%dma_start3A_58] : memref<116736xf32, #tpu.memory_space<vmem>> -> memref<3584xf32, #tpu.memory_space<vmem>>
        %dma_start3A_60 = tpu.memref_slice %arg5[%mul3A_11] : memref<28672xf32, #tpu.memory_space<hbm>> -> memref<3584xf32, #tpu.memory_space<hbm>>
        tpu.enqueue_dma source(%dma_start3A_60 : memref<3584xf32, #tpu.memory_space<hbm>>) target(%dma_start3A_59 : memref<3584xf32, #tpu.memory_space<vmem>>) target_semaphore(%run_scoped3A : memref<!tpu.dma_semaphore, #tpu.memory_space<semaphore_mem>>)
        %dma_wait3A = arith.constant 0 : i32
        %dma_wait3A_61 = tpu.memref_slice %arg14[%dma_wait3A] : memref<116736xf32, #tpu.memory_space<vmem>> -> memref<3584xf32, #tpu.memory_space<vmem>>
        %dma_wait3A_62 = tpu.memref_slice %arg5[%mul3A_11] : memref<28672xf32, #tpu.memory_space<hbm>> -> memref<3584xf32, #tpu.memory_space<hbm>>
        %dma_wait3A_63 = arith.constant 0 : i32
        %dma_wait3A_64 = tpu.memref_slice %arg14[%dma_wait3A_63] : memref<116736xf32, #tpu.memory_space<vmem>> -> memref<3584xf32, #tpu.memory_space<vmem>>
        %dma_wait3A_65 = tpu.memref_slice %arg5[%mul3A_11] : memref<28672xf32, #tpu.memory_space<hbm>> -> memref<3584xf32, #tpu.memory_space<hbm>>
        tpu.wait_dma2 semaphore(%run_scoped3A : memref<!tpu.dma_semaphore, #tpu.memory_space<semaphore_mem>>) src(%dma_wait3A_65 : memref<3584xf32, #tpu.memory_space<hbm>>) dst(%dma_wait3A_64 : memref<3584xf32, #tpu.memory_space<vmem>>)
        tpu.yield
      }) : () -> ()
      %mul3A_12 = arith.constant 32 : i32
      %mul3A_13 = arith.muli %sub3A_9, %mul3A_12 : i32
      "tpu.region"() ({
        %run_scoped3A = tpu.sem_alloc : memref<!tpu.dma_semaphore, #tpu.memory_space<semaphore_mem>>
        %dma_start3A = arith.constant 0 : i32
        %dma_start3A_56 = tpu.memref_slice %arg15[%dma_start3A] : memref<128xf32, #tpu.memory_space<vmem>> -> memref<32xf32, #tpu.memory_space<vmem>>
        %dma_start3A_57 = tpu.memref_slice %arg6[%mul3A_13] : memref<256xf32, #tpu.memory_space<hbm>> -> memref<32xf32, #tpu.memory_space<hbm>>
        %dma_start3A_58 = arith.constant 0 : i32
        %dma_start3A_59 = tpu.memref_slice %arg15[%dma_start3A_58] : memref<128xf32, #tpu.memory_space<vmem>> -> memref<32xf32, #tpu.memory_space<vmem>>
        %dma_start3A_60 = tpu.memref_slice %arg6[%mul3A_13] : memref<256xf32, #tpu.memory_space<hbm>> -> memref<32xf32, #tpu.memory_space<hbm>>
        tpu.enqueue_dma source(%dma_start3A_60 : memref<32xf32, #tpu.memory_space<hbm>>) target(%dma_start3A_59 : memref<32xf32, #tpu.memory_space<vmem>>) target_semaphore(%run_scoped3A : memref<!tpu.dma_semaphore, #tpu.memory_space<semaphore_mem>>)
        %dma_wait3A = arith.constant 0 : i32
        %dma_wait3A_61 = tpu.memref_slice %arg15[%dma_wait3A] : memref<128xf32, #tpu.memory_space<vmem>> -> memref<32xf32, #tpu.memory_space<vmem>>
        %dma_wait3A_62 = tpu.memref_slice %arg6[%mul3A_13] : memref<256xf32, #tpu.memory_space<hbm>> -> memref<32xf32, #tpu.memory_space<hbm>>
        %dma_wait3A_63 = arith.constant 0 : i32
        %dma_wait3A_64 = tpu.memref_slice %arg15[%dma_wait3A_63] : memref<128xf32, #tpu.memory_space<vmem>> -> memref<32xf32, #tpu.memory_space<vmem>>
        %dma_wait3A_65 = tpu.memref_slice %arg6[%mul3A_13] : memref<256xf32, #tpu.memory_space<hbm>> -> memref<32xf32, #tpu.memory_space<hbm>>
        tpu.wait_dma2 semaphore(%run_scoped3A : memref<!tpu.dma_semaphore, #tpu.memory_space<semaphore_mem>>) src(%dma_wait3A_65 : memref<32xf32, #tpu.memory_space<hbm>>) dst(%dma_wait3A_64 : memref<32xf32, #tpu.memory_space<vmem>>)
        tpu.yield
      }) : () -> ()
      %mul3A_14 = arith.constant 32 : i32
      %mul3A_15 = arith.muli %sub3A_9, %mul3A_14 : i32
      "tpu.region"() ({
        %run_scoped3A = tpu.sem_alloc : memref<!tpu.dma_semaphore, #tpu.memory_space<semaphore_mem>>
        %dma_start3A = arith.constant 0 : i32
        %dma_start3A_56 = tpu.memref_slice %arg16[%dma_start3A] : memref<128xi32, #tpu.memory_space<vmem>> -> memref<32xi32, #tpu.memory_space<vmem>>
        %dma_start3A_57 = tpu.memref_slice %arg7[%mul3A_15] : memref<256xi32, #tpu.memory_space<hbm>> -> memref<32xi32, #tpu.memory_space<hbm>>
        %dma_start3A_58 = arith.constant 0 : i32
        %dma_start3A_59 = tpu.memref_slice %arg16[%dma_start3A_58] : memref<128xi32, #tpu.memory_space<vmem>> -> memref<32xi32, #tpu.memory_space<vmem>>
        %dma_start3A_60 = tpu.memref_slice %arg7[%mul3A_15] : memref<256xi32, #tpu.memory_space<hbm>> -> memref<32xi32, #tpu.memory_space<hbm>>
        tpu.enqueue_dma source(%dma_start3A_60 : memref<32xi32, #tpu.memory_space<hbm>>) target(%dma_start3A_59 : memref<32xi32, #tpu.memory_space<vmem>>) target_semaphore(%run_scoped3A : memref<!tpu.dma_semaphore, #tpu.memory_space<semaphore_mem>>)
        %dma_wait3A = arith.constant 0 : i32
        %dma_wait3A_61 = tpu.memref_slice %arg16[%dma_wait3A] : memref<128xi32, #tpu.memory_space<vmem>> -> memref<32xi32, #tpu.memory_space<vmem>>
        %dma_wait3A_62 = tpu.memref_slice %arg7[%mul3A_15] : memref<256xi32, #tpu.memory_space<hbm>> -> memref<32xi32, #tpu.memory_space<hbm>>
        %dma_wait3A_63 = arith.constant 0 : i32
        %dma_wait3A_64 = tpu.memref_slice %arg16[%dma_wait3A_63] : memref<128xi32, #tpu.memory_space<vmem>> -> memref<32xi32, #tpu.memory_space<vmem>>
        %dma_wait3A_65 = tpu.memref_slice %arg7[%mul3A_15] : memref<256xi32, #tpu.memory_space<hbm>> -> memref<32xi32, #tpu.memory_space<hbm>>
        tpu.wait_dma2 semaphore(%run_scoped3A : memref<!tpu.dma_semaphore, #tpu.memory_space<semaphore_mem>>) src(%dma_wait3A_65 : memref<32xi32, #tpu.memory_space<hbm>>) dst(%dma_wait3A_64 : memref<32xi32, #tpu.memory_space<vmem>>)
        tpu.yield
      }) : () -> ()
      %iota3A = tpu.iota {dimensions = array<i32: 0>} : vector<16xi32>
      %eq3A = arith.constant 0 : i32
      %eq3A_16 = vector.broadcast %eq3A : i32 to vector<16xi32>
      %eq3A_17 = arith.cmpi eq, %iota3A, %eq3A_16 : vector<16xi32>
      %broadcast_in_dim3A = arith.constant 0.000000e+00 : f32
      %broadcast_in_dim3A_18 = vector.broadcast %broadcast_in_dim3A : f32 to vector<16xf32>
      %swap3A = arith.constant 0 : index
      %swap3A_19 = tpu.vector_load %arg17[%swap3A] {strides = array<i32>} : memref<912xf32, #tpu.memory_space<vmem>>, vector<16xf32>,
      tpu.vector_store %arg17[%swap3A], %broadcast_in_dim3A_18 {strides = array<i32>} : memref<912xf32, #tpu.memory_space<vmem>>, vector<16xf32>,
      %broadcast_in_dim3A_20 = arith.constant 0.000000e+00 : f32
      %broadcast_in_dim3A_21 = vector.broadcast %broadcast_in_dim3A_20 : f32 to vector<16xf32>
      %swap3A_22 = arith.constant 16 : index
      %swap3A_23 = tpu.vector_load %arg17[%swap3A_22] {strides = array<i32>} : memref<912xf32, #tpu.memory_space<vmem>>, vector<16xf32>,
      tpu.vector_store %arg17[%swap3A_22], %broadcast_in_dim3A_21 {strides = array<i32>} : memref<912xf32, #tpu.memory_space<vmem>>, vector<16xf32>,
      %broadcast_in_dim3A_24 = arith.constant 0.000000e+00 : f32
      %broadcast_in_dim3A_25 = vector.broadcast %broadcast_in_dim3A_24 : f32 to vector<16xf32>
      %swap3A_26 = arith.constant 32 : index
      %swap3A_27 = tpu.vector_load %arg17[%swap3A_26] {strides = array<i32>} : memref<912xf32, #tpu.memory_space<vmem>>, vector<16xf32>,
      tpu.vector_store %arg17[%swap3A_26], %broadcast_in_dim3A_25 {strides = array<i32>} : memref<912xf32, #tpu.memory_space<vmem>>, vector<16xf32>,
      %broadcast_in_dim3A_28 = arith.constant 0.000000e+00 : f32
      %broadcast_in_dim3A_29 = vector.broadcast %broadcast_in_dim3A_28 : f32 to vector<16xf32>
      %swap3A_30 = arith.constant 48 : index
      %swap3A_31 = tpu.vector_load %arg17[%swap3A_30] {strides = array<i32>} : memref<912xf32, #tpu.memory_space<vmem>>, vector<16xf32>,
      tpu.vector_store %arg17[%swap3A_30], %broadcast_in_dim3A_29 {strides = array<i32>} : memref<912xf32, #tpu.memory_space<vmem>>, vector<16xf32>,
      %broadcast_in_dim3A_32 = arith.constant 0.000000e+00 : f32
      %broadcast_in_dim3A_33 = vector.broadcast %broadcast_in_dim3A_32 : f32 to vector<16xf32>
      %swap3A_34 = arith.constant 64 : index
      %swap3A_35 = tpu.vector_load %arg17[%swap3A_34] {strides = array<i32>} : memref<912xf32, #tpu.memory_space<vmem>>, vector<16xf32>,
      tpu.vector_store %arg17[%swap3A_34], %broadcast_in_dim3A_33 {strides = array<i32>} : memref<912xf32, #tpu.memory_space<vmem>>, vector<16xf32>,
      %broadcast_in_dim3A_36 = arith.constant 0.000000e+00 : f32
      %broadcast_in_dim3A_37 = vector.broadcast %broadcast_in_dim3A_36 : f32 to vector<16xf32>
      %swap3A_38 = arith.constant 80 : index
      %swap3A_39 = tpu.vector_load %arg17[%swap3A_38] {strides = array<i32>} : memref<912xf32, #tpu.memory_space<vmem>>, vector<16xf32>,
      tpu.vector_store %arg17[%swap3A_38], %broadcast_in_dim3A_37 {strides = array<i32>} : memref<912xf32, #tpu.memory_space<vmem>>, vector<16xf32>,
      %broadcast_in_dim3A_40 = arith.constant 0.000000e+00 : f32
      %broadcast_in_dim3A_41 = vector.broadcast %broadcast_in_dim3A_40 : f32 to vector<16xf32>
      %swap3A_42 = arith.constant 96 : index
      %swap3A_43 = tpu.vector_load %arg17[%swap3A_42] {strides = array<i32>} : memref<912xf32, #tpu.memory_space<vmem>>, vector<16xf32>,
      tpu.vector_store %arg17[%swap3A_42], %broadcast_in_dim3A_41 {strides = array<i32>} : memref<912xf32, #tpu.memory_space<vmem>>, vector<16xf32>,
      %scan3A = arith.constant 0 : i32
      %scan3A_44 = arith.constant 0 : i32
      %scan3A_45 = arith.constant 32 : i32
      %scan3A_46 = arith.addi %scan3A_44, %scan3A_45 : i32
      %scan3A_47 = arith.constant 1 : i32
      %scan3A_48 = scf.for %scan3A_56 = %scan3A_44 to %scan3A_46 step %scan3A_47 iter_args(%scan3A_57 = %scan3A) -> (i32)  : i32 {
        %broadcast_in_dim3A_58 = arith.constant 3.500000e+30 : f32
        %broadcast_in_dim3A_59 = vector.broadcast %broadcast_in_dim3A_58 : f32 to vector<16xf32>
        %get3A = arith.constant 0 : index
        %get3A_60 = tpu.vector_load %arg15[%get3A] {strides = array<i32>} : memref<128xf32, #tpu.memory_space<vmem>>, vector<16xf32>,
        %min3A = arith.minimumf %broadcast_in_dim3A_59, %get3A_60 : vector<16xf32>
        %get3A_61 = arith.constant 16 : index
        %get3A_62 = tpu.vector_load %arg15[%get3A_61] {strides = array<i32>} : memref<128xf32, #tpu.memory_space<vmem>>, vector<16xf32>,
        %min3A_63 = arith.minimumf %min3A, %get3A_62 : vector<16xf32>
        %reduce_min3A = arith.constant true
        %reduce_min3A_64 = vector.broadcast %reduce_min3A : i1 to vector<16xi1>
        %reduce_min3A_65 = tpu.scan <min>, %min3A_63 masked %reduce_min3A_64 : vector<16xf32>, vector<16xi1> -> vector<16xf32>
        %reduce_min3A_66 = vector.extract %reduce_min3A_65[15] : f32 from vector<16xf32>
        %lt3A_67 = arith.constant 1.000000e+29 : f32
        %lt3A_68 = arith.cmpf olt, %reduce_min3A_66, %lt3A_67 : f32
        %broadcast_in_dim3A_69 = arith.constant 1073741824 : i32
        %broadcast_in_dim3A_70 = vector.broadcast %broadcast_in_dim3A_69 : i32 to vector<16xi32>
        %get3A_71 = arith.constant 0 : index
        %get3A_72 = tpu.vector_load %arg15[%get3A_71] {strides = array<i32>} : memref<128xf32, #tpu.memory_space<vmem>>, vector<16xf32>,
        %get3A_73 = arith.constant 0 : index
        %get3A_74 = tpu.vector_load %arg16[%get3A_73] {strides = array<i32>} : memref<128xi32, #tpu.memory_space<vmem>>, vector<16xi32>,
        %max3A = arith.constant 0 : i32
        %max3A_75 = vector.broadcast %max3A : i32 to vector<16xi32>
        %max3A_76 = arith.maxsi %get3A_74, %max3A_75 : vector<16xi32>
        %gather3A = tpu.vector_load_idx %arg17[%max3A_76] : memref<912xf32, #tpu.memory_space<vmem>>[vector<16xi32>], vector<16xf32>,
        %eq3A_77 = vector.broadcast %reduce_min3A_66 : f32 to vector<16xf32>
        %eq3A_78 = arith.cmpf oeq, %get3A_72, %eq3A_77 : vector<16xf32>
        %ge3A_79 = arith.constant 0 : i32
        %ge3A_80 = vector.broadcast %ge3A_79 : i32 to vector<16xi32>
        %ge3A_81 = arith.cmpi sge, %get3A_74, %ge3A_80 : vector<16xi32>
        %and3A_82 = arith.andi %eq3A_78, %ge3A_81 : vector<16xi1>
        %gt3A = arith.constant 0.000000e+00 : f32
        %gt3A_83 = vector.broadcast %gt3A : f32 to vector<16xf32>
        %gt3A_84 = arith.cmpf ogt, %gather3A, %gt3A_83 : vector<16xf32>
        %and3A_85 = arith.andi %and3A_82, %gt3A_84 : vector<16xi1>
        %add3A_86 = arith.constant 0 : i32
        %add3A_87 = vector.broadcast %add3A_86 : i32 to vector<16xi32>
        %add3A_88 = arith.addi %iota3A, %add3A_87 : vector<16xi32>
        %jit3A = arith.constant 1073741824 : i32
        %broadcast_in_dim3A_89 = vector.broadcast %jit3A : i32 to vector<16xi32>
        %select_n3A = arith.select %and3A_85, %add3A_88, %broadcast_in_dim3A_89 : vector<16xi1>, vector<16xi32>
        %min3A_90 = arith.minsi %broadcast_in_dim3A_70, %select_n3A : vector<16xi32>
        %get3A_91 = arith.constant 16 : index
        %get3A_92 = tpu.vector_load %arg15[%get3A_91] {strides = array<i32>} : memref<128xf32, #tpu.memory_space<vmem>>, vector<16xf32>,
        %get3A_93 = arith.constant 16 : index
        %get3A_94 = tpu.vector_load %arg16[%get3A_93] {strides = array<i32>} : memref<128xi32, #tpu.memory_space<vmem>>, vector<16xi32>,
        %max3A_95 = arith.constant 0 : i32
        %max3A_96 = vector.broadcast %max3A_95 : i32 to vector<16xi32>
        %max3A_97 = arith.maxsi %get3A_94, %max3A_96 : vector<16xi32>
        %gather3A_98 = tpu.vector_load_idx %arg17[%max3A_97] : memref<912xf32, #tpu.memory_space<vmem>>[vector<16xi32>], vector<16xf32>,
        %eq3A_99 = vector.broadcast %reduce_min3A_66 : f32 to vector<16xf32>
        %eq3A_100 = arith.cmpf oeq, %get3A_92, %eq3A_99 : vector<16xf32>
        %ge3A_101 = arith.constant 0 : i32
        %ge3A_102 = vector.broadcast %ge3A_101 : i32 to vector<16xi32>
        %ge3A_103 = arith.cmpi sge, %get3A_94, %ge3A_102 : vector<16xi32>
        %and3A_104 = arith.andi %eq3A_100, %ge3A_103 : vector<16xi1>
        %gt3A_105 = arith.constant 0.000000e+00 : f32
        %gt3A_106 = vector.broadcast %gt3A_105 : f32 to vector<16xf32>
        %gt3A_107 = arith.cmpf ogt, %gather3A_98, %gt3A_106 : vector<16xf32>
        %and3A_108 = arith.andi %and3A_104, %gt3A_107 : vector<16xi1>
        %add3A_109 = arith.constant 16 : i32
        %add3A_110 = vector.broadcast %add3A_109 : i32 to vector<16xi32>
        %add3A_111 = arith.addi %iota3A, %add3A_110 : vector<16xi32>
        %jit3A_112 = arith.constant 1073741824 : i32
        %broadcast_in_dim3A_113 = vector.broadcast %jit3A_112 : i32 to vector<16xi32>
        %select_n3A_114 = arith.select %and3A_108, %add3A_111, %broadcast_in_dim3A_113 : vector<16xi1>, vector<16xi32>
        %min3A_115 = arith.minsi %min3A_90, %select_n3A_114 : vector<16xi32>
        %reduce_min3A_116 = arith.constant true
        %reduce_min3A_117 = vector.broadcast %reduce_min3A_116 : i1 to vector<16xi1>
        %reduce_min3A_118 = arith.constant -2147483648 : i32
        %reduce_min3A_119 = vector.broadcast %reduce_min3A_118 : i32 to vector<16xi32>
        %reduce_min3A_120 = arith.xori %min3A_115, %reduce_min3A_119 : vector<16xi32>
        %reduce_min3A_121 = tpu.scan <min>, %reduce_min3A_120 masked %reduce_min3A_117 : vector<16xi32>, vector<16xi1> -> vector<16xi32>
        %reduce_min3A_122 = arith.xori %reduce_min3A_121, %reduce_min3A_119 : vector<16xi32>
        %reduce_min3A_123 = vector.extract %reduce_min3A_122[15] : i32 from vector<16xi32>
        %jit3A_124 = arith.constant 1073741824 : i32
        %select_n3A_125 = arith.select %lt3A_68, %reduce_min3A_123, %jit3A_124 : i32
        %while3A:2 = scf.while (%while3A_186 = %reduce_min3A_66, %while3A_187 = %select_n3A_125) : (f32, i32) -> (f32, i32) {
          %lt3A_188 = arith.constant 1073741824 : i32
          %lt3A_189 = arith.cmpi slt, %while3A_187, %lt3A_188 : i32
          scf.condition(%lt3A_189) %while3A_186, %while3A_187 : f32, i32
        } do {
        ^bb0(%while3A_186: f32, %while3A_187: i32):
          %mul3A_188 = arith.constant 112 : i32
          %mul3A_189 = arith.muli %while3A_187, %mul3A_188 : i32
          %broadcast_in_dim3A_190 = arith.constant 3.500000e+30 : f32
          %broadcast_in_dim3A_191 = vector.broadcast %broadcast_in_dim3A_190 : f32 to vector<16xf32>
          %broadcast_in_dim3A_192 = arith.constant 0 : i32
          %broadcast_in_dim3A_193 = vector.broadcast %broadcast_in_dim3A_192 : i32 to vector<16xi32>
          %scan3A_194 = arith.constant 0 : i32
          %scan3A_195 = arith.constant 7 : i32
          %scan3A_196 = arith.addi %scan3A_194, %scan3A_195 : i32
          %scan3A_197 = arith.constant 1 : i32
          %scan3A_198:2 = scf.for %scan3A_297 = %scan3A_194 to %scan3A_196 step %scan3A_197 iter_args(%scan3A_298 = %broadcast_in_dim3A_191, %scan3A_299 = %broadcast_in_dim3A_193) -> (vector<16xf32>, vector<16xi32>)  : i32 {
            %mul3A_300 = arith.constant 16 : i32
            %mul3A_301 = arith.muli %scan3A_297, %mul3A_300 : i32
            %add3A_302 = arith.addi %mul3A_189, %mul3A_301 : i32
            %get3A_303 = arith.index_cast %add3A_302 : i32 to index
            %get3A_304 = tpu.vector_load %arg14[%get3A_303] {strides = array<i32>} : memref<116736xf32, #tpu.memory_space<vmem>>, vector<16xf32>,
            %mul3A_305 = arith.constant 16 : i32
            %mul3A_306 = arith.muli %scan3A_297, %mul3A_305 : i32
            %get3A_307 = arith.index_cast %mul3A_306 : i32 to index
            %get3A_308 = tpu.vector_load %arg17[%get3A_307] {strides = array<i32>} : memref<912xf32, #tpu.memory_space<vmem>>, vector<16xf32>,
            %add3A_309 = arith.addf %get3A_304, %get3A_308 : vector<16xf32>
            %mul3A_310 = arith.constant 16 : i32
            %mul3A_311 = arith.muli %scan3A_297, %mul3A_310 : i32
            %add3A_312 = vector.broadcast %mul3A_311 : i32 to vector<16xi32>
            %add3A_313 = arith.addi %iota3A, %add3A_312 : vector<16xi32>
            %lt3A_314 = arith.cmpf olt, %add3A_309, %scan3A_298 : vector<16xf32>
            %select_n3A_315 = arith.select %lt3A_314, %add3A_313, %scan3A_299 : vector<16xi1>, vector<16xi32>
            %min3A_316 = arith.minimumf %scan3A_298, %add3A_309 : vector<16xf32>
            scf.yield %min3A_316, %select_n3A_315 : vector<16xf32>, vector<16xi32>
          }
          %scan3A_199 = arith.constant 7 : i32
          %reduce_min3A_200 = arith.constant true
          %reduce_min3A_201 = vector.broadcast %reduce_min3A_200 : i1 to vector<16xi1>
          %reduce_min3A_202 = tpu.scan <min>, %scan3A_198#0 masked %reduce_min3A_201 : vector<16xf32>, vector<16xi1> -> vector<16xf32>
          %reduce_min3A_203 = vector.extract %reduce_min3A_202[15] : f32 from vector<16xf32>
          %eq3A_204 = vector.broadcast %reduce_min3A_203 : f32 to vector<16xf32>
          %eq3A_205 = arith.cmpf oeq, %scan3A_198#0, %eq3A_204 : vector<16xf32>
          %jit3A_206 = arith.constant 1073741824 : i32
          %broadcast_in_dim3A_207 = vector.broadcast %jit3A_206 : i32 to vector<16xi32>
          %select_n3A_208 = arith.select %eq3A_205, %scan3A_198#1, %broadcast_in_dim3A_207 : vector<16xi1>, vector<16xi32>
          %reduce_min3A_209 = arith.constant true
          %reduce_min3A_210 = vector.broadcast %reduce_min3A_209 : i1 to vector<16xi1>
          %reduce_min3A_211 = arith.constant -2147483648 : i32
          %reduce_min3A_212 = vector.broadcast %reduce_min3A_211 : i32 to vector<16xi32>
          %reduce_min3A_213 = arith.xori %select_n3A_208, %reduce_min3A_212 : vector<16xi32>
          %reduce_min3A_214 = tpu.scan <min>, %reduce_min3A_213 masked %reduce_min3A_210 : vector<16xi32>, vector<16xi1> -> vector<16xi32>
          %reduce_min3A_215 = arith.xori %reduce_min3A_214, %reduce_min3A_212 : vector<16xi32>
          %reduce_min3A_216 = vector.extract %reduce_min3A_215[15] : i32 from vector<16xi32>
          %broadcast_in_dim3A_217 = vector.broadcast %while3A_187 : i32 to vector<16xi32>
          %broadcast_in_dim3A_218 = vector.broadcast %reduce_min3A_203 : f32 to vector<16xf32>
          tpu.vector_store_idx %arg15[%broadcast_in_dim3A_217], %broadcast_in_dim3A_218 masked %eq3A_17 : memref<128xf32, #tpu.memory_space<vmem>>[vector<16xi32>], vector<16xf32>, vector<16xi1>
          %broadcast_in_dim3A_219 = vector.broadcast %while3A_187 : i32 to vector<16xi32>
          %broadcast_in_dim3A_220 = vector.broadcast %reduce_min3A_216 : i32 to vector<16xi32>
          tpu.vector_store_idx %arg16[%broadcast_in_dim3A_219], %broadcast_in_dim3A_220 masked %eq3A_17 : memref<128xi32, #tpu.memory_space<vmem>>[vector<16xi32>], vector<16xi32>, vector<16xi1>
          %broadcast_in_dim3A_221 = arith.constant 3.500000e+30 : f32
          %broadcast_in_dim3A_222 = vector.broadcast %broadcast_in_dim3A_221 : f32 to vector<16xf32>
          %get3A_223 = arith.constant 0 : index
          %get3A_224 = tpu.vector_load %arg15[%get3A_223] {strides = array<i32>} : memref<128xf32, #tpu.memory_space<vmem>>, vector<16xf32>,
          %min3A_225 = arith.minimumf %broadcast_in_dim3A_222, %get3A_224 : vector<16xf32>
          %get3A_226 = arith.constant 16 : index
          %get3A_227 = tpu.vector_load %arg15[%get3A_226] {strides = array<i32>} : memref<128xf32, #tpu.memory_space<vmem>>, vector<16xf32>,
          %min3A_228 = arith.minimumf %min3A_225, %get3A_227 : vector<16xf32>
          %reduce_min3A_229 = arith.constant true
          %reduce_min3A_230 = vector.broadcast %reduce_min3A_229 : i1 to vector<16xi1>
          %reduce_min3A_231 = tpu.scan <min>, %min3A_228 masked %reduce_min3A_230 : vector<16xf32>, vector<16xi1> -> vector<16xf32>
          %reduce_min3A_232 = vector.extract %reduce_min3A_231[15] : f32 from vector<16xf32>
          %lt3A_233 = arith.constant 1.000000e+29 : f32
          %lt3A_234 = arith.cmpf olt, %reduce_min3A_232, %lt3A_233 : f32
          %broadcast_in_dim3A_235 = arith.constant 1073741824 : i32
          %broadcast_in_dim3A_236 = vector.broadcast %broadcast_in_dim3A_235 : i32 to vector<16xi32>
          %get3A_237 = arith.constant 0 : index
          %get3A_238 = tpu.vector_load %arg15[%get3A_237] {strides = array<i32>} : memref<128xf32, #tpu.memory_space<vmem>>, vector<16xf32>,
          %get3A_239 = arith.constant 0 : index
          %get3A_240 = tpu.vector_load %arg16[%get3A_239] {strides = array<i32>} : memref<128xi32, #tpu.memory_space<vmem>>, vector<16xi32>,
          %max3A_241 = arith.constant 0 : i32
          %max3A_242 = vector.broadcast %max3A_241 : i32 to vector<16xi32>
          %max3A_243 = arith.maxsi %get3A_240, %max3A_242 : vector<16xi32>
          %gather3A_244 = tpu.vector_load_idx %arg17[%max3A_243] : memref<912xf32, #tpu.memory_space<vmem>>[vector<16xi32>], vector<16xf32>,
          %eq3A_245 = vector.broadcast %reduce_min3A_232 : f32 to vector<16xf32>
          %eq3A_246 = arith.cmpf oeq, %get3A_238, %eq3A_245 : vector<16xf32>
          %ge3A_247 = arith.constant 0 : i32
          %ge3A_248 = vector.broadcast %ge3A_247 : i32 to vector<16xi32>
          %ge3A_249 = arith.cmpi sge, %get3A_240, %ge3A_248 : vector<16xi32>
          %and3A_250 = arith.andi %eq3A_246, %ge3A_249 : vector<16xi1>
          %gt3A_251 = arith.constant 0.000000e+00 : f32
          %gt3A_252 = vector.broadcast %gt3A_251 : f32 to vector<16xf32>
          %gt3A_253 = arith.cmpf ogt, %gather3A_244, %gt3A_252 : vector<16xf32>
          %and3A_254 = arith.andi %and3A_250, %gt3A_253 : vector<16xi1>
          %add3A_255 = arith.constant 0 : i32
          %add3A_256 = vector.broadcast %add3A_255 : i32 to vector<16xi32>
          %add3A_257 = arith.addi %iota3A, %add3A_256 : vector<16xi32>
          %jit3A_258 = arith.constant 1073741824 : i32
          %broadcast_in_dim3A_259 = vector.broadcast %jit3A_258 : i32 to vector<16xi32>
          %select_n3A_260 = arith.select %and3A_254, %add3A_257, %broadcast_in_dim3A_259 : vector<16xi1>, vector<16xi32>
          %min3A_261 = arith.minsi %broadcast_in_dim3A_236, %select_n3A_260 : vector<16xi32>
          %get3A_262 = arith.constant 16 : index
          %get3A_263 = tpu.vector_load %arg15[%get3A_262] {strides = array<i32>} : memref<128xf32, #tpu.memory_space<vmem>>, vector<16xf32>,
          %get3A_264 = arith.constant 16 : index
          %get3A_265 = tpu.vector_load %arg16[%get3A_264] {strides = array<i32>} : memref<128xi32, #tpu.memory_space<vmem>>, vector<16xi32>,
          %max3A_266 = arith.constant 0 : i32
          %max3A_267 = vector.broadcast %max3A_266 : i32 to vector<16xi32>
          %max3A_268 = arith.maxsi %get3A_265, %max3A_267 : vector<16xi32>
          %gather3A_269 = tpu.vector_load_idx %arg17[%max3A_268] : memref<912xf32, #tpu.memory_space<vmem>>[vector<16xi32>], vector<16xf32>,
          %eq3A_270 = vector.broadcast %reduce_min3A_232 : f32 to vector<16xf32>
          %eq3A_271 = arith.cmpf oeq, %get3A_263, %eq3A_270 : vector<16xf32>
          %ge3A_272 = arith.constant 0 : i32
          %ge3A_273 = vector.broadcast %ge3A_272 : i32 to vector<16xi32>
          %ge3A_274 = arith.cmpi sge, %get3A_265, %ge3A_273 : vector<16xi32>
          %and3A_275 = arith.andi %eq3A_271, %ge3A_274 : vector<16xi1>
          %gt3A_276 = arith.constant 0.000000e+00 : f32
          %gt3A_277 = vector.broadcast %gt3A_276 : f32 to vector<16xf32>
          %gt3A_278 = arith.cmpf ogt, %gather3A_269, %gt3A_277 : vector<16xf32>
          %and3A_279 = arith.andi %and3A_275, %gt3A_278 : vector<16xi1>
          %add3A_280 = arith.constant 16 : i32
          %add3A_281 = vector.broadcast %add3A_280 : i32 to vector<16xi32>
          %add3A_282 = arith.addi %iota3A, %add3A_281 : vector<16xi32>
          %jit3A_283 = arith.constant 1073741824 : i32
          %broadcast_in_dim3A_284 = vector.broadcast %jit3A_283 : i32 to vector<16xi32>
          %select_n3A_285 = arith.select %and3A_279, %add3A_282, %broadcast_in_dim3A_284 : vector<16xi1>, vector<16xi32>
          %min3A_286 = arith.minsi %min3A_261, %select_n3A_285 : vector<16xi32>
          %reduce_min3A_287 = arith.constant true
          %reduce_min3A_288 = vector.broadcast %reduce_min3A_287 : i1 to vector<16xi1>
          %reduce_min3A_289 = arith.constant -2147483648 : i32
          %reduce_min3A_290 = vector.broadcast %reduce_min3A_289 : i32 to vector<16xi32>
          %reduce_min3A_291 = arith.xori %min3A_286, %reduce_min3A_290 : vector<16xi32>
          %reduce_min3A_292 = tpu.scan <min>, %reduce_min3A_291 masked %reduce_min3A_288 : vector<16xi32>, vector<16xi1> -> vector<16xi32>
          %reduce_min3A_293 = arith.xori %reduce_min3A_292, %reduce_min3A_290 : vector<16xi32>
          %reduce_min3A_294 = vector.extract %reduce_min3A_293[15] : i32 from vector<16xi32>
          %jit3A_295 = arith.constant 1073741824 : i32
          %select_n3A_296 = arith.select %lt3A_234, %reduce_min3A_294, %jit3A_295 : i32
          scf.yield %reduce_min3A_232, %select_n3A_296 : f32, i32
        }
        %broadcast_in_dim3A_126 = arith.constant 1073741824 : i32
        %broadcast_in_dim3A_127 = vector.broadcast %broadcast_in_dim3A_126 : i32 to vector<16xi32>
        %get3A_128 = arith.constant 0 : index
        %get3A_129 = tpu.vector_load %arg15[%get3A_128] {strides = array<i32>} : memref<128xf32, #tpu.memory_space<vmem>>, vector<16xf32>,
        %get3A_130 = arith.constant 0 : index
        %get3A_131 = tpu.vector_load %arg16[%get3A_130] {strides = array<i32>} : memref<128xi32, #tpu.memory_space<vmem>>, vector<16xi32>,
        %mul3A_132 = arith.constant 128 : i32
        %mul3A_133 = vector.broadcast %mul3A_132 : i32 to vector<16xi32>
        %mul3A_134 = arith.muli %get3A_131, %mul3A_133 : vector<16xi32>
        %add3A_135 = arith.constant 0 : i32
        %add3A_136 = vector.broadcast %add3A_135 : i32 to vector<16xi32>
        %add3A_137 = arith.addi %iota3A, %add3A_136 : vector<16xi32>
        %add3A_138 = arith.addi %mul3A_134, %add3A_137 : vector<16xi32>
        %eq3A_139 = vector.broadcast %while3A#0 : f32 to vector<16xf32>
        %eq3A_140 = arith.cmpf oeq, %get3A_129, %eq3A_139 : vector<16xf32>
        %jit3A_141 = arith.constant 1073741824 : i32
        %broadcast_in_dim3A_142 = vector.broadcast %jit3A_141 : i32 to vector<16xi32>
        %select_n3A_143 = arith.select %eq3A_140, %add3A_138, %broadcast_in_dim3A_142 : vector<16xi1>, vector<16xi32>
        %min3A_144 = arith.minsi %broadcast_in_dim3A_127, %select_n3A_143 : vector<16xi32>
        %get3A_145 = arith.constant 16 : index
        %get3A_146 = tpu.vector_load %arg15[%get3A_145] {strides = array<i32>} : memref<128xf32, #tpu.memory_space<vmem>>, vector<16xf32>,
        %get3A_147 = arith.constant 16 : index
        %get3A_148 = tpu.vector_load %arg16[%get3A_147] {strides = array<i32>} : memref<128xi32, #tpu.memory_space<vmem>>, vector<16xi32>,
        %mul3A_149 = arith.constant 128 : i32
        %mul3A_150 = vector.broadcast %mul3A_149 : i32 to vector<16xi32>
        %mul3A_151 = arith.muli %get3A_148, %mul3A_150 : vector<16xi32>
        %add3A_152 = arith.constant 16 : i32
        %add3A_153 = vector.broadcast %add3A_152 : i32 to vector<16xi32>
        %add3A_154 = arith.addi %iota3A, %add3A_153 : vector<16xi32>
        %add3A_155 = arith.addi %mul3A_151, %add3A_154 : vector<16xi32>
        %eq3A_156 = vector.broadcast %while3A#0 : f32 to vector<16xf32>
        %eq3A_157 = arith.cmpf oeq, %get3A_146, %eq3A_156 : vector<16xf32>
        %jit3A_158 = arith.constant 1073741824 : i32
        %broadcast_in_dim3A_159 = vector.broadcast %jit3A_158 : i32 to vector<16xi32>
        %select_n3A_160 = arith.select %eq3A_157, %add3A_155, %broadcast_in_dim3A_159 : vector<16xi1>, vector<16xi32>
        %min3A_161 = arith.minsi %min3A_144, %select_n3A_160 : vector<16xi32>
        %reduce_min3A_162 = arith.constant true
        %reduce_min3A_163 = vector.broadcast %reduce_min3A_162 : i1 to vector<16xi1>
        %reduce_min3A_164 = arith.constant -2147483648 : i32
        %reduce_min3A_165 = vector.broadcast %reduce_min3A_164 : i32 to vector<16xi32>
        %reduce_min3A_166 = arith.xori %min3A_161, %reduce_min3A_165 : vector<16xi32>
        %reduce_min3A_167 = tpu.scan <min>, %reduce_min3A_166 masked %reduce_min3A_163 : vector<16xi32>, vector<16xi1> -> vector<16xi32>
        %reduce_min3A_168 = arith.xori %reduce_min3A_167, %reduce_min3A_165 : vector<16xi32>
        %reduce_min3A_169 = vector.extract %reduce_min3A_168[15] : i32 from vector<16xi32>
        %and3A_170 = arith.constant 127 : i32
        %and3A_171 = arith.andi %reduce_min3A_169, %and3A_170 : i32
        %shift_right_arithmetic3A = arith.constant 7 : i32
        %shift_right_arithmetic3A_172 = arith.shrsi %reduce_min3A_169, %shift_right_arithmetic3A : i32
        %lt3A_173 = arith.constant 1.000000e+29 : f32
        %lt3A_174 = arith.cmpf olt, %while3A#0, %lt3A_173 : f32
        %broadcast_in_dim3A_175 = vector.broadcast %scan3A_56 : i32 to vector<16xi32>
        %broadcast_in_dim3A_176 = vector.broadcast %shift_right_arithmetic3A_172 : i32 to vector<16xi32>
        tpu.vector_store_idx %arg18[%broadcast_in_dim3A_175], %broadcast_in_dim3A_176 masked %eq3A_17 : memref<128xi32, #tpu.memory_space<vmem>>[vector<16xi32>], vector<16xi32>, vector<16xi1>
        %broadcast_in_dim3A_177 = vector.broadcast %scan3A_56 : i32 to vector<16xi32>
        %broadcast_in_dim3A_178 = vector.broadcast %and3A_171 : i32 to vector<16xi32>
        tpu.vector_store_idx %arg19[%broadcast_in_dim3A_177], %broadcast_in_dim3A_178 masked %eq3A_17 : memref<128xi32, #tpu.memory_space<vmem>>[vector<16xi32>], vector<16xi32>, vector<16xi1>
        %convert_element_type3A_179 = arith.extui %lt3A_174 : i1 to i32
        %broadcast_in_dim3A_180 = vector.broadcast %scan3A_56 : i32 to vector<16xi32>
        %broadcast_in_dim3A_181 = vector.broadcast %convert_element_type3A_179 : i32 to vector<16xi32>
        tpu.vector_store_idx %arg20[%broadcast_in_dim3A_180], %broadcast_in_dim3A_181 masked %eq3A_17 : memref<128xi32, #tpu.memory_space<vmem>>[vector<16xi32>], vector<16xi32>, vector<16xi1>
        %convert_element_type3A_182 = arith.extui %lt3A_174 : i1 to i32
        %cond3A_183 = arith.constant 0 : i32
        %cond3A_184 = arith.cmpi ne, %convert_element_type3A_182, %cond3A_183 : i32
        scf.if %cond3A_184 {
          %broadcast_in_dim3A_186 = vector.broadcast %shift_right_arithmetic3A_172 : i32 to vector<16xi32>
          %broadcast_in_dim3A_187 = arith.constant 1.000000e+30 : f32
          %broadcast_in_dim3A_188 = vector.broadcast %broadcast_in_dim3A_187 : f32 to vector<16xf32>
          tpu.vector_store_idx %arg17[%broadcast_in_dim3A_186], %broadcast_in_dim3A_188 masked %eq3A_17 : memref<912xf32, #tpu.memory_space<vmem>>[vector<16xi32>], vector<16xf32>, vector<16xi1>
          %broadcast_in_dim3A_189 = vector.broadcast %and3A_171 : i32 to vector<16xi32>
          %broadcast_in_dim3A_190 = arith.constant 3.000000e+30 : f32
          %broadcast_in_dim3A_191 = vector.broadcast %broadcast_in_dim3A_190 : f32 to vector<16xf32>
          tpu.vector_store_idx %arg15[%broadcast_in_dim3A_189], %broadcast_in_dim3A_191 masked %eq3A_17 : memref<128xf32, #tpu.memory_space<vmem>>[vector<16xi32>], vector<16xf32>, vector<16xi1>
          %broadcast_in_dim3A_192 = vector.broadcast %and3A_171 : i32 to vector<16xi32>
          %broadcast_in_dim3A_193 = arith.constant -1 : i32
          %broadcast_in_dim3A_194 = vector.broadcast %broadcast_in_dim3A_193 : i32 to vector<16xi32>
          tpu.vector_store_idx %arg16[%broadcast_in_dim3A_192], %broadcast_in_dim3A_194 masked %eq3A_17 : memref<128xi32, #tpu.memory_space<vmem>>[vector<16xi32>], vector<16xi32>, vector<16xi1>
        } else {
        }
        %scan3A_185 = arith.constant 0 : i32
        scf.yield %scan3A_185 : i32
      }
      %scan3A_49 = arith.constant 32 : i32
      %mul3A_50 = arith.constant 32 : i32
      %mul3A_51 = arith.muli %sub3A_9, %mul3A_50 : i32
      "tpu.region"() ({
        %run_scoped3A = tpu.sem_alloc : memref<!tpu.dma_semaphore, #tpu.memory_space<semaphore_mem>>
        %dma_start3A = arith.constant 0 : i32
        %dma_start3A_56 = tpu.memref_slice %arg18[%dma_start3A] : memref<128xi32, #tpu.memory_space<vmem>> -> memref<32xi32, #tpu.memory_space<vmem>>
        %dma_start3A_57 = tpu.memref_slice %arg11[%mul3A_51] : memref<256xi32, #tpu.memory_space<hbm>> -> memref<32xi32, #tpu.memory_space<hbm>>
        %dma_start3A_58 = tpu.memref_slice %arg11[%mul3A_51] : memref<256xi32, #tpu.memory_space<hbm>> -> memref<32xi32, #tpu.memory_space<hbm>>
        %dma_start3A_59 = arith.constant 0 : i32
        %dma_start3A_60 = tpu.memref_slice %arg18[%dma_start3A_59] : memref<128xi32, #tpu.memory_space<vmem>> -> memref<32xi32, #tpu.memory_space<vmem>>
        tpu.enqueue_dma source(%dma_start3A_60 : memref<32xi32, #tpu.memory_space<vmem>>) target(%dma_start3A_58 : memref<32xi32, #tpu.memory_space<hbm>>) target_semaphore(%run_scoped3A : memref<!tpu.dma_semaphore, #tpu.memory_space<semaphore_mem>>)
        %dma_wait3A = arith.constant 0 : i32
        %dma_wait3A_61 = tpu.memref_slice %arg18[%dma_wait3A] : memref<128xi32, #tpu.memory_space<vmem>> -> memref<32xi32, #tpu.memory_space<vmem>>
        %dma_wait3A_62 = tpu.memref_slice %arg11[%mul3A_51] : memref<256xi32, #tpu.memory_space<hbm>> -> memref<32xi32, #tpu.memory_space<hbm>>
        %dma_wait3A_63 = tpu.memref_slice %arg11[%mul3A_51] : memref<256xi32, #tpu.memory_space<hbm>> -> memref<32xi32, #tpu.memory_space<hbm>>
        %dma_wait3A_64 = arith.constant 0 : i32
        %dma_wait3A_65 = tpu.memref_slice %arg18[%dma_wait3A_64] : memref<128xi32, #tpu.memory_space<vmem>> -> memref<32xi32, #tpu.memory_space<vmem>>
        tpu.wait_dma2 semaphore(%run_scoped3A : memref<!tpu.dma_semaphore, #tpu.memory_space<semaphore_mem>>) src(%dma_wait3A_65 : memref<32xi32, #tpu.memory_space<vmem>>) dst(%dma_wait3A_63 : memref<32xi32, #tpu.memory_space<hbm>>)
        tpu.yield
      }) : () -> ()
      %mul3A_52 = arith.constant 32 : i32
      %mul3A_53 = arith.muli %sub3A_9, %mul3A_52 : i32
      "tpu.region"() ({
        %run_scoped3A = tpu.sem_alloc : memref<!tpu.dma_semaphore, #tpu.memory_space<semaphore_mem>>
        %dma_start3A = arith.constant 0 : i32
        %dma_start3A_56 = tpu.memref_slice %arg19[%dma_start3A] : memref<128xi32, #tpu.memory_space<vmem>> -> memref<32xi32, #tpu.memory_space<vmem>>
        %dma_start3A_57 = tpu.memref_slice %arg12[%mul3A_53] : memref<256xi32, #tpu.memory_space<hbm>> -> memref<32xi32, #tpu.memory_space<hbm>>
        %dma_start3A_58 = tpu.memref_slice %arg12[%mul3A_53] : memref<256xi32, #tpu.memory_space<hbm>> -> memref<32xi32, #tpu.memory_space<hbm>>
        %dma_start3A_59 = arith.constant 0 : i32
        %dma_start3A_60 = tpu.memref_slice %arg19[%dma_start3A_59] : memref<128xi32, #tpu.memory_space<vmem>> -> memref<32xi32, #tpu.memory_space<vmem>>
        tpu.enqueue_dma source(%dma_start3A_60 : memref<32xi32, #tpu.memory_space<vmem>>) target(%dma_start3A_58 : memref<32xi32, #tpu.memory_space<hbm>>) target_semaphore(%run_scoped3A : memref<!tpu.dma_semaphore, #tpu.memory_space<semaphore_mem>>)
        %dma_wait3A = arith.constant 0 : i32
        %dma_wait3A_61 = tpu.memref_slice %arg19[%dma_wait3A] : memref<128xi32, #tpu.memory_space<vmem>> -> memref<32xi32, #tpu.memory_space<vmem>>
        %dma_wait3A_62 = tpu.memref_slice %arg12[%mul3A_53] : memref<256xi32, #tpu.memory_space<hbm>> -> memref<32xi32, #tpu.memory_space<hbm>>
        %dma_wait3A_63 = tpu.memref_slice %arg12[%mul3A_53] : memref<256xi32, #tpu.memory_space<hbm>> -> memref<32xi32, #tpu.memory_space<hbm>>
        %dma_wait3A_64 = arith.constant 0 : i32
        %dma_wait3A_65 = tpu.memref_slice %arg19[%dma_wait3A_64] : memref<128xi32, #tpu.memory_space<vmem>> -> memref<32xi32, #tpu.memory_space<vmem>>
        tpu.wait_dma2 semaphore(%run_scoped3A : memref<!tpu.dma_semaphore, #tpu.memory_space<semaphore_mem>>) src(%dma_wait3A_65 : memref<32xi32, #tpu.memory_space<vmem>>) dst(%dma_wait3A_63 : memref<32xi32, #tpu.memory_space<hbm>>)
        tpu.yield
      }) : () -> ()
      %mul3A_54 = arith.constant 32 : i32
      %mul3A_55 = arith.muli %sub3A_9, %mul3A_54 : i32
      "tpu.region"() ({
        %run_scoped3A = tpu.sem_alloc : memref<!tpu.dma_semaphore, #tpu.memory_space<semaphore_mem>>
        %dma_start3A = arith.constant 0 : i32
        %dma_start3A_56 = tpu.memref_slice %arg20[%dma_start3A] : memref<128xi32, #tpu.memory_space<vmem>> -> memref<32xi32, #tpu.memory_space<vmem>>
        %dma_start3A_57 = tpu.memref_slice %arg13[%mul3A_55] : memref<256xi32, #tpu.memory_space<hbm>> -> memref<32xi32, #tpu.memory_space<hbm>>
        %dma_start3A_58 = tpu.memref_slice %arg13[%mul3A_55] : memref<256xi32, #tpu.memory_space<hbm>> -> memref<32xi32, #tpu.memory_space<hbm>>
        %dma_start3A_59 = arith.constant 0 : i32
        %dma_start3A_60 = tpu.memref_slice %arg20[%dma_start3A_59] : memref<128xi32, #tpu.memory_space<vmem>> -> memref<32xi32, #tpu.memory_space<vmem>>
        tpu.enqueue_dma source(%dma_start3A_60 : memref<32xi32, #tpu.memory_space<vmem>>) target(%dma_start3A_58 : memref<32xi32, #tpu.memory_space<hbm>>) target_semaphore(%run_scoped3A : memref<!tpu.dma_semaphore, #tpu.memory_space<semaphore_mem>>)
        %dma_wait3A = arith.constant 0 : i32
        %dma_wait3A_61 = tpu.memref_slice %arg20[%dma_wait3A] : memref<128xi32, #tpu.memory_space<vmem>> -> memref<32xi32, #tpu.memory_space<vmem>>
        %dma_wait3A_62 = tpu.memref_slice %arg13[%mul3A_55] : memref<256xi32, #tpu.memory_space<hbm>> -> memref<32xi32, #tpu.memory_space<hbm>>
        %dma_wait3A_63 = tpu.memref_slice %arg13[%mul3A_55] : memref<256xi32, #tpu.memory_space<hbm>> -> memref<32xi32, #tpu.memory_space<hbm>>
        %dma_wait3A_64 = arith.constant 0 : i32
        %dma_wait3A_65 = tpu.memref_slice %arg20[%dma_wait3A_64] : memref<128xi32, #tpu.memory_space<vmem>> -> memref<32xi32, #tpu.memory_space<vmem>>
        tpu.wait_dma2 semaphore(%run_scoped3A : memref<!tpu.dma_semaphore, #tpu.memory_space<semaphore_mem>>) src(%dma_wait3A_65 : memref<32xi32, #tpu.memory_space<vmem>>) dst(%dma_wait3A_63 : memref<32xi32, #tpu.memory_space<hbm>>)
        tpu.yield
      }) : () -> ()
    } else {
    }
    return
  }
}

module attributes {stable_mosaic.version = 14 : i64} {
  func.func @_stage1_body(%arg0: i32, %arg1: memref<1x10x900xf32, #tpu.memory_space<vmem>>, %arg2: memref<1x9x900xf32, #tpu.memory_space<vmem>>, %arg3: memref<1x128x9xf32, #tpu.memory_space<vmem>>, %arg4: memref<1x128x1xi32, #tpu.memory_space<vmem>>, %arg5: memref<1x128x1xf32, #tpu.memory_space<vmem>>, %arg6: memref<1x1x100xf32, #tpu.memory_space<vmem>>, %arg7: memref<1x60x100xf32, #tpu.memory_space<vmem>>, %arg8: memref<1x32x60xf32, #tpu.memory_space<vmem>>, %arg9: memref<1x32x1xf32, #tpu.memory_space<vmem>>, %arg10: memref<1x128x912xf32, #tpu.memory_space<vmem>>, %arg11: memref<1x128x1xf32, #tpu.memory_space<vmem>>, %arg12: memref<1x128x1xi32, #tpu.memory_space<vmem>>, %arg13: memref<1x32x112xf32, #tpu.memory_space<vmem>>, %arg14: memref<1x32x1xf32, #tpu.memory_space<vmem>>, %arg15: memref<1x32x1xi32, #tpu.memory_space<vmem>>, %arg16: memref<1x1x1xf32, #tpu.memory_space<vmem>>, %arg17: memref<1x1x1xf32, #tpu.memory_space<vmem>>, %arg18: memref<1x1x1xf32, #tpu.memory_space<vmem>>, %arg19: memref<1x1x1xf32, #tpu.memory_space<vmem>>) attributes {dimension_semantics = [#tpu.dimension_semantics<arbitrary>], iteration_bounds = array<i64: 8>, scalar_prefetch = 0 : i64, scratch_operands = 0 : i64, tpu.core_type = #tpu.core_type<tc>, window_params = [{transform_indices = @transform_0, window_bounds = array<i64: 1, 10, 900>}, {transform_indices = @transform_1, window_bounds = array<i64: 1, 9, 900>}, {transform_indices = @transform_2, window_bounds = array<i64: 1, 128, 9>}, {transform_indices = @transform_3, window_bounds = array<i64: 1, 128, 1>}, {transform_indices = @transform_4, window_bounds = array<i64: 1, 128, 1>}, {transform_indices = @transform_5, window_bounds = array<i64: 1, 1, 100>}, {transform_indices = @transform_6, window_bounds = array<i64: 1, 60, 100>}, {transform_indices = @transform_7, window_bounds = array<i64: 1, 32, 60>}, {transform_indices = @transform_8, window_bounds = array<i64: 1, 32, 1>}, {transform_indices = @transform_9, window_bounds = array<i64: 1, 128, 912>}, {transform_indices = @transform_10, window_bounds = array<i64: 1, 128, 1>}, {transform_indices = @transform_11, window_bounds = array<i64: 1, 128, 1>}, {transform_indices = @transform_12, window_bounds = array<i64: 1, 32, 112>}, {transform_indices = @transform_13, window_bounds = array<i64: 1, 32, 1>}, {transform_indices = @transform_14, window_bounds = array<i64: 1, 32, 1>}, {transform_indices = @transform_15, window_bounds = array<i64: 1, 1, 1>}, {transform_indices = @transform_16, window_bounds = array<i64: 1, 1, 1>}, {transform_indices = @transform_17, window_bounds = array<i64: 1, 1, 1>}, {transform_indices = @transform_18, window_bounds = array<i64: 1, 1, 1>}]} {
    %get3A = arith.constant 0 : index
    %get3A_0 = arith.constant 0 : index
    %get3A_1 = arith.constant 0 : index
    %get3A_2 = vector.load %arg1[%get3A, %get3A_0, %get3A_1] : memref<1x10x900xf32, #tpu.memory_space<vmem>>, vector<1x10x900xf32>
    %get3A_3 = vector.shape_cast %get3A_2 : vector<1x10x900xf32> to vector<10x900xf32>
    %get3A_4 = arith.constant 0 : index
    %get3A_5 = arith.constant 0 : index
    %get3A_6 = arith.constant 0 : index
    %get3A_7 = vector.load %arg2[%get3A_4, %get3A_5, %get3A_6] : memref<1x9x900xf32, #tpu.memory_space<vmem>>, vector<1x9x900xf32>
    %get3A_8 = vector.shape_cast %get3A_7 : vector<1x9x900xf32> to vector<9x900xf32>
    %get3A_9 = arith.constant 0 : index
    %get3A_10 = arith.constant 0 : index
    %get3A_11 = arith.constant 0 : index
    %get3A_12 = vector.load %arg3[%get3A_9, %get3A_10, %get3A_11] : memref<1x128x9xf32, #tpu.memory_space<vmem>>, vector<1x128x9xf32>
    %get3A_13 = vector.shape_cast %get3A_12 : vector<1x128x9xf32> to vector<128x9xf32>
    %get3A_14 = arith.constant 0 : index
    %get3A_15 = arith.constant 0 : index
    %get3A_16 = arith.constant 0 : index
    %get3A_17 = vector.load %arg4[%get3A_14, %get3A_15, %get3A_16] : memref<1x128x1xi32, #tpu.memory_space<vmem>>, vector<1x128x1xi32>
    %get3A_18 = vector.shape_cast %get3A_17 : vector<1x128x1xi32> to vector<128x1xi32>
    %get3A_19 = arith.constant 0 : index
    %get3A_20 = arith.constant 0 : index
    %get3A_21 = arith.constant 0 : index
    %get3A_22 = vector.load %arg5[%get3A_19, %get3A_20, %get3A_21] : memref<1x128x1xf32, #tpu.memory_space<vmem>>, vector<1x128x1xf32>
    %get3A_23 = vector.shape_cast %get3A_22 : vector<1x128x1xf32> to vector<128x1xf32>
    %neg3A = arith.constant 0.000000e+00 : f32
    %neg3A_24 = vector.broadcast %neg3A : f32 to vector<10x900xf32>
    %neg3A_25 = arith.subf %neg3A_24, %get3A_3 : vector<10x900xf32>
    %exp3A = math.exp %neg3A_25 : vector<10x900xf32>
    %add3A = arith.constant 1.000000e+00 : f32
    %add3A_26 = vector.broadcast %add3A : f32 to vector<10x900xf32>
    %add3A_27 = arith.addf %add3A_26, %exp3A : vector<10x900xf32>
    %div3A = arith.constant 1.000000e+00 : f32
    %div3A_28 = vector.broadcast %div3A : f32 to vector<10x900xf32>
    %div3A_29 = arith.divf %div3A_28, %add3A_27 : vector<10x900xf32>
    %broadcast_in_dim3A = arith.constant 0.000000e+00 : f32
    %broadcast_in_dim3A_30 = vector.broadcast %broadcast_in_dim3A : f32 to vector<128x900xf32>
    %eq3A = arith.constant 0 : i32
    %eq3A_31 = vector.broadcast %eq3A : i32 to vector<128x1xi32>
    %eq3A_32 = arith.cmpi eq, %get3A_18, %eq3A_31 : vector<128x1xi32>
    %slice3A = vector.extract_strided_slice %div3A_29 {offsets = [0, 0], sizes = [1, 900], strides = [1, 1]} : vector<10x900xf32> to vector<1x900xf32>
    %broadcast_in_dim3A_33 = vector.shape_cast %eq3A_32 : vector<128x1xi1> to vector<128x1xi1>
    %broadcast_in_dim3A_34 = vector.broadcast %broadcast_in_dim3A_33 : vector<128x1xi1> to vector<128x900xi1>
    %broadcast_in_dim3A_35 = vector.shape_cast %slice3A : vector<1x900xf32> to vector<1x900xf32>
    %broadcast_in_dim3A_36 = vector.broadcast %broadcast_in_dim3A_35 : vector<1x900xf32> to vector<128x900xf32>
    %select_n3A = arith.select %broadcast_in_dim3A_34, %broadcast_in_dim3A_36, %broadcast_in_dim3A_30 : vector<128x900xi1>, vector<128x900xf32>
    %eq3A_37 = arith.constant 1 : i32
    %eq3A_38 = vector.broadcast %eq3A_37 : i32 to vector<128x1xi32>
    %eq3A_39 = arith.cmpi eq, %get3A_18, %eq3A_38 : vector<128x1xi32>
    %slice3A_40 = vector.extract_strided_slice %div3A_29 {offsets = [1, 0], sizes = [1, 900], strides = [1, 1]} : vector<10x900xf32> to vector<1x900xf32>
    %broadcast_in_dim3A_41 = vector.shape_cast %eq3A_39 : vector<128x1xi1> to vector<128x1xi1>
    %broadcast_in_dim3A_42 = vector.broadcast %broadcast_in_dim3A_41 : vector<128x1xi1> to vector<128x900xi1>
    %broadcast_in_dim3A_43 = vector.shape_cast %slice3A_40 : vector<1x900xf32> to vector<1x900xf32>
    %broadcast_in_dim3A_44 = vector.broadcast %broadcast_in_dim3A_43 : vector<1x900xf32> to vector<128x900xf32>
    %select_n3A_45 = arith.select %broadcast_in_dim3A_42, %broadcast_in_dim3A_44, %select_n3A : vector<128x900xi1>, vector<128x900xf32>
    %eq3A_46 = arith.constant 2 : i32
    %eq3A_47 = vector.broadcast %eq3A_46 : i32 to vector<128x1xi32>
    %eq3A_48 = arith.cmpi eq, %get3A_18, %eq3A_47 : vector<128x1xi32>
    %slice3A_49 = vector.extract_strided_slice %div3A_29 {offsets = [2, 0], sizes = [1, 900], strides = [1, 1]} : vector<10x900xf32> to vector<1x900xf32>
    %broadcast_in_dim3A_50 = vector.shape_cast %eq3A_48 : vector<128x1xi1> to vector<128x1xi1>
    %broadcast_in_dim3A_51 = vector.broadcast %broadcast_in_dim3A_50 : vector<128x1xi1> to vector<128x900xi1>
    %broadcast_in_dim3A_52 = vector.shape_cast %slice3A_49 : vector<1x900xf32> to vector<1x900xf32>
    %broadcast_in_dim3A_53 = vector.broadcast %broadcast_in_dim3A_52 : vector<1x900xf32> to vector<128x900xf32>
    %select_n3A_54 = arith.select %broadcast_in_dim3A_51, %broadcast_in_dim3A_53, %select_n3A_45 : vector<128x900xi1>, vector<128x900xf32>
    %eq3A_55 = arith.constant 3 : i32
    %eq3A_56 = vector.broadcast %eq3A_55 : i32 to vector<128x1xi32>
    %eq3A_57 = arith.cmpi eq, %get3A_18, %eq3A_56 : vector<128x1xi32>
    %slice3A_58 = vector.extract_strided_slice %div3A_29 {offsets = [3, 0], sizes = [1, 900], strides = [1, 1]} : vector<10x900xf32> to vector<1x900xf32>
    %broadcast_in_dim3A_59 = vector.shape_cast %eq3A_57 : vector<128x1xi1> to vector<128x1xi1>
    %broadcast_in_dim3A_60 = vector.broadcast %broadcast_in_dim3A_59 : vector<128x1xi1> to vector<128x900xi1>
    %broadcast_in_dim3A_61 = vector.shape_cast %slice3A_58 : vector<1x900xf32> to vector<1x900xf32>
    %broadcast_in_dim3A_62 = vector.broadcast %broadcast_in_dim3A_61 : vector<1x900xf32> to vector<128x900xf32>
    %select_n3A_63 = arith.select %broadcast_in_dim3A_60, %broadcast_in_dim3A_62, %select_n3A_54 : vector<128x900xi1>, vector<128x900xf32>
    %eq3A_64 = arith.constant 4 : i32
    %eq3A_65 = vector.broadcast %eq3A_64 : i32 to vector<128x1xi32>
    %eq3A_66 = arith.cmpi eq, %get3A_18, %eq3A_65 : vector<128x1xi32>
    %slice3A_67 = vector.extract_strided_slice %div3A_29 {offsets = [4, 0], sizes = [1, 900], strides = [1, 1]} : vector<10x900xf32> to vector<1x900xf32>
    %broadcast_in_dim3A_68 = vector.shape_cast %eq3A_66 : vector<128x1xi1> to vector<128x1xi1>
    %broadcast_in_dim3A_69 = vector.broadcast %broadcast_in_dim3A_68 : vector<128x1xi1> to vector<128x900xi1>
    %broadcast_in_dim3A_70 = vector.shape_cast %slice3A_67 : vector<1x900xf32> to vector<1x900xf32>
    %broadcast_in_dim3A_71 = vector.broadcast %broadcast_in_dim3A_70 : vector<1x900xf32> to vector<128x900xf32>
    %select_n3A_72 = arith.select %broadcast_in_dim3A_69, %broadcast_in_dim3A_71, %select_n3A_63 : vector<128x900xi1>, vector<128x900xf32>
    %eq3A_73 = arith.constant 5 : i32
    %eq3A_74 = vector.broadcast %eq3A_73 : i32 to vector<128x1xi32>
    %eq3A_75 = arith.cmpi eq, %get3A_18, %eq3A_74 : vector<128x1xi32>
    %slice3A_76 = vector.extract_strided_slice %div3A_29 {offsets = [5, 0], sizes = [1, 900], strides = [1, 1]} : vector<10x900xf32> to vector<1x900xf32>
    %broadcast_in_dim3A_77 = vector.shape_cast %eq3A_75 : vector<128x1xi1> to vector<128x1xi1>
    %broadcast_in_dim3A_78 = vector.broadcast %broadcast_in_dim3A_77 : vector<128x1xi1> to vector<128x900xi1>
    %broadcast_in_dim3A_79 = vector.shape_cast %slice3A_76 : vector<1x900xf32> to vector<1x900xf32>
    %broadcast_in_dim3A_80 = vector.broadcast %broadcast_in_dim3A_79 : vector<1x900xf32> to vector<128x900xf32>
    %select_n3A_81 = arith.select %broadcast_in_dim3A_78, %broadcast_in_dim3A_80, %select_n3A_72 : vector<128x900xi1>, vector<128x900xf32>
    %eq3A_82 = arith.constant 6 : i32
    %eq3A_83 = vector.broadcast %eq3A_82 : i32 to vector<128x1xi32>
    %eq3A_84 = arith.cmpi eq, %get3A_18, %eq3A_83 : vector<128x1xi32>
    %slice3A_85 = vector.extract_strided_slice %div3A_29 {offsets = [6, 0], sizes = [1, 900], strides = [1, 1]} : vector<10x900xf32> to vector<1x900xf32>
    %broadcast_in_dim3A_86 = vector.shape_cast %eq3A_84 : vector<128x1xi1> to vector<128x1xi1>
    %broadcast_in_dim3A_87 = vector.broadcast %broadcast_in_dim3A_86 : vector<128x1xi1> to vector<128x900xi1>
    %broadcast_in_dim3A_88 = vector.shape_cast %slice3A_85 : vector<1x900xf32> to vector<1x900xf32>
    %broadcast_in_dim3A_89 = vector.broadcast %broadcast_in_dim3A_88 : vector<1x900xf32> to vector<128x900xf32>
    %select_n3A_90 = arith.select %broadcast_in_dim3A_87, %broadcast_in_dim3A_89, %select_n3A_81 : vector<128x900xi1>, vector<128x900xf32>
    %eq3A_91 = arith.constant 7 : i32
    %eq3A_92 = vector.broadcast %eq3A_91 : i32 to vector<128x1xi32>
    %eq3A_93 = arith.cmpi eq, %get3A_18, %eq3A_92 : vector<128x1xi32>
    %slice3A_94 = vector.extract_strided_slice %div3A_29 {offsets = [7, 0], sizes = [1, 900], strides = [1, 1]} : vector<10x900xf32> to vector<1x900xf32>
    %broadcast_in_dim3A_95 = vector.shape_cast %eq3A_93 : vector<128x1xi1> to vector<128x1xi1>
    %broadcast_in_dim3A_96 = vector.broadcast %broadcast_in_dim3A_95 : vector<128x1xi1> to vector<128x900xi1>
    %broadcast_in_dim3A_97 = vector.shape_cast %slice3A_94 : vector<1x900xf32> to vector<1x900xf32>
    %broadcast_in_dim3A_98 = vector.broadcast %broadcast_in_dim3A_97 : vector<1x900xf32> to vector<128x900xf32>
    %select_n3A_99 = arith.select %broadcast_in_dim3A_96, %broadcast_in_dim3A_98, %select_n3A_90 : vector<128x900xi1>, vector<128x900xf32>
    %eq3A_100 = arith.constant 8 : i32
    %eq3A_101 = vector.broadcast %eq3A_100 : i32 to vector<128x1xi32>
    %eq3A_102 = arith.cmpi eq, %get3A_18, %eq3A_101 : vector<128x1xi32>
    %slice3A_103 = vector.extract_strided_slice %div3A_29 {offsets = [8, 0], sizes = [1, 900], strides = [1, 1]} : vector<10x900xf32> to vector<1x900xf32>
    %broadcast_in_dim3A_104 = vector.shape_cast %eq3A_102 : vector<128x1xi1> to vector<128x1xi1>
    %broadcast_in_dim3A_105 = vector.broadcast %broadcast_in_dim3A_104 : vector<128x1xi1> to vector<128x900xi1>
    %broadcast_in_dim3A_106 = vector.shape_cast %slice3A_103 : vector<1x900xf32> to vector<1x900xf32>
    %broadcast_in_dim3A_107 = vector.broadcast %broadcast_in_dim3A_106 : vector<1x900xf32> to vector<128x900xf32>
    %select_n3A_108 = arith.select %broadcast_in_dim3A_105, %broadcast_in_dim3A_107, %select_n3A_99 : vector<128x900xi1>, vector<128x900xf32>
    %eq3A_109 = arith.constant 9 : i32
    %eq3A_110 = vector.broadcast %eq3A_109 : i32 to vector<128x1xi32>
    %eq3A_111 = arith.cmpi eq, %get3A_18, %eq3A_110 : vector<128x1xi32>
    %slice3A_112 = vector.extract_strided_slice %div3A_29 {offsets = [9, 0], sizes = [1, 900], strides = [1, 1]} : vector<10x900xf32> to vector<1x900xf32>
    %broadcast_in_dim3A_113 = vector.shape_cast %eq3A_111 : vector<128x1xi1> to vector<128x1xi1>
    %broadcast_in_dim3A_114 = vector.broadcast %broadcast_in_dim3A_113 : vector<128x1xi1> to vector<128x900xi1>
    %broadcast_in_dim3A_115 = vector.shape_cast %slice3A_112 : vector<1x900xf32> to vector<1x900xf32>
    %broadcast_in_dim3A_116 = vector.broadcast %broadcast_in_dim3A_115 : vector<1x900xf32> to vector<128x900xf32>
    %select_n3A_117 = arith.select %broadcast_in_dim3A_114, %broadcast_in_dim3A_116, %select_n3A_108 : vector<128x900xi1>, vector<128x900xf32>
    %sub3A = arith.constant 1.000000e+00 : f32
    %sub3A_118 = vector.broadcast %sub3A : f32 to vector<128x900xf32>
    %sub3A_119 = arith.subf %sub3A_118, %select_n3A_117 : vector<128x900xf32>
    %slice3A_120 = vector.extract_strided_slice %get3A_8 {offsets = [0, 0], sizes = [1, 900], strides = [1, 1]} : vector<9x900xf32> to vector<1x900xf32>
    %slice3A_121 = vector.extract_strided_slice %get3A_13 {offsets = [0, 0], sizes = [128, 1], strides = [1, 1]} : vector<128x9xf32> to vector<128x1xf32>
    %sub3A_122 = vector.broadcast %slice3A_120 : vector<1x900xf32> to vector<128x900xf32>
    %sub3A_123 = vector.broadcast %slice3A_121 : vector<128x1xf32> to vector<128x900xf32>
    %sub3A_124 = arith.subf %sub3A_122, %sub3A_123 : vector<128x900xf32>
    %abs3A = math.absf %sub3A_124 : vector<128x900xf32>
    %slice3A_125 = vector.extract_strided_slice %get3A_8 {offsets = [1, 0], sizes = [1, 900], strides = [1, 1]} : vector<9x900xf32> to vector<1x900xf32>
    %slice3A_126 = vector.extract_strided_slice %get3A_13 {offsets = [0, 1], sizes = [128, 1], strides = [1, 1]} : vector<128x9xf32> to vector<128x1xf32>
    %sub3A_127 = vector.broadcast %slice3A_125 : vector<1x900xf32> to vector<128x900xf32>
    %sub3A_128 = vector.broadcast %slice3A_126 : vector<128x1xf32> to vector<128x900xf32>
    %sub3A_129 = arith.subf %sub3A_127, %sub3A_128 : vector<128x900xf32>
    %abs3A_130 = math.absf %sub3A_129 : vector<128x900xf32>
    %add3A_131 = arith.addf %abs3A, %abs3A_130 : vector<128x900xf32>
    %slice3A_132 = vector.extract_strided_slice %get3A_8 {offsets = [2, 0], sizes = [1, 900], strides = [1, 1]} : vector<9x900xf32> to vector<1x900xf32>
    %slice3A_133 = vector.extract_strided_slice %get3A_13 {offsets = [0, 2], sizes = [128, 1], strides = [1, 1]} : vector<128x9xf32> to vector<128x1xf32>
    %sub3A_134 = vector.broadcast %slice3A_132 : vector<1x900xf32> to vector<128x900xf32>
    %sub3A_135 = vector.broadcast %slice3A_133 : vector<128x1xf32> to vector<128x900xf32>
    %sub3A_136 = arith.subf %sub3A_134, %sub3A_135 : vector<128x900xf32>
    %abs3A_137 = math.absf %sub3A_136 : vector<128x900xf32>
    %add3A_138 = arith.addf %add3A_131, %abs3A_137 : vector<128x900xf32>
    %slice3A_139 = vector.extract_strided_slice %get3A_8 {offsets = [3, 0], sizes = [1, 900], strides = [1, 1]} : vector<9x900xf32> to vector<1x900xf32>
    %abs3A_140 = math.absf %slice3A_139 : vector<1x900xf32>
    %slice3A_141 = vector.extract_strided_slice %get3A_13 {offsets = [0, 3], sizes = [128, 1], strides = [1, 1]} : vector<128x9xf32> to vector<128x1xf32>
    %abs3A_142 = math.absf %slice3A_141 : vector<128x1xf32>
    %sub3A_143 = vector.broadcast %abs3A_140 : vector<1x900xf32> to vector<128x900xf32>
    %sub3A_144 = vector.broadcast %abs3A_142 : vector<128x1xf32> to vector<128x900xf32>
    %sub3A_145 = arith.subf %sub3A_143, %sub3A_144 : vector<128x900xf32>
    %abs3A_146 = math.absf %sub3A_145 : vector<128x900xf32>
    %slice3A_147 = vector.extract_strided_slice %get3A_8 {offsets = [4, 0], sizes = [1, 900], strides = [1, 1]} : vector<9x900xf32> to vector<1x900xf32>
    %abs3A_148 = math.absf %slice3A_147 : vector<1x900xf32>
    %slice3A_149 = vector.extract_strided_slice %get3A_13 {offsets = [0, 4], sizes = [128, 1], strides = [1, 1]} : vector<128x9xf32> to vector<128x1xf32>
    %abs3A_150 = math.absf %slice3A_149 : vector<128x1xf32>
    %sub3A_151 = vector.broadcast %abs3A_148 : vector<1x900xf32> to vector<128x900xf32>
    %sub3A_152 = vector.broadcast %abs3A_150 : vector<128x1xf32> to vector<128x900xf32>
    %sub3A_153 = arith.subf %sub3A_151, %sub3A_152 : vector<128x900xf32>
    %abs3A_154 = math.absf %sub3A_153 : vector<128x900xf32>
    %add3A_155 = arith.addf %abs3A_146, %abs3A_154 : vector<128x900xf32>
    %slice3A_156 = vector.extract_strided_slice %get3A_8 {offsets = [5, 0], sizes = [1, 900], strides = [1, 1]} : vector<9x900xf32> to vector<1x900xf32>
    %abs3A_157 = math.absf %slice3A_156 : vector<1x900xf32>
    %slice3A_158 = vector.extract_strided_slice %get3A_13 {offsets = [0, 5], sizes = [128, 1], strides = [1, 1]} : vector<128x9xf32> to vector<128x1xf32>
    %abs3A_159 = math.absf %slice3A_158 : vector<128x1xf32>
    %sub3A_160 = vector.broadcast %abs3A_157 : vector<1x900xf32> to vector<128x900xf32>
    %sub3A_161 = vector.broadcast %abs3A_159 : vector<128x1xf32> to vector<128x900xf32>
    %sub3A_162 = arith.subf %sub3A_160, %sub3A_161 : vector<128x900xf32>
    %abs3A_163 = math.absf %sub3A_162 : vector<128x900xf32>
    %add3A_164 = arith.addf %add3A_155, %abs3A_163 : vector<128x900xf32>
    %slice3A_165 = vector.extract_strided_slice %get3A_8 {offsets = [6, 0], sizes = [1, 900], strides = [1, 1]} : vector<9x900xf32> to vector<1x900xf32>
    %slice3A_166 = vector.extract_strided_slice %get3A_13 {offsets = [0, 6], sizes = [128, 1], strides = [1, 1]} : vector<128x9xf32> to vector<128x1xf32>
    %sub3A_167 = vector.broadcast %slice3A_165 : vector<1x900xf32> to vector<128x900xf32>
    %sub3A_168 = vector.broadcast %slice3A_166 : vector<128x1xf32> to vector<128x900xf32>
    %sub3A_169 = arith.subf %sub3A_167, %sub3A_168 : vector<128x900xf32>
    %sin3A = math.sin %sub3A_169 : vector<128x900xf32>
    %cos3A = math.cos %sub3A_169 : vector<128x900xf32>
    %atan23A = math.atan2 %sin3A, %cos3A : vector<128x900xf32>
    %abs3A_170 = math.absf %atan23A : vector<128x900xf32>
    %slice3A_171 = vector.extract_strided_slice %get3A_8 {offsets = [7, 0], sizes = [1, 900], strides = [1, 1]} : vector<9x900xf32> to vector<1x900xf32>
    %slice3A_172 = vector.extract_strided_slice %get3A_13 {offsets = [0, 7], sizes = [128, 1], strides = [1, 1]} : vector<128x9xf32> to vector<128x1xf32>
    %sub3A_173 = vector.broadcast %slice3A_171 : vector<1x900xf32> to vector<128x900xf32>
    %sub3A_174 = vector.broadcast %slice3A_172 : vector<128x1xf32> to vector<128x900xf32>
    %sub3A_175 = arith.subf %sub3A_173, %sub3A_174 : vector<128x900xf32>
    %abs3A_176 = math.absf %sub3A_175 : vector<128x900xf32>
    %slice3A_177 = vector.extract_strided_slice %get3A_8 {offsets = [8, 0], sizes = [1, 900], strides = [1, 1]} : vector<9x900xf32> to vector<1x900xf32>
    %slice3A_178 = vector.extract_strided_slice %get3A_13 {offsets = [0, 8], sizes = [128, 1], strides = [1, 1]} : vector<128x9xf32> to vector<128x1xf32>
    %sub3A_179 = vector.broadcast %slice3A_177 : vector<1x900xf32> to vector<128x900xf32>
    %sub3A_180 = vector.broadcast %slice3A_178 : vector<128x1xf32> to vector<128x900xf32>
    %sub3A_181 = arith.subf %sub3A_179, %sub3A_180 : vector<128x900xf32>
    %abs3A_182 = math.absf %sub3A_181 : vector<128x900xf32>
    %add3A_183 = arith.addf %abs3A_176, %abs3A_182 : vector<128x900xf32>
    %mul3A = arith.constant 2.000000e+00 : f32
    %mul3A_184 = vector.broadcast %mul3A : f32 to vector<128x900xf32>
    %mul3A_185 = arith.mulf %mul3A_184, %sub3A_119 : vector<128x900xf32>
    %mul3A_186 = arith.constant 2.000000e+00 : f32
    %mul3A_187 = vector.broadcast %mul3A_186 : f32 to vector<128x900xf32>
    %mul3A_188 = arith.mulf %mul3A_187, %add3A_138 : vector<128x900xf32>
    %add3A_189 = arith.addf %mul3A_185, %mul3A_188 : vector<128x900xf32>
    %mul3A_190 = arith.constant 1.000000e+00 : f32
    %mul3A_191 = vector.broadcast %mul3A_190 : f32 to vector<128x900xf32>
    %mul3A_192 = arith.mulf %mul3A_191, %add3A_164 : vector<128x900xf32>
    %add3A_193 = arith.addf %add3A_189, %mul3A_192 : vector<128x900xf32>
    %mul3A_194 = arith.constant 5.000000e-01 : f32
    %mul3A_195 = vector.broadcast %mul3A_194 : f32 to vector<128x900xf32>
    %mul3A_196 = arith.mulf %mul3A_195, %abs3A_170 : vector<128x900xf32>
    %add3A_197 = arith.addf %add3A_193, %mul3A_196 : vector<128x900xf32>
    %mul3A_198 = arith.constant 5.000000e-01 : f32
    %mul3A_199 = vector.broadcast %mul3A_198 : f32 to vector<128x900xf32>
    %mul3A_200 = arith.mulf %mul3A_199, %add3A_183 : vector<128x900xf32>
    %add3A_201 = arith.addf %add3A_197, %mul3A_200 : vector<128x900xf32>
    %ne3A = arith.constant 0.000000e+00 : f32
    %ne3A_202 = vector.broadcast %ne3A : f32 to vector<128x1xf32>
    %ne3A_203 = arith.cmpf one, %get3A_23, %ne3A_202 : vector<128x1xf32>
    %jit3A = arith.constant 1.000000e+30 : f32
    %broadcast_in_dim3A_204 = vector.shape_cast %ne3A_203 : vector<128x1xi1> to vector<128x1xi1>
    %broadcast_in_dim3A_205 = vector.broadcast %broadcast_in_dim3A_204 : vector<128x1xi1> to vector<128x900xi1>
    %broadcast_in_dim3A_206 = vector.broadcast %jit3A : f32 to vector<128x900xf32>
    %select_n3A_207 = arith.select %broadcast_in_dim3A_205, %add3A_201, %broadcast_in_dim3A_206 : vector<128x900xi1>, vector<128x900xf32>
    %swap3A = arith.constant 0 : index
    %swap3A_208 = arith.constant 0 : index
    %swap3A_209 = arith.constant 0 : index
    %swap3A_210 = vector.load %arg10[%swap3A, %swap3A_208, %swap3A_209] : memref<1x128x912xf32, #tpu.memory_space<vmem>>, vector<1x128x900xf32>
    %swap3A_211 = vector.shape_cast %swap3A_210 : vector<1x128x900xf32> to vector<128x900xf32>
    %swap3A_212 = vector.shape_cast %select_n3A_207 : vector<128x900xf32> to vector<1x128x900xf32>
    tpu.vector_store %arg10[%swap3A, %swap3A_208, %swap3A_209], %swap3A_212 {strides = array<i32>} : memref<1x128x912xf32, #tpu.memory_space<vmem>>, vector<1x128x900xf32>,
    %broadcast_in_dim3A_213 = arith.constant 1.000000e+30 : f32
    %broadcast_in_dim3A_214 = vector.broadcast %broadcast_in_dim3A_213 : f32 to vector<128x12xf32>
    %swap3A_215 = arith.constant 0 : index
    %swap3A_216 = arith.constant 0 : index
    %swap3A_217 = arith.constant 900 : index
    %swap3A_218 = vector.load %arg10[%swap3A_215, %swap3A_216, %swap3A_217] : memref<1x128x912xf32, #tpu.memory_space<vmem>>, vector<1x128x12xf32>
    %swap3A_219 = vector.shape_cast %swap3A_218 : vector<1x128x12xf32> to vector<128x12xf32>
    %swap3A_220 = vector.shape_cast %broadcast_in_dim3A_214 : vector<128x12xf32> to vector<1x128x12xf32>
    tpu.vector_store %arg10[%swap3A_215, %swap3A_216, %swap3A_217], %swap3A_220 {strides = array<i32>} : memref<1x128x912xf32, #tpu.memory_space<vmem>>, vector<1x128x12xf32>,
    %reduce_min3A = arith.constant dense<0x7F800000> : vector<128xf32>
    %reduce_min3A_221 = vector.multi_reduction <minimumf>, %select_n3A_207, %reduce_min3A [1] : vector<128x900xf32> to vector<128xf32>
    %broadcast_in_dim3A_222 = vector.shape_cast %reduce_min3A_221 : vector<128xf32> to vector<128x1xf32>
    %iota3A = tpu.iota {dimensions = array<i32: 1>} : vector<128x900xi32>
    %eq3A_223 = vector.broadcast %broadcast_in_dim3A_222 : vector<128x1xf32> to vector<128x900xf32>
    %eq3A_224 = arith.cmpf oeq, %select_n3A_207, %eq3A_223 : vector<128x900xf32>
    %jit3A_225 = arith.constant 1073741824 : i32
    %broadcast_in_dim3A_226 = vector.broadcast %jit3A_225 : i32 to vector<128x900xi32>
    %select_n3A_227 = arith.select %eq3A_224, %iota3A, %broadcast_in_dim3A_226 : vector<128x900xi1>, vector<128x900xi32>
    %reduce_min3A_228 = arith.constant dense<2147483647> : vector<128xi32>
    %reduce_min3A_229 = vector.multi_reduction <minsi>, %select_n3A_227, %reduce_min3A_228 [1] : vector<128x900xi32> to vector<128xi32>
    %broadcast_in_dim3A_230 = vector.shape_cast %reduce_min3A_229 : vector<128xi32> to vector<128x1xi32>
    %swap3A_231 = arith.constant 0 : index
    %swap3A_232 = arith.constant 0 : index
    %swap3A_233 = arith.constant 0 : index
    %swap3A_234 = vector.load %arg11[%swap3A_231, %swap3A_232, %swap3A_233] : memref<1x128x1xf32, #tpu.memory_space<vmem>>, vector<1x128x1xf32>
    %swap3A_235 = vector.shape_cast %swap3A_234 : vector<1x128x1xf32> to vector<128x1xf32>
    %swap3A_236 = vector.shape_cast %broadcast_in_dim3A_222 : vector<128x1xf32> to vector<1x128x1xf32>
    tpu.vector_store %arg11[%swap3A_231, %swap3A_232, %swap3A_233], %swap3A_236 {strides = array<i32>} : memref<1x128x1xf32, #tpu.memory_space<vmem>>, vector<1x128x1xf32>,
    %swap3A_237 = arith.constant 0 : index
    %swap3A_238 = arith.constant 0 : index
    %swap3A_239 = arith.constant 0 : index
    %swap3A_240 = vector.load %arg12[%swap3A_237, %swap3A_238, %swap3A_239] : memref<1x128x1xi32, #tpu.memory_space<vmem>>, vector<1x128x1xi32>
    %swap3A_241 = vector.shape_cast %swap3A_240 : vector<1x128x1xi32> to vector<128x1xi32>
    %swap3A_242 = vector.shape_cast %broadcast_in_dim3A_230 : vector<128x1xi32> to vector<1x128x1xi32>
    tpu.vector_store %arg12[%swap3A_237, %swap3A_238, %swap3A_239], %swap3A_242 {strides = array<i32>} : memref<1x128x1xi32, #tpu.memory_space<vmem>>, vector<1x128x1xi32>,
    %get3A_243 = arith.constant 0 : index
    %get3A_244 = arith.constant 0 : index
    %get3A_245 = arith.constant 0 : index
    %get3A_246 = vector.load %arg7[%get3A_243, %get3A_244, %get3A_245] : memref<1x60x100xf32, #tpu.memory_space<vmem>>, vector<1x60x100xf32>
    %get3A_247 = vector.shape_cast %get3A_246 : vector<1x60x100xf32> to vector<60x100xf32>
    %get3A_248 = arith.constant 0 : index
    %get3A_249 = arith.constant 0 : index
    %get3A_250 = arith.constant 0 : index
    %get3A_251 = vector.load %arg8[%get3A_248, %get3A_249, %get3A_250] : memref<1x32x60xf32, #tpu.memory_space<vmem>>, vector<1x32x60xf32>
    %get3A_252 = vector.shape_cast %get3A_251 : vector<1x32x60xf32> to vector<32x60xf32>
    %get3A_253 = arith.constant 0 : index
    %get3A_254 = arith.constant 0 : index
    %get3A_255 = arith.constant 0 : index
    %get3A_256 = vector.load %arg9[%get3A_253, %get3A_254, %get3A_255] : memref<1x32x1xf32, #tpu.memory_space<vmem>>, vector<1x32x1xf32>
    %get3A_257 = vector.shape_cast %get3A_256 : vector<1x32x1xf32> to vector<32x1xf32>
    %broadcast_in_dim3A_258 = arith.constant 0.000000e+00 : f32
    %broadcast_in_dim3A_259 = vector.broadcast %broadcast_in_dim3A_258 : f32 to vector<32x100xf32>
    %slice3A_260 = vector.extract_strided_slice %get3A_247 {offsets = [0, 0], sizes = [1, 100], strides = [1, 1]} : vector<60x100xf32> to vector<1x100xf32>
    %slice3A_261 = vector.extract_strided_slice %get3A_252 {offsets = [0, 0], sizes = [32, 1], strides = [1, 1]} : vector<32x60xf32> to vector<32x1xf32>
    %sub3A_262 = vector.broadcast %slice3A_260 : vector<1x100xf32> to vector<32x100xf32>
    %sub3A_263 = vector.broadcast %slice3A_261 : vector<32x1xf32> to vector<32x100xf32>
    %sub3A_264 = arith.subf %sub3A_262, %sub3A_263 : vector<32x100xf32>
    %abs3A_265 = math.absf %sub3A_264 : vector<32x100xf32>
    %add3A_266 = arith.addf %broadcast_in_dim3A_259, %abs3A_265 : vector<32x100xf32>
    %slice3A_267 = vector.extract_strided_slice %get3A_247 {offsets = [1, 0], sizes = [1, 100], strides = [1, 1]} : vector<60x100xf32> to vector<1x100xf32>
    %slice3A_268 = vector.extract_strided_slice %get3A_252 {offsets = [0, 1], sizes = [32, 1], strides = [1, 1]} : vector<32x60xf32> to vector<32x1xf32>
    %sub3A_269 = vector.broadcast %slice3A_267 : vector<1x100xf32> to vector<32x100xf32>
    %sub3A_270 = vector.broadcast %slice3A_268 : vector<32x1xf32> to vector<32x100xf32>
    %sub3A_271 = arith.subf %sub3A_269, %sub3A_270 : vector<32x100xf32>
    %abs3A_272 = math.absf %sub3A_271 : vector<32x100xf32>
    %add3A_273 = arith.addf %add3A_266, %abs3A_272 : vector<32x100xf32>
    %slice3A_274 = vector.extract_strided_slice %get3A_247 {offsets = [2, 0], sizes = [1, 100], strides = [1, 1]} : vector<60x100xf32> to vector<1x100xf32>
    %slice3A_275 = vector.extract_strided_slice %get3A_252 {offsets = [0, 2], sizes = [32, 1], strides = [1, 1]} : vector<32x60xf32> to vector<32x1xf32>
    %sub3A_276 = vector.broadcast %slice3A_274 : vector<1x100xf32> to vector<32x100xf32>
    %sub3A_277 = vector.broadcast %slice3A_275 : vector<32x1xf32> to vector<32x100xf32>
    %sub3A_278 = arith.subf %sub3A_276, %sub3A_277 : vector<32x100xf32>
    %abs3A_279 = math.absf %sub3A_278 : vector<32x100xf32>
    %add3A_280 = arith.addf %add3A_273, %abs3A_279 : vector<32x100xf32>
    %slice3A_281 = vector.extract_strided_slice %get3A_247 {offsets = [3, 0], sizes = [1, 100], strides = [1, 1]} : vector<60x100xf32> to vector<1x100xf32>
    %slice3A_282 = vector.extract_strided_slice %get3A_252 {offsets = [0, 3], sizes = [32, 1], strides = [1, 1]} : vector<32x60xf32> to vector<32x1xf32>
    %sub3A_283 = vector.broadcast %slice3A_281 : vector<1x100xf32> to vector<32x100xf32>
    %sub3A_284 = vector.broadcast %slice3A_282 : vector<32x1xf32> to vector<32x100xf32>
    %sub3A_285 = arith.subf %sub3A_283, %sub3A_284 : vector<32x100xf32>
    %abs3A_286 = math.absf %sub3A_285 : vector<32x100xf32>
    %add3A_287 = arith.addf %add3A_280, %abs3A_286 : vector<32x100xf32>
    %slice3A_288 = vector.extract_strided_slice %get3A_247 {offsets = [4, 0], sizes = [1, 100], strides = [1, 1]} : vector<60x100xf32> to vector<1x100xf32>
    %slice3A_289 = vector.extract_strided_slice %get3A_252 {offsets = [0, 4], sizes = [32, 1], strides = [1, 1]} : vector<32x60xf32> to vector<32x1xf32>
    %sub3A_290 = vector.broadcast %slice3A_288 : vector<1x100xf32> to vector<32x100xf32>
    %sub3A_291 = vector.broadcast %slice3A_289 : vector<32x1xf32> to vector<32x100xf32>
    %sub3A_292 = arith.subf %sub3A_290, %sub3A_291 : vector<32x100xf32>
    %abs3A_293 = math.absf %sub3A_292 : vector<32x100xf32>
    %add3A_294 = arith.addf %add3A_287, %abs3A_293 : vector<32x100xf32>
    %slice3A_295 = vector.extract_strided_slice %get3A_247 {offsets = [5, 0], sizes = [1, 100], strides = [1, 1]} : vector<60x100xf32> to vector<1x100xf32>
    %slice3A_296 = vector.extract_strided_slice %get3A_252 {offsets = [0, 5], sizes = [32, 1], strides = [1, 1]} : vector<32x60xf32> to vector<32x1xf32>
    %sub3A_297 = vector.broadcast %slice3A_295 : vector<1x100xf32> to vector<32x100xf32>
    %sub3A_298 = vector.broadcast %slice3A_296 : vector<32x1xf32> to vector<32x100xf32>
    %sub3A_299 = arith.subf %sub3A_297, %sub3A_298 : vector<32x100xf32>
    %abs3A_300 = math.absf %sub3A_299 : vector<32x100xf32>
    %add3A_301 = arith.addf %add3A_294, %abs3A_300 : vector<32x100xf32>
    %slice3A_302 = vector.extract_strided_slice %get3A_247 {offsets = [6, 0], sizes = [1, 100], strides = [1, 1]} : vector<60x100xf32> to vector<1x100xf32>
    %slice3A_303 = vector.extract_strided_slice %get3A_252 {offsets = [0, 6], sizes = [32, 1], strides = [1, 1]} : vector<32x60xf32> to vector<32x1xf32>
    %sub3A_304 = vector.broadcast %slice3A_302 : vector<1x100xf32> to vector<32x100xf32>
    %sub3A_305 = vector.broadcast %slice3A_303 : vector<32x1xf32> to vector<32x100xf32>
    %sub3A_306 = arith.subf %sub3A_304, %sub3A_305 : vector<32x100xf32>
    %abs3A_307 = math.absf %sub3A_306 : vector<32x100xf32>
    %add3A_308 = arith.addf %add3A_301, %abs3A_307 : vector<32x100xf32>
    %slice3A_309 = vector.extract_strided_slice %get3A_247 {offsets = [7, 0], sizes = [1, 100], strides = [1, 1]} : vector<60x100xf32> to vector<1x100xf32>
    %slice3A_310 = vector.extract_strided_slice %get3A_252 {offsets = [0, 7], sizes = [32, 1], strides = [1, 1]} : vector<32x60xf32> to vector<32x1xf32>
    %sub3A_311 = vector.broadcast %slice3A_309 : vector<1x100xf32> to vector<32x100xf32>
    %sub3A_312 = vector.broadcast %slice3A_310 : vector<32x1xf32> to vector<32x100xf32>
    %sub3A_313 = arith.subf %sub3A_311, %sub3A_312 : vector<32x100xf32>
    %abs3A_314 = math.absf %sub3A_313 : vector<32x100xf32>
    %add3A_315 = arith.addf %add3A_308, %abs3A_314 : vector<32x100xf32>
    %slice3A_316 = vector.extract_strided_slice %get3A_247 {offsets = [8, 0], sizes = [1, 100], strides = [1, 1]} : vector<60x100xf32> to vector<1x100xf32>
    %slice3A_317 = vector.extract_strided_slice %get3A_252 {offsets = [0, 8], sizes = [32, 1], strides = [1, 1]} : vector<32x60xf32> to vector<32x1xf32>
    %sub3A_318 = vector.broadcast %slice3A_316 : vector<1x100xf32> to vector<32x100xf32>
    %sub3A_319 = vector.broadcast %slice3A_317 : vector<32x1xf32> to vector<32x100xf32>
    %sub3A_320 = arith.subf %sub3A_318, %sub3A_319 : vector<32x100xf32>
    %abs3A_321 = math.absf %sub3A_320 : vector<32x100xf32>
    %add3A_322 = arith.addf %add3A_315, %abs3A_321 : vector<32x100xf32>
    %slice3A_323 = vector.extract_strided_slice %get3A_247 {offsets = [9, 0], sizes = [1, 100], strides = [1, 1]} : vector<60x100xf32> to vector<1x100xf32>
    %slice3A_324 = vector.extract_strided_slice %get3A_252 {offsets = [0, 9], sizes = [32, 1], strides = [1, 1]} : vector<32x60xf32> to vector<32x1xf32>
    %sub3A_325 = vector.broadcast %slice3A_323 : vector<1x100xf32> to vector<32x100xf32>
    %sub3A_326 = vector.broadcast %slice3A_324 : vector<32x1xf32> to vector<32x100xf32>
    %sub3A_327 = arith.subf %sub3A_325, %sub3A_326 : vector<32x100xf32>
    %abs3A_328 = math.absf %sub3A_327 : vector<32x100xf32>
    %add3A_329 = arith.addf %add3A_322, %abs3A_328 : vector<32x100xf32>
    %slice3A_330 = vector.extract_strided_slice %get3A_247 {offsets = [10, 0], sizes = [1, 100], strides = [1, 1]} : vector<60x100xf32> to vector<1x100xf32>
    %slice3A_331 = vector.extract_strided_slice %get3A_252 {offsets = [0, 10], sizes = [32, 1], strides = [1, 1]} : vector<32x60xf32> to vector<32x1xf32>
    %sub3A_332 = vector.broadcast %slice3A_330 : vector<1x100xf32> to vector<32x100xf32>
    %sub3A_333 = vector.broadcast %slice3A_331 : vector<32x1xf32> to vector<32x100xf32>
    %sub3A_334 = arith.subf %sub3A_332, %sub3A_333 : vector<32x100xf32>
    %abs3A_335 = math.absf %sub3A_334 : vector<32x100xf32>
    %add3A_336 = arith.addf %add3A_329, %abs3A_335 : vector<32x100xf32>
    %slice3A_337 = vector.extract_strided_slice %get3A_247 {offsets = [11, 0], sizes = [1, 100], strides = [1, 1]} : vector<60x100xf32> to vector<1x100xf32>
    %slice3A_338 = vector.extract_strided_slice %get3A_252 {offsets = [0, 11], sizes = [32, 1], strides = [1, 1]} : vector<32x60xf32> to vector<32x1xf32>
    %sub3A_339 = vector.broadcast %slice3A_337 : vector<1x100xf32> to vector<32x100xf32>
    %sub3A_340 = vector.broadcast %slice3A_338 : vector<32x1xf32> to vector<32x100xf32>
    %sub3A_341 = arith.subf %sub3A_339, %sub3A_340 : vector<32x100xf32>
    %abs3A_342 = math.absf %sub3A_341 : vector<32x100xf32>
    %add3A_343 = arith.addf %add3A_336, %abs3A_342 : vector<32x100xf32>
    %slice3A_344 = vector.extract_strided_slice %get3A_247 {offsets = [12, 0], sizes = [1, 100], strides = [1, 1]} : vector<60x100xf32> to vector<1x100xf32>
    %slice3A_345 = vector.extract_strided_slice %get3A_252 {offsets = [0, 12], sizes = [32, 1], strides = [1, 1]} : vector<32x60xf32> to vector<32x1xf32>
    %sub3A_346 = vector.broadcast %slice3A_344 : vector<1x100xf32> to vector<32x100xf32>
    %sub3A_347 = vector.broadcast %slice3A_345 : vector<32x1xf32> to vector<32x100xf32>
    %sub3A_348 = arith.subf %sub3A_346, %sub3A_347 : vector<32x100xf32>
    %abs3A_349 = math.absf %sub3A_348 : vector<32x100xf32>
    %add3A_350 = arith.addf %add3A_343, %abs3A_349 : vector<32x100xf32>
    %slice3A_351 = vector.extract_strided_slice %get3A_247 {offsets = [13, 0], sizes = [1, 100], strides = [1, 1]} : vector<60x100xf32> to vector<1x100xf32>
    %slice3A_352 = vector.extract_strided_slice %get3A_252 {offsets = [0, 13], sizes = [32, 1], strides = [1, 1]} : vector<32x60xf32> to vector<32x1xf32>
    %sub3A_353 = vector.broadcast %slice3A_351 : vector<1x100xf32> to vector<32x100xf32>
    %sub3A_354 = vector.broadcast %slice3A_352 : vector<32x1xf32> to vector<32x100xf32>
    %sub3A_355 = arith.subf %sub3A_353, %sub3A_354 : vector<32x100xf32>
    %abs3A_356 = math.absf %sub3A_355 : vector<32x100xf32>
    %add3A_357 = arith.addf %add3A_350, %abs3A_356 : vector<32x100xf32>
    %slice3A_358 = vector.extract_strided_slice %get3A_247 {offsets = [14, 0], sizes = [1, 100], strides = [1, 1]} : vector<60x100xf32> to vector<1x100xf32>
    %slice3A_359 = vector.extract_strided_slice %get3A_252 {offsets = [0, 14], sizes = [32, 1], strides = [1, 1]} : vector<32x60xf32> to vector<32x1xf32>
    %sub3A_360 = vector.broadcast %slice3A_358 : vector<1x100xf32> to vector<32x100xf32>
    %sub3A_361 = vector.broadcast %slice3A_359 : vector<32x1xf32> to vector<32x100xf32>
    %sub3A_362 = arith.subf %sub3A_360, %sub3A_361 : vector<32x100xf32>
    %abs3A_363 = math.absf %sub3A_362 : vector<32x100xf32>
    %add3A_364 = arith.addf %add3A_357, %abs3A_363 : vector<32x100xf32>
    %slice3A_365 = vector.extract_strided_slice %get3A_247 {offsets = [15, 0], sizes = [1, 100], strides = [1, 1]} : vector<60x100xf32> to vector<1x100xf32>
    %slice3A_366 = vector.extract_strided_slice %get3A_252 {offsets = [0, 15], sizes = [32, 1], strides = [1, 1]} : vector<32x60xf32> to vector<32x1xf32>
    %sub3A_367 = vector.broadcast %slice3A_365 : vector<1x100xf32> to vector<32x100xf32>
    %sub3A_368 = vector.broadcast %slice3A_366 : vector<32x1xf32> to vector<32x100xf32>
    %sub3A_369 = arith.subf %sub3A_367, %sub3A_368 : vector<32x100xf32>
    %abs3A_370 = math.absf %sub3A_369 : vector<32x100xf32>
    %add3A_371 = arith.addf %add3A_364, %abs3A_370 : vector<32x100xf32>
    %slice3A_372 = vector.extract_strided_slice %get3A_247 {offsets = [16, 0], sizes = [1, 100], strides = [1, 1]} : vector<60x100xf32> to vector<1x100xf32>
    %slice3A_373 = vector.extract_strided_slice %get3A_252 {offsets = [0, 16], sizes = [32, 1], strides = [1, 1]} : vector<32x60xf32> to vector<32x1xf32>
    %sub3A_374 = vector.broadcast %slice3A_372 : vector<1x100xf32> to vector<32x100xf32>
    %sub3A_375 = vector.broadcast %slice3A_373 : vector<32x1xf32> to vector<32x100xf32>
    %sub3A_376 = arith.subf %sub3A_374, %sub3A_375 : vector<32x100xf32>
    %abs3A_377 = math.absf %sub3A_376 : vector<32x100xf32>
    %add3A_378 = arith.addf %add3A_371, %abs3A_377 : vector<32x100xf32>
    %slice3A_379 = vector.extract_strided_slice %get3A_247 {offsets = [17, 0], sizes = [1, 100], strides = [1, 1]} : vector<60x100xf32> to vector<1x100xf32>
    %slice3A_380 = vector.extract_strided_slice %get3A_252 {offsets = [0, 17], sizes = [32, 1], strides = [1, 1]} : vector<32x60xf32> to vector<32x1xf32>
    %sub3A_381 = vector.broadcast %slice3A_379 : vector<1x100xf32> to vector<32x100xf32>
    %sub3A_382 = vector.broadcast %slice3A_380 : vector<32x1xf32> to vector<32x100xf32>
    %sub3A_383 = arith.subf %sub3A_381, %sub3A_382 : vector<32x100xf32>
    %abs3A_384 = math.absf %sub3A_383 : vector<32x100xf32>
    %add3A_385 = arith.addf %add3A_378, %abs3A_384 : vector<32x100xf32>
    %slice3A_386 = vector.extract_strided_slice %get3A_247 {offsets = [18, 0], sizes = [1, 100], strides = [1, 1]} : vector<60x100xf32> to vector<1x100xf32>
    %slice3A_387 = vector.extract_strided_slice %get3A_252 {offsets = [0, 18], sizes = [32, 1], strides = [1, 1]} : vector<32x60xf32> to vector<32x1xf32>
    %sub3A_388 = vector.broadcast %slice3A_386 : vector<1x100xf32> to vector<32x100xf32>
    %sub3A_389 = vector.broadcast %slice3A_387 : vector<32x1xf32> to vector<32x100xf32>
    %sub3A_390 = arith.subf %sub3A_388, %sub3A_389 : vector<32x100xf32>
    %abs3A_391 = math.absf %sub3A_390 : vector<32x100xf32>
    %add3A_392 = arith.addf %add3A_385, %abs3A_391 : vector<32x100xf32>
    %slice3A_393 = vector.extract_strided_slice %get3A_247 {offsets = [19, 0], sizes = [1, 100], strides = [1, 1]} : vector<60x100xf32> to vector<1x100xf32>
    %slice3A_394 = vector.extract_strided_slice %get3A_252 {offsets = [0, 19], sizes = [32, 1], strides = [1, 1]} : vector<32x60xf32> to vector<32x1xf32>
    %sub3A_395 = vector.broadcast %slice3A_393 : vector<1x100xf32> to vector<32x100xf32>
    %sub3A_396 = vector.broadcast %slice3A_394 : vector<32x1xf32> to vector<32x100xf32>
    %sub3A_397 = arith.subf %sub3A_395, %sub3A_396 : vector<32x100xf32>
    %abs3A_398 = math.absf %sub3A_397 : vector<32x100xf32>
    %add3A_399 = arith.addf %add3A_392, %abs3A_398 : vector<32x100xf32>
    %slice3A_400 = vector.extract_strided_slice %get3A_247 {offsets = [20, 0], sizes = [1, 100], strides = [1, 1]} : vector<60x100xf32> to vector<1x100xf32>
    %slice3A_401 = vector.extract_strided_slice %get3A_252 {offsets = [0, 20], sizes = [32, 1], strides = [1, 1]} : vector<32x60xf32> to vector<32x1xf32>
    %sub3A_402 = vector.broadcast %slice3A_400 : vector<1x100xf32> to vector<32x100xf32>
    %sub3A_403 = vector.broadcast %slice3A_401 : vector<32x1xf32> to vector<32x100xf32>
    %sub3A_404 = arith.subf %sub3A_402, %sub3A_403 : vector<32x100xf32>
    %abs3A_405 = math.absf %sub3A_404 : vector<32x100xf32>
    %add3A_406 = arith.addf %add3A_399, %abs3A_405 : vector<32x100xf32>
    %slice3A_407 = vector.extract_strided_slice %get3A_247 {offsets = [21, 0], sizes = [1, 100], strides = [1, 1]} : vector<60x100xf32> to vector<1x100xf32>
    %slice3A_408 = vector.extract_strided_slice %get3A_252 {offsets = [0, 21], sizes = [32, 1], strides = [1, 1]} : vector<32x60xf32> to vector<32x1xf32>
    %sub3A_409 = vector.broadcast %slice3A_407 : vector<1x100xf32> to vector<32x100xf32>
    %sub3A_410 = vector.broadcast %slice3A_408 : vector<32x1xf32> to vector<32x100xf32>
    %sub3A_411 = arith.subf %sub3A_409, %sub3A_410 : vector<32x100xf32>
    %abs3A_412 = math.absf %sub3A_411 : vector<32x100xf32>
    %add3A_413 = arith.addf %add3A_406, %abs3A_412 : vector<32x100xf32>
    %slice3A_414 = vector.extract_strided_slice %get3A_247 {offsets = [22, 0], sizes = [1, 100], strides = [1, 1]} : vector<60x100xf32> to vector<1x100xf32>
    %slice3A_415 = vector.extract_strided_slice %get3A_252 {offsets = [0, 22], sizes = [32, 1], strides = [1, 1]} : vector<32x60xf32> to vector<32x1xf32>
    %sub3A_416 = vector.broadcast %slice3A_414 : vector<1x100xf32> to vector<32x100xf32>
    %sub3A_417 = vector.broadcast %slice3A_415 : vector<32x1xf32> to vector<32x100xf32>
    %sub3A_418 = arith.subf %sub3A_416, %sub3A_417 : vector<32x100xf32>
    %abs3A_419 = math.absf %sub3A_418 : vector<32x100xf32>
    %add3A_420 = arith.addf %add3A_413, %abs3A_419 : vector<32x100xf32>
    %slice3A_421 = vector.extract_strided_slice %get3A_247 {offsets = [23, 0], sizes = [1, 100], strides = [1, 1]} : vector<60x100xf32> to vector<1x100xf32>
    %slice3A_422 = vector.extract_strided_slice %get3A_252 {offsets = [0, 23], sizes = [32, 1], strides = [1, 1]} : vector<32x60xf32> to vector<32x1xf32>
    %sub3A_423 = vector.broadcast %slice3A_421 : vector<1x100xf32> to vector<32x100xf32>
    %sub3A_424 = vector.broadcast %slice3A_422 : vector<32x1xf32> to vector<32x100xf32>
    %sub3A_425 = arith.subf %sub3A_423, %sub3A_424 : vector<32x100xf32>
    %abs3A_426 = math.absf %sub3A_425 : vector<32x100xf32>
    %add3A_427 = arith.addf %add3A_420, %abs3A_426 : vector<32x100xf32>
    %slice3A_428 = vector.extract_strided_slice %get3A_247 {offsets = [24, 0], sizes = [1, 100], strides = [1, 1]} : vector<60x100xf32> to vector<1x100xf32>
    %slice3A_429 = vector.extract_strided_slice %get3A_252 {offsets = [0, 24], sizes = [32, 1], strides = [1, 1]} : vector<32x60xf32> to vector<32x1xf32>
    %sub3A_430 = vector.broadcast %slice3A_428 : vector<1x100xf32> to vector<32x100xf32>
    %sub3A_431 = vector.broadcast %slice3A_429 : vector<32x1xf32> to vector<32x100xf32>
    %sub3A_432 = arith.subf %sub3A_430, %sub3A_431 : vector<32x100xf32>
    %abs3A_433 = math.absf %sub3A_432 : vector<32x100xf32>
    %add3A_434 = arith.addf %add3A_427, %abs3A_433 : vector<32x100xf32>
    %slice3A_435 = vector.extract_strided_slice %get3A_247 {offsets = [25, 0], sizes = [1, 100], strides = [1, 1]} : vector<60x100xf32> to vector<1x100xf32>
    %slice3A_436 = vector.extract_strided_slice %get3A_252 {offsets = [0, 25], sizes = [32, 1], strides = [1, 1]} : vector<32x60xf32> to vector<32x1xf32>
    %sub3A_437 = vector.broadcast %slice3A_435 : vector<1x100xf32> to vector<32x100xf32>
    %sub3A_438 = vector.broadcast %slice3A_436 : vector<32x1xf32> to vector<32x100xf32>
    %sub3A_439 = arith.subf %sub3A_437, %sub3A_438 : vector<32x100xf32>
    %abs3A_440 = math.absf %sub3A_439 : vector<32x100xf32>
    %add3A_441 = arith.addf %add3A_434, %abs3A_440 : vector<32x100xf32>
    %slice3A_442 = vector.extract_strided_slice %get3A_247 {offsets = [26, 0], sizes = [1, 100], strides = [1, 1]} : vector<60x100xf32> to vector<1x100xf32>
    %slice3A_443 = vector.extract_strided_slice %get3A_252 {offsets = [0, 26], sizes = [32, 1], strides = [1, 1]} : vector<32x60xf32> to vector<32x1xf32>
    %sub3A_444 = vector.broadcast %slice3A_442 : vector<1x100xf32> to vector<32x100xf32>
    %sub3A_445 = vector.broadcast %slice3A_443 : vector<32x1xf32> to vector<32x100xf32>
    %sub3A_446 = arith.subf %sub3A_444, %sub3A_445 : vector<32x100xf32>
    %abs3A_447 = math.absf %sub3A_446 : vector<32x100xf32>
    %add3A_448 = arith.addf %add3A_441, %abs3A_447 : vector<32x100xf32>
    %slice3A_449 = vector.extract_strided_slice %get3A_247 {offsets = [27, 0], sizes = [1, 100], strides = [1, 1]} : vector<60x100xf32> to vector<1x100xf32>
    %slice3A_450 = vector.extract_strided_slice %get3A_252 {offsets = [0, 27], sizes = [32, 1], strides = [1, 1]} : vector<32x60xf32> to vector<32x1xf32>
    %sub3A_451 = vector.broadcast %slice3A_449 : vector<1x100xf32> to vector<32x100xf32>
    %sub3A_452 = vector.broadcast %slice3A_450 : vector<32x1xf32> to vector<32x100xf32>
    %sub3A_453 = arith.subf %sub3A_451, %sub3A_452 : vector<32x100xf32>
    %abs3A_454 = math.absf %sub3A_453 : vector<32x100xf32>
    %add3A_455 = arith.addf %add3A_448, %abs3A_454 : vector<32x100xf32>
    %slice3A_456 = vector.extract_strided_slice %get3A_247 {offsets = [28, 0], sizes = [1, 100], strides = [1, 1]} : vector<60x100xf32> to vector<1x100xf32>
    %slice3A_457 = vector.extract_strided_slice %get3A_252 {offsets = [0, 28], sizes = [32, 1], strides = [1, 1]} : vector<32x60xf32> to vector<32x1xf32>
    %sub3A_458 = vector.broadcast %slice3A_456 : vector<1x100xf32> to vector<32x100xf32>
    %sub3A_459 = vector.broadcast %slice3A_457 : vector<32x1xf32> to vector<32x100xf32>
    %sub3A_460 = arith.subf %sub3A_458, %sub3A_459 : vector<32x100xf32>
    %abs3A_461 = math.absf %sub3A_460 : vector<32x100xf32>
    %add3A_462 = arith.addf %add3A_455, %abs3A_461 : vector<32x100xf32>
    %slice3A_463 = vector.extract_strided_slice %get3A_247 {offsets = [29, 0], sizes = [1, 100], strides = [1, 1]} : vector<60x100xf32> to vector<1x100xf32>
    %slice3A_464 = vector.extract_strided_slice %get3A_252 {offsets = [0, 29], sizes = [32, 1], strides = [1, 1]} : vector<32x60xf32> to vector<32x1xf32>
    %sub3A_465 = vector.broadcast %slice3A_463 : vector<1x100xf32> to vector<32x100xf32>
    %sub3A_466 = vector.broadcast %slice3A_464 : vector<32x1xf32> to vector<32x100xf32>
    %sub3A_467 = arith.subf %sub3A_465, %sub3A_466 : vector<32x100xf32>
    %abs3A_468 = math.absf %sub3A_467 : vector<32x100xf32>
    %add3A_469 = arith.addf %add3A_462, %abs3A_468 : vector<32x100xf32>
    %slice3A_470 = vector.extract_strided_slice %get3A_247 {offsets = [30, 0], sizes = [1, 100], strides = [1, 1]} : vector<60x100xf32> to vector<1x100xf32>
    %slice3A_471 = vector.extract_strided_slice %get3A_252 {offsets = [0, 30], sizes = [32, 1], strides = [1, 1]} : vector<32x60xf32> to vector<32x1xf32>
    %sub3A_472 = vector.broadcast %slice3A_470 : vector<1x100xf32> to vector<32x100xf32>
    %sub3A_473 = vector.broadcast %slice3A_471 : vector<32x1xf32> to vector<32x100xf32>
    %sub3A_474 = arith.subf %sub3A_472, %sub3A_473 : vector<32x100xf32>
    %abs3A_475 = math.absf %sub3A_474 : vector<32x100xf32>
    %add3A_476 = arith.addf %add3A_469, %abs3A_475 : vector<32x100xf32>
    %slice3A_477 = vector.extract_strided_slice %get3A_247 {offsets = [31, 0], sizes = [1, 100], strides = [1, 1]} : vector<60x100xf32> to vector<1x100xf32>
    %slice3A_478 = vector.extract_strided_slice %get3A_252 {offsets = [0, 31], sizes = [32, 1], strides = [1, 1]} : vector<32x60xf32> to vector<32x1xf32>
    %sub3A_479 = vector.broadcast %slice3A_477 : vector<1x100xf32> to vector<32x100xf32>
    %sub3A_480 = vector.broadcast %slice3A_478 : vector<32x1xf32> to vector<32x100xf32>
    %sub3A_481 = arith.subf %sub3A_479, %sub3A_480 : vector<32x100xf32>
    %abs3A_482 = math.absf %sub3A_481 : vector<32x100xf32>
    %add3A_483 = arith.addf %add3A_476, %abs3A_482 : vector<32x100xf32>
    %slice3A_484 = vector.extract_strided_slice %get3A_247 {offsets = [32, 0], sizes = [1, 100], strides = [1, 1]} : vector<60x100xf32> to vector<1x100xf32>
    %slice3A_485 = vector.extract_strided_slice %get3A_252 {offsets = [0, 32], sizes = [32, 1], strides = [1, 1]} : vector<32x60xf32> to vector<32x1xf32>
    %sub3A_486 = vector.broadcast %slice3A_484 : vector<1x100xf32> to vector<32x100xf32>
    %sub3A_487 = vector.broadcast %slice3A_485 : vector<32x1xf32> to vector<32x100xf32>
    %sub3A_488 = arith.subf %sub3A_486, %sub3A_487 : vector<32x100xf32>
    %abs3A_489 = math.absf %sub3A_488 : vector<32x100xf32>
    %add3A_490 = arith.addf %add3A_483, %abs3A_489 : vector<32x100xf32>
    %slice3A_491 = vector.extract_strided_slice %get3A_247 {offsets = [33, 0], sizes = [1, 100], strides = [1, 1]} : vector<60x100xf32> to vector<1x100xf32>
    %slice3A_492 = vector.extract_strided_slice %get3A_252 {offsets = [0, 33], sizes = [32, 1], strides = [1, 1]} : vector<32x60xf32> to vector<32x1xf32>
    %sub3A_493 = vector.broadcast %slice3A_491 : vector<1x100xf32> to vector<32x100xf32>
    %sub3A_494 = vector.broadcast %slice3A_492 : vector<32x1xf32> to vector<32x100xf32>
    %sub3A_495 = arith.subf %sub3A_493, %sub3A_494 : vector<32x100xf32>
    %abs3A_496 = math.absf %sub3A_495 : vector<32x100xf32>
    %add3A_497 = arith.addf %add3A_490, %abs3A_496 : vector<32x100xf32>
    %slice3A_498 = vector.extract_strided_slice %get3A_247 {offsets = [34, 0], sizes = [1, 100], strides = [1, 1]} : vector<60x100xf32> to vector<1x100xf32>
    %slice3A_499 = vector.extract_strided_slice %get3A_252 {offsets = [0, 34], sizes = [32, 1], strides = [1, 1]} : vector<32x60xf32> to vector<32x1xf32>
    %sub3A_500 = vector.broadcast %slice3A_498 : vector<1x100xf32> to vector<32x100xf32>
    %sub3A_501 = vector.broadcast %slice3A_499 : vector<32x1xf32> to vector<32x100xf32>
    %sub3A_502 = arith.subf %sub3A_500, %sub3A_501 : vector<32x100xf32>
    %abs3A_503 = math.absf %sub3A_502 : vector<32x100xf32>
    %add3A_504 = arith.addf %add3A_497, %abs3A_503 : vector<32x100xf32>
    %slice3A_505 = vector.extract_strided_slice %get3A_247 {offsets = [35, 0], sizes = [1, 100], strides = [1, 1]} : vector<60x100xf32> to vector<1x100xf32>
    %slice3A_506 = vector.extract_strided_slice %get3A_252 {offsets = [0, 35], sizes = [32, 1], strides = [1, 1]} : vector<32x60xf32> to vector<32x1xf32>
    %sub3A_507 = vector.broadcast %slice3A_505 : vector<1x100xf32> to vector<32x100xf32>
    %sub3A_508 = vector.broadcast %slice3A_506 : vector<32x1xf32> to vector<32x100xf32>
    %sub3A_509 = arith.subf %sub3A_507, %sub3A_508 : vector<32x100xf32>
    %abs3A_510 = math.absf %sub3A_509 : vector<32x100xf32>
    %add3A_511 = arith.addf %add3A_504, %abs3A_510 : vector<32x100xf32>
    %slice3A_512 = vector.extract_strided_slice %get3A_247 {offsets = [36, 0], sizes = [1, 100], strides = [1, 1]} : vector<60x100xf32> to vector<1x100xf32>
    %slice3A_513 = vector.extract_strided_slice %get3A_252 {offsets = [0, 36], sizes = [32, 1], strides = [1, 1]} : vector<32x60xf32> to vector<32x1xf32>
    %sub3A_514 = vector.broadcast %slice3A_512 : vector<1x100xf32> to vector<32x100xf32>
    %sub3A_515 = vector.broadcast %slice3A_513 : vector<32x1xf32> to vector<32x100xf32>
    %sub3A_516 = arith.subf %sub3A_514, %sub3A_515 : vector<32x100xf32>
    %abs3A_517 = math.absf %sub3A_516 : vector<32x100xf32>
    %add3A_518 = arith.addf %add3A_511, %abs3A_517 : vector<32x100xf32>
    %slice3A_519 = vector.extract_strided_slice %get3A_247 {offsets = [37, 0], sizes = [1, 100], strides = [1, 1]} : vector<60x100xf32> to vector<1x100xf32>
    %slice3A_520 = vector.extract_strided_slice %get3A_252 {offsets = [0, 37], sizes = [32, 1], strides = [1, 1]} : vector<32x60xf32> to vector<32x1xf32>
    %sub3A_521 = vector.broadcast %slice3A_519 : vector<1x100xf32> to vector<32x100xf32>
    %sub3A_522 = vector.broadcast %slice3A_520 : vector<32x1xf32> to vector<32x100xf32>
    %sub3A_523 = arith.subf %sub3A_521, %sub3A_522 : vector<32x100xf32>
    %abs3A_524 = math.absf %sub3A_523 : vector<32x100xf32>
    %add3A_525 = arith.addf %add3A_518, %abs3A_524 : vector<32x100xf32>
    %slice3A_526 = vector.extract_strided_slice %get3A_247 {offsets = [38, 0], sizes = [1, 100], strides = [1, 1]} : vector<60x100xf32> to vector<1x100xf32>
    %slice3A_527 = vector.extract_strided_slice %get3A_252 {offsets = [0, 38], sizes = [32, 1], strides = [1, 1]} : vector<32x60xf32> to vector<32x1xf32>
    %sub3A_528 = vector.broadcast %slice3A_526 : vector<1x100xf32> to vector<32x100xf32>
    %sub3A_529 = vector.broadcast %slice3A_527 : vector<32x1xf32> to vector<32x100xf32>
    %sub3A_530 = arith.subf %sub3A_528, %sub3A_529 : vector<32x100xf32>
    %abs3A_531 = math.absf %sub3A_530 : vector<32x100xf32>
    %add3A_532 = arith.addf %add3A_525, %abs3A_531 : vector<32x100xf32>
    %slice3A_533 = vector.extract_strided_slice %get3A_247 {offsets = [39, 0], sizes = [1, 100], strides = [1, 1]} : vector<60x100xf32> to vector<1x100xf32>
    %slice3A_534 = vector.extract_strided_slice %get3A_252 {offsets = [0, 39], sizes = [32, 1], strides = [1, 1]} : vector<32x60xf32> to vector<32x1xf32>
    %sub3A_535 = vector.broadcast %slice3A_533 : vector<1x100xf32> to vector<32x100xf32>
    %sub3A_536 = vector.broadcast %slice3A_534 : vector<32x1xf32> to vector<32x100xf32>
    %sub3A_537 = arith.subf %sub3A_535, %sub3A_536 : vector<32x100xf32>
    %abs3A_538 = math.absf %sub3A_537 : vector<32x100xf32>
    %add3A_539 = arith.addf %add3A_532, %abs3A_538 : vector<32x100xf32>
    %slice3A_540 = vector.extract_strided_slice %get3A_247 {offsets = [40, 0], sizes = [1, 100], strides = [1, 1]} : vector<60x100xf32> to vector<1x100xf32>
    %slice3A_541 = vector.extract_strided_slice %get3A_252 {offsets = [0, 40], sizes = [32, 1], strides = [1, 1]} : vector<32x60xf32> to vector<32x1xf32>
    %sub3A_542 = vector.broadcast %slice3A_540 : vector<1x100xf32> to vector<32x100xf32>
    %sub3A_543 = vector.broadcast %slice3A_541 : vector<32x1xf32> to vector<32x100xf32>
    %sub3A_544 = arith.subf %sub3A_542, %sub3A_543 : vector<32x100xf32>
    %abs3A_545 = math.absf %sub3A_544 : vector<32x100xf32>
    %add3A_546 = arith.addf %add3A_539, %abs3A_545 : vector<32x100xf32>
    %slice3A_547 = vector.extract_strided_slice %get3A_247 {offsets = [41, 0], sizes = [1, 100], strides = [1, 1]} : vector<60x100xf32> to vector<1x100xf32>
    %slice3A_548 = vector.extract_strided_slice %get3A_252 {offsets = [0, 41], sizes = [32, 1], strides = [1, 1]} : vector<32x60xf32> to vector<32x1xf32>
    %sub3A_549 = vector.broadcast %slice3A_547 : vector<1x100xf32> to vector<32x100xf32>
    %sub3A_550 = vector.broadcast %slice3A_548 : vector<32x1xf32> to vector<32x100xf32>
    %sub3A_551 = arith.subf %sub3A_549, %sub3A_550 : vector<32x100xf32>
    %abs3A_552 = math.absf %sub3A_551 : vector<32x100xf32>
    %add3A_553 = arith.addf %add3A_546, %abs3A_552 : vector<32x100xf32>
    %slice3A_554 = vector.extract_strided_slice %get3A_247 {offsets = [42, 0], sizes = [1, 100], strides = [1, 1]} : vector<60x100xf32> to vector<1x100xf32>
    %slice3A_555 = vector.extract_strided_slice %get3A_252 {offsets = [0, 42], sizes = [32, 1], strides = [1, 1]} : vector<32x60xf32> to vector<32x1xf32>
    %sub3A_556 = vector.broadcast %slice3A_554 : vector<1x100xf32> to vector<32x100xf32>
    %sub3A_557 = vector.broadcast %slice3A_555 : vector<32x1xf32> to vector<32x100xf32>
    %sub3A_558 = arith.subf %sub3A_556, %sub3A_557 : vector<32x100xf32>
    %abs3A_559 = math.absf %sub3A_558 : vector<32x100xf32>
    %add3A_560 = arith.addf %add3A_553, %abs3A_559 : vector<32x100xf32>
    %slice3A_561 = vector.extract_strided_slice %get3A_247 {offsets = [43, 0], sizes = [1, 100], strides = [1, 1]} : vector<60x100xf32> to vector<1x100xf32>
    %slice3A_562 = vector.extract_strided_slice %get3A_252 {offsets = [0, 43], sizes = [32, 1], strides = [1, 1]} : vector<32x60xf32> to vector<32x1xf32>
    %sub3A_563 = vector.broadcast %slice3A_561 : vector<1x100xf32> to vector<32x100xf32>
    %sub3A_564 = vector.broadcast %slice3A_562 : vector<32x1xf32> to vector<32x100xf32>
    %sub3A_565 = arith.subf %sub3A_563, %sub3A_564 : vector<32x100xf32>
    %abs3A_566 = math.absf %sub3A_565 : vector<32x100xf32>
    %add3A_567 = arith.addf %add3A_560, %abs3A_566 : vector<32x100xf32>
    %slice3A_568 = vector.extract_strided_slice %get3A_247 {offsets = [44, 0], sizes = [1, 100], strides = [1, 1]} : vector<60x100xf32> to vector<1x100xf32>
    %slice3A_569 = vector.extract_strided_slice %get3A_252 {offsets = [0, 44], sizes = [32, 1], strides = [1, 1]} : vector<32x60xf32> to vector<32x1xf32>
    %sub3A_570 = vector.broadcast %slice3A_568 : vector<1x100xf32> to vector<32x100xf32>
    %sub3A_571 = vector.broadcast %slice3A_569 : vector<32x1xf32> to vector<32x100xf32>
    %sub3A_572 = arith.subf %sub3A_570, %sub3A_571 : vector<32x100xf32>
    %abs3A_573 = math.absf %sub3A_572 : vector<32x100xf32>
    %add3A_574 = arith.addf %add3A_567, %abs3A_573 : vector<32x100xf32>
    %slice3A_575 = vector.extract_strided_slice %get3A_247 {offsets = [45, 0], sizes = [1, 100], strides = [1, 1]} : vector<60x100xf32> to vector<1x100xf32>
    %slice3A_576 = vector.extract_strided_slice %get3A_252 {offsets = [0, 45], sizes = [32, 1], strides = [1, 1]} : vector<32x60xf32> to vector<32x1xf32>
    %sub3A_577 = vector.broadcast %slice3A_575 : vector<1x100xf32> to vector<32x100xf32>
    %sub3A_578 = vector.broadcast %slice3A_576 : vector<32x1xf32> to vector<32x100xf32>
    %sub3A_579 = arith.subf %sub3A_577, %sub3A_578 : vector<32x100xf32>
    %abs3A_580 = math.absf %sub3A_579 : vector<32x100xf32>
    %add3A_581 = arith.addf %add3A_574, %abs3A_580 : vector<32x100xf32>
    %slice3A_582 = vector.extract_strided_slice %get3A_247 {offsets = [46, 0], sizes = [1, 100], strides = [1, 1]} : vector<60x100xf32> to vector<1x100xf32>
    %slice3A_583 = vector.extract_strided_slice %get3A_252 {offsets = [0, 46], sizes = [32, 1], strides = [1, 1]} : vector<32x60xf32> to vector<32x1xf32>
    %sub3A_584 = vector.broadcast %slice3A_582 : vector<1x100xf32> to vector<32x100xf32>
    %sub3A_585 = vector.broadcast %slice3A_583 : vector<32x1xf32> to vector<32x100xf32>
    %sub3A_586 = arith.subf %sub3A_584, %sub3A_585 : vector<32x100xf32>
    %abs3A_587 = math.absf %sub3A_586 : vector<32x100xf32>
    %add3A_588 = arith.addf %add3A_581, %abs3A_587 : vector<32x100xf32>
    %slice3A_589 = vector.extract_strided_slice %get3A_247 {offsets = [47, 0], sizes = [1, 100], strides = [1, 1]} : vector<60x100xf32> to vector<1x100xf32>
    %slice3A_590 = vector.extract_strided_slice %get3A_252 {offsets = [0, 47], sizes = [32, 1], strides = [1, 1]} : vector<32x60xf32> to vector<32x1xf32>
    %sub3A_591 = vector.broadcast %slice3A_589 : vector<1x100xf32> to vector<32x100xf32>
    %sub3A_592 = vector.broadcast %slice3A_590 : vector<32x1xf32> to vector<32x100xf32>
    %sub3A_593 = arith.subf %sub3A_591, %sub3A_592 : vector<32x100xf32>
    %abs3A_594 = math.absf %sub3A_593 : vector<32x100xf32>
    %add3A_595 = arith.addf %add3A_588, %abs3A_594 : vector<32x100xf32>
    %slice3A_596 = vector.extract_strided_slice %get3A_247 {offsets = [48, 0], sizes = [1, 100], strides = [1, 1]} : vector<60x100xf32> to vector<1x100xf32>
    %slice3A_597 = vector.extract_strided_slice %get3A_252 {offsets = [0, 48], sizes = [32, 1], strides = [1, 1]} : vector<32x60xf32> to vector<32x1xf32>
    %sub3A_598 = vector.broadcast %slice3A_596 : vector<1x100xf32> to vector<32x100xf32>
    %sub3A_599 = vector.broadcast %slice3A_597 : vector<32x1xf32> to vector<32x100xf32>
    %sub3A_600 = arith.subf %sub3A_598, %sub3A_599 : vector<32x100xf32>
    %abs3A_601 = math.absf %sub3A_600 : vector<32x100xf32>
    %add3A_602 = arith.addf %add3A_595, %abs3A_601 : vector<32x100xf32>
    %slice3A_603 = vector.extract_strided_slice %get3A_247 {offsets = [49, 0], sizes = [1, 100], strides = [1, 1]} : vector<60x100xf32> to vector<1x100xf32>
    %slice3A_604 = vector.extract_strided_slice %get3A_252 {offsets = [0, 49], sizes = [32, 1], strides = [1, 1]} : vector<32x60xf32> to vector<32x1xf32>
    %sub3A_605 = vector.broadcast %slice3A_603 : vector<1x100xf32> to vector<32x100xf32>
    %sub3A_606 = vector.broadcast %slice3A_604 : vector<32x1xf32> to vector<32x100xf32>
    %sub3A_607 = arith.subf %sub3A_605, %sub3A_606 : vector<32x100xf32>
    %abs3A_608 = math.absf %sub3A_607 : vector<32x100xf32>
    %add3A_609 = arith.addf %add3A_602, %abs3A_608 : vector<32x100xf32>
    %slice3A_610 = vector.extract_strided_slice %get3A_247 {offsets = [50, 0], sizes = [1, 100], strides = [1, 1]} : vector<60x100xf32> to vector<1x100xf32>
    %slice3A_611 = vector.extract_strided_slice %get3A_252 {offsets = [0, 50], sizes = [32, 1], strides = [1, 1]} : vector<32x60xf32> to vector<32x1xf32>
    %sub3A_612 = vector.broadcast %slice3A_610 : vector<1x100xf32> to vector<32x100xf32>
    %sub3A_613 = vector.broadcast %slice3A_611 : vector<32x1xf32> to vector<32x100xf32>
    %sub3A_614 = arith.subf %sub3A_612, %sub3A_613 : vector<32x100xf32>
    %abs3A_615 = math.absf %sub3A_614 : vector<32x100xf32>
    %add3A_616 = arith.addf %add3A_609, %abs3A_615 : vector<32x100xf32>
    %slice3A_617 = vector.extract_strided_slice %get3A_247 {offsets = [51, 0], sizes = [1, 100], strides = [1, 1]} : vector<60x100xf32> to vector<1x100xf32>
    %slice3A_618 = vector.extract_strided_slice %get3A_252 {offsets = [0, 51], sizes = [32, 1], strides = [1, 1]} : vector<32x60xf32> to vector<32x1xf32>
    %sub3A_619 = vector.broadcast %slice3A_617 : vector<1x100xf32> to vector<32x100xf32>
    %sub3A_620 = vector.broadcast %slice3A_618 : vector<32x1xf32> to vector<32x100xf32>
    %sub3A_621 = arith.subf %sub3A_619, %sub3A_620 : vector<32x100xf32>
    %abs3A_622 = math.absf %sub3A_621 : vector<32x100xf32>
    %add3A_623 = arith.addf %add3A_616, %abs3A_622 : vector<32x100xf32>
    %slice3A_624 = vector.extract_strided_slice %get3A_247 {offsets = [52, 0], sizes = [1, 100], strides = [1, 1]} : vector<60x100xf32> to vector<1x100xf32>
    %slice3A_625 = vector.extract_strided_slice %get3A_252 {offsets = [0, 52], sizes = [32, 1], strides = [1, 1]} : vector<32x60xf32> to vector<32x1xf32>
    %sub3A_626 = vector.broadcast %slice3A_624 : vector<1x100xf32> to vector<32x100xf32>
    %sub3A_627 = vector.broadcast %slice3A_625 : vector<32x1xf32> to vector<32x100xf32>
    %sub3A_628 = arith.subf %sub3A_626, %sub3A_627 : vector<32x100xf32>
    %abs3A_629 = math.absf %sub3A_628 : vector<32x100xf32>
    %add3A_630 = arith.addf %add3A_623, %abs3A_629 : vector<32x100xf32>
    %slice3A_631 = vector.extract_strided_slice %get3A_247 {offsets = [53, 0], sizes = [1, 100], strides = [1, 1]} : vector<60x100xf32> to vector<1x100xf32>
    %slice3A_632 = vector.extract_strided_slice %get3A_252 {offsets = [0, 53], sizes = [32, 1], strides = [1, 1]} : vector<32x60xf32> to vector<32x1xf32>
    %sub3A_633 = vector.broadcast %slice3A_631 : vector<1x100xf32> to vector<32x100xf32>
    %sub3A_634 = vector.broadcast %slice3A_632 : vector<32x1xf32> to vector<32x100xf32>
    %sub3A_635 = arith.subf %sub3A_633, %sub3A_634 : vector<32x100xf32>
    %abs3A_636 = math.absf %sub3A_635 : vector<32x100xf32>
    %add3A_637 = arith.addf %add3A_630, %abs3A_636 : vector<32x100xf32>
    %slice3A_638 = vector.extract_strided_slice %get3A_247 {offsets = [54, 0], sizes = [1, 100], strides = [1, 1]} : vector<60x100xf32> to vector<1x100xf32>
    %slice3A_639 = vector.extract_strided_slice %get3A_252 {offsets = [0, 54], sizes = [32, 1], strides = [1, 1]} : vector<32x60xf32> to vector<32x1xf32>
    %sub3A_640 = vector.broadcast %slice3A_638 : vector<1x100xf32> to vector<32x100xf32>
    %sub3A_641 = vector.broadcast %slice3A_639 : vector<32x1xf32> to vector<32x100xf32>
    %sub3A_642 = arith.subf %sub3A_640, %sub3A_641 : vector<32x100xf32>
    %abs3A_643 = math.absf %sub3A_642 : vector<32x100xf32>
    %add3A_644 = arith.addf %add3A_637, %abs3A_643 : vector<32x100xf32>
    %slice3A_645 = vector.extract_strided_slice %get3A_247 {offsets = [55, 0], sizes = [1, 100], strides = [1, 1]} : vector<60x100xf32> to vector<1x100xf32>
    %slice3A_646 = vector.extract_strided_slice %get3A_252 {offsets = [0, 55], sizes = [32, 1], strides = [1, 1]} : vector<32x60xf32> to vector<32x1xf32>
    %sub3A_647 = vector.broadcast %slice3A_645 : vector<1x100xf32> to vector<32x100xf32>
    %sub3A_648 = vector.broadcast %slice3A_646 : vector<32x1xf32> to vector<32x100xf32>
    %sub3A_649 = arith.subf %sub3A_647, %sub3A_648 : vector<32x100xf32>
    %abs3A_650 = math.absf %sub3A_649 : vector<32x100xf32>
    %add3A_651 = arith.addf %add3A_644, %abs3A_650 : vector<32x100xf32>
    %slice3A_652 = vector.extract_strided_slice %get3A_247 {offsets = [56, 0], sizes = [1, 100], strides = [1, 1]} : vector<60x100xf32> to vector<1x100xf32>
    %slice3A_653 = vector.extract_strided_slice %get3A_252 {offsets = [0, 56], sizes = [32, 1], strides = [1, 1]} : vector<32x60xf32> to vector<32x1xf32>
    %sub3A_654 = vector.broadcast %slice3A_652 : vector<1x100xf32> to vector<32x100xf32>
    %sub3A_655 = vector.broadcast %slice3A_653 : vector<32x1xf32> to vector<32x100xf32>
    %sub3A_656 = arith.subf %sub3A_654, %sub3A_655 : vector<32x100xf32>
    %abs3A_657 = math.absf %sub3A_656 : vector<32x100xf32>
    %add3A_658 = arith.addf %add3A_651, %abs3A_657 : vector<32x100xf32>
    %slice3A_659 = vector.extract_strided_slice %get3A_247 {offsets = [57, 0], sizes = [1, 100], strides = [1, 1]} : vector<60x100xf32> to vector<1x100xf32>
    %slice3A_660 = vector.extract_strided_slice %get3A_252 {offsets = [0, 57], sizes = [32, 1], strides = [1, 1]} : vector<32x60xf32> to vector<32x1xf32>
    %sub3A_661 = vector.broadcast %slice3A_659 : vector<1x100xf32> to vector<32x100xf32>
    %sub3A_662 = vector.broadcast %slice3A_660 : vector<32x1xf32> to vector<32x100xf32>
    %sub3A_663 = arith.subf %sub3A_661, %sub3A_662 : vector<32x100xf32>
    %abs3A_664 = math.absf %sub3A_663 : vector<32x100xf32>
    %add3A_665 = arith.addf %add3A_658, %abs3A_664 : vector<32x100xf32>
    %slice3A_666 = vector.extract_strided_slice %get3A_247 {offsets = [58, 0], sizes = [1, 100], strides = [1, 1]} : vector<60x100xf32> to vector<1x100xf32>
    %slice3A_667 = vector.extract_strided_slice %get3A_252 {offsets = [0, 58], sizes = [32, 1], strides = [1, 1]} : vector<32x60xf32> to vector<32x1xf32>
    %sub3A_668 = vector.broadcast %slice3A_666 : vector<1x100xf32> to vector<32x100xf32>
    %sub3A_669 = vector.broadcast %slice3A_667 : vector<32x1xf32> to vector<32x100xf32>
    %sub3A_670 = arith.subf %sub3A_668, %sub3A_669 : vector<32x100xf32>
    %abs3A_671 = math.absf %sub3A_670 : vector<32x100xf32>
    %add3A_672 = arith.addf %add3A_665, %abs3A_671 : vector<32x100xf32>
    %slice3A_673 = vector.extract_strided_slice %get3A_247 {offsets = [59, 0], sizes = [1, 100], strides = [1, 1]} : vector<60x100xf32> to vector<1x100xf32>
    %slice3A_674 = vector.extract_strided_slice %get3A_252 {offsets = [0, 59], sizes = [32, 1], strides = [1, 1]} : vector<32x60xf32> to vector<32x1xf32>
    %sub3A_675 = vector.broadcast %slice3A_673 : vector<1x100xf32> to vector<32x100xf32>
    %sub3A_676 = vector.broadcast %slice3A_674 : vector<32x1xf32> to vector<32x100xf32>
    %sub3A_677 = arith.subf %sub3A_675, %sub3A_676 : vector<32x100xf32>
    %abs3A_678 = math.absf %sub3A_677 : vector<32x100xf32>
    %add3A_679 = arith.addf %add3A_672, %abs3A_678 : vector<32x100xf32>
    %div3A_680 = arith.constant 6.000000e+01 : f32
    %div3A_681 = vector.broadcast %div3A_680 : f32 to vector<32x100xf32>
    %div3A_682 = arith.divf %add3A_679, %div3A_681 : vector<32x100xf32>
    %mul3A_683 = arith.constant 4.000000e+00 : f32
    %mul3A_684 = vector.broadcast %mul3A_683 : f32 to vector<32x100xf32>
    %mul3A_685 = arith.mulf %div3A_682, %mul3A_684 : vector<32x100xf32>
    %ne3A_686 = arith.constant 0.000000e+00 : f32
    %ne3A_687 = vector.broadcast %ne3A_686 : f32 to vector<32x1xf32>
    %ne3A_688 = arith.cmpf one, %get3A_257, %ne3A_687 : vector<32x1xf32>
    %jit3A_689 = arith.constant 1.000000e+30 : f32
    %broadcast_in_dim3A_690 = vector.shape_cast %ne3A_688 : vector<32x1xi1> to vector<32x1xi1>
    %broadcast_in_dim3A_691 = vector.broadcast %broadcast_in_dim3A_690 : vector<32x1xi1> to vector<32x100xi1>
    %broadcast_in_dim3A_692 = vector.broadcast %jit3A_689 : f32 to vector<32x100xf32>
    %select_n3A_693 = arith.select %broadcast_in_dim3A_691, %mul3A_685, %broadcast_in_dim3A_692 : vector<32x100xi1>, vector<32x100xf32>
    %swap3A_694 = arith.constant 0 : index
    %swap3A_695 = arith.constant 0 : index
    %swap3A_696 = arith.constant 0 : index
    %swap3A_697 = vector.load %arg13[%swap3A_694, %swap3A_695, %swap3A_696] : memref<1x32x112xf32, #tpu.memory_space<vmem>>, vector<1x32x100xf32>
    %swap3A_698 = vector.shape_cast %swap3A_697 : vector<1x32x100xf32> to vector<32x100xf32>
    %swap3A_699 = vector.shape_cast %select_n3A_693 : vector<32x100xf32> to vector<1x32x100xf32>
    tpu.vector_store %arg13[%swap3A_694, %swap3A_695, %swap3A_696], %swap3A_699 {strides = array<i32>} : memref<1x32x112xf32, #tpu.memory_space<vmem>>, vector<1x32x100xf32>,
    %broadcast_in_dim3A_700 = arith.constant 1.000000e+30 : f32
    %broadcast_in_dim3A_701 = vector.broadcast %broadcast_in_dim3A_700 : f32 to vector<32x12xf32>
    %swap3A_702 = arith.constant 0 : index
    %swap3A_703 = arith.constant 0 : index
    %swap3A_704 = arith.constant 100 : index
    %swap3A_705 = vector.load %arg13[%swap3A_702, %swap3A_703, %swap3A_704] : memref<1x32x112xf32, #tpu.memory_space<vmem>>, vector<1x32x12xf32>
    %swap3A_706 = vector.shape_cast %swap3A_705 : vector<1x32x12xf32> to vector<32x12xf32>
    %swap3A_707 = vector.shape_cast %broadcast_in_dim3A_701 : vector<32x12xf32> to vector<1x32x12xf32>
    tpu.vector_store %arg13[%swap3A_702, %swap3A_703, %swap3A_704], %swap3A_707 {strides = array<i32>} : memref<1x32x112xf32, #tpu.memory_space<vmem>>, vector<1x32x12xf32>,
    %reduce_min3A_708 = arith.constant dense<0x7F800000> : vector<32xf32>
    %reduce_min3A_709 = vector.multi_reduction <minimumf>, %select_n3A_693, %reduce_min3A_708 [1] : vector<32x100xf32> to vector<32xf32>
    %broadcast_in_dim3A_710 = vector.shape_cast %reduce_min3A_709 : vector<32xf32> to vector<32x1xf32>
    %iota3A_711 = tpu.iota {dimensions = array<i32: 1>} : vector<32x100xi32>
    %eq3A_712 = vector.broadcast %broadcast_in_dim3A_710 : vector<32x1xf32> to vector<32x100xf32>
    %eq3A_713 = arith.cmpf oeq, %select_n3A_693, %eq3A_712 : vector<32x100xf32>
    %jit3A_714 = arith.constant 1073741824 : i32
    %broadcast_in_dim3A_715 = vector.broadcast %jit3A_714 : i32 to vector<32x100xi32>
    %select_n3A_716 = arith.select %eq3A_713, %iota3A_711, %broadcast_in_dim3A_715 : vector<32x100xi1>, vector<32x100xi32>
    %reduce_min3A_717 = arith.constant dense<2147483647> : vector<32xi32>
    %reduce_min3A_718 = vector.multi_reduction <minsi>, %select_n3A_716, %reduce_min3A_717 [1] : vector<32x100xi32> to vector<32xi32>
    %broadcast_in_dim3A_719 = vector.shape_cast %reduce_min3A_718 : vector<32xi32> to vector<32x1xi32>
    %swap3A_720 = arith.constant 0 : index
    %swap3A_721 = arith.constant 0 : index
    %swap3A_722 = arith.constant 0 : index
    %swap3A_723 = vector.load %arg14[%swap3A_720, %swap3A_721, %swap3A_722] : memref<1x32x1xf32, #tpu.memory_space<vmem>>, vector<1x32x1xf32>
    %swap3A_724 = vector.shape_cast %swap3A_723 : vector<1x32x1xf32> to vector<32x1xf32>
    %swap3A_725 = vector.shape_cast %broadcast_in_dim3A_710 : vector<32x1xf32> to vector<1x32x1xf32>
    tpu.vector_store %arg14[%swap3A_720, %swap3A_721, %swap3A_722], %swap3A_725 {strides = array<i32>} : memref<1x32x1xf32, #tpu.memory_space<vmem>>, vector<1x32x1xf32>,
    %swap3A_726 = arith.constant 0 : index
    %swap3A_727 = arith.constant 0 : index
    %swap3A_728 = arith.constant 0 : index
    %swap3A_729 = vector.load %arg15[%swap3A_726, %swap3A_727, %swap3A_728] : memref<1x32x1xi32, #tpu.memory_space<vmem>>, vector<1x32x1xi32>
    %swap3A_730 = vector.shape_cast %swap3A_729 : vector<1x32x1xi32> to vector<32x1xi32>
    %swap3A_731 = vector.shape_cast %broadcast_in_dim3A_719 : vector<32x1xi32> to vector<1x32x1xi32>
    tpu.vector_store %arg15[%swap3A_726, %swap3A_727, %swap3A_728], %swap3A_731 {strides = array<i32>} : memref<1x32x1xi32, #tpu.memory_space<vmem>>, vector<1x32x1xi32>,
    %max3A = arith.constant 0.000000e+00 : f32
    %max3A_732 = vector.broadcast %max3A : f32 to vector<10x900xf32>
    %max3A_733 = arith.maximumf %get3A_3, %max3A_732 : vector<10x900xf32>
    %abs3A_734 = math.absf %get3A_3 : vector<10x900xf32>
    %neg3A_735 = arith.constant 0.000000e+00 : f32
    %neg3A_736 = vector.broadcast %neg3A_735 : f32 to vector<10x900xf32>
    %neg3A_737 = arith.subf %neg3A_736, %abs3A_734 : vector<10x900xf32>
    %exp3A_738 = math.exp %neg3A_737 : vector<10x900xf32>
    %log1p3A = math.log1p %exp3A_738 : vector<10x900xf32>
    %add3A_739 = arith.addf %max3A_733, %log1p3A : vector<10x900xf32>
    %reduce_sum3A = vector.shape_cast %add3A_739 : vector<10x900xf32> to vector<1x10x900xf32>
    %reduce_sum3A_740 = arith.constant dense<0.000000e+00> : vector<1xf32>
    %reduce_sum3A_741 = vector.multi_reduction <add>, %reduce_sum3A, %reduce_sum3A_740 [1, 2] : vector<1x10x900xf32> to vector<1xf32>
    %reduce_sum3A_742 = vector.shape_cast %reduce_sum3A_741 : vector<1xf32> to vector<1x1x1xf32>
    %reduce_sum3A_743 = vector.extract %reduce_sum3A_742[0, 0, 0] : f32 from vector<1x1x1xf32>
    %broadcast_in_dim3A_744 = vector.broadcast %reduce_sum3A_743 : f32 to vector<1x1xf32>
    %swap3A_745 = arith.constant 0 : index
    %swap3A_746 = arith.constant 0 : index
    %swap3A_747 = arith.constant 0 : index
    %swap3A_748 = vector.load %arg16[%swap3A_745, %swap3A_746, %swap3A_747] : memref<1x1x1xf32, #tpu.memory_space<vmem>>, vector<1x1x1xf32>
    %swap3A_749 = vector.shape_cast %swap3A_748 : vector<1x1x1xf32> to vector<1x1xf32>
    %swap3A_750 = vector.shape_cast %broadcast_in_dim3A_744 : vector<1x1xf32> to vector<1x1x1xf32>
    tpu.vector_store %arg16[%swap3A_745, %swap3A_746, %swap3A_747], %swap3A_750 {strides = array<i32>} : memref<1x1x1xf32, #tpu.memory_space<vmem>>, vector<1x1x1xf32>,
    %get3A_751 = arith.constant 0 : index
    %get3A_752 = arith.constant 0 : index
    %get3A_753 = arith.constant 0 : index
    %get3A_754 = vector.load %arg6[%get3A_751, %get3A_752, %get3A_753] : memref<1x1x100xf32, #tpu.memory_space<vmem>>, vector<1x1x100xf32>
    %get3A_755 = vector.shape_cast %get3A_754 : vector<1x1x100xf32> to vector<1x100xf32>
    %max3A_756 = arith.constant 0.000000e+00 : f32
    %max3A_757 = vector.broadcast %max3A_756 : f32 to vector<1x100xf32>
    %max3A_758 = arith.maximumf %get3A_755, %max3A_757 : vector<1x100xf32>
    %abs3A_759 = math.absf %get3A_755 : vector<1x100xf32>
    %neg3A_760 = arith.constant 0.000000e+00 : f32
    %neg3A_761 = vector.broadcast %neg3A_760 : f32 to vector<1x100xf32>
    %neg3A_762 = arith.subf %neg3A_761, %abs3A_759 : vector<1x100xf32>
    %exp3A_763 = math.exp %neg3A_762 : vector<1x100xf32>
    %log1p3A_764 = math.log1p %exp3A_763 : vector<1x100xf32>
    %add3A_765 = arith.addf %max3A_758, %log1p3A_764 : vector<1x100xf32>
    %reduce_sum3A_766 = vector.shape_cast %add3A_765 : vector<1x100xf32> to vector<1x1x100xf32>
    %reduce_sum3A_767 = arith.constant dense<0.000000e+00> : vector<1xf32>
    %reduce_sum3A_768 = vector.multi_reduction <add>, %reduce_sum3A_766, %reduce_sum3A_767 [1, 2] : vector<1x1x100xf32> to vector<1xf32>
    %reduce_sum3A_769 = vector.shape_cast %reduce_sum3A_768 : vector<1xf32> to vector<1x1x1xf32>
    %reduce_sum3A_770 = vector.extract %reduce_sum3A_769[0, 0, 0] : f32 from vector<1x1x1xf32>
    %broadcast_in_dim3A_771 = vector.broadcast %reduce_sum3A_770 : f32 to vector<1x1xf32>
    %swap3A_772 = arith.constant 0 : index
    %swap3A_773 = arith.constant 0 : index
    %swap3A_774 = arith.constant 0 : index
    %swap3A_775 = vector.load %arg17[%swap3A_772, %swap3A_773, %swap3A_774] : memref<1x1x1xf32, #tpu.memory_space<vmem>>, vector<1x1x1xf32>
    %swap3A_776 = vector.shape_cast %swap3A_775 : vector<1x1x1xf32> to vector<1x1xf32>
    %swap3A_777 = vector.shape_cast %broadcast_in_dim3A_771 : vector<1x1xf32> to vector<1x1x1xf32>
    tpu.vector_store %arg17[%swap3A_772, %swap3A_773, %swap3A_774], %swap3A_777 {strides = array<i32>} : memref<1x1x1xf32, #tpu.memory_space<vmem>>, vector<1x1x1xf32>,
    %reduce_sum3A_778 = vector.shape_cast %get3A_23 : vector<128x1xf32> to vector<1x128x1xf32>
    %reduce_sum3A_779 = arith.constant dense<0.000000e+00> : vector<1xf32>
    %reduce_sum3A_780 = vector.multi_reduction <add>, %reduce_sum3A_778, %reduce_sum3A_779 [1, 2] : vector<1x128x1xf32> to vector<1xf32>
    %reduce_sum3A_781 = vector.shape_cast %reduce_sum3A_780 : vector<1xf32> to vector<1x1x1xf32>
    %reduce_sum3A_782 = vector.extract %reduce_sum3A_781[0, 0, 0] : f32 from vector<1x1x1xf32>
    %broadcast_in_dim3A_783 = vector.broadcast %reduce_sum3A_782 : f32 to vector<1x1xf32>
    %swap3A_784 = arith.constant 0 : index
    %swap3A_785 = arith.constant 0 : index
    %swap3A_786 = arith.constant 0 : index
    %swap3A_787 = vector.load %arg18[%swap3A_784, %swap3A_785, %swap3A_786] : memref<1x1x1xf32, #tpu.memory_space<vmem>>, vector<1x1x1xf32>
    %swap3A_788 = vector.shape_cast %swap3A_787 : vector<1x1x1xf32> to vector<1x1xf32>
    %swap3A_789 = vector.shape_cast %broadcast_in_dim3A_783 : vector<1x1xf32> to vector<1x1x1xf32>
    tpu.vector_store %arg18[%swap3A_784, %swap3A_785, %swap3A_786], %swap3A_789 {strides = array<i32>} : memref<1x1x1xf32, #tpu.memory_space<vmem>>, vector<1x1x1xf32>,
    %reduce_sum3A_790 = vector.shape_cast %get3A_257 : vector<32x1xf32> to vector<1x32x1xf32>
    %reduce_sum3A_791 = arith.constant dense<0.000000e+00> : vector<1xf32>
    %reduce_sum3A_792 = vector.multi_reduction <add>, %reduce_sum3A_790, %reduce_sum3A_791 [1, 2] : vector<1x32x1xf32> to vector<1xf32>
    %reduce_sum3A_793 = vector.shape_cast %reduce_sum3A_792 : vector<1xf32> to vector<1x1x1xf32>
    %reduce_sum3A_794 = vector.extract %reduce_sum3A_793[0, 0, 0] : f32 from vector<1x1x1xf32>
    %broadcast_in_dim3A_795 = vector.broadcast %reduce_sum3A_794 : f32 to vector<1x1xf32>
    %swap3A_796 = arith.constant 0 : index
    %swap3A_797 = arith.constant 0 : index
    %swap3A_798 = arith.constant 0 : index
    %swap3A_799 = vector.load %arg19[%swap3A_796, %swap3A_797, %swap3A_798] : memref<1x1x1xf32, #tpu.memory_space<vmem>>, vector<1x1x1xf32>
    %swap3A_800 = vector.shape_cast %swap3A_799 : vector<1x1x1xf32> to vector<1x1xf32>
    %swap3A_801 = vector.shape_cast %broadcast_in_dim3A_795 : vector<1x1xf32> to vector<1x1x1xf32>
    tpu.vector_store %arg19[%swap3A_796, %swap3A_797, %swap3A_798], %swap3A_801 {strides = array<i32>} : memref<1x1x1xf32, #tpu.memory_space<vmem>>, vector<1x1x1xf32>,
    return
  }
  func.func @transform_0(%arg0: i32) -> (i32, i32, i32) {
    %c0_i32 = arith.constant 0 : i32
    %c0_i32_0 = arith.constant 0 : i32
    %c0_i32_1 = arith.constant 0 : i32
    return %arg0, %c0_i32, %c0_i32_0 : i32, i32, i32
  }
  func.func @transform_1(%arg0: i32) -> (i32, i32, i32) {
    %c0_i32 = arith.constant 0 : i32
    %c0_i32_0 = arith.constant 0 : i32
    %c0_i32_1 = arith.constant 0 : i32
    return %arg0, %c0_i32, %c0_i32_0 : i32, i32, i32
  }
  func.func @transform_2(%arg0: i32) -> (i32, i32, i32) {
    %c0_i32 = arith.constant 0 : i32
    %c0_i32_0 = arith.constant 0 : i32
    %c0_i32_1 = arith.constant 0 : i32
    return %arg0, %c0_i32, %c0_i32_0 : i32, i32, i32
  }
  func.func @transform_3(%arg0: i32) -> (i32, i32, i32) {
    %c0_i32 = arith.constant 0 : i32
    %c0_i32_0 = arith.constant 0 : i32
    %c0_i32_1 = arith.constant 0 : i32
    return %arg0, %c0_i32, %c0_i32_0 : i32, i32, i32
  }
  func.func @transform_4(%arg0: i32) -> (i32, i32, i32) {
    %c0_i32 = arith.constant 0 : i32
    %c0_i32_0 = arith.constant 0 : i32
    %c0_i32_1 = arith.constant 0 : i32
    return %arg0, %c0_i32, %c0_i32_0 : i32, i32, i32
  }
  func.func @transform_5(%arg0: i32) -> (i32, i32, i32) {
    %c0_i32 = arith.constant 0 : i32
    %c0_i32_0 = arith.constant 0 : i32
    %c0_i32_1 = arith.constant 0 : i32
    return %arg0, %c0_i32, %c0_i32_0 : i32, i32, i32
  }
  func.func @transform_6(%arg0: i32) -> (i32, i32, i32) {
    %c0_i32 = arith.constant 0 : i32
    %c0_i32_0 = arith.constant 0 : i32
    %c0_i32_1 = arith.constant 0 : i32
    return %arg0, %c0_i32, %c0_i32_0 : i32, i32, i32
  }
  func.func @transform_7(%arg0: i32) -> (i32, i32, i32) {
    %c0_i32 = arith.constant 0 : i32
    %c0_i32_0 = arith.constant 0 : i32
    %c0_i32_1 = arith.constant 0 : i32
    return %arg0, %c0_i32, %c0_i32_0 : i32, i32, i32
  }
  func.func @transform_8(%arg0: i32) -> (i32, i32, i32) {
    %c0_i32 = arith.constant 0 : i32
    %c0_i32_0 = arith.constant 0 : i32
    %c0_i32_1 = arith.constant 0 : i32
    return %arg0, %c0_i32, %c0_i32_0 : i32, i32, i32
  }
  func.func @transform_9(%arg0: i32) -> (i32, i32, i32) {
    %c0_i32 = arith.constant 0 : i32
    %c0_i32_0 = arith.constant 0 : i32
    %c0_i32_1 = arith.constant 0 : i32
    return %arg0, %c0_i32, %c0_i32_0 : i32, i32, i32
  }
  func.func @transform_10(%arg0: i32) -> (i32, i32, i32) {
    %c0_i32 = arith.constant 0 : i32
    %c0_i32_0 = arith.constant 0 : i32
    %c0_i32_1 = arith.constant 0 : i32
    return %arg0, %c0_i32, %c0_i32_0 : i32, i32, i32
  }
  func.func @transform_11(%arg0: i32) -> (i32, i32, i32) {
    %c0_i32 = arith.constant 0 : i32
    %c0_i32_0 = arith.constant 0 : i32
    %c0_i32_1 = arith.constant 0 : i32
    return %arg0, %c0_i32, %c0_i32_0 : i32, i32, i32
  }
  func.func @transform_12(%arg0: i32) -> (i32, i32, i32) {
    %c0_i32 = arith.constant 0 : i32
    %c0_i32_0 = arith.constant 0 : i32
    %c0_i32_1 = arith.constant 0 : i32
    return %arg0, %c0_i32, %c0_i32_0 : i32, i32, i32
  }
  func.func @transform_13(%arg0: i32) -> (i32, i32, i32) {
    %c0_i32 = arith.constant 0 : i32
    %c0_i32_0 = arith.constant 0 : i32
    %c0_i32_1 = arith.constant 0 : i32
    return %arg0, %c0_i32, %c0_i32_0 : i32, i32, i32
  }
  func.func @transform_14(%arg0: i32) -> (i32, i32, i32) {
    %c0_i32 = arith.constant 0 : i32
    %c0_i32_0 = arith.constant 0 : i32
    %c0_i32_1 = arith.constant 0 : i32
    return %arg0, %c0_i32, %c0_i32_0 : i32, i32, i32
  }
  func.func @transform_15(%arg0: i32) -> (i32, i32, i32) {
    %c0_i32 = arith.constant 0 : i32
    %c0_i32_0 = arith.constant 0 : i32
    %c0_i32_1 = arith.constant 0 : i32
    return %arg0, %c0_i32, %c0_i32_0 : i32, i32, i32
  }
  func.func @transform_16(%arg0: i32) -> (i32, i32, i32) {
    %c0_i32 = arith.constant 0 : i32
    %c0_i32_0 = arith.constant 0 : i32
    %c0_i32_1 = arith.constant 0 : i32
    return %arg0, %c0_i32, %c0_i32_0 : i32, i32, i32
  }
  func.func @transform_17(%arg0: i32) -> (i32, i32, i32) {
    %c0_i32 = arith.constant 0 : i32
    %c0_i32_0 = arith.constant 0 : i32
    %c0_i32_1 = arith.constant 0 : i32
    return %arg0, %c0_i32, %c0_i32_0 : i32, i32, i32
  }
  func.func @transform_18(%arg0: i32) -> (i32, i32, i32) {
    %c0_i32 = arith.constant 0 : i32
    %c0_i32_0 = arith.constant 0 : i32
    %c0_i32_1 = arith.constant 0 : i32
    return %arg0, %c0_i32, %c0_i32_0 : i32, i32, i32
  }
}

module attributes {stable_mosaic.version = 14 : i64} {
  func.func @_stage3_body(%arg0: memref<8x128x1xi32, #tpu.memory_space<vmem>>, %arg1: memref<8x128x1xi32, #tpu.memory_space<vmem>>, %arg2: memref<8x128x1xi32, #tpu.memory_space<vmem>>, %arg3: memref<8x32x1xi32, #tpu.memory_space<vmem>>, %arg4: memref<8x32x1xi32, #tpu.memory_space<vmem>>, %arg5: memref<8x32x1xi32, #tpu.memory_space<vmem>>, %arg6: memref<8x900x9xf32, #tpu.memory_space<vmem>>, %arg7: memref<8x128x9xf32, #tpu.memory_space<vmem>>, %arg8: memref<8x900x10xf32, #tpu.memory_space<vmem>>, %arg9: memref<8x128x1xi32, #tpu.memory_space<vmem>>, %arg10: memref<8x1x100xf32, #tpu.memory_space<vmem>>, %arg11: memref<8x100x60xf32, #tpu.memory_space<vmem>>, %arg12: memref<8x32x60xf32, #tpu.memory_space<vmem>>, %arg13: memref<8x1x1xf32, #tpu.memory_space<vmem>>, %arg14: memref<8x1x1xf32, #tpu.memory_space<vmem>>, %arg15: memref<8x1x1xf32, #tpu.memory_space<vmem>>, %arg16: memref<8x1x1xf32, #tpu.memory_space<vmem>>, %arg17: memref<1x6xf32, #tpu.memory_space<vmem>>) attributes {dimension_semantics = [], scalar_prefetch = 0 : i64, scratch_operands = 0 : i64, tpu.core_type = #tpu.core_type<tc>} {
    %get3A = arith.constant 0 : index
    %get3A_0 = arith.constant 0 : index
    %get3A_1 = arith.constant 0 : index
    %get3A_2 = vector.load %arg0[%get3A, %get3A_0, %get3A_1] : memref<8x128x1xi32, #tpu.memory_space<vmem>>, vector<1x128x1xi32>
    %get3A_3 = vector.shape_cast %get3A_2 : vector<1x128x1xi32> to vector<128x1xi32>
    %get3A_4 = arith.constant 0 : index
    %get3A_5 = arith.constant 0 : index
    %get3A_6 = arith.constant 0 : index
    %get3A_7 = vector.load %arg1[%get3A_4, %get3A_5, %get3A_6] : memref<8x128x1xi32, #tpu.memory_space<vmem>>, vector<1x128x1xi32>
    %get3A_8 = vector.shape_cast %get3A_7 : vector<1x128x1xi32> to vector<128x1xi32>
    %get3A_9 = arith.constant 0 : index
    %get3A_10 = arith.constant 0 : index
    %get3A_11 = arith.constant 0 : index
    %get3A_12 = vector.load %arg2[%get3A_9, %get3A_10, %get3A_11] : memref<8x128x1xi32, #tpu.memory_space<vmem>>, vector<1x128x1xi32>
    %get3A_13 = vector.shape_cast %get3A_12 : vector<1x128x1xi32> to vector<128x1xi32>
    %convert_element_type3A = arith.sitofp %get3A_13 : vector<128x1xi32> to vector<128x1xf32>
    %iota3A = tpu.iota {dimensions = array<i32: 1>} : vector<128x900xi32>
    %eq3A = vector.broadcast %get3A_3 : vector<128x1xi32> to vector<128x900xi32>
    %eq3A_14 = arith.cmpi eq, %eq3A, %iota3A : vector<128x900xi32>
    %convert_element_type3A_15 = arith.extui %eq3A_14 : vector<128x900xi1> to vector<128x900xi32>
    %convert_element_type3A_16 = arith.sitofp %convert_element_type3A_15 : vector<128x900xi32> to vector<128x900xf32>
    %iota3A_17 = tpu.iota {dimensions = array<i32: 1>} : vector<128x128xi32>
    %eq3A_18 = vector.broadcast %get3A_8 : vector<128x1xi32> to vector<128x128xi32>
    %eq3A_19 = arith.cmpi eq, %eq3A_18, %iota3A_17 : vector<128x128xi32>
    %convert_element_type3A_20 = arith.extui %eq3A_19 : vector<128x128xi1> to vector<128x128xi32>
    %convert_element_type3A_21 = arith.sitofp %convert_element_type3A_20 : vector<128x128xi32> to vector<128x128xf32>
    %get3A_22 = arith.constant 0 : index
    %get3A_23 = arith.constant 0 : index
    %get3A_24 = arith.constant 0 : index
    %get3A_25 = vector.load %arg6[%get3A_22, %get3A_23, %get3A_24] : memref<8x900x9xf32, #tpu.memory_space<vmem>>, vector<1x900x9xf32>
    %get3A_26 = vector.shape_cast %get3A_25 : vector<1x900x9xf32> to vector<900x9xf32>
    %dot_general3A = arith.constant dense<0.000000e+00> : vector<128x9xf32>
    %dot_general3A_27 = tpu.matmul %convert_element_type3A_16, %get3A_26, %dot_general3A {dimension_numbers = #tpu.dot_dimension_numbers<[1], [0], [0], [1], [0, 0, 1, 1], [], []>, precision = #tpu.contract_precision<fp32>, transpose_lhs_hint = false} : vector<128x900xf32>, vector<900x9xf32>, vector<128x9xf32> -> vector<128x9xf32>
    %get3A_28 = arith.constant 0 : index
    %get3A_29 = arith.constant 0 : index
    %get3A_30 = arith.constant 0 : index
    %get3A_31 = vector.load %arg7[%get3A_28, %get3A_29, %get3A_30] : memref<8x128x9xf32, #tpu.memory_space<vmem>>, vector<1x128x9xf32>
    %get3A_32 = vector.shape_cast %get3A_31 : vector<1x128x9xf32> to vector<128x9xf32>
    %dot_general3A_33 = arith.constant dense<0.000000e+00> : vector<128x9xf32>
    %dot_general3A_34 = tpu.matmul %convert_element_type3A_21, %get3A_32, %dot_general3A_33 {dimension_numbers = #tpu.dot_dimension_numbers<[1], [0], [0], [1], [0, 0, 1, 1], [], []>, precision = #tpu.contract_precision<fp32>, transpose_lhs_hint = false} : vector<128x128xf32>, vector<128x9xf32>, vector<128x9xf32> -> vector<128x9xf32>
    %sub3A = arith.subf %dot_general3A_27, %dot_general3A_34 : vector<128x9xf32>
    %abs3A = math.absf %sub3A : vector<128x9xf32>
    %lt3A = arith.constant 1.000000e+00 : f32
    %lt3A_35 = vector.broadcast %lt3A : f32 to vector<128x9xf32>
    %lt3A_36 = arith.cmpf olt, %abs3A, %lt3A_35 : vector<128x9xf32>
    %mul3A = arith.constant 5.000000e-01 : f32
    %mul3A_37 = vector.broadcast %mul3A : f32 to vector<128x9xf32>
    %mul3A_38 = arith.mulf %mul3A_37, %sub3A : vector<128x9xf32>
    %mul3A_39 = arith.mulf %mul3A_38, %sub3A : vector<128x9xf32>
    %sub3A_40 = arith.constant 5.000000e-01 : f32
    %sub3A_41 = vector.broadcast %sub3A_40 : f32 to vector<128x9xf32>
    %sub3A_42 = arith.subf %abs3A, %sub3A_41 : vector<128x9xf32>
    %select_n3A = arith.select %lt3A_36, %mul3A_39, %sub3A_42 : vector<128x9xi1>, vector<128x9xf32>
    %mul3A_43 = vector.broadcast %convert_element_type3A : vector<128x1xf32> to vector<128x9xf32>
    %mul3A_44 = arith.mulf %select_n3A, %mul3A_43 : vector<128x9xf32>
    %reduce_sum3A = vector.shape_cast %mul3A_44 : vector<128x9xf32> to vector<1x128x9xf32>
    %reduce_sum3A_45 = arith.constant dense<0.000000e+00> : vector<1xf32>
    %reduce_sum3A_46 = vector.multi_reduction <add>, %reduce_sum3A, %reduce_sum3A_45 [1, 2] : vector<1x128x9xf32> to vector<1xf32>
    %reduce_sum3A_47 = vector.shape_cast %reduce_sum3A_46 : vector<1xf32> to vector<1x1x1xf32>
    %reduce_sum3A_48 = vector.extract %reduce_sum3A_47[0, 0, 0] : f32 from vector<1x1x1xf32>
    %add3A = arith.constant 0.000000e+00 : f32
    %add3A_49 = arith.addf %add3A, %reduce_sum3A_48 : f32
    %get3A_50 = arith.constant 0 : index
    %get3A_51 = arith.constant 0 : index
    %get3A_52 = arith.constant 0 : index
    %get3A_53 = vector.load %arg8[%get3A_50, %get3A_51, %get3A_52] : memref<8x900x10xf32, #tpu.memory_space<vmem>>, vector<1x900x10xf32>
    %get3A_54 = vector.shape_cast %get3A_53 : vector<1x900x10xf32> to vector<900x10xf32>
    %dot_general3A_55 = arith.constant dense<0.000000e+00> : vector<128x10xf32>
    %dot_general3A_56 = tpu.matmul %convert_element_type3A_16, %get3A_54, %dot_general3A_55 {dimension_numbers = #tpu.dot_dimension_numbers<[1], [0], [0], [1], [0, 0, 1, 1], [], []>, precision = #tpu.contract_precision<fp32>, transpose_lhs_hint = false} : vector<128x900xf32>, vector<900x10xf32>, vector<128x10xf32> -> vector<128x10xf32>
    %iota3A_57 = tpu.iota {dimensions = array<i32: 1>} : vector<128x10xi32>
    %get3A_58 = arith.constant 0 : index
    %get3A_59 = arith.constant 0 : index
    %get3A_60 = arith.constant 0 : index
    %get3A_61 = vector.load %arg9[%get3A_58, %get3A_59, %get3A_60] : memref<8x128x1xi32, #tpu.memory_space<vmem>>, vector<1x128x1xi32>
    %get3A_62 = vector.shape_cast %get3A_61 : vector<1x128x1xi32> to vector<128x1xi32>
    %eq3A_63 = vector.broadcast %get3A_62 : vector<128x1xi32> to vector<128x10xi32>
    %eq3A_64 = arith.cmpi eq, %eq3A_63, %iota3A_57 : vector<128x10xi32>
    %convert_element_type3A_65 = arith.extui %eq3A_64 : vector<128x10xi1> to vector<128x10xi32>
    %convert_element_type3A_66 = arith.sitofp %convert_element_type3A_65 : vector<128x10xi32> to vector<128x10xf32>
    %dot_general3A_67 = arith.constant dense<0.000000e+00> : vector<128x10xf32>
    %dot_general3A_68 = tpu.matmul %convert_element_type3A_21, %convert_element_type3A_66, %dot_general3A_67 {dimension_numbers = #tpu.dot_dimension_numbers<[1], [0], [0], [1], [0, 0, 1, 1], [], []>, precision = #tpu.contract_precision<fp32>, transpose_lhs_hint = false} : vector<128x128xf32>, vector<128x10xf32>, vector<128x10xf32> -> vector<128x10xf32>
    %mul3A_69 = arith.mulf %dot_general3A_56, %dot_general3A_68 : vector<128x10xf32>
    %mul3A_70 = vector.broadcast %convert_element_type3A : vector<128x1xf32> to vector<128x10xf32>
    %mul3A_71 = arith.mulf %mul3A_69, %mul3A_70 : vector<128x10xf32>
    %reduce_sum3A_72 = vector.shape_cast %mul3A_71 : vector<128x10xf32> to vector<1x128x10xf32>
    %reduce_sum3A_73 = arith.constant dense<0.000000e+00> : vector<1xf32>
    %reduce_sum3A_74 = vector.multi_reduction <add>, %reduce_sum3A_72, %reduce_sum3A_73 [1, 2] : vector<1x128x10xf32> to vector<1xf32>
    %reduce_sum3A_75 = vector.shape_cast %reduce_sum3A_74 : vector<1xf32> to vector<1x1x1xf32>
    %reduce_sum3A_76 = vector.extract %reduce_sum3A_75[0, 0, 0] : f32 from vector<1x1x1xf32>
    %add3A_77 = arith.constant 0.000000e+00 : f32
    %add3A_78 = arith.addf %add3A_77, %reduce_sum3A_76 : f32
    %get3A_79 = arith.constant 0 : index
    %get3A_80 = arith.constant 0 : index
    %get3A_81 = arith.constant 0 : index
    %get3A_82 = vector.load %arg3[%get3A_79, %get3A_80, %get3A_81] : memref<8x32x1xi32, #tpu.memory_space<vmem>>, vector<1x32x1xi32>
    %get3A_83 = vector.shape_cast %get3A_82 : vector<1x32x1xi32> to vector<32x1xi32>
    %get3A_84 = arith.constant 0 : index
    %get3A_85 = arith.constant 0 : index
    %get3A_86 = arith.constant 0 : index
    %get3A_87 = vector.load %arg4[%get3A_84, %get3A_85, %get3A_86] : memref<8x32x1xi32, #tpu.memory_space<vmem>>, vector<1x32x1xi32>
    %get3A_88 = vector.shape_cast %get3A_87 : vector<1x32x1xi32> to vector<32x1xi32>
    %get3A_89 = arith.constant 0 : index
    %get3A_90 = arith.constant 0 : index
    %get3A_91 = arith.constant 0 : index
    %get3A_92 = vector.load %arg5[%get3A_89, %get3A_90, %get3A_91] : memref<8x32x1xi32, #tpu.memory_space<vmem>>, vector<1x32x1xi32>
    %get3A_93 = vector.shape_cast %get3A_92 : vector<1x32x1xi32> to vector<32x1xi32>
    %convert_element_type3A_94 = arith.sitofp %get3A_93 : vector<32x1xi32> to vector<32x1xf32>
    %iota3A_95 = tpu.iota {dimensions = array<i32: 1>} : vector<32x100xi32>
    %eq3A_96 = vector.broadcast %get3A_83 : vector<32x1xi32> to vector<32x100xi32>
    %eq3A_97 = arith.cmpi eq, %eq3A_96, %iota3A_95 : vector<32x100xi32>
    %convert_element_type3A_98 = arith.extui %eq3A_97 : vector<32x100xi1> to vector<32x100xi32>
    %convert_element_type3A_99 = arith.sitofp %convert_element_type3A_98 : vector<32x100xi32> to vector<32x100xf32>
    %iota3A_100 = tpu.iota {dimensions = array<i32: 1>} : vector<32x32xi32>
    %eq3A_101 = vector.broadcast %get3A_88 : vector<32x1xi32> to vector<32x32xi32>
    %eq3A_102 = arith.cmpi eq, %eq3A_101, %iota3A_100 : vector<32x32xi32>
    %convert_element_type3A_103 = arith.extui %eq3A_102 : vector<32x32xi1> to vector<32x32xi32>
    %convert_element_type3A_104 = arith.sitofp %convert_element_type3A_103 : vector<32x32xi32> to vector<32x32xf32>
    %get3A_105 = arith.constant 0 : index
    %get3A_106 = arith.constant 0 : index
    %get3A_107 = arith.constant 0 : index
    %get3A_108 = vector.load %arg11[%get3A_105, %get3A_106, %get3A_107] : memref<8x100x60xf32, #tpu.memory_space<vmem>>, vector<1x100x60xf32>
    %get3A_109 = vector.shape_cast %get3A_108 : vector<1x100x60xf32> to vector<100x60xf32>
    %dot_general3A_110 = arith.constant dense<0.000000e+00> : vector<32x60xf32>
    %dot_general3A_111 = tpu.matmul %convert_element_type3A_99, %get3A_109, %dot_general3A_110 {dimension_numbers = #tpu.dot_dimension_numbers<[1], [0], [0], [1], [0, 0, 1, 1], [], []>, precision = #tpu.contract_precision<fp32>, transpose_lhs_hint = false} : vector<32x100xf32>, vector<100x60xf32>, vector<32x60xf32> -> vector<32x60xf32>
    %get3A_112 = arith.constant 0 : index
    %get3A_113 = arith.constant 0 : index
    %get3A_114 = arith.constant 0 : index
    %get3A_115 = vector.load %arg12[%get3A_112, %get3A_113, %get3A_114] : memref<8x32x60xf32, #tpu.memory_space<vmem>>, vector<1x32x60xf32>
    %get3A_116 = vector.shape_cast %get3A_115 : vector<1x32x60xf32> to vector<32x60xf32>
    %dot_general3A_117 = arith.constant dense<0.000000e+00> : vector<32x60xf32>
    %dot_general3A_118 = tpu.matmul %convert_element_type3A_104, %get3A_116, %dot_general3A_117 {dimension_numbers = #tpu.dot_dimension_numbers<[1], [0], [0], [1], [0, 0, 1, 1], [], []>, precision = #tpu.contract_precision<fp32>, transpose_lhs_hint = false} : vector<32x32xf32>, vector<32x60xf32>, vector<32x60xf32> -> vector<32x60xf32>
    %sub3A_119 = arith.subf %dot_general3A_111, %dot_general3A_118 : vector<32x60xf32>
    %abs3A_120 = math.absf %sub3A_119 : vector<32x60xf32>
    %lt3A_121 = arith.constant 1.000000e+00 : f32
    %lt3A_122 = vector.broadcast %lt3A_121 : f32 to vector<32x60xf32>
    %lt3A_123 = arith.cmpf olt, %abs3A_120, %lt3A_122 : vector<32x60xf32>
    %mul3A_124 = arith.constant 5.000000e-01 : f32
    %mul3A_125 = vector.broadcast %mul3A_124 : f32 to vector<32x60xf32>
    %mul3A_126 = arith.mulf %mul3A_125, %sub3A_119 : vector<32x60xf32>
    %mul3A_127 = arith.mulf %mul3A_126, %sub3A_119 : vector<32x60xf32>
    %sub3A_128 = arith.constant 5.000000e-01 : f32
    %sub3A_129 = vector.broadcast %sub3A_128 : f32 to vector<32x60xf32>
    %sub3A_130 = arith.subf %abs3A_120, %sub3A_129 : vector<32x60xf32>
    %select_n3A_131 = arith.select %lt3A_123, %mul3A_127, %sub3A_130 : vector<32x60xi1>, vector<32x60xf32>
    %mul3A_132 = vector.broadcast %convert_element_type3A_94 : vector<32x1xf32> to vector<32x60xf32>
    %mul3A_133 = arith.mulf %select_n3A_131, %mul3A_132 : vector<32x60xf32>
    %reduce_sum3A_134 = vector.shape_cast %mul3A_133 : vector<32x60xf32> to vector<1x32x60xf32>
    %reduce_sum3A_135 = arith.constant dense<0.000000e+00> : vector<1xf32>
    %reduce_sum3A_136 = vector.multi_reduction <add>, %reduce_sum3A_134, %reduce_sum3A_135 [1, 2] : vector<1x32x60xf32> to vector<1xf32>
    %reduce_sum3A_137 = vector.shape_cast %reduce_sum3A_136 : vector<1xf32> to vector<1x1x1xf32>
    %reduce_sum3A_138 = vector.extract %reduce_sum3A_137[0, 0, 0] : f32 from vector<1x1x1xf32>
    %add3A_139 = arith.constant 0.000000e+00 : f32
    %add3A_140 = arith.addf %add3A_139, %reduce_sum3A_138 : f32
    %get3A_141 = arith.constant 0 : index
    %get3A_142 = arith.constant 0 : index
    %get3A_143 = arith.constant 0 : index
    %get3A_144 = vector.load %arg10[%get3A_141, %get3A_142, %get3A_143] : memref<8x1x100xf32, #tpu.memory_space<vmem>>, vector<1x1x100xf32>
    %get3A_145 = vector.shape_cast %get3A_144 : vector<1x1x100xf32> to vector<1x100xf32>
    %mul3A_146 = vector.broadcast %get3A_145 : vector<1x100xf32> to vector<32x100xf32>
    %mul3A_147 = arith.mulf %convert_element_type3A_99, %mul3A_146 : vector<32x100xf32>
    %mul3A_148 = vector.broadcast %convert_element_type3A_94 : vector<32x1xf32> to vector<32x100xf32>
    %mul3A_149 = arith.mulf %mul3A_147, %mul3A_148 : vector<32x100xf32>
    %reduce_sum3A_150 = vector.shape_cast %mul3A_149 : vector<32x100xf32> to vector<1x32x100xf32>
    %reduce_sum3A_151 = arith.constant dense<0.000000e+00> : vector<1xf32>
    %reduce_sum3A_152 = vector.multi_reduction <add>, %reduce_sum3A_150, %reduce_sum3A_151 [1, 2] : vector<1x32x100xf32> to vector<1xf32>
    %reduce_sum3A_153 = vector.shape_cast %reduce_sum3A_152 : vector<1xf32> to vector<1x1x1xf32>
    %reduce_sum3A_154 = vector.extract %reduce_sum3A_153[0, 0, 0] : f32 from vector<1x1x1xf32>
    %add3A_155 = arith.constant 0.000000e+00 : f32
    %add3A_156 = arith.addf %add3A_155, %reduce_sum3A_154 : f32
    %get3A_157 = arith.constant 1 : index
    %get3A_158 = arith.constant 0 : index
    %get3A_159 = arith.constant 0 : index
    %get3A_160 = vector.load %arg0[%get3A_157, %get3A_158, %get3A_159] : memref<8x128x1xi32, #tpu.memory_space<vmem>>, vector<1x128x1xi32>
    %get3A_161 = vector.shape_cast %get3A_160 : vector<1x128x1xi32> to vector<128x1xi32>
    %get3A_162 = arith.constant 1 : index
    %get3A_163 = arith.constant 0 : index
    %get3A_164 = arith.constant 0 : index
    %get3A_165 = vector.load %arg1[%get3A_162, %get3A_163, %get3A_164] : memref<8x128x1xi32, #tpu.memory_space<vmem>>, vector<1x128x1xi32>
    %get3A_166 = vector.shape_cast %get3A_165 : vector<1x128x1xi32> to vector<128x1xi32>
    %get3A_167 = arith.constant 1 : index
    %get3A_168 = arith.constant 0 : index
    %get3A_169 = arith.constant 0 : index
    %get3A_170 = vector.load %arg2[%get3A_167, %get3A_168, %get3A_169] : memref<8x128x1xi32, #tpu.memory_space<vmem>>, vector<1x128x1xi32>
    %get3A_171 = vector.shape_cast %get3A_170 : vector<1x128x1xi32> to vector<128x1xi32>
    %convert_element_type3A_172 = arith.sitofp %get3A_171 : vector<128x1xi32> to vector<128x1xf32>
    %iota3A_173 = tpu.iota {dimensions = array<i32: 1>} : vector<128x900xi32>
    %eq3A_174 = vector.broadcast %get3A_161 : vector<128x1xi32> to vector<128x900xi32>
    %eq3A_175 = arith.cmpi eq, %eq3A_174, %iota3A_173 : vector<128x900xi32>
    %convert_element_type3A_176 = arith.extui %eq3A_175 : vector<128x900xi1> to vector<128x900xi32>
    %convert_element_type3A_177 = arith.sitofp %convert_element_type3A_176 : vector<128x900xi32> to vector<128x900xf32>
    %iota3A_178 = tpu.iota {dimensions = array<i32: 1>} : vector<128x128xi32>
    %eq3A_179 = vector.broadcast %get3A_166 : vector<128x1xi32> to vector<128x128xi32>
    %eq3A_180 = arith.cmpi eq, %eq3A_179, %iota3A_178 : vector<128x128xi32>
    %convert_element_type3A_181 = arith.extui %eq3A_180 : vector<128x128xi1> to vector<128x128xi32>
    %convert_element_type3A_182 = arith.sitofp %convert_element_type3A_181 : vector<128x128xi32> to vector<128x128xf32>
    %get3A_183 = arith.constant 1 : index
    %get3A_184 = arith.constant 0 : index
    %get3A_185 = arith.constant 0 : index
    %get3A_186 = vector.load %arg6[%get3A_183, %get3A_184, %get3A_185] : memref<8x900x9xf32, #tpu.memory_space<vmem>>, vector<1x900x9xf32>
    %get3A_187 = vector.shape_cast %get3A_186 : vector<1x900x9xf32> to vector<900x9xf32>
    %dot_general3A_188 = arith.constant dense<0.000000e+00> : vector<128x9xf32>
    %dot_general3A_189 = tpu.matmul %convert_element_type3A_177, %get3A_187, %dot_general3A_188 {dimension_numbers = #tpu.dot_dimension_numbers<[1], [0], [0], [1], [0, 0, 1, 1], [], []>, precision = #tpu.contract_precision<fp32>, transpose_lhs_hint = false} : vector<128x900xf32>, vector<900x9xf32>, vector<128x9xf32> -> vector<128x9xf32>
    %get3A_190 = arith.constant 1 : index
    %get3A_191 = arith.constant 0 : index
    %get3A_192 = arith.constant 0 : index
    %get3A_193 = vector.load %arg7[%get3A_190, %get3A_191, %get3A_192] : memref<8x128x9xf32, #tpu.memory_space<vmem>>, vector<1x128x9xf32>
    %get3A_194 = vector.shape_cast %get3A_193 : vector<1x128x9xf32> to vector<128x9xf32>
    %dot_general3A_195 = arith.constant dense<0.000000e+00> : vector<128x9xf32>
    %dot_general3A_196 = tpu.matmul %convert_element_type3A_182, %get3A_194, %dot_general3A_195 {dimension_numbers = #tpu.dot_dimension_numbers<[1], [0], [0], [1], [0, 0, 1, 1], [], []>, precision = #tpu.contract_precision<fp32>, transpose_lhs_hint = false} : vector<128x128xf32>, vector<128x9xf32>, vector<128x9xf32> -> vector<128x9xf32>
    %sub3A_197 = arith.subf %dot_general3A_189, %dot_general3A_196 : vector<128x9xf32>
    %abs3A_198 = math.absf %sub3A_197 : vector<128x9xf32>
    %lt3A_199 = arith.constant 1.000000e+00 : f32
    %lt3A_200 = vector.broadcast %lt3A_199 : f32 to vector<128x9xf32>
    %lt3A_201 = arith.cmpf olt, %abs3A_198, %lt3A_200 : vector<128x9xf32>
    %mul3A_202 = arith.constant 5.000000e-01 : f32
    %mul3A_203 = vector.broadcast %mul3A_202 : f32 to vector<128x9xf32>
    %mul3A_204 = arith.mulf %mul3A_203, %sub3A_197 : vector<128x9xf32>
    %mul3A_205 = arith.mulf %mul3A_204, %sub3A_197 : vector<128x9xf32>
    %sub3A_206 = arith.constant 5.000000e-01 : f32
    %sub3A_207 = vector.broadcast %sub3A_206 : f32 to vector<128x9xf32>
    %sub3A_208 = arith.subf %abs3A_198, %sub3A_207 : vector<128x9xf32>
    %select_n3A_209 = arith.select %lt3A_201, %mul3A_205, %sub3A_208 : vector<128x9xi1>, vector<128x9xf32>
    %mul3A_210 = vector.broadcast %convert_element_type3A_172 : vector<128x1xf32> to vector<128x9xf32>
    %mul3A_211 = arith.mulf %select_n3A_209, %mul3A_210 : vector<128x9xf32>
    %reduce_sum3A_212 = vector.shape_cast %mul3A_211 : vector<128x9xf32> to vector<1x128x9xf32>
    %reduce_sum3A_213 = arith.constant dense<0.000000e+00> : vector<1xf32>
    %reduce_sum3A_214 = vector.multi_reduction <add>, %reduce_sum3A_212, %reduce_sum3A_213 [1, 2] : vector<1x128x9xf32> to vector<1xf32>
    %reduce_sum3A_215 = vector.shape_cast %reduce_sum3A_214 : vector<1xf32> to vector<1x1x1xf32>
    %reduce_sum3A_216 = vector.extract %reduce_sum3A_215[0, 0, 0] : f32 from vector<1x1x1xf32>
    %add3A_217 = arith.addf %add3A_49, %reduce_sum3A_216 : f32
    %get3A_218 = arith.constant 1 : index
    %get3A_219 = arith.constant 0 : index
    %get3A_220 = arith.constant 0 : index
    %get3A_221 = vector.load %arg8[%get3A_218, %get3A_219, %get3A_220] : memref<8x900x10xf32, #tpu.memory_space<vmem>>, vector<1x900x10xf32>
    %get3A_222 = vector.shape_cast %get3A_221 : vector<1x900x10xf32> to vector<900x10xf32>
    %dot_general3A_223 = arith.constant dense<0.000000e+00> : vector<128x10xf32>
    %dot_general3A_224 = tpu.matmul %convert_element_type3A_177, %get3A_222, %dot_general3A_223 {dimension_numbers = #tpu.dot_dimension_numbers<[1], [0], [0], [1], [0, 0, 1, 1], [], []>, precision = #tpu.contract_precision<fp32>, transpose_lhs_hint = false} : vector<128x900xf32>, vector<900x10xf32>, vector<128x10xf32> -> vector<128x10xf32>
    %iota3A_225 = tpu.iota {dimensions = array<i32: 1>} : vector<128x10xi32>
    %get3A_226 = arith.constant 1 : index
    %get3A_227 = arith.constant 0 : index
    %get3A_228 = arith.constant 0 : index
    %get3A_229 = vector.load %arg9[%get3A_226, %get3A_227, %get3A_228] : memref<8x128x1xi32, #tpu.memory_space<vmem>>, vector<1x128x1xi32>
    %get3A_230 = vector.shape_cast %get3A_229 : vector<1x128x1xi32> to vector<128x1xi32>
    %eq3A_231 = vector.broadcast %get3A_230 : vector<128x1xi32> to vector<128x10xi32>
    %eq3A_232 = arith.cmpi eq, %eq3A_231, %iota3A_225 : vector<128x10xi32>
    %convert_element_type3A_233 = arith.extui %eq3A_232 : vector<128x10xi1> to vector<128x10xi32>
    %convert_element_type3A_234 = arith.sitofp %convert_element_type3A_233 : vector<128x10xi32> to vector<128x10xf32>
    %dot_general3A_235 = arith.constant dense<0.000000e+00> : vector<128x10xf32>
    %dot_general3A_236 = tpu.matmul %convert_element_type3A_182, %convert_element_type3A_234, %dot_general3A_235 {dimension_numbers = #tpu.dot_dimension_numbers<[1], [0], [0], [1], [0, 0, 1, 1], [], []>, precision = #tpu.contract_precision<fp32>, transpose_lhs_hint = false} : vector<128x128xf32>, vector<128x10xf32>, vector<128x10xf32> -> vector<128x10xf32>
    %mul3A_237 = arith.mulf %dot_general3A_224, %dot_general3A_236 : vector<128x10xf32>
    %mul3A_238 = vector.broadcast %convert_element_type3A_172 : vector<128x1xf32> to vector<128x10xf32>
    %mul3A_239 = arith.mulf %mul3A_237, %mul3A_238 : vector<128x10xf32>
    %reduce_sum3A_240 = vector.shape_cast %mul3A_239 : vector<128x10xf32> to vector<1x128x10xf32>
    %reduce_sum3A_241 = arith.constant dense<0.000000e+00> : vector<1xf32>
    %reduce_sum3A_242 = vector.multi_reduction <add>, %reduce_sum3A_240, %reduce_sum3A_241 [1, 2] : vector<1x128x10xf32> to vector<1xf32>
    %reduce_sum3A_243 = vector.shape_cast %reduce_sum3A_242 : vector<1xf32> to vector<1x1x1xf32>
    %reduce_sum3A_244 = vector.extract %reduce_sum3A_243[0, 0, 0] : f32 from vector<1x1x1xf32>
    %add3A_245 = arith.addf %add3A_78, %reduce_sum3A_244 : f32
    %get3A_246 = arith.constant 1 : index
    %get3A_247 = arith.constant 0 : index
    %get3A_248 = arith.constant 0 : index
    %get3A_249 = vector.load %arg3[%get3A_246, %get3A_247, %get3A_248] : memref<8x32x1xi32, #tpu.memory_space<vmem>>, vector<1x32x1xi32>
    %get3A_250 = vector.shape_cast %get3A_249 : vector<1x32x1xi32> to vector<32x1xi32>
    %get3A_251 = arith.constant 1 : index
    %get3A_252 = arith.constant 0 : index
    %get3A_253 = arith.constant 0 : index
    %get3A_254 = vector.load %arg4[%get3A_251, %get3A_252, %get3A_253] : memref<8x32x1xi32, #tpu.memory_space<vmem>>, vector<1x32x1xi32>
    %get3A_255 = vector.shape_cast %get3A_254 : vector<1x32x1xi32> to vector<32x1xi32>
    %get3A_256 = arith.constant 1 : index
    %get3A_257 = arith.constant 0 : index
    %get3A_258 = arith.constant 0 : index
    %get3A_259 = vector.load %arg5[%get3A_256, %get3A_257, %get3A_258] : memref<8x32x1xi32, #tpu.memory_space<vmem>>, vector<1x32x1xi32>
    %get3A_260 = vector.shape_cast %get3A_259 : vector<1x32x1xi32> to vector<32x1xi32>
    %convert_element_type3A_261 = arith.sitofp %get3A_260 : vector<32x1xi32> to vector<32x1xf32>
    %iota3A_262 = tpu.iota {dimensions = array<i32: 1>} : vector<32x100xi32>
    %eq3A_263 = vector.broadcast %get3A_250 : vector<32x1xi32> to vector<32x100xi32>
    %eq3A_264 = arith.cmpi eq, %eq3A_263, %iota3A_262 : vector<32x100xi32>
    %convert_element_type3A_265 = arith.extui %eq3A_264 : vector<32x100xi1> to vector<32x100xi32>
    %convert_element_type3A_266 = arith.sitofp %convert_element_type3A_265 : vector<32x100xi32> to vector<32x100xf32>
    %iota3A_267 = tpu.iota {dimensions = array<i32: 1>} : vector<32x32xi32>
    %eq3A_268 = vector.broadcast %get3A_255 : vector<32x1xi32> to vector<32x32xi32>
    %eq3A_269 = arith.cmpi eq, %eq3A_268, %iota3A_267 : vector<32x32xi32>
    %convert_element_type3A_270 = arith.extui %eq3A_269 : vector<32x32xi1> to vector<32x32xi32>
    %convert_element_type3A_271 = arith.sitofp %convert_element_type3A_270 : vector<32x32xi32> to vector<32x32xf32>
    %get3A_272 = arith.constant 1 : index
    %get3A_273 = arith.constant 0 : index
    %get3A_274 = arith.constant 0 : index
    %get3A_275 = vector.load %arg11[%get3A_272, %get3A_273, %get3A_274] : memref<8x100x60xf32, #tpu.memory_space<vmem>>, vector<1x100x60xf32>
    %get3A_276 = vector.shape_cast %get3A_275 : vector<1x100x60xf32> to vector<100x60xf32>
    %dot_general3A_277 = arith.constant dense<0.000000e+00> : vector<32x60xf32>
    %dot_general3A_278 = tpu.matmul %convert_element_type3A_266, %get3A_276, %dot_general3A_277 {dimension_numbers = #tpu.dot_dimension_numbers<[1], [0], [0], [1], [0, 0, 1, 1], [], []>, precision = #tpu.contract_precision<fp32>, transpose_lhs_hint = false} : vector<32x100xf32>, vector<100x60xf32>, vector<32x60xf32> -> vector<32x60xf32>
    %get3A_279 = arith.constant 1 : index
    %get3A_280 = arith.constant 0 : index
    %get3A_281 = arith.constant 0 : index
    %get3A_282 = vector.load %arg12[%get3A_279, %get3A_280, %get3A_281] : memref<8x32x60xf32, #tpu.memory_space<vmem>>, vector<1x32x60xf32>
    %get3A_283 = vector.shape_cast %get3A_282 : vector<1x32x60xf32> to vector<32x60xf32>
    %dot_general3A_284 = arith.constant dense<0.000000e+00> : vector<32x60xf32>
    %dot_general3A_285 = tpu.matmul %convert_element_type3A_271, %get3A_283, %dot_general3A_284 {dimension_numbers = #tpu.dot_dimension_numbers<[1], [0], [0], [1], [0, 0, 1, 1], [], []>, precision = #tpu.contract_precision<fp32>, transpose_lhs_hint = false} : vector<32x32xf32>, vector<32x60xf32>, vector<32x60xf32> -> vector<32x60xf32>
    %sub3A_286 = arith.subf %dot_general3A_278, %dot_general3A_285 : vector<32x60xf32>
    %abs3A_287 = math.absf %sub3A_286 : vector<32x60xf32>
    %lt3A_288 = arith.constant 1.000000e+00 : f32
    %lt3A_289 = vector.broadcast %lt3A_288 : f32 to vector<32x60xf32>
    %lt3A_290 = arith.cmpf olt, %abs3A_287, %lt3A_289 : vector<32x60xf32>
    %mul3A_291 = arith.constant 5.000000e-01 : f32
    %mul3A_292 = vector.broadcast %mul3A_291 : f32 to vector<32x60xf32>
    %mul3A_293 = arith.mulf %mul3A_292, %sub3A_286 : vector<32x60xf32>
    %mul3A_294 = arith.mulf %mul3A_293, %sub3A_286 : vector<32x60xf32>
    %sub3A_295 = arith.constant 5.000000e-01 : f32
    %sub3A_296 = vector.broadcast %sub3A_295 : f32 to vector<32x60xf32>
    %sub3A_297 = arith.subf %abs3A_287, %sub3A_296 : vector<32x60xf32>
    %select_n3A_298 = arith.select %lt3A_290, %mul3A_294, %sub3A_297 : vector<32x60xi1>, vector<32x60xf32>
    %mul3A_299 = vector.broadcast %convert_element_type3A_261 : vector<32x1xf32> to vector<32x60xf32>
    %mul3A_300 = arith.mulf %select_n3A_298, %mul3A_299 : vector<32x60xf32>
    %reduce_sum3A_301 = vector.shape_cast %mul3A_300 : vector<32x60xf32> to vector<1x32x60xf32>
    %reduce_sum3A_302 = arith.constant dense<0.000000e+00> : vector<1xf32>
    %reduce_sum3A_303 = vector.multi_reduction <add>, %reduce_sum3A_301, %reduce_sum3A_302 [1, 2] : vector<1x32x60xf32> to vector<1xf32>
    %reduce_sum3A_304 = vector.shape_cast %reduce_sum3A_303 : vector<1xf32> to vector<1x1x1xf32>
    %reduce_sum3A_305 = vector.extract %reduce_sum3A_304[0, 0, 0] : f32 from vector<1x1x1xf32>
    %add3A_306 = arith.addf %add3A_140, %reduce_sum3A_305 : f32
    %get3A_307 = arith.constant 1 : index
    %get3A_308 = arith.constant 0 : index
    %get3A_309 = arith.constant 0 : index
    %get3A_310 = vector.load %arg10[%get3A_307, %get3A_308, %get3A_309] : memref<8x1x100xf32, #tpu.memory_space<vmem>>, vector<1x1x100xf32>
    %get3A_311 = vector.shape_cast %get3A_310 : vector<1x1x100xf32> to vector<1x100xf32>
    %mul3A_312 = vector.broadcast %get3A_311 : vector<1x100xf32> to vector<32x100xf32>
    %mul3A_313 = arith.mulf %convert_element_type3A_266, %mul3A_312 : vector<32x100xf32>
    %mul3A_314 = vector.broadcast %convert_element_type3A_261 : vector<32x1xf32> to vector<32x100xf32>
    %mul3A_315 = arith.mulf %mul3A_313, %mul3A_314 : vector<32x100xf32>
    %reduce_sum3A_316 = vector.shape_cast %mul3A_315 : vector<32x100xf32> to vector<1x32x100xf32>
    %reduce_sum3A_317 = arith.constant dense<0.000000e+00> : vector<1xf32>
    %reduce_sum3A_318 = vector.multi_reduction <add>, %reduce_sum3A_316, %reduce_sum3A_317 [1, 2] : vector<1x32x100xf32> to vector<1xf32>
    %reduce_sum3A_319 = vector.shape_cast %reduce_sum3A_318 : vector<1xf32> to vector<1x1x1xf32>
    %reduce_sum3A_320 = vector.extract %reduce_sum3A_319[0, 0, 0] : f32 from vector<1x1x1xf32>
    %add3A_321 = arith.addf %add3A_156, %reduce_sum3A_320 : f32
    %get3A_322 = arith.constant 2 : index
    %get3A_323 = arith.constant 0 : index
    %get3A_324 = arith.constant 0 : index
    %get3A_325 = vector.load %arg0[%get3A_322, %get3A_323, %get3A_324] : memref<8x128x1xi32, #tpu.memory_space<vmem>>, vector<1x128x1xi32>
    %get3A_326 = vector.shape_cast %get3A_325 : vector<1x128x1xi32> to vector<128x1xi32>
    %get3A_327 = arith.constant 2 : index
    %get3A_328 = arith.constant 0 : index
    %get3A_329 = arith.constant 0 : index
    %get3A_330 = vector.load %arg1[%get3A_327, %get3A_328, %get3A_329] : memref<8x128x1xi32, #tpu.memory_space<vmem>>, vector<1x128x1xi32>
    %get3A_331 = vector.shape_cast %get3A_330 : vector<1x128x1xi32> to vector<128x1xi32>
    %get3A_332 = arith.constant 2 : index
    %get3A_333 = arith.constant 0 : index
    %get3A_334 = arith.constant 0 : index
    %get3A_335 = vector.load %arg2[%get3A_332, %get3A_333, %get3A_334] : memref<8x128x1xi32, #tpu.memory_space<vmem>>, vector<1x128x1xi32>
    %get3A_336 = vector.shape_cast %get3A_335 : vector<1x128x1xi32> to vector<128x1xi32>
    %convert_element_type3A_337 = arith.sitofp %get3A_336 : vector<128x1xi32> to vector<128x1xf32>
    %iota3A_338 = tpu.iota {dimensions = array<i32: 1>} : vector<128x900xi32>
    %eq3A_339 = vector.broadcast %get3A_326 : vector<128x1xi32> to vector<128x900xi32>
    %eq3A_340 = arith.cmpi eq, %eq3A_339, %iota3A_338 : vector<128x900xi32>
    %convert_element_type3A_341 = arith.extui %eq3A_340 : vector<128x900xi1> to vector<128x900xi32>
    %convert_element_type3A_342 = arith.sitofp %convert_element_type3A_341 : vector<128x900xi32> to vector<128x900xf32>
    %iota3A_343 = tpu.iota {dimensions = array<i32: 1>} : vector<128x128xi32>
    %eq3A_344 = vector.broadcast %get3A_331 : vector<128x1xi32> to vector<128x128xi32>
    %eq3A_345 = arith.cmpi eq, %eq3A_344, %iota3A_343 : vector<128x128xi32>
    %convert_element_type3A_346 = arith.extui %eq3A_345 : vector<128x128xi1> to vector<128x128xi32>
    %convert_element_type3A_347 = arith.sitofp %convert_element_type3A_346 : vector<128x128xi32> to vector<128x128xf32>
    %get3A_348 = arith.constant 2 : index
    %get3A_349 = arith.constant 0 : index
    %get3A_350 = arith.constant 0 : index
    %get3A_351 = vector.load %arg6[%get3A_348, %get3A_349, %get3A_350] : memref<8x900x9xf32, #tpu.memory_space<vmem>>, vector<1x900x9xf32>
    %get3A_352 = vector.shape_cast %get3A_351 : vector<1x900x9xf32> to vector<900x9xf32>
    %dot_general3A_353 = arith.constant dense<0.000000e+00> : vector<128x9xf32>
    %dot_general3A_354 = tpu.matmul %convert_element_type3A_342, %get3A_352, %dot_general3A_353 {dimension_numbers = #tpu.dot_dimension_numbers<[1], [0], [0], [1], [0, 0, 1, 1], [], []>, precision = #tpu.contract_precision<fp32>, transpose_lhs_hint = false} : vector<128x900xf32>, vector<900x9xf32>, vector<128x9xf32> -> vector<128x9xf32>
    %get3A_355 = arith.constant 2 : index
    %get3A_356 = arith.constant 0 : index
    %get3A_357 = arith.constant 0 : index
    %get3A_358 = vector.load %arg7[%get3A_355, %get3A_356, %get3A_357] : memref<8x128x9xf32, #tpu.memory_space<vmem>>, vector<1x128x9xf32>
    %get3A_359 = vector.shape_cast %get3A_358 : vector<1x128x9xf32> to vector<128x9xf32>
    %dot_general3A_360 = arith.constant dense<0.000000e+00> : vector<128x9xf32>
    %dot_general3A_361 = tpu.matmul %convert_element_type3A_347, %get3A_359, %dot_general3A_360 {dimension_numbers = #tpu.dot_dimension_numbers<[1], [0], [0], [1], [0, 0, 1, 1], [], []>, precision = #tpu.contract_precision<fp32>, transpose_lhs_hint = false} : vector<128x128xf32>, vector<128x9xf32>, vector<128x9xf32> -> vector<128x9xf32>
    %sub3A_362 = arith.subf %dot_general3A_354, %dot_general3A_361 : vector<128x9xf32>
    %abs3A_363 = math.absf %sub3A_362 : vector<128x9xf32>
    %lt3A_364 = arith.constant 1.000000e+00 : f32
    %lt3A_365 = vector.broadcast %lt3A_364 : f32 to vector<128x9xf32>
    %lt3A_366 = arith.cmpf olt, %abs3A_363, %lt3A_365 : vector<128x9xf32>
    %mul3A_367 = arith.constant 5.000000e-01 : f32
    %mul3A_368 = vector.broadcast %mul3A_367 : f32 to vector<128x9xf32>
    %mul3A_369 = arith.mulf %mul3A_368, %sub3A_362 : vector<128x9xf32>
    %mul3A_370 = arith.mulf %mul3A_369, %sub3A_362 : vector<128x9xf32>
    %sub3A_371 = arith.constant 5.000000e-01 : f32
    %sub3A_372 = vector.broadcast %sub3A_371 : f32 to vector<128x9xf32>
    %sub3A_373 = arith.subf %abs3A_363, %sub3A_372 : vector<128x9xf32>
    %select_n3A_374 = arith.select %lt3A_366, %mul3A_370, %sub3A_373 : vector<128x9xi1>, vector<128x9xf32>
    %mul3A_375 = vector.broadcast %convert_element_type3A_337 : vector<128x1xf32> to vector<128x9xf32>
    %mul3A_376 = arith.mulf %select_n3A_374, %mul3A_375 : vector<128x9xf32>
    %reduce_sum3A_377 = vector.shape_cast %mul3A_376 : vector<128x9xf32> to vector<1x128x9xf32>
    %reduce_sum3A_378 = arith.constant dense<0.000000e+00> : vector<1xf32>
    %reduce_sum3A_379 = vector.multi_reduction <add>, %reduce_sum3A_377, %reduce_sum3A_378 [1, 2] : vector<1x128x9xf32> to vector<1xf32>
    %reduce_sum3A_380 = vector.shape_cast %reduce_sum3A_379 : vector<1xf32> to vector<1x1x1xf32>
    %reduce_sum3A_381 = vector.extract %reduce_sum3A_380[0, 0, 0] : f32 from vector<1x1x1xf32>
    %add3A_382 = arith.addf %add3A_217, %reduce_sum3A_381 : f32
    %get3A_383 = arith.constant 2 : index
    %get3A_384 = arith.constant 0 : index
    %get3A_385 = arith.constant 0 : index
    %get3A_386 = vector.load %arg8[%get3A_383, %get3A_384, %get3A_385] : memref<8x900x10xf32, #tpu.memory_space<vmem>>, vector<1x900x10xf32>
    %get3A_387 = vector.shape_cast %get3A_386 : vector<1x900x10xf32> to vector<900x10xf32>
    %dot_general3A_388 = arith.constant dense<0.000000e+00> : vector<128x10xf32>
    %dot_general3A_389 = tpu.matmul %convert_element_type3A_342, %get3A_387, %dot_general3A_388 {dimension_numbers = #tpu.dot_dimension_numbers<[1], [0], [0], [1], [0, 0, 1, 1], [], []>, precision = #tpu.contract_precision<fp32>, transpose_lhs_hint = false} : vector<128x900xf32>, vector<900x10xf32>, vector<128x10xf32> -> vector<128x10xf32>
    %iota3A_390 = tpu.iota {dimensions = array<i32: 1>} : vector<128x10xi32>
    %get3A_391 = arith.constant 2 : index
    %get3A_392 = arith.constant 0 : index
    %get3A_393 = arith.constant 0 : index
    %get3A_394 = vector.load %arg9[%get3A_391, %get3A_392, %get3A_393] : memref<8x128x1xi32, #tpu.memory_space<vmem>>, vector<1x128x1xi32>
    %get3A_395 = vector.shape_cast %get3A_394 : vector<1x128x1xi32> to vector<128x1xi32>
    %eq3A_396 = vector.broadcast %get3A_395 : vector<128x1xi32> to vector<128x10xi32>
    %eq3A_397 = arith.cmpi eq, %eq3A_396, %iota3A_390 : vector<128x10xi32>
    %convert_element_type3A_398 = arith.extui %eq3A_397 : vector<128x10xi1> to vector<128x10xi32>
    %convert_element_type3A_399 = arith.sitofp %convert_element_type3A_398 : vector<128x10xi32> to vector<128x10xf32>
    %dot_general3A_400 = arith.constant dense<0.000000e+00> : vector<128x10xf32>
    %dot_general3A_401 = tpu.matmul %convert_element_type3A_347, %convert_element_type3A_399, %dot_general3A_400 {dimension_numbers = #tpu.dot_dimension_numbers<[1], [0], [0], [1], [0, 0, 1, 1], [], []>, precision = #tpu.contract_precision<fp32>, transpose_lhs_hint = false} : vector<128x128xf32>, vector<128x10xf32>, vector<128x10xf32> -> vector<128x10xf32>
    %mul3A_402 = arith.mulf %dot_general3A_389, %dot_general3A_401 : vector<128x10xf32>
    %mul3A_403 = vector.broadcast %convert_element_type3A_337 : vector<128x1xf32> to vector<128x10xf32>
    %mul3A_404 = arith.mulf %mul3A_402, %mul3A_403 : vector<128x10xf32>
    %reduce_sum3A_405 = vector.shape_cast %mul3A_404 : vector<128x10xf32> to vector<1x128x10xf32>
    %reduce_sum3A_406 = arith.constant dense<0.000000e+00> : vector<1xf32>
    %reduce_sum3A_407 = vector.multi_reduction <add>, %reduce_sum3A_405, %reduce_sum3A_406 [1, 2] : vector<1x128x10xf32> to vector<1xf32>
    %reduce_sum3A_408 = vector.shape_cast %reduce_sum3A_407 : vector<1xf32> to vector<1x1x1xf32>
    %reduce_sum3A_409 = vector.extract %reduce_sum3A_408[0, 0, 0] : f32 from vector<1x1x1xf32>
    %add3A_410 = arith.addf %add3A_245, %reduce_sum3A_409 : f32
    %get3A_411 = arith.constant 2 : index
    %get3A_412 = arith.constant 0 : index
    %get3A_413 = arith.constant 0 : index
    %get3A_414 = vector.load %arg3[%get3A_411, %get3A_412, %get3A_413] : memref<8x32x1xi32, #tpu.memory_space<vmem>>, vector<1x32x1xi32>
    %get3A_415 = vector.shape_cast %get3A_414 : vector<1x32x1xi32> to vector<32x1xi32>
    %get3A_416 = arith.constant 2 : index
    %get3A_417 = arith.constant 0 : index
    %get3A_418 = arith.constant 0 : index
    %get3A_419 = vector.load %arg4[%get3A_416, %get3A_417, %get3A_418] : memref<8x32x1xi32, #tpu.memory_space<vmem>>, vector<1x32x1xi32>
    %get3A_420 = vector.shape_cast %get3A_419 : vector<1x32x1xi32> to vector<32x1xi32>
    %get3A_421 = arith.constant 2 : index
    %get3A_422 = arith.constant 0 : index
    %get3A_423 = arith.constant 0 : index
    %get3A_424 = vector.load %arg5[%get3A_421, %get3A_422, %get3A_423] : memref<8x32x1xi32, #tpu.memory_space<vmem>>, vector<1x32x1xi32>
    %get3A_425 = vector.shape_cast %get3A_424 : vector<1x32x1xi32> to vector<32x1xi32>
    %convert_element_type3A_426 = arith.sitofp %get3A_425 : vector<32x1xi32> to vector<32x1xf32>
    %iota3A_427 = tpu.iota {dimensions = array<i32: 1>} : vector<32x100xi32>
    %eq3A_428 = vector.broadcast %get3A_415 : vector<32x1xi32> to vector<32x100xi32>
    %eq3A_429 = arith.cmpi eq, %eq3A_428, %iota3A_427 : vector<32x100xi32>
    %convert_element_type3A_430 = arith.extui %eq3A_429 : vector<32x100xi1> to vector<32x100xi32>
    %convert_element_type3A_431 = arith.sitofp %convert_element_type3A_430 : vector<32x100xi32> to vector<32x100xf32>
    %iota3A_432 = tpu.iota {dimensions = array<i32: 1>} : vector<32x32xi32>
    %eq3A_433 = vector.broadcast %get3A_420 : vector<32x1xi32> to vector<32x32xi32>
    %eq3A_434 = arith.cmpi eq, %eq3A_433, %iota3A_432 : vector<32x32xi32>
    %convert_element_type3A_435 = arith.extui %eq3A_434 : vector<32x32xi1> to vector<32x32xi32>
    %convert_element_type3A_436 = arith.sitofp %convert_element_type3A_435 : vector<32x32xi32> to vector<32x32xf32>
    %get3A_437 = arith.constant 2 : index
    %get3A_438 = arith.constant 0 : index
    %get3A_439 = arith.constant 0 : index
    %get3A_440 = vector.load %arg11[%get3A_437, %get3A_438, %get3A_439] : memref<8x100x60xf32, #tpu.memory_space<vmem>>, vector<1x100x60xf32>
    %get3A_441 = vector.shape_cast %get3A_440 : vector<1x100x60xf32> to vector<100x60xf32>
    %dot_general3A_442 = arith.constant dense<0.000000e+00> : vector<32x60xf32>
    %dot_general3A_443 = tpu.matmul %convert_element_type3A_431, %get3A_441, %dot_general3A_442 {dimension_numbers = #tpu.dot_dimension_numbers<[1], [0], [0], [1], [0, 0, 1, 1], [], []>, precision = #tpu.contract_precision<fp32>, transpose_lhs_hint = false} : vector<32x100xf32>, vector<100x60xf32>, vector<32x60xf32> -> vector<32x60xf32>
    %get3A_444 = arith.constant 2 : index
    %get3A_445 = arith.constant 0 : index
    %get3A_446 = arith.constant 0 : index
    %get3A_447 = vector.load %arg12[%get3A_444, %get3A_445, %get3A_446] : memref<8x32x60xf32, #tpu.memory_space<vmem>>, vector<1x32x60xf32>
    %get3A_448 = vector.shape_cast %get3A_447 : vector<1x32x60xf32> to vector<32x60xf32>
    %dot_general3A_449 = arith.constant dense<0.000000e+00> : vector<32x60xf32>
    %dot_general3A_450 = tpu.matmul %convert_element_type3A_436, %get3A_448, %dot_general3A_449 {dimension_numbers = #tpu.dot_dimension_numbers<[1], [0], [0], [1], [0, 0, 1, 1], [], []>, precision = #tpu.contract_precision<fp32>, transpose_lhs_hint = false} : vector<32x32xf32>, vector<32x60xf32>, vector<32x60xf32> -> vector<32x60xf32>
    %sub3A_451 = arith.subf %dot_general3A_443, %dot_general3A_450 : vector<32x60xf32>
    %abs3A_452 = math.absf %sub3A_451 : vector<32x60xf32>
    %lt3A_453 = arith.constant 1.000000e+00 : f32
    %lt3A_454 = vector.broadcast %lt3A_453 : f32 to vector<32x60xf32>
    %lt3A_455 = arith.cmpf olt, %abs3A_452, %lt3A_454 : vector<32x60xf32>
    %mul3A_456 = arith.constant 5.000000e-01 : f32
    %mul3A_457 = vector.broadcast %mul3A_456 : f32 to vector<32x60xf32>
    %mul3A_458 = arith.mulf %mul3A_457, %sub3A_451 : vector<32x60xf32>
    %mul3A_459 = arith.mulf %mul3A_458, %sub3A_451 : vector<32x60xf32>
    %sub3A_460 = arith.constant 5.000000e-01 : f32
    %sub3A_461 = vector.broadcast %sub3A_460 : f32 to vector<32x60xf32>
    %sub3A_462 = arith.subf %abs3A_452, %sub3A_461 : vector<32x60xf32>
    %select_n3A_463 = arith.select %lt3A_455, %mul3A_459, %sub3A_462 : vector<32x60xi1>, vector<32x60xf32>
    %mul3A_464 = vector.broadcast %convert_element_type3A_426 : vector<32x1xf32> to vector<32x60xf32>
    %mul3A_465 = arith.mulf %select_n3A_463, %mul3A_464 : vector<32x60xf32>
    %reduce_sum3A_466 = vector.shape_cast %mul3A_465 : vector<32x60xf32> to vector<1x32x60xf32>
    %reduce_sum3A_467 = arith.constant dense<0.000000e+00> : vector<1xf32>
    %reduce_sum3A_468 = vector.multi_reduction <add>, %reduce_sum3A_466, %reduce_sum3A_467 [1, 2] : vector<1x32x60xf32> to vector<1xf32>
    %reduce_sum3A_469 = vector.shape_cast %reduce_sum3A_468 : vector<1xf32> to vector<1x1x1xf32>
    %reduce_sum3A_470 = vector.extract %reduce_sum3A_469[0, 0, 0] : f32 from vector<1x1x1xf32>
    %add3A_471 = arith.addf %add3A_306, %reduce_sum3A_470 : f32
    %get3A_472 = arith.constant 2 : index
    %get3A_473 = arith.constant 0 : index
    %get3A_474 = arith.constant 0 : index
    %get3A_475 = vector.load %arg10[%get3A_472, %get3A_473, %get3A_474] : memref<8x1x100xf32, #tpu.memory_space<vmem>>, vector<1x1x100xf32>
    %get3A_476 = vector.shape_cast %get3A_475 : vector<1x1x100xf32> to vector<1x100xf32>
    %mul3A_477 = vector.broadcast %get3A_476 : vector<1x100xf32> to vector<32x100xf32>
    %mul3A_478 = arith.mulf %convert_element_type3A_431, %mul3A_477 : vector<32x100xf32>
    %mul3A_479 = vector.broadcast %convert_element_type3A_426 : vector<32x1xf32> to vector<32x100xf32>
    %mul3A_480 = arith.mulf %mul3A_478, %mul3A_479 : vector<32x100xf32>
    %reduce_sum3A_481 = vector.shape_cast %mul3A_480 : vector<32x100xf32> to vector<1x32x100xf32>
    %reduce_sum3A_482 = arith.constant dense<0.000000e+00> : vector<1xf32>
    %reduce_sum3A_483 = vector.multi_reduction <add>, %reduce_sum3A_481, %reduce_sum3A_482 [1, 2] : vector<1x32x100xf32> to vector<1xf32>
    %reduce_sum3A_484 = vector.shape_cast %reduce_sum3A_483 : vector<1xf32> to vector<1x1x1xf32>
    %reduce_sum3A_485 = vector.extract %reduce_sum3A_484[0, 0, 0] : f32 from vector<1x1x1xf32>
    %add3A_486 = arith.addf %add3A_321, %reduce_sum3A_485 : f32
    %get3A_487 = arith.constant 3 : index
    %get3A_488 = arith.constant 0 : index
    %get3A_489 = arith.constant 0 : index
    %get3A_490 = vector.load %arg0[%get3A_487, %get3A_488, %get3A_489] : memref<8x128x1xi32, #tpu.memory_space<vmem>>, vector<1x128x1xi32>
    %get3A_491 = vector.shape_cast %get3A_490 : vector<1x128x1xi32> to vector<128x1xi32>
    %get3A_492 = arith.constant 3 : index
    %get3A_493 = arith.constant 0 : index
    %get3A_494 = arith.constant 0 : index
    %get3A_495 = vector.load %arg1[%get3A_492, %get3A_493, %get3A_494] : memref<8x128x1xi32, #tpu.memory_space<vmem>>, vector<1x128x1xi32>
    %get3A_496 = vector.shape_cast %get3A_495 : vector<1x128x1xi32> to vector<128x1xi32>
    %get3A_497 = arith.constant 3 : index
    %get3A_498 = arith.constant 0 : index
    %get3A_499 = arith.constant 0 : index
    %get3A_500 = vector.load %arg2[%get3A_497, %get3A_498, %get3A_499] : memref<8x128x1xi32, #tpu.memory_space<vmem>>, vector<1x128x1xi32>
    %get3A_501 = vector.shape_cast %get3A_500 : vector<1x128x1xi32> to vector<128x1xi32>
    %convert_element_type3A_502 = arith.sitofp %get3A_501 : vector<128x1xi32> to vector<128x1xf32>
    %iota3A_503 = tpu.iota {dimensions = array<i32: 1>} : vector<128x900xi32>
    %eq3A_504 = vector.broadcast %get3A_491 : vector<128x1xi32> to vector<128x900xi32>
    %eq3A_505 = arith.cmpi eq, %eq3A_504, %iota3A_503 : vector<128x900xi32>
    %convert_element_type3A_506 = arith.extui %eq3A_505 : vector<128x900xi1> to vector<128x900xi32>
    %convert_element_type3A_507 = arith.sitofp %convert_element_type3A_506 : vector<128x900xi32> to vector<128x900xf32>
    %iota3A_508 = tpu.iota {dimensions = array<i32: 1>} : vector<128x128xi32>
    %eq3A_509 = vector.broadcast %get3A_496 : vector<128x1xi32> to vector<128x128xi32>
    %eq3A_510 = arith.cmpi eq, %eq3A_509, %iota3A_508 : vector<128x128xi32>
    %convert_element_type3A_511 = arith.extui %eq3A_510 : vector<128x128xi1> to vector<128x128xi32>
    %convert_element_type3A_512 = arith.sitofp %convert_element_type3A_511 : vector<128x128xi32> to vector<128x128xf32>
    %get3A_513 = arith.constant 3 : index
    %get3A_514 = arith.constant 0 : index
    %get3A_515 = arith.constant 0 : index
    %get3A_516 = vector.load %arg6[%get3A_513, %get3A_514, %get3A_515] : memref<8x900x9xf32, #tpu.memory_space<vmem>>, vector<1x900x9xf32>
    %get3A_517 = vector.shape_cast %get3A_516 : vector<1x900x9xf32> to vector<900x9xf32>
    %dot_general3A_518 = arith.constant dense<0.000000e+00> : vector<128x9xf32>
    %dot_general3A_519 = tpu.matmul %convert_element_type3A_507, %get3A_517, %dot_general3A_518 {dimension_numbers = #tpu.dot_dimension_numbers<[1], [0], [0], [1], [0, 0, 1, 1], [], []>, precision = #tpu.contract_precision<fp32>, transpose_lhs_hint = false} : vector<128x900xf32>, vector<900x9xf32>, vector<128x9xf32> -> vector<128x9xf32>
    %get3A_520 = arith.constant 3 : index
    %get3A_521 = arith.constant 0 : index
    %get3A_522 = arith.constant 0 : index
    %get3A_523 = vector.load %arg7[%get3A_520, %get3A_521, %get3A_522] : memref<8x128x9xf32, #tpu.memory_space<vmem>>, vector<1x128x9xf32>
    %get3A_524 = vector.shape_cast %get3A_523 : vector<1x128x9xf32> to vector<128x9xf32>
    %dot_general3A_525 = arith.constant dense<0.000000e+00> : vector<128x9xf32>
    %dot_general3A_526 = tpu.matmul %convert_element_type3A_512, %get3A_524, %dot_general3A_525 {dimension_numbers = #tpu.dot_dimension_numbers<[1], [0], [0], [1], [0, 0, 1, 1], [], []>, precision = #tpu.contract_precision<fp32>, transpose_lhs_hint = false} : vector<128x128xf32>, vector<128x9xf32>, vector<128x9xf32> -> vector<128x9xf32>
    %sub3A_527 = arith.subf %dot_general3A_519, %dot_general3A_526 : vector<128x9xf32>
    %abs3A_528 = math.absf %sub3A_527 : vector<128x9xf32>
    %lt3A_529 = arith.constant 1.000000e+00 : f32
    %lt3A_530 = vector.broadcast %lt3A_529 : f32 to vector<128x9xf32>
    %lt3A_531 = arith.cmpf olt, %abs3A_528, %lt3A_530 : vector<128x9xf32>
    %mul3A_532 = arith.constant 5.000000e-01 : f32
    %mul3A_533 = vector.broadcast %mul3A_532 : f32 to vector<128x9xf32>
    %mul3A_534 = arith.mulf %mul3A_533, %sub3A_527 : vector<128x9xf32>
    %mul3A_535 = arith.mulf %mul3A_534, %sub3A_527 : vector<128x9xf32>
    %sub3A_536 = arith.constant 5.000000e-01 : f32
    %sub3A_537 = vector.broadcast %sub3A_536 : f32 to vector<128x9xf32>
    %sub3A_538 = arith.subf %abs3A_528, %sub3A_537 : vector<128x9xf32>
    %select_n3A_539 = arith.select %lt3A_531, %mul3A_535, %sub3A_538 : vector<128x9xi1>, vector<128x9xf32>
    %mul3A_540 = vector.broadcast %convert_element_type3A_502 : vector<128x1xf32> to vector<128x9xf32>
    %mul3A_541 = arith.mulf %select_n3A_539, %mul3A_540 : vector<128x9xf32>
    %reduce_sum3A_542 = vector.shape_cast %mul3A_541 : vector<128x9xf32> to vector<1x128x9xf32>
    %reduce_sum3A_543 = arith.constant dense<0.000000e+00> : vector<1xf32>
    %reduce_sum3A_544 = vector.multi_reduction <add>, %reduce_sum3A_542, %reduce_sum3A_543 [1, 2] : vector<1x128x9xf32> to vector<1xf32>
    %reduce_sum3A_545 = vector.shape_cast %reduce_sum3A_544 : vector<1xf32> to vector<1x1x1xf32>
    %reduce_sum3A_546 = vector.extract %reduce_sum3A_545[0, 0, 0] : f32 from vector<1x1x1xf32>
    %add3A_547 = arith.addf %add3A_382, %reduce_sum3A_546 : f32
    %get3A_548 = arith.constant 3 : index
    %get3A_549 = arith.constant 0 : index
    %get3A_550 = arith.constant 0 : index
    %get3A_551 = vector.load %arg8[%get3A_548, %get3A_549, %get3A_550] : memref<8x900x10xf32, #tpu.memory_space<vmem>>, vector<1x900x10xf32>
    %get3A_552 = vector.shape_cast %get3A_551 : vector<1x900x10xf32> to vector<900x10xf32>
    %dot_general3A_553 = arith.constant dense<0.000000e+00> : vector<128x10xf32>
    %dot_general3A_554 = tpu.matmul %convert_element_type3A_507, %get3A_552, %dot_general3A_553 {dimension_numbers = #tpu.dot_dimension_numbers<[1], [0], [0], [1], [0, 0, 1, 1], [], []>, precision = #tpu.contract_precision<fp32>, transpose_lhs_hint = false} : vector<128x900xf32>, vector<900x10xf32>, vector<128x10xf32> -> vector<128x10xf32>
    %iota3A_555 = tpu.iota {dimensions = array<i32: 1>} : vector<128x10xi32>
    %get3A_556 = arith.constant 3 : index
    %get3A_557 = arith.constant 0 : index
    %get3A_558 = arith.constant 0 : index
    %get3A_559 = vector.load %arg9[%get3A_556, %get3A_557, %get3A_558] : memref<8x128x1xi32, #tpu.memory_space<vmem>>, vector<1x128x1xi32>
    %get3A_560 = vector.shape_cast %get3A_559 : vector<1x128x1xi32> to vector<128x1xi32>
    %eq3A_561 = vector.broadcast %get3A_560 : vector<128x1xi32> to vector<128x10xi32>
    %eq3A_562 = arith.cmpi eq, %eq3A_561, %iota3A_555 : vector<128x10xi32>
    %convert_element_type3A_563 = arith.extui %eq3A_562 : vector<128x10xi1> to vector<128x10xi32>
    %convert_element_type3A_564 = arith.sitofp %convert_element_type3A_563 : vector<128x10xi32> to vector<128x10xf32>
    %dot_general3A_565 = arith.constant dense<0.000000e+00> : vector<128x10xf32>
    %dot_general3A_566 = tpu.matmul %convert_element_type3A_512, %convert_element_type3A_564, %dot_general3A_565 {dimension_numbers = #tpu.dot_dimension_numbers<[1], [0], [0], [1], [0, 0, 1, 1], [], []>, precision = #tpu.contract_precision<fp32>, transpose_lhs_hint = false} : vector<128x128xf32>, vector<128x10xf32>, vector<128x10xf32> -> vector<128x10xf32>
    %mul3A_567 = arith.mulf %dot_general3A_554, %dot_general3A_566 : vector<128x10xf32>
    %mul3A_568 = vector.broadcast %convert_element_type3A_502 : vector<128x1xf32> to vector<128x10xf32>
    %mul3A_569 = arith.mulf %mul3A_567, %mul3A_568 : vector<128x10xf32>
    %reduce_sum3A_570 = vector.shape_cast %mul3A_569 : vector<128x10xf32> to vector<1x128x10xf32>
    %reduce_sum3A_571 = arith.constant dense<0.000000e+00> : vector<1xf32>
    %reduce_sum3A_572 = vector.multi_reduction <add>, %reduce_sum3A_570, %reduce_sum3A_571 [1, 2] : vector<1x128x10xf32> to vector<1xf32>
    %reduce_sum3A_573 = vector.shape_cast %reduce_sum3A_572 : vector<1xf32> to vector<1x1x1xf32>
    %reduce_sum3A_574 = vector.extract %reduce_sum3A_573[0, 0, 0] : f32 from vector<1x1x1xf32>
    %add3A_575 = arith.addf %add3A_410, %reduce_sum3A_574 : f32
    %get3A_576 = arith.constant 3 : index
    %get3A_577 = arith.constant 0 : index
    %get3A_578 = arith.constant 0 : index
    %get3A_579 = vector.load %arg3[%get3A_576, %get3A_577, %get3A_578] : memref<8x32x1xi32, #tpu.memory_space<vmem>>, vector<1x32x1xi32>
    %get3A_580 = vector.shape_cast %get3A_579 : vector<1x32x1xi32> to vector<32x1xi32>
    %get3A_581 = arith.constant 3 : index
    %get3A_582 = arith.constant 0 : index
    %get3A_583 = arith.constant 0 : index
    %get3A_584 = vector.load %arg4[%get3A_581, %get3A_582, %get3A_583] : memref<8x32x1xi32, #tpu.memory_space<vmem>>, vector<1x32x1xi32>
    %get3A_585 = vector.shape_cast %get3A_584 : vector<1x32x1xi32> to vector<32x1xi32>
    %get3A_586 = arith.constant 3 : index
    %get3A_587 = arith.constant 0 : index
    %get3A_588 = arith.constant 0 : index
    %get3A_589 = vector.load %arg5[%get3A_586, %get3A_587, %get3A_588] : memref<8x32x1xi32, #tpu.memory_space<vmem>>, vector<1x32x1xi32>
    %get3A_590 = vector.shape_cast %get3A_589 : vector<1x32x1xi32> to vector<32x1xi32>
    %convert_element_type3A_591 = arith.sitofp %get3A_590 : vector<32x1xi32> to vector<32x1xf32>
    %iota3A_592 = tpu.iota {dimensions = array<i32: 1>} : vector<32x100xi32>
    %eq3A_593 = vector.broadcast %get3A_580 : vector<32x1xi32> to vector<32x100xi32>
    %eq3A_594 = arith.cmpi eq, %eq3A_593, %iota3A_592 : vector<32x100xi32>
    %convert_element_type3A_595 = arith.extui %eq3A_594 : vector<32x100xi1> to vector<32x100xi32>
    %convert_element_type3A_596 = arith.sitofp %convert_element_type3A_595 : vector<32x100xi32> to vector<32x100xf32>
    %iota3A_597 = tpu.iota {dimensions = array<i32: 1>} : vector<32x32xi32>
    %eq3A_598 = vector.broadcast %get3A_585 : vector<32x1xi32> to vector<32x32xi32>
    %eq3A_599 = arith.cmpi eq, %eq3A_598, %iota3A_597 : vector<32x32xi32>
    %convert_element_type3A_600 = arith.extui %eq3A_599 : vector<32x32xi1> to vector<32x32xi32>
    %convert_element_type3A_601 = arith.sitofp %convert_element_type3A_600 : vector<32x32xi32> to vector<32x32xf32>
    %get3A_602 = arith.constant 3 : index
    %get3A_603 = arith.constant 0 : index
    %get3A_604 = arith.constant 0 : index
    %get3A_605 = vector.load %arg11[%get3A_602, %get3A_603, %get3A_604] : memref<8x100x60xf32, #tpu.memory_space<vmem>>, vector<1x100x60xf32>
    %get3A_606 = vector.shape_cast %get3A_605 : vector<1x100x60xf32> to vector<100x60xf32>
    %dot_general3A_607 = arith.constant dense<0.000000e+00> : vector<32x60xf32>
    %dot_general3A_608 = tpu.matmul %convert_element_type3A_596, %get3A_606, %dot_general3A_607 {dimension_numbers = #tpu.dot_dimension_numbers<[1], [0], [0], [1], [0, 0, 1, 1], [], []>, precision = #tpu.contract_precision<fp32>, transpose_lhs_hint = false} : vector<32x100xf32>, vector<100x60xf32>, vector<32x60xf32> -> vector<32x60xf32>
    %get3A_609 = arith.constant 3 : index
    %get3A_610 = arith.constant 0 : index
    %get3A_611 = arith.constant 0 : index
    %get3A_612 = vector.load %arg12[%get3A_609, %get3A_610, %get3A_611] : memref<8x32x60xf32, #tpu.memory_space<vmem>>, vector<1x32x60xf32>
    %get3A_613 = vector.shape_cast %get3A_612 : vector<1x32x60xf32> to vector<32x60xf32>
    %dot_general3A_614 = arith.constant dense<0.000000e+00> : vector<32x60xf32>
    %dot_general3A_615 = tpu.matmul %convert_element_type3A_601, %get3A_613, %dot_general3A_614 {dimension_numbers = #tpu.dot_dimension_numbers<[1], [0], [0], [1], [0, 0, 1, 1], [], []>, precision = #tpu.contract_precision<fp32>, transpose_lhs_hint = false} : vector<32x32xf32>, vector<32x60xf32>, vector<32x60xf32> -> vector<32x60xf32>
    %sub3A_616 = arith.subf %dot_general3A_608, %dot_general3A_615 : vector<32x60xf32>
    %abs3A_617 = math.absf %sub3A_616 : vector<32x60xf32>
    %lt3A_618 = arith.constant 1.000000e+00 : f32
    %lt3A_619 = vector.broadcast %lt3A_618 : f32 to vector<32x60xf32>
    %lt3A_620 = arith.cmpf olt, %abs3A_617, %lt3A_619 : vector<32x60xf32>
    %mul3A_621 = arith.constant 5.000000e-01 : f32
    %mul3A_622 = vector.broadcast %mul3A_621 : f32 to vector<32x60xf32>
    %mul3A_623 = arith.mulf %mul3A_622, %sub3A_616 : vector<32x60xf32>
    %mul3A_624 = arith.mulf %mul3A_623, %sub3A_616 : vector<32x60xf32>
    %sub3A_625 = arith.constant 5.000000e-01 : f32
    %sub3A_626 = vector.broadcast %sub3A_625 : f32 to vector<32x60xf32>
    %sub3A_627 = arith.subf %abs3A_617, %sub3A_626 : vector<32x60xf32>
    %select_n3A_628 = arith.select %lt3A_620, %mul3A_624, %sub3A_627 : vector<32x60xi1>, vector<32x60xf32>
    %mul3A_629 = vector.broadcast %convert_element_type3A_591 : vector<32x1xf32> to vector<32x60xf32>
    %mul3A_630 = arith.mulf %select_n3A_628, %mul3A_629 : vector<32x60xf32>
    %reduce_sum3A_631 = vector.shape_cast %mul3A_630 : vector<32x60xf32> to vector<1x32x60xf32>
    %reduce_sum3A_632 = arith.constant dense<0.000000e+00> : vector<1xf32>
    %reduce_sum3A_633 = vector.multi_reduction <add>, %reduce_sum3A_631, %reduce_sum3A_632 [1, 2] : vector<1x32x60xf32> to vector<1xf32>
    %reduce_sum3A_634 = vector.shape_cast %reduce_sum3A_633 : vector<1xf32> to vector<1x1x1xf32>
    %reduce_sum3A_635 = vector.extract %reduce_sum3A_634[0, 0, 0] : f32 from vector<1x1x1xf32>
    %add3A_636 = arith.addf %add3A_471, %reduce_sum3A_635 : f32
    %get3A_637 = arith.constant 3 : index
    %get3A_638 = arith.constant 0 : index
    %get3A_639 = arith.constant 0 : index
    %get3A_640 = vector.load %arg10[%get3A_637, %get3A_638, %get3A_639] : memref<8x1x100xf32, #tpu.memory_space<vmem>>, vector<1x1x100xf32>
    %get3A_641 = vector.shape_cast %get3A_640 : vector<1x1x100xf32> to vector<1x100xf32>
    %mul3A_642 = vector.broadcast %get3A_641 : vector<1x100xf32> to vector<32x100xf32>
    %mul3A_643 = arith.mulf %convert_element_type3A_596, %mul3A_642 : vector<32x100xf32>
    %mul3A_644 = vector.broadcast %convert_element_type3A_591 : vector<32x1xf32> to vector<32x100xf32>
    %mul3A_645 = arith.mulf %mul3A_643, %mul3A_644 : vector<32x100xf32>
    %reduce_sum3A_646 = vector.shape_cast %mul3A_645 : vector<32x100xf32> to vector<1x32x100xf32>
    %reduce_sum3A_647 = arith.constant dense<0.000000e+00> : vector<1xf32>
    %reduce_sum3A_648 = vector.multi_reduction <add>, %reduce_sum3A_646, %reduce_sum3A_647 [1, 2] : vector<1x32x100xf32> to vector<1xf32>
    %reduce_sum3A_649 = vector.shape_cast %reduce_sum3A_648 : vector<1xf32> to vector<1x1x1xf32>
    %reduce_sum3A_650 = vector.extract %reduce_sum3A_649[0, 0, 0] : f32 from vector<1x1x1xf32>
    %add3A_651 = arith.addf %add3A_486, %reduce_sum3A_650 : f32
    %get3A_652 = arith.constant 4 : index
    %get3A_653 = arith.constant 0 : index
    %get3A_654 = arith.constant 0 : index
    %get3A_655 = vector.load %arg0[%get3A_652, %get3A_653, %get3A_654] : memref<8x128x1xi32, #tpu.memory_space<vmem>>, vector<1x128x1xi32>
    %get3A_656 = vector.shape_cast %get3A_655 : vector<1x128x1xi32> to vector<128x1xi32>
    %get3A_657 = arith.constant 4 : index
    %get3A_658 = arith.constant 0 : index
    %get3A_659 = arith.constant 0 : index
    %get3A_660 = vector.load %arg1[%get3A_657, %get3A_658, %get3A_659] : memref<8x128x1xi32, #tpu.memory_space<vmem>>, vector<1x128x1xi32>
    %get3A_661 = vector.shape_cast %get3A_660 : vector<1x128x1xi32> to vector<128x1xi32>
    %get3A_662 = arith.constant 4 : index
    %get3A_663 = arith.constant 0 : index
    %get3A_664 = arith.constant 0 : index
    %get3A_665 = vector.load %arg2[%get3A_662, %get3A_663, %get3A_664] : memref<8x128x1xi32, #tpu.memory_space<vmem>>, vector<1x128x1xi32>
    %get3A_666 = vector.shape_cast %get3A_665 : vector<1x128x1xi32> to vector<128x1xi32>
    %convert_element_type3A_667 = arith.sitofp %get3A_666 : vector<128x1xi32> to vector<128x1xf32>
    %iota3A_668 = tpu.iota {dimensions = array<i32: 1>} : vector<128x900xi32>
    %eq3A_669 = vector.broadcast %get3A_656 : vector<128x1xi32> to vector<128x900xi32>
    %eq3A_670 = arith.cmpi eq, %eq3A_669, %iota3A_668 : vector<128x900xi32>
    %convert_element_type3A_671 = arith.extui %eq3A_670 : vector<128x900xi1> to vector<128x900xi32>
    %convert_element_type3A_672 = arith.sitofp %convert_element_type3A_671 : vector<128x900xi32> to vector<128x900xf32>
    %iota3A_673 = tpu.iota {dimensions = array<i32: 1>} : vector<128x128xi32>
    %eq3A_674 = vector.broadcast %get3A_661 : vector<128x1xi32> to vector<128x128xi32>
    %eq3A_675 = arith.cmpi eq, %eq3A_674, %iota3A_673 : vector<128x128xi32>
    %convert_element_type3A_676 = arith.extui %eq3A_675 : vector<128x128xi1> to vector<128x128xi32>
    %convert_element_type3A_677 = arith.sitofp %convert_element_type3A_676 : vector<128x128xi32> to vector<128x128xf32>
    %get3A_678 = arith.constant 4 : index
    %get3A_679 = arith.constant 0 : index
    %get3A_680 = arith.constant 0 : index
    %get3A_681 = vector.load %arg6[%get3A_678, %get3A_679, %get3A_680] : memref<8x900x9xf32, #tpu.memory_space<vmem>>, vector<1x900x9xf32>
    %get3A_682 = vector.shape_cast %get3A_681 : vector<1x900x9xf32> to vector<900x9xf32>
    %dot_general3A_683 = arith.constant dense<0.000000e+00> : vector<128x9xf32>
    %dot_general3A_684 = tpu.matmul %convert_element_type3A_672, %get3A_682, %dot_general3A_683 {dimension_numbers = #tpu.dot_dimension_numbers<[1], [0], [0], [1], [0, 0, 1, 1], [], []>, precision = #tpu.contract_precision<fp32>, transpose_lhs_hint = false} : vector<128x900xf32>, vector<900x9xf32>, vector<128x9xf32> -> vector<128x9xf32>
    %get3A_685 = arith.constant 4 : index
    %get3A_686 = arith.constant 0 : index
    %get3A_687 = arith.constant 0 : index
    %get3A_688 = vector.load %arg7[%get3A_685, %get3A_686, %get3A_687] : memref<8x128x9xf32, #tpu.memory_space<vmem>>, vector<1x128x9xf32>
    %get3A_689 = vector.shape_cast %get3A_688 : vector<1x128x9xf32> to vector<128x9xf32>
    %dot_general3A_690 = arith.constant dense<0.000000e+00> : vector<128x9xf32>
    %dot_general3A_691 = tpu.matmul %convert_element_type3A_677, %get3A_689, %dot_general3A_690 {dimension_numbers = #tpu.dot_dimension_numbers<[1], [0], [0], [1], [0, 0, 1, 1], [], []>, precision = #tpu.contract_precision<fp32>, transpose_lhs_hint = false} : vector<128x128xf32>, vector<128x9xf32>, vector<128x9xf32> -> vector<128x9xf32>
    %sub3A_692 = arith.subf %dot_general3A_684, %dot_general3A_691 : vector<128x9xf32>
    %abs3A_693 = math.absf %sub3A_692 : vector<128x9xf32>
    %lt3A_694 = arith.constant 1.000000e+00 : f32
    %lt3A_695 = vector.broadcast %lt3A_694 : f32 to vector<128x9xf32>
    %lt3A_696 = arith.cmpf olt, %abs3A_693, %lt3A_695 : vector<128x9xf32>
    %mul3A_697 = arith.constant 5.000000e-01 : f32
    %mul3A_698 = vector.broadcast %mul3A_697 : f32 to vector<128x9xf32>
    %mul3A_699 = arith.mulf %mul3A_698, %sub3A_692 : vector<128x9xf32>
    %mul3A_700 = arith.mulf %mul3A_699, %sub3A_692 : vector<128x9xf32>
    %sub3A_701 = arith.constant 5.000000e-01 : f32
    %sub3A_702 = vector.broadcast %sub3A_701 : f32 to vector<128x9xf32>
    %sub3A_703 = arith.subf %abs3A_693, %sub3A_702 : vector<128x9xf32>
    %select_n3A_704 = arith.select %lt3A_696, %mul3A_700, %sub3A_703 : vector<128x9xi1>, vector<128x9xf32>
    %mul3A_705 = vector.broadcast %convert_element_type3A_667 : vector<128x1xf32> to vector<128x9xf32>
    %mul3A_706 = arith.mulf %select_n3A_704, %mul3A_705 : vector<128x9xf32>
    %reduce_sum3A_707 = vector.shape_cast %mul3A_706 : vector<128x9xf32> to vector<1x128x9xf32>
    %reduce_sum3A_708 = arith.constant dense<0.000000e+00> : vector<1xf32>
    %reduce_sum3A_709 = vector.multi_reduction <add>, %reduce_sum3A_707, %reduce_sum3A_708 [1, 2] : vector<1x128x9xf32> to vector<1xf32>
    %reduce_sum3A_710 = vector.shape_cast %reduce_sum3A_709 : vector<1xf32> to vector<1x1x1xf32>
    %reduce_sum3A_711 = vector.extract %reduce_sum3A_710[0, 0, 0] : f32 from vector<1x1x1xf32>
    %add3A_712 = arith.addf %add3A_547, %reduce_sum3A_711 : f32
    %get3A_713 = arith.constant 4 : index
    %get3A_714 = arith.constant 0 : index
    %get3A_715 = arith.constant 0 : index
    %get3A_716 = vector.load %arg8[%get3A_713, %get3A_714, %get3A_715] : memref<8x900x10xf32, #tpu.memory_space<vmem>>, vector<1x900x10xf32>
    %get3A_717 = vector.shape_cast %get3A_716 : vector<1x900x10xf32> to vector<900x10xf32>
    %dot_general3A_718 = arith.constant dense<0.000000e+00> : vector<128x10xf32>
    %dot_general3A_719 = tpu.matmul %convert_element_type3A_672, %get3A_717, %dot_general3A_718 {dimension_numbers = #tpu.dot_dimension_numbers<[1], [0], [0], [1], [0, 0, 1, 1], [], []>, precision = #tpu.contract_precision<fp32>, transpose_lhs_hint = false} : vector<128x900xf32>, vector<900x10xf32>, vector<128x10xf32> -> vector<128x10xf32>
    %iota3A_720 = tpu.iota {dimensions = array<i32: 1>} : vector<128x10xi32>
    %get3A_721 = arith.constant 4 : index
    %get3A_722 = arith.constant 0 : index
    %get3A_723 = arith.constant 0 : index
    %get3A_724 = vector.load %arg9[%get3A_721, %get3A_722, %get3A_723] : memref<8x128x1xi32, #tpu.memory_space<vmem>>, vector<1x128x1xi32>
    %get3A_725 = vector.shape_cast %get3A_724 : vector<1x128x1xi32> to vector<128x1xi32>
    %eq3A_726 = vector.broadcast %get3A_725 : vector<128x1xi32> to vector<128x10xi32>
    %eq3A_727 = arith.cmpi eq, %eq3A_726, %iota3A_720 : vector<128x10xi32>
    %convert_element_type3A_728 = arith.extui %eq3A_727 : vector<128x10xi1> to vector<128x10xi32>
    %convert_element_type3A_729 = arith.sitofp %convert_element_type3A_728 : vector<128x10xi32> to vector<128x10xf32>
    %dot_general3A_730 = arith.constant dense<0.000000e+00> : vector<128x10xf32>
    %dot_general3A_731 = tpu.matmul %convert_element_type3A_677, %convert_element_type3A_729, %dot_general3A_730 {dimension_numbers = #tpu.dot_dimension_numbers<[1], [0], [0], [1], [0, 0, 1, 1], [], []>, precision = #tpu.contract_precision<fp32>, transpose_lhs_hint = false} : vector<128x128xf32>, vector<128x10xf32>, vector<128x10xf32> -> vector<128x10xf32>
    %mul3A_732 = arith.mulf %dot_general3A_719, %dot_general3A_731 : vector<128x10xf32>
    %mul3A_733 = vector.broadcast %convert_element_type3A_667 : vector<128x1xf32> to vector<128x10xf32>
    %mul3A_734 = arith.mulf %mul3A_732, %mul3A_733 : vector<128x10xf32>
    %reduce_sum3A_735 = vector.shape_cast %mul3A_734 : vector<128x10xf32> to vector<1x128x10xf32>
    %reduce_sum3A_736 = arith.constant dense<0.000000e+00> : vector<1xf32>
    %reduce_sum3A_737 = vector.multi_reduction <add>, %reduce_sum3A_735, %reduce_sum3A_736 [1, 2] : vector<1x128x10xf32> to vector<1xf32>
    %reduce_sum3A_738 = vector.shape_cast %reduce_sum3A_737 : vector<1xf32> to vector<1x1x1xf32>
    %reduce_sum3A_739 = vector.extract %reduce_sum3A_738[0, 0, 0] : f32 from vector<1x1x1xf32>
    %add3A_740 = arith.addf %add3A_575, %reduce_sum3A_739 : f32
    %get3A_741 = arith.constant 4 : index
    %get3A_742 = arith.constant 0 : index
    %get3A_743 = arith.constant 0 : index
    %get3A_744 = vector.load %arg3[%get3A_741, %get3A_742, %get3A_743] : memref<8x32x1xi32, #tpu.memory_space<vmem>>, vector<1x32x1xi32>
    %get3A_745 = vector.shape_cast %get3A_744 : vector<1x32x1xi32> to vector<32x1xi32>
    %get3A_746 = arith.constant 4 : index
    %get3A_747 = arith.constant 0 : index
    %get3A_748 = arith.constant 0 : index
    %get3A_749 = vector.load %arg4[%get3A_746, %get3A_747, %get3A_748] : memref<8x32x1xi32, #tpu.memory_space<vmem>>, vector<1x32x1xi32>
    %get3A_750 = vector.shape_cast %get3A_749 : vector<1x32x1xi32> to vector<32x1xi32>
    %get3A_751 = arith.constant 4 : index
    %get3A_752 = arith.constant 0 : index
    %get3A_753 = arith.constant 0 : index
    %get3A_754 = vector.load %arg5[%get3A_751, %get3A_752, %get3A_753] : memref<8x32x1xi32, #tpu.memory_space<vmem>>, vector<1x32x1xi32>
    %get3A_755 = vector.shape_cast %get3A_754 : vector<1x32x1xi32> to vector<32x1xi32>
    %convert_element_type3A_756 = arith.sitofp %get3A_755 : vector<32x1xi32> to vector<32x1xf32>
    %iota3A_757 = tpu.iota {dimensions = array<i32: 1>} : vector<32x100xi32>
    %eq3A_758 = vector.broadcast %get3A_745 : vector<32x1xi32> to vector<32x100xi32>
    %eq3A_759 = arith.cmpi eq, %eq3A_758, %iota3A_757 : vector<32x100xi32>
    %convert_element_type3A_760 = arith.extui %eq3A_759 : vector<32x100xi1> to vector<32x100xi32>
    %convert_element_type3A_761 = arith.sitofp %convert_element_type3A_760 : vector<32x100xi32> to vector<32x100xf32>
    %iota3A_762 = tpu.iota {dimensions = array<i32: 1>} : vector<32x32xi32>
    %eq3A_763 = vector.broadcast %get3A_750 : vector<32x1xi32> to vector<32x32xi32>
    %eq3A_764 = arith.cmpi eq, %eq3A_763, %iota3A_762 : vector<32x32xi32>
    %convert_element_type3A_765 = arith.extui %eq3A_764 : vector<32x32xi1> to vector<32x32xi32>
    %convert_element_type3A_766 = arith.sitofp %convert_element_type3A_765 : vector<32x32xi32> to vector<32x32xf32>
    %get3A_767 = arith.constant 4 : index
    %get3A_768 = arith.constant 0 : index
    %get3A_769 = arith.constant 0 : index
    %get3A_770 = vector.load %arg11[%get3A_767, %get3A_768, %get3A_769] : memref<8x100x60xf32, #tpu.memory_space<vmem>>, vector<1x100x60xf32>
    %get3A_771 = vector.shape_cast %get3A_770 : vector<1x100x60xf32> to vector<100x60xf32>
    %dot_general3A_772 = arith.constant dense<0.000000e+00> : vector<32x60xf32>
    %dot_general3A_773 = tpu.matmul %convert_element_type3A_761, %get3A_771, %dot_general3A_772 {dimension_numbers = #tpu.dot_dimension_numbers<[1], [0], [0], [1], [0, 0, 1, 1], [], []>, precision = #tpu.contract_precision<fp32>, transpose_lhs_hint = false} : vector<32x100xf32>, vector<100x60xf32>, vector<32x60xf32> -> vector<32x60xf32>
    %get3A_774 = arith.constant 4 : index
    %get3A_775 = arith.constant 0 : index
    %get3A_776 = arith.constant 0 : index
    %get3A_777 = vector.load %arg12[%get3A_774, %get3A_775, %get3A_776] : memref<8x32x60xf32, #tpu.memory_space<vmem>>, vector<1x32x60xf32>
    %get3A_778 = vector.shape_cast %get3A_777 : vector<1x32x60xf32> to vector<32x60xf32>
    %dot_general3A_779 = arith.constant dense<0.000000e+00> : vector<32x60xf32>
    %dot_general3A_780 = tpu.matmul %convert_element_type3A_766, %get3A_778, %dot_general3A_779 {dimension_numbers = #tpu.dot_dimension_numbers<[1], [0], [0], [1], [0, 0, 1, 1], [], []>, precision = #tpu.contract_precision<fp32>, transpose_lhs_hint = false} : vector<32x32xf32>, vector<32x60xf32>, vector<32x60xf32> -> vector<32x60xf32>
    %sub3A_781 = arith.subf %dot_general3A_773, %dot_general3A_780 : vector<32x60xf32>
    %abs3A_782 = math.absf %sub3A_781 : vector<32x60xf32>
    %lt3A_783 = arith.constant 1.000000e+00 : f32
    %lt3A_784 = vector.broadcast %lt3A_783 : f32 to vector<32x60xf32>
    %lt3A_785 = arith.cmpf olt, %abs3A_782, %lt3A_784 : vector<32x60xf32>
    %mul3A_786 = arith.constant 5.000000e-01 : f32
    %mul3A_787 = vector.broadcast %mul3A_786 : f32 to vector<32x60xf32>
    %mul3A_788 = arith.mulf %mul3A_787, %sub3A_781 : vector<32x60xf32>
    %mul3A_789 = arith.mulf %mul3A_788, %sub3A_781 : vector<32x60xf32>
    %sub3A_790 = arith.constant 5.000000e-01 : f32
    %sub3A_791 = vector.broadcast %sub3A_790 : f32 to vector<32x60xf32>
    %sub3A_792 = arith.subf %abs3A_782, %sub3A_791 : vector<32x60xf32>
    %select_n3A_793 = arith.select %lt3A_785, %mul3A_789, %sub3A_792 : vector<32x60xi1>, vector<32x60xf32>
    %mul3A_794 = vector.broadcast %convert_element_type3A_756 : vector<32x1xf32> to vector<32x60xf32>
    %mul3A_795 = arith.mulf %select_n3A_793, %mul3A_794 : vector<32x60xf32>
    %reduce_sum3A_796 = vector.shape_cast %mul3A_795 : vector<32x60xf32> to vector<1x32x60xf32>
    %reduce_sum3A_797 = arith.constant dense<0.000000e+00> : vector<1xf32>
    %reduce_sum3A_798 = vector.multi_reduction <add>, %reduce_sum3A_796, %reduce_sum3A_797 [1, 2] : vector<1x32x60xf32> to vector<1xf32>
    %reduce_sum3A_799 = vector.shape_cast %reduce_sum3A_798 : vector<1xf32> to vector<1x1x1xf32>
    %reduce_sum3A_800 = vector.extract %reduce_sum3A_799[0, 0, 0] : f32 from vector<1x1x1xf32>
    %add3A_801 = arith.addf %add3A_636, %reduce_sum3A_800 : f32
    %get3A_802 = arith.constant 4 : index
    %get3A_803 = arith.constant 0 : index
    %get3A_804 = arith.constant 0 : index
    %get3A_805 = vector.load %arg10[%get3A_802, %get3A_803, %get3A_804] : memref<8x1x100xf32, #tpu.memory_space<vmem>>, vector<1x1x100xf32>
    %get3A_806 = vector.shape_cast %get3A_805 : vector<1x1x100xf32> to vector<1x100xf32>
    %mul3A_807 = vector.broadcast %get3A_806 : vector<1x100xf32> to vector<32x100xf32>
    %mul3A_808 = arith.mulf %convert_element_type3A_761, %mul3A_807 : vector<32x100xf32>
    %mul3A_809 = vector.broadcast %convert_element_type3A_756 : vector<32x1xf32> to vector<32x100xf32>
    %mul3A_810 = arith.mulf %mul3A_808, %mul3A_809 : vector<32x100xf32>
    %reduce_sum3A_811 = vector.shape_cast %mul3A_810 : vector<32x100xf32> to vector<1x32x100xf32>
    %reduce_sum3A_812 = arith.constant dense<0.000000e+00> : vector<1xf32>
    %reduce_sum3A_813 = vector.multi_reduction <add>, %reduce_sum3A_811, %reduce_sum3A_812 [1, 2] : vector<1x32x100xf32> to vector<1xf32>
    %reduce_sum3A_814 = vector.shape_cast %reduce_sum3A_813 : vector<1xf32> to vector<1x1x1xf32>
    %reduce_sum3A_815 = vector.extract %reduce_sum3A_814[0, 0, 0] : f32 from vector<1x1x1xf32>
    %add3A_816 = arith.addf %add3A_651, %reduce_sum3A_815 : f32
    %get3A_817 = arith.constant 5 : index
    %get3A_818 = arith.constant 0 : index
    %get3A_819 = arith.constant 0 : index
    %get3A_820 = vector.load %arg0[%get3A_817, %get3A_818, %get3A_819] : memref<8x128x1xi32, #tpu.memory_space<vmem>>, vector<1x128x1xi32>
    %get3A_821 = vector.shape_cast %get3A_820 : vector<1x128x1xi32> to vector<128x1xi32>
    %get3A_822 = arith.constant 5 : index
    %get3A_823 = arith.constant 0 : index
    %get3A_824 = arith.constant 0 : index
    %get3A_825 = vector.load %arg1[%get3A_822, %get3A_823, %get3A_824] : memref<8x128x1xi32, #tpu.memory_space<vmem>>, vector<1x128x1xi32>
    %get3A_826 = vector.shape_cast %get3A_825 : vector<1x128x1xi32> to vector<128x1xi32>
    %get3A_827 = arith.constant 5 : index
    %get3A_828 = arith.constant 0 : index
    %get3A_829 = arith.constant 0 : index
    %get3A_830 = vector.load %arg2[%get3A_827, %get3A_828, %get3A_829] : memref<8x128x1xi32, #tpu.memory_space<vmem>>, vector<1x128x1xi32>
    %get3A_831 = vector.shape_cast %get3A_830 : vector<1x128x1xi32> to vector<128x1xi32>
    %convert_element_type3A_832 = arith.sitofp %get3A_831 : vector<128x1xi32> to vector<128x1xf32>
    %iota3A_833 = tpu.iota {dimensions = array<i32: 1>} : vector<128x900xi32>
    %eq3A_834 = vector.broadcast %get3A_821 : vector<128x1xi32> to vector<128x900xi32>
    %eq3A_835 = arith.cmpi eq, %eq3A_834, %iota3A_833 : vector<128x900xi32>
    %convert_element_type3A_836 = arith.extui %eq3A_835 : vector<128x900xi1> to vector<128x900xi32>
    %convert_element_type3A_837 = arith.sitofp %convert_element_type3A_836 : vector<128x900xi32> to vector<128x900xf32>
    %iota3A_838 = tpu.iota {dimensions = array<i32: 1>} : vector<128x128xi32>
    %eq3A_839 = vector.broadcast %get3A_826 : vector<128x1xi32> to vector<128x128xi32>
    %eq3A_840 = arith.cmpi eq, %eq3A_839, %iota3A_838 : vector<128x128xi32>
    %convert_element_type3A_841 = arith.extui %eq3A_840 : vector<128x128xi1> to vector<128x128xi32>
    %convert_element_type3A_842 = arith.sitofp %convert_element_type3A_841 : vector<128x128xi32> to vector<128x128xf32>
    %get3A_843 = arith.constant 5 : index
    %get3A_844 = arith.constant 0 : index
    %get3A_845 = arith.constant 0 : index
    %get3A_846 = vector.load %arg6[%get3A_843, %get3A_844, %get3A_845] : memref<8x900x9xf32, #tpu.memory_space<vmem>>, vector<1x900x9xf32>
    %get3A_847 = vector.shape_cast %get3A_846 : vector<1x900x9xf32> to vector<900x9xf32>
    %dot_general3A_848 = arith.constant dense<0.000000e+00> : vector<128x9xf32>
    %dot_general3A_849 = tpu.matmul %convert_element_type3A_837, %get3A_847, %dot_general3A_848 {dimension_numbers = #tpu.dot_dimension_numbers<[1], [0], [0], [1], [0, 0, 1, 1], [], []>, precision = #tpu.contract_precision<fp32>, transpose_lhs_hint = false} : vector<128x900xf32>, vector<900x9xf32>, vector<128x9xf32> -> vector<128x9xf32>
    %get3A_850 = arith.constant 5 : index
    %get3A_851 = arith.constant 0 : index
    %get3A_852 = arith.constant 0 : index
    %get3A_853 = vector.load %arg7[%get3A_850, %get3A_851, %get3A_852] : memref<8x128x9xf32, #tpu.memory_space<vmem>>, vector<1x128x9xf32>
    %get3A_854 = vector.shape_cast %get3A_853 : vector<1x128x9xf32> to vector<128x9xf32>
    %dot_general3A_855 = arith.constant dense<0.000000e+00> : vector<128x9xf32>
    %dot_general3A_856 = tpu.matmul %convert_element_type3A_842, %get3A_854, %dot_general3A_855 {dimension_numbers = #tpu.dot_dimension_numbers<[1], [0], [0], [1], [0, 0, 1, 1], [], []>, precision = #tpu.contract_precision<fp32>, transpose_lhs_hint = false} : vector<128x128xf32>, vector<128x9xf32>, vector<128x9xf32> -> vector<128x9xf32>
    %sub3A_857 = arith.subf %dot_general3A_849, %dot_general3A_856 : vector<128x9xf32>
    %abs3A_858 = math.absf %sub3A_857 : vector<128x9xf32>
    %lt3A_859 = arith.constant 1.000000e+00 : f32
    %lt3A_860 = vector.broadcast %lt3A_859 : f32 to vector<128x9xf32>
    %lt3A_861 = arith.cmpf olt, %abs3A_858, %lt3A_860 : vector<128x9xf32>
    %mul3A_862 = arith.constant 5.000000e-01 : f32
    %mul3A_863 = vector.broadcast %mul3A_862 : f32 to vector<128x9xf32>
    %mul3A_864 = arith.mulf %mul3A_863, %sub3A_857 : vector<128x9xf32>
    %mul3A_865 = arith.mulf %mul3A_864, %sub3A_857 : vector<128x9xf32>
    %sub3A_866 = arith.constant 5.000000e-01 : f32
    %sub3A_867 = vector.broadcast %sub3A_866 : f32 to vector<128x9xf32>
    %sub3A_868 = arith.subf %abs3A_858, %sub3A_867 : vector<128x9xf32>
    %select_n3A_869 = arith.select %lt3A_861, %mul3A_865, %sub3A_868 : vector<128x9xi1>, vector<128x9xf32>
    %mul3A_870 = vector.broadcast %convert_element_type3A_832 : vector<128x1xf32> to vector<128x9xf32>
    %mul3A_871 = arith.mulf %select_n3A_869, %mul3A_870 : vector<128x9xf32>
    %reduce_sum3A_872 = vector.shape_cast %mul3A_871 : vector<128x9xf32> to vector<1x128x9xf32>
    %reduce_sum3A_873 = arith.constant dense<0.000000e+00> : vector<1xf32>
    %reduce_sum3A_874 = vector.multi_reduction <add>, %reduce_sum3A_872, %reduce_sum3A_873 [1, 2] : vector<1x128x9xf32> to vector<1xf32>
    %reduce_sum3A_875 = vector.shape_cast %reduce_sum3A_874 : vector<1xf32> to vector<1x1x1xf32>
    %reduce_sum3A_876 = vector.extract %reduce_sum3A_875[0, 0, 0] : f32 from vector<1x1x1xf32>
    %add3A_877 = arith.addf %add3A_712, %reduce_sum3A_876 : f32
    %get3A_878 = arith.constant 5 : index
    %get3A_879 = arith.constant 0 : index
    %get3A_880 = arith.constant 0 : index
    %get3A_881 = vector.load %arg8[%get3A_878, %get3A_879, %get3A_880] : memref<8x900x10xf32, #tpu.memory_space<vmem>>, vector<1x900x10xf32>
    %get3A_882 = vector.shape_cast %get3A_881 : vector<1x900x10xf32> to vector<900x10xf32>
    %dot_general3A_883 = arith.constant dense<0.000000e+00> : vector<128x10xf32>
    %dot_general3A_884 = tpu.matmul %convert_element_type3A_837, %get3A_882, %dot_general3A_883 {dimension_numbers = #tpu.dot_dimension_numbers<[1], [0], [0], [1], [0, 0, 1, 1], [], []>, precision = #tpu.contract_precision<fp32>, transpose_lhs_hint = false} : vector<128x900xf32>, vector<900x10xf32>, vector<128x10xf32> -> vector<128x10xf32>
    %iota3A_885 = tpu.iota {dimensions = array<i32: 1>} : vector<128x10xi32>
    %get3A_886 = arith.constant 5 : index
    %get3A_887 = arith.constant 0 : index
    %get3A_888 = arith.constant 0 : index
    %get3A_889 = vector.load %arg9[%get3A_886, %get3A_887, %get3A_888] : memref<8x128x1xi32, #tpu.memory_space<vmem>>, vector<1x128x1xi32>
    %get3A_890 = vector.shape_cast %get3A_889 : vector<1x128x1xi32> to vector<128x1xi32>
    %eq3A_891 = vector.broadcast %get3A_890 : vector<128x1xi32> to vector<128x10xi32>
    %eq3A_892 = arith.cmpi eq, %eq3A_891, %iota3A_885 : vector<128x10xi32>
    %convert_element_type3A_893 = arith.extui %eq3A_892 : vector<128x10xi1> to vector<128x10xi32>
    %convert_element_type3A_894 = arith.sitofp %convert_element_type3A_893 : vector<128x10xi32> to vector<128x10xf32>
    %dot_general3A_895 = arith.constant dense<0.000000e+00> : vector<128x10xf32>
    %dot_general3A_896 = tpu.matmul %convert_element_type3A_842, %convert_element_type3A_894, %dot_general3A_895 {dimension_numbers = #tpu.dot_dimension_numbers<[1], [0], [0], [1], [0, 0, 1, 1], [], []>, precision = #tpu.contract_precision<fp32>, transpose_lhs_hint = false} : vector<128x128xf32>, vector<128x10xf32>, vector<128x10xf32> -> vector<128x10xf32>
    %mul3A_897 = arith.mulf %dot_general3A_884, %dot_general3A_896 : vector<128x10xf32>
    %mul3A_898 = vector.broadcast %convert_element_type3A_832 : vector<128x1xf32> to vector<128x10xf32>
    %mul3A_899 = arith.mulf %mul3A_897, %mul3A_898 : vector<128x10xf32>
    %reduce_sum3A_900 = vector.shape_cast %mul3A_899 : vector<128x10xf32> to vector<1x128x10xf32>
    %reduce_sum3A_901 = arith.constant dense<0.000000e+00> : vector<1xf32>
    %reduce_sum3A_902 = vector.multi_reduction <add>, %reduce_sum3A_900, %reduce_sum3A_901 [1, 2] : vector<1x128x10xf32> to vector<1xf32>
    %reduce_sum3A_903 = vector.shape_cast %reduce_sum3A_902 : vector<1xf32> to vector<1x1x1xf32>
    %reduce_sum3A_904 = vector.extract %reduce_sum3A_903[0, 0, 0] : f32 from vector<1x1x1xf32>
    %add3A_905 = arith.addf %add3A_740, %reduce_sum3A_904 : f32
    %get3A_906 = arith.constant 5 : index
    %get3A_907 = arith.constant 0 : index
    %get3A_908 = arith.constant 0 : index
    %get3A_909 = vector.load %arg3[%get3A_906, %get3A_907, %get3A_908] : memref<8x32x1xi32, #tpu.memory_space<vmem>>, vector<1x32x1xi32>
    %get3A_910 = vector.shape_cast %get3A_909 : vector<1x32x1xi32> to vector<32x1xi32>
    %get3A_911 = arith.constant 5 : index
    %get3A_912 = arith.constant 0 : index
    %get3A_913 = arith.constant 0 : index
    %get3A_914 = vector.load %arg4[%get3A_911, %get3A_912, %get3A_913] : memref<8x32x1xi32, #tpu.memory_space<vmem>>, vector<1x32x1xi32>
    %get3A_915 = vector.shape_cast %get3A_914 : vector<1x32x1xi32> to vector<32x1xi32>
    %get3A_916 = arith.constant 5 : index
    %get3A_917 = arith.constant 0 : index
    %get3A_918 = arith.constant 0 : index
    %get3A_919 = vector.load %arg5[%get3A_916, %get3A_917, %get3A_918] : memref<8x32x1xi32, #tpu.memory_space<vmem>>, vector<1x32x1xi32>
    %get3A_920 = vector.shape_cast %get3A_919 : vector<1x32x1xi32> to vector<32x1xi32>
    %convert_element_type3A_921 = arith.sitofp %get3A_920 : vector<32x1xi32> to vector<32x1xf32>
    %iota3A_922 = tpu.iota {dimensions = array<i32: 1>} : vector<32x100xi32>
    %eq3A_923 = vector.broadcast %get3A_910 : vector<32x1xi32> to vector<32x100xi32>
    %eq3A_924 = arith.cmpi eq, %eq3A_923, %iota3A_922 : vector<32x100xi32>
    %convert_element_type3A_925 = arith.extui %eq3A_924 : vector<32x100xi1> to vector<32x100xi32>
    %convert_element_type3A_926 = arith.sitofp %convert_element_type3A_925 : vector<32x100xi32> to vector<32x100xf32>
    %iota3A_927 = tpu.iota {dimensions = array<i32: 1>} : vector<32x32xi32>
    %eq3A_928 = vector.broadcast %get3A_915 : vector<32x1xi32> to vector<32x32xi32>
    %eq3A_929 = arith.cmpi eq, %eq3A_928, %iota3A_927 : vector<32x32xi32>
    %convert_element_type3A_930 = arith.extui %eq3A_929 : vector<32x32xi1> to vector<32x32xi32>
    %convert_element_type3A_931 = arith.sitofp %convert_element_type3A_930 : vector<32x32xi32> to vector<32x32xf32>
    %get3A_932 = arith.constant 5 : index
    %get3A_933 = arith.constant 0 : index
    %get3A_934 = arith.constant 0 : index
    %get3A_935 = vector.load %arg11[%get3A_932, %get3A_933, %get3A_934] : memref<8x100x60xf32, #tpu.memory_space<vmem>>, vector<1x100x60xf32>
    %get3A_936 = vector.shape_cast %get3A_935 : vector<1x100x60xf32> to vector<100x60xf32>
    %dot_general3A_937 = arith.constant dense<0.000000e+00> : vector<32x60xf32>
    %dot_general3A_938 = tpu.matmul %convert_element_type3A_926, %get3A_936, %dot_general3A_937 {dimension_numbers = #tpu.dot_dimension_numbers<[1], [0], [0], [1], [0, 0, 1, 1], [], []>, precision = #tpu.contract_precision<fp32>, transpose_lhs_hint = false} : vector<32x100xf32>, vector<100x60xf32>, vector<32x60xf32> -> vector<32x60xf32>
    %get3A_939 = arith.constant 5 : index
    %get3A_940 = arith.constant 0 : index
    %get3A_941 = arith.constant 0 : index
    %get3A_942 = vector.load %arg12[%get3A_939, %get3A_940, %get3A_941] : memref<8x32x60xf32, #tpu.memory_space<vmem>>, vector<1x32x60xf32>
    %get3A_943 = vector.shape_cast %get3A_942 : vector<1x32x60xf32> to vector<32x60xf32>
    %dot_general3A_944 = arith.constant dense<0.000000e+00> : vector<32x60xf32>
    %dot_general3A_945 = tpu.matmul %convert_element_type3A_931, %get3A_943, %dot_general3A_944 {dimension_numbers = #tpu.dot_dimension_numbers<[1], [0], [0], [1], [0, 0, 1, 1], [], []>, precision = #tpu.contract_precision<fp32>, transpose_lhs_hint = false} : vector<32x32xf32>, vector<32x60xf32>, vector<32x60xf32> -> vector<32x60xf32>
    %sub3A_946 = arith.subf %dot_general3A_938, %dot_general3A_945 : vector<32x60xf32>
    %abs3A_947 = math.absf %sub3A_946 : vector<32x60xf32>
    %lt3A_948 = arith.constant 1.000000e+00 : f32
    %lt3A_949 = vector.broadcast %lt3A_948 : f32 to vector<32x60xf32>
    %lt3A_950 = arith.cmpf olt, %abs3A_947, %lt3A_949 : vector<32x60xf32>
    %mul3A_951 = arith.constant 5.000000e-01 : f32
    %mul3A_952 = vector.broadcast %mul3A_951 : f32 to vector<32x60xf32>
    %mul3A_953 = arith.mulf %mul3A_952, %sub3A_946 : vector<32x60xf32>
    %mul3A_954 = arith.mulf %mul3A_953, %sub3A_946 : vector<32x60xf32>
    %sub3A_955 = arith.constant 5.000000e-01 : f32
    %sub3A_956 = vector.broadcast %sub3A_955 : f32 to vector<32x60xf32>
    %sub3A_957 = arith.subf %abs3A_947, %sub3A_956 : vector<32x60xf32>
    %select_n3A_958 = arith.select %lt3A_950, %mul3A_954, %sub3A_957 : vector<32x60xi1>, vector<32x60xf32>
    %mul3A_959 = vector.broadcast %convert_element_type3A_921 : vector<32x1xf32> to vector<32x60xf32>
    %mul3A_960 = arith.mulf %select_n3A_958, %mul3A_959 : vector<32x60xf32>
    %reduce_sum3A_961 = vector.shape_cast %mul3A_960 : vector<32x60xf32> to vector<1x32x60xf32>
    %reduce_sum3A_962 = arith.constant dense<0.000000e+00> : vector<1xf32>
    %reduce_sum3A_963 = vector.multi_reduction <add>, %reduce_sum3A_961, %reduce_sum3A_962 [1, 2] : vector<1x32x60xf32> to vector<1xf32>
    %reduce_sum3A_964 = vector.shape_cast %reduce_sum3A_963 : vector<1xf32> to vector<1x1x1xf32>
    %reduce_sum3A_965 = vector.extract %reduce_sum3A_964[0, 0, 0] : f32 from vector<1x1x1xf32>
    %add3A_966 = arith.addf %add3A_801, %reduce_sum3A_965 : f32
    %get3A_967 = arith.constant 5 : index
    %get3A_968 = arith.constant 0 : index
    %get3A_969 = arith.constant 0 : index
    %get3A_970 = vector.load %arg10[%get3A_967, %get3A_968, %get3A_969] : memref<8x1x100xf32, #tpu.memory_space<vmem>>, vector<1x1x100xf32>
    %get3A_971 = vector.shape_cast %get3A_970 : vector<1x1x100xf32> to vector<1x100xf32>
    %mul3A_972 = vector.broadcast %get3A_971 : vector<1x100xf32> to vector<32x100xf32>
    %mul3A_973 = arith.mulf %convert_element_type3A_926, %mul3A_972 : vector<32x100xf32>
    %mul3A_974 = vector.broadcast %convert_element_type3A_921 : vector<32x1xf32> to vector<32x100xf32>
    %mul3A_975 = arith.mulf %mul3A_973, %mul3A_974 : vector<32x100xf32>
    %reduce_sum3A_976 = vector.shape_cast %mul3A_975 : vector<32x100xf32> to vector<1x32x100xf32>
    %reduce_sum3A_977 = arith.constant dense<0.000000e+00> : vector<1xf32>
    %reduce_sum3A_978 = vector.multi_reduction <add>, %reduce_sum3A_976, %reduce_sum3A_977 [1, 2] : vector<1x32x100xf32> to vector<1xf32>
    %reduce_sum3A_979 = vector.shape_cast %reduce_sum3A_978 : vector<1xf32> to vector<1x1x1xf32>
    %reduce_sum3A_980 = vector.extract %reduce_sum3A_979[0, 0, 0] : f32 from vector<1x1x1xf32>
    %add3A_981 = arith.addf %add3A_816, %reduce_sum3A_980 : f32
    %get3A_982 = arith.constant 6 : index
    %get3A_983 = arith.constant 0 : index
    %get3A_984 = arith.constant 0 : index
    %get3A_985 = vector.load %arg0[%get3A_982, %get3A_983, %get3A_984] : memref<8x128x1xi32, #tpu.memory_space<vmem>>, vector<1x128x1xi32>
    %get3A_986 = vector.shape_cast %get3A_985 : vector<1x128x1xi32> to vector<128x1xi32>
    %get3A_987 = arith.constant 6 : index
    %get3A_988 = arith.constant 0 : index
    %get3A_989 = arith.constant 0 : index
    %get3A_990 = vector.load %arg1[%get3A_987, %get3A_988, %get3A_989] : memref<8x128x1xi32, #tpu.memory_space<vmem>>, vector<1x128x1xi32>
    %get3A_991 = vector.shape_cast %get3A_990 : vector<1x128x1xi32> to vector<128x1xi32>
    %get3A_992 = arith.constant 6 : index
    %get3A_993 = arith.constant 0 : index
    %get3A_994 = arith.constant 0 : index
    %get3A_995 = vector.load %arg2[%get3A_992, %get3A_993, %get3A_994] : memref<8x128x1xi32, #tpu.memory_space<vmem>>, vector<1x128x1xi32>
    %get3A_996 = vector.shape_cast %get3A_995 : vector<1x128x1xi32> to vector<128x1xi32>
    %convert_element_type3A_997 = arith.sitofp %get3A_996 : vector<128x1xi32> to vector<128x1xf32>
    %iota3A_998 = tpu.iota {dimensions = array<i32: 1>} : vector<128x900xi32>
    %eq3A_999 = vector.broadcast %get3A_986 : vector<128x1xi32> to vector<128x900xi32>
    %eq3A_1000 = arith.cmpi eq, %eq3A_999, %iota3A_998 : vector<128x900xi32>
    %convert_element_type3A_1001 = arith.extui %eq3A_1000 : vector<128x900xi1> to vector<128x900xi32>
    %convert_element_type3A_1002 = arith.sitofp %convert_element_type3A_1001 : vector<128x900xi32> to vector<128x900xf32>
    %iota3A_1003 = tpu.iota {dimensions = array<i32: 1>} : vector<128x128xi32>
    %eq3A_1004 = vector.broadcast %get3A_991 : vector<128x1xi32> to vector<128x128xi32>
    %eq3A_1005 = arith.cmpi eq, %eq3A_1004, %iota3A_1003 : vector<128x128xi32>
    %convert_element_type3A_1006 = arith.extui %eq3A_1005 : vector<128x128xi1> to vector<128x128xi32>
    %convert_element_type3A_1007 = arith.sitofp %convert_element_type3A_1006 : vector<128x128xi32> to vector<128x128xf32>
    %get3A_1008 = arith.constant 6 : index
    %get3A_1009 = arith.constant 0 : index
    %get3A_1010 = arith.constant 0 : index
    %get3A_1011 = vector.load %arg6[%get3A_1008, %get3A_1009, %get3A_1010] : memref<8x900x9xf32, #tpu.memory_space<vmem>>, vector<1x900x9xf32>
    %get3A_1012 = vector.shape_cast %get3A_1011 : vector<1x900x9xf32> to vector<900x9xf32>
    %dot_general3A_1013 = arith.constant dense<0.000000e+00> : vector<128x9xf32>
    %dot_general3A_1014 = tpu.matmul %convert_element_type3A_1002, %get3A_1012, %dot_general3A_1013 {dimension_numbers = #tpu.dot_dimension_numbers<[1], [0], [0], [1], [0, 0, 1, 1], [], []>, precision = #tpu.contract_precision<fp32>, transpose_lhs_hint = false} : vector<128x900xf32>, vector<900x9xf32>, vector<128x9xf32> -> vector<128x9xf32>
    %get3A_1015 = arith.constant 6 : index
    %get3A_1016 = arith.constant 0 : index
    %get3A_1017 = arith.constant 0 : index
    %get3A_1018 = vector.load %arg7[%get3A_1015, %get3A_1016, %get3A_1017] : memref<8x128x9xf32, #tpu.memory_space<vmem>>, vector<1x128x9xf32>
    %get3A_1019 = vector.shape_cast %get3A_1018 : vector<1x128x9xf32> to vector<128x9xf32>
    %dot_general3A_1020 = arith.constant dense<0.000000e+00> : vector<128x9xf32>
    %dot_general3A_1021 = tpu.matmul %convert_element_type3A_1007, %get3A_1019, %dot_general3A_1020 {dimension_numbers = #tpu.dot_dimension_numbers<[1], [0], [0], [1], [0, 0, 1, 1], [], []>, precision = #tpu.contract_precision<fp32>, transpose_lhs_hint = false} : vector<128x128xf32>, vector<128x9xf32>, vector<128x9xf32> -> vector<128x9xf32>
    %sub3A_1022 = arith.subf %dot_general3A_1014, %dot_general3A_1021 : vector<128x9xf32>
    %abs3A_1023 = math.absf %sub3A_1022 : vector<128x9xf32>
    %lt3A_1024 = arith.constant 1.000000e+00 : f32
    %lt3A_1025 = vector.broadcast %lt3A_1024 : f32 to vector<128x9xf32>
    %lt3A_1026 = arith.cmpf olt, %abs3A_1023, %lt3A_1025 : vector<128x9xf32>
    %mul3A_1027 = arith.constant 5.000000e-01 : f32
    %mul3A_1028 = vector.broadcast %mul3A_1027 : f32 to vector<128x9xf32>
    %mul3A_1029 = arith.mulf %mul3A_1028, %sub3A_1022 : vector<128x9xf32>
    %mul3A_1030 = arith.mulf %mul3A_1029, %sub3A_1022 : vector<128x9xf32>
    %sub3A_1031 = arith.constant 5.000000e-01 : f32
    %sub3A_1032 = vector.broadcast %sub3A_1031 : f32 to vector<128x9xf32>
    %sub3A_1033 = arith.subf %abs3A_1023, %sub3A_1032 : vector<128x9xf32>
    %select_n3A_1034 = arith.select %lt3A_1026, %mul3A_1030, %sub3A_1033 : vector<128x9xi1>, vector<128x9xf32>
    %mul3A_1035 = vector.broadcast %convert_element_type3A_997 : vector<128x1xf32> to vector<128x9xf32>
    %mul3A_1036 = arith.mulf %select_n3A_1034, %mul3A_1035 : vector<128x9xf32>
    %reduce_sum3A_1037 = vector.shape_cast %mul3A_1036 : vector<128x9xf32> to vector<1x128x9xf32>
    %reduce_sum3A_1038 = arith.constant dense<0.000000e+00> : vector<1xf32>
    %reduce_sum3A_1039 = vector.multi_reduction <add>, %reduce_sum3A_1037, %reduce_sum3A_1038 [1, 2] : vector<1x128x9xf32> to vector<1xf32>
    %reduce_sum3A_1040 = vector.shape_cast %reduce_sum3A_1039 : vector<1xf32> to vector<1x1x1xf32>
    %reduce_sum3A_1041 = vector.extract %reduce_sum3A_1040[0, 0, 0] : f32 from vector<1x1x1xf32>
    %add3A_1042 = arith.addf %add3A_877, %reduce_sum3A_1041 : f32
    %get3A_1043 = arith.constant 6 : index
    %get3A_1044 = arith.constant 0 : index
    %get3A_1045 = arith.constant 0 : index
    %get3A_1046 = vector.load %arg8[%get3A_1043, %get3A_1044, %get3A_1045] : memref<8x900x10xf32, #tpu.memory_space<vmem>>, vector<1x900x10xf32>
    %get3A_1047 = vector.shape_cast %get3A_1046 : vector<1x900x10xf32> to vector<900x10xf32>
    %dot_general3A_1048 = arith.constant dense<0.000000e+00> : vector<128x10xf32>
    %dot_general3A_1049 = tpu.matmul %convert_element_type3A_1002, %get3A_1047, %dot_general3A_1048 {dimension_numbers = #tpu.dot_dimension_numbers<[1], [0], [0], [1], [0, 0, 1, 1], [], []>, precision = #tpu.contract_precision<fp32>, transpose_lhs_hint = false} : vector<128x900xf32>, vector<900x10xf32>, vector<128x10xf32> -> vector<128x10xf32>
    %iota3A_1050 = tpu.iota {dimensions = array<i32: 1>} : vector<128x10xi32>
    %get3A_1051 = arith.constant 6 : index
    %get3A_1052 = arith.constant 0 : index
    %get3A_1053 = arith.constant 0 : index
    %get3A_1054 = vector.load %arg9[%get3A_1051, %get3A_1052, %get3A_1053] : memref<8x128x1xi32, #tpu.memory_space<vmem>>, vector<1x128x1xi32>
    %get3A_1055 = vector.shape_cast %get3A_1054 : vector<1x128x1xi32> to vector<128x1xi32>
    %eq3A_1056 = vector.broadcast %get3A_1055 : vector<128x1xi32> to vector<128x10xi32>
    %eq3A_1057 = arith.cmpi eq, %eq3A_1056, %iota3A_1050 : vector<128x10xi32>
    %convert_element_type3A_1058 = arith.extui %eq3A_1057 : vector<128x10xi1> to vector<128x10xi32>
    %convert_element_type3A_1059 = arith.sitofp %convert_element_type3A_1058 : vector<128x10xi32> to vector<128x10xf32>
    %dot_general3A_1060 = arith.constant dense<0.000000e+00> : vector<128x10xf32>
    %dot_general3A_1061 = tpu.matmul %convert_element_type3A_1007, %convert_element_type3A_1059, %dot_general3A_1060 {dimension_numbers = #tpu.dot_dimension_numbers<[1], [0], [0], [1], [0, 0, 1, 1], [], []>, precision = #tpu.contract_precision<fp32>, transpose_lhs_hint = false} : vector<128x128xf32>, vector<128x10xf32>, vector<128x10xf32> -> vector<128x10xf32>
    %mul3A_1062 = arith.mulf %dot_general3A_1049, %dot_general3A_1061 : vector<128x10xf32>
    %mul3A_1063 = vector.broadcast %convert_element_type3A_997 : vector<128x1xf32> to vector<128x10xf32>
    %mul3A_1064 = arith.mulf %mul3A_1062, %mul3A_1063 : vector<128x10xf32>
    %reduce_sum3A_1065 = vector.shape_cast %mul3A_1064 : vector<128x10xf32> to vector<1x128x10xf32>
    %reduce_sum3A_1066 = arith.constant dense<0.000000e+00> : vector<1xf32>
    %reduce_sum3A_1067 = vector.multi_reduction <add>, %reduce_sum3A_1065, %reduce_sum3A_1066 [1, 2] : vector<1x128x10xf32> to vector<1xf32>
    %reduce_sum3A_1068 = vector.shape_cast %reduce_sum3A_1067 : vector<1xf32> to vector<1x1x1xf32>
    %reduce_sum3A_1069 = vector.extract %reduce_sum3A_1068[0, 0, 0] : f32 from vector<1x1x1xf32>
    %add3A_1070 = arith.addf %add3A_905, %reduce_sum3A_1069 : f32
    %get3A_1071 = arith.constant 6 : index
    %get3A_1072 = arith.constant 0 : index
    %get3A_1073 = arith.constant 0 : index
    %get3A_1074 = vector.load %arg3[%get3A_1071, %get3A_1072, %get3A_1073] : memref<8x32x1xi32, #tpu.memory_space<vmem>>, vector<1x32x1xi32>
    %get3A_1075 = vector.shape_cast %get3A_1074 : vector<1x32x1xi32> to vector<32x1xi32>
    %get3A_1076 = arith.constant 6 : index
    %get3A_1077 = arith.constant 0 : index
    %get3A_1078 = arith.constant 0 : index
    %get3A_1079 = vector.load %arg4[%get3A_1076, %get3A_1077, %get3A_1078] : memref<8x32x1xi32, #tpu.memory_space<vmem>>, vector<1x32x1xi32>
    %get3A_1080 = vector.shape_cast %get3A_1079 : vector<1x32x1xi32> to vector<32x1xi32>
    %get3A_1081 = arith.constant 6 : index
    %get3A_1082 = arith.constant 0 : index
    %get3A_1083 = arith.constant 0 : index
    %get3A_1084 = vector.load %arg5[%get3A_1081, %get3A_1082, %get3A_1083] : memref<8x32x1xi32, #tpu.memory_space<vmem>>, vector<1x32x1xi32>
    %get3A_1085 = vector.shape_cast %get3A_1084 : vector<1x32x1xi32> to vector<32x1xi32>
    %convert_element_type3A_1086 = arith.sitofp %get3A_1085 : vector<32x1xi32> to vector<32x1xf32>
    %iota3A_1087 = tpu.iota {dimensions = array<i32: 1>} : vector<32x100xi32>
    %eq3A_1088 = vector.broadcast %get3A_1075 : vector<32x1xi32> to vector<32x100xi32>
    %eq3A_1089 = arith.cmpi eq, %eq3A_1088, %iota3A_1087 : vector<32x100xi32>
    %convert_element_type3A_1090 = arith.extui %eq3A_1089 : vector<32x100xi1> to vector<32x100xi32>
    %convert_element_type3A_1091 = arith.sitofp %convert_element_type3A_1090 : vector<32x100xi32> to vector<32x100xf32>
    %iota3A_1092 = tpu.iota {dimensions = array<i32: 1>} : vector<32x32xi32>
    %eq3A_1093 = vector.broadcast %get3A_1080 : vector<32x1xi32> to vector<32x32xi32>
    %eq3A_1094 = arith.cmpi eq, %eq3A_1093, %iota3A_1092 : vector<32x32xi32>
    %convert_element_type3A_1095 = arith.extui %eq3A_1094 : vector<32x32xi1> to vector<32x32xi32>
    %convert_element_type3A_1096 = arith.sitofp %convert_element_type3A_1095 : vector<32x32xi32> to vector<32x32xf32>
    %get3A_1097 = arith.constant 6 : index
    %get3A_1098 = arith.constant 0 : index
    %get3A_1099 = arith.constant 0 : index
    %get3A_1100 = vector.load %arg11[%get3A_1097, %get3A_1098, %get3A_1099] : memref<8x100x60xf32, #tpu.memory_space<vmem>>, vector<1x100x60xf32>
    %get3A_1101 = vector.shape_cast %get3A_1100 : vector<1x100x60xf32> to vector<100x60xf32>
    %dot_general3A_1102 = arith.constant dense<0.000000e+00> : vector<32x60xf32>
    %dot_general3A_1103 = tpu.matmul %convert_element_type3A_1091, %get3A_1101, %dot_general3A_1102 {dimension_numbers = #tpu.dot_dimension_numbers<[1], [0], [0], [1], [0, 0, 1, 1], [], []>, precision = #tpu.contract_precision<fp32>, transpose_lhs_hint = false} : vector<32x100xf32>, vector<100x60xf32>, vector<32x60xf32> -> vector<32x60xf32>
    %get3A_1104 = arith.constant 6 : index
    %get3A_1105 = arith.constant 0 : index
    %get3A_1106 = arith.constant 0 : index
    %get3A_1107 = vector.load %arg12[%get3A_1104, %get3A_1105, %get3A_1106] : memref<8x32x60xf32, #tpu.memory_space<vmem>>, vector<1x32x60xf32>
    %get3A_1108 = vector.shape_cast %get3A_1107 : vector<1x32x60xf32> to vector<32x60xf32>
    %dot_general3A_1109 = arith.constant dense<0.000000e+00> : vector<32x60xf32>
    %dot_general3A_1110 = tpu.matmul %convert_element_type3A_1096, %get3A_1108, %dot_general3A_1109 {dimension_numbers = #tpu.dot_dimension_numbers<[1], [0], [0], [1], [0, 0, 1, 1], [], []>, precision = #tpu.contract_precision<fp32>, transpose_lhs_hint = false} : vector<32x32xf32>, vector<32x60xf32>, vector<32x60xf32> -> vector<32x60xf32>
    %sub3A_1111 = arith.subf %dot_general3A_1103, %dot_general3A_1110 : vector<32x60xf32>
    %abs3A_1112 = math.absf %sub3A_1111 : vector<32x60xf32>
    %lt3A_1113 = arith.constant 1.000000e+00 : f32
    %lt3A_1114 = vector.broadcast %lt3A_1113 : f32 to vector<32x60xf32>
    %lt3A_1115 = arith.cmpf olt, %abs3A_1112, %lt3A_1114 : vector<32x60xf32>
    %mul3A_1116 = arith.constant 5.000000e-01 : f32
    %mul3A_1117 = vector.broadcast %mul3A_1116 : f32 to vector<32x60xf32>
    %mul3A_1118 = arith.mulf %mul3A_1117, %sub3A_1111 : vector<32x60xf32>
    %mul3A_1119 = arith.mulf %mul3A_1118, %sub3A_1111 : vector<32x60xf32>
    %sub3A_1120 = arith.constant 5.000000e-01 : f32
    %sub3A_1121 = vector.broadcast %sub3A_1120 : f32 to vector<32x60xf32>
    %sub3A_1122 = arith.subf %abs3A_1112, %sub3A_1121 : vector<32x60xf32>
    %select_n3A_1123 = arith.select %lt3A_1115, %mul3A_1119, %sub3A_1122 : vector<32x60xi1>, vector<32x60xf32>
    %mul3A_1124 = vector.broadcast %convert_element_type3A_1086 : vector<32x1xf32> to vector<32x60xf32>
    %mul3A_1125 = arith.mulf %select_n3A_1123, %mul3A_1124 : vector<32x60xf32>
    %reduce_sum3A_1126 = vector.shape_cast %mul3A_1125 : vector<32x60xf32> to vector<1x32x60xf32>
    %reduce_sum3A_1127 = arith.constant dense<0.000000e+00> : vector<1xf32>
    %reduce_sum3A_1128 = vector.multi_reduction <add>, %reduce_sum3A_1126, %reduce_sum3A_1127 [1, 2] : vector<1x32x60xf32> to vector<1xf32>
    %reduce_sum3A_1129 = vector.shape_cast %reduce_sum3A_1128 : vector<1xf32> to vector<1x1x1xf32>
    %reduce_sum3A_1130 = vector.extract %reduce_sum3A_1129[0, 0, 0] : f32 from vector<1x1x1xf32>
    %add3A_1131 = arith.addf %add3A_966, %reduce_sum3A_1130 : f32
    %get3A_1132 = arith.constant 6 : index
    %get3A_1133 = arith.constant 0 : index
    %get3A_1134 = arith.constant 0 : index
    %get3A_1135 = vector.load %arg10[%get3A_1132, %get3A_1133, %get3A_1134] : memref<8x1x100xf32, #tpu.memory_space<vmem>>, vector<1x1x100xf32>
    %get3A_1136 = vector.shape_cast %get3A_1135 : vector<1x1x100xf32> to vector<1x100xf32>
    %mul3A_1137 = vector.broadcast %get3A_1136 : vector<1x100xf32> to vector<32x100xf32>
    %mul3A_1138 = arith.mulf %convert_element_type3A_1091, %mul3A_1137 : vector<32x100xf32>
    %mul3A_1139 = vector.broadcast %convert_element_type3A_1086 : vector<32x1xf32> to vector<32x100xf32>
    %mul3A_1140 = arith.mulf %mul3A_1138, %mul3A_1139 : vector<32x100xf32>
    %reduce_sum3A_1141 = vector.shape_cast %mul3A_1140 : vector<32x100xf32> to vector<1x32x100xf32>
    %reduce_sum3A_1142 = arith.constant dense<0.000000e+00> : vector<1xf32>
    %reduce_sum3A_1143 = vector.multi_reduction <add>, %reduce_sum3A_1141, %reduce_sum3A_1142 [1, 2] : vector<1x32x100xf32> to vector<1xf32>
    %reduce_sum3A_1144 = vector.shape_cast %reduce_sum3A_1143 : vector<1xf32> to vector<1x1x1xf32>
    %reduce_sum3A_1145 = vector.extract %reduce_sum3A_1144[0, 0, 0] : f32 from vector<1x1x1xf32>
    %add3A_1146 = arith.addf %add3A_981, %reduce_sum3A_1145 : f32
    %get3A_1147 = arith.constant 7 : index
    %get3A_1148 = arith.constant 0 : index
    %get3A_1149 = arith.constant 0 : index
    %get3A_1150 = vector.load %arg0[%get3A_1147, %get3A_1148, %get3A_1149] : memref<8x128x1xi32, #tpu.memory_space<vmem>>, vector<1x128x1xi32>
    %get3A_1151 = vector.shape_cast %get3A_1150 : vector<1x128x1xi32> to vector<128x1xi32>
    %get3A_1152 = arith.constant 7 : index
    %get3A_1153 = arith.constant 0 : index
    %get3A_1154 = arith.constant 0 : index
    %get3A_1155 = vector.load %arg1[%get3A_1152, %get3A_1153, %get3A_1154] : memref<8x128x1xi32, #tpu.memory_space<vmem>>, vector<1x128x1xi32>
    %get3A_1156 = vector.shape_cast %get3A_1155 : vector<1x128x1xi32> to vector<128x1xi32>
    %get3A_1157 = arith.constant 7 : index
    %get3A_1158 = arith.constant 0 : index
    %get3A_1159 = arith.constant 0 : index
    %get3A_1160 = vector.load %arg2[%get3A_1157, %get3A_1158, %get3A_1159] : memref<8x128x1xi32, #tpu.memory_space<vmem>>, vector<1x128x1xi32>
    %get3A_1161 = vector.shape_cast %get3A_1160 : vector<1x128x1xi32> to vector<128x1xi32>
    %convert_element_type3A_1162 = arith.sitofp %get3A_1161 : vector<128x1xi32> to vector<128x1xf32>
    %iota3A_1163 = tpu.iota {dimensions = array<i32: 1>} : vector<128x900xi32>
    %eq3A_1164 = vector.broadcast %get3A_1151 : vector<128x1xi32> to vector<128x900xi32>
    %eq3A_1165 = arith.cmpi eq, %eq3A_1164, %iota3A_1163 : vector<128x900xi32>
    %convert_element_type3A_1166 = arith.extui %eq3A_1165 : vector<128x900xi1> to vector<128x900xi32>
    %convert_element_type3A_1167 = arith.sitofp %convert_element_type3A_1166 : vector<128x900xi32> to vector<128x900xf32>
    %iota3A_1168 = tpu.iota {dimensions = array<i32: 1>} : vector<128x128xi32>
    %eq3A_1169 = vector.broadcast %get3A_1156 : vector<128x1xi32> to vector<128x128xi32>
    %eq3A_1170 = arith.cmpi eq, %eq3A_1169, %iota3A_1168 : vector<128x128xi32>
    %convert_element_type3A_1171 = arith.extui %eq3A_1170 : vector<128x128xi1> to vector<128x128xi32>
    %convert_element_type3A_1172 = arith.sitofp %convert_element_type3A_1171 : vector<128x128xi32> to vector<128x128xf32>
    %get3A_1173 = arith.constant 7 : index
    %get3A_1174 = arith.constant 0 : index
    %get3A_1175 = arith.constant 0 : index
    %get3A_1176 = vector.load %arg6[%get3A_1173, %get3A_1174, %get3A_1175] : memref<8x900x9xf32, #tpu.memory_space<vmem>>, vector<1x900x9xf32>
    %get3A_1177 = vector.shape_cast %get3A_1176 : vector<1x900x9xf32> to vector<900x9xf32>
    %dot_general3A_1178 = arith.constant dense<0.000000e+00> : vector<128x9xf32>
    %dot_general3A_1179 = tpu.matmul %convert_element_type3A_1167, %get3A_1177, %dot_general3A_1178 {dimension_numbers = #tpu.dot_dimension_numbers<[1], [0], [0], [1], [0, 0, 1, 1], [], []>, precision = #tpu.contract_precision<fp32>, transpose_lhs_hint = false} : vector<128x900xf32>, vector<900x9xf32>, vector<128x9xf32> -> vector<128x9xf32>
    %get3A_1180 = arith.constant 7 : index
    %get3A_1181 = arith.constant 0 : index
    %get3A_1182 = arith.constant 0 : index
    %get3A_1183 = vector.load %arg7[%get3A_1180, %get3A_1181, %get3A_1182] : memref<8x128x9xf32, #tpu.memory_space<vmem>>, vector<1x128x9xf32>
    %get3A_1184 = vector.shape_cast %get3A_1183 : vector<1x128x9xf32> to vector<128x9xf32>
    %dot_general3A_1185 = arith.constant dense<0.000000e+00> : vector<128x9xf32>
    %dot_general3A_1186 = tpu.matmul %convert_element_type3A_1172, %get3A_1184, %dot_general3A_1185 {dimension_numbers = #tpu.dot_dimension_numbers<[1], [0], [0], [1], [0, 0, 1, 1], [], []>, precision = #tpu.contract_precision<fp32>, transpose_lhs_hint = false} : vector<128x128xf32>, vector<128x9xf32>, vector<128x9xf32> -> vector<128x9xf32>
    %sub3A_1187 = arith.subf %dot_general3A_1179, %dot_general3A_1186 : vector<128x9xf32>
    %abs3A_1188 = math.absf %sub3A_1187 : vector<128x9xf32>
    %lt3A_1189 = arith.constant 1.000000e+00 : f32
    %lt3A_1190 = vector.broadcast %lt3A_1189 : f32 to vector<128x9xf32>
    %lt3A_1191 = arith.cmpf olt, %abs3A_1188, %lt3A_1190 : vector<128x9xf32>
    %mul3A_1192 = arith.constant 5.000000e-01 : f32
    %mul3A_1193 = vector.broadcast %mul3A_1192 : f32 to vector<128x9xf32>
    %mul3A_1194 = arith.mulf %mul3A_1193, %sub3A_1187 : vector<128x9xf32>
    %mul3A_1195 = arith.mulf %mul3A_1194, %sub3A_1187 : vector<128x9xf32>
    %sub3A_1196 = arith.constant 5.000000e-01 : f32
    %sub3A_1197 = vector.broadcast %sub3A_1196 : f32 to vector<128x9xf32>
    %sub3A_1198 = arith.subf %abs3A_1188, %sub3A_1197 : vector<128x9xf32>
    %select_n3A_1199 = arith.select %lt3A_1191, %mul3A_1195, %sub3A_1198 : vector<128x9xi1>, vector<128x9xf32>
    %mul3A_1200 = vector.broadcast %convert_element_type3A_1162 : vector<128x1xf32> to vector<128x9xf32>
    %mul3A_1201 = arith.mulf %select_n3A_1199, %mul3A_1200 : vector<128x9xf32>
    %reduce_sum3A_1202 = vector.shape_cast %mul3A_1201 : vector<128x9xf32> to vector<1x128x9xf32>
    %reduce_sum3A_1203 = arith.constant dense<0.000000e+00> : vector<1xf32>
    %reduce_sum3A_1204 = vector.multi_reduction <add>, %reduce_sum3A_1202, %reduce_sum3A_1203 [1, 2] : vector<1x128x9xf32> to vector<1xf32>
    %reduce_sum3A_1205 = vector.shape_cast %reduce_sum3A_1204 : vector<1xf32> to vector<1x1x1xf32>
    %reduce_sum3A_1206 = vector.extract %reduce_sum3A_1205[0, 0, 0] : f32 from vector<1x1x1xf32>
    %add3A_1207 = arith.addf %add3A_1042, %reduce_sum3A_1206 : f32
    %get3A_1208 = arith.constant 7 : index
    %get3A_1209 = arith.constant 0 : index
    %get3A_1210 = arith.constant 0 : index
    %get3A_1211 = vector.load %arg8[%get3A_1208, %get3A_1209, %get3A_1210] : memref<8x900x10xf32, #tpu.memory_space<vmem>>, vector<1x900x10xf32>
    %get3A_1212 = vector.shape_cast %get3A_1211 : vector<1x900x10xf32> to vector<900x10xf32>
    %dot_general3A_1213 = arith.constant dense<0.000000e+00> : vector<128x10xf32>
    %dot_general3A_1214 = tpu.matmul %convert_element_type3A_1167, %get3A_1212, %dot_general3A_1213 {dimension_numbers = #tpu.dot_dimension_numbers<[1], [0], [0], [1], [0, 0, 1, 1], [], []>, precision = #tpu.contract_precision<fp32>, transpose_lhs_hint = false} : vector<128x900xf32>, vector<900x10xf32>, vector<128x10xf32> -> vector<128x10xf32>
    %iota3A_1215 = tpu.iota {dimensions = array<i32: 1>} : vector<128x10xi32>
    %get3A_1216 = arith.constant 7 : index
    %get3A_1217 = arith.constant 0 : index
    %get3A_1218 = arith.constant 0 : index
    %get3A_1219 = vector.load %arg9[%get3A_1216, %get3A_1217, %get3A_1218] : memref<8x128x1xi32, #tpu.memory_space<vmem>>, vector<1x128x1xi32>
    %get3A_1220 = vector.shape_cast %get3A_1219 : vector<1x128x1xi32> to vector<128x1xi32>
    %eq3A_1221 = vector.broadcast %get3A_1220 : vector<128x1xi32> to vector<128x10xi32>
    %eq3A_1222 = arith.cmpi eq, %eq3A_1221, %iota3A_1215 : vector<128x10xi32>
    %convert_element_type3A_1223 = arith.extui %eq3A_1222 : vector<128x10xi1> to vector<128x10xi32>
    %convert_element_type3A_1224 = arith.sitofp %convert_element_type3A_1223 : vector<128x10xi32> to vector<128x10xf32>
    %dot_general3A_1225 = arith.constant dense<0.000000e+00> : vector<128x10xf32>
    %dot_general3A_1226 = tpu.matmul %convert_element_type3A_1172, %convert_element_type3A_1224, %dot_general3A_1225 {dimension_numbers = #tpu.dot_dimension_numbers<[1], [0], [0], [1], [0, 0, 1, 1], [], []>, precision = #tpu.contract_precision<fp32>, transpose_lhs_hint = false} : vector<128x128xf32>, vector<128x10xf32>, vector<128x10xf32> -> vector<128x10xf32>
    %mul3A_1227 = arith.mulf %dot_general3A_1214, %dot_general3A_1226 : vector<128x10xf32>
    %mul3A_1228 = vector.broadcast %convert_element_type3A_1162 : vector<128x1xf32> to vector<128x10xf32>
    %mul3A_1229 = arith.mulf %mul3A_1227, %mul3A_1228 : vector<128x10xf32>
    %reduce_sum3A_1230 = vector.shape_cast %mul3A_1229 : vector<128x10xf32> to vector<1x128x10xf32>
    %reduce_sum3A_1231 = arith.constant dense<0.000000e+00> : vector<1xf32>
    %reduce_sum3A_1232 = vector.multi_reduction <add>, %reduce_sum3A_1230, %reduce_sum3A_1231 [1, 2] : vector<1x128x10xf32> to vector<1xf32>
    %reduce_sum3A_1233 = vector.shape_cast %reduce_sum3A_1232 : vector<1xf32> to vector<1x1x1xf32>
    %reduce_sum3A_1234 = vector.extract %reduce_sum3A_1233[0, 0, 0] : f32 from vector<1x1x1xf32>
    %add3A_1235 = arith.addf %add3A_1070, %reduce_sum3A_1234 : f32
    %get3A_1236 = arith.constant 7 : index
    %get3A_1237 = arith.constant 0 : index
    %get3A_1238 = arith.constant 0 : index
    %get3A_1239 = vector.load %arg3[%get3A_1236, %get3A_1237, %get3A_1238] : memref<8x32x1xi32, #tpu.memory_space<vmem>>, vector<1x32x1xi32>
    %get3A_1240 = vector.shape_cast %get3A_1239 : vector<1x32x1xi32> to vector<32x1xi32>
    %get3A_1241 = arith.constant 7 : index
    %get3A_1242 = arith.constant 0 : index
    %get3A_1243 = arith.constant 0 : index
    %get3A_1244 = vector.load %arg4[%get3A_1241, %get3A_1242, %get3A_1243] : memref<8x32x1xi32, #tpu.memory_space<vmem>>, vector<1x32x1xi32>
    %get3A_1245 = vector.shape_cast %get3A_1244 : vector<1x32x1xi32> to vector<32x1xi32>
    %get3A_1246 = arith.constant 7 : index
    %get3A_1247 = arith.constant 0 : index
    %get3A_1248 = arith.constant 0 : index
    %get3A_1249 = vector.load %arg5[%get3A_1246, %get3A_1247, %get3A_1248] : memref<8x32x1xi32, #tpu.memory_space<vmem>>, vector<1x32x1xi32>
    %get3A_1250 = vector.shape_cast %get3A_1249 : vector<1x32x1xi32> to vector<32x1xi32>
    %convert_element_type3A_1251 = arith.sitofp %get3A_1250 : vector<32x1xi32> to vector<32x1xf32>
    %iota3A_1252 = tpu.iota {dimensions = array<i32: 1>} : vector<32x100xi32>
    %eq3A_1253 = vector.broadcast %get3A_1240 : vector<32x1xi32> to vector<32x100xi32>
    %eq3A_1254 = arith.cmpi eq, %eq3A_1253, %iota3A_1252 : vector<32x100xi32>
    %convert_element_type3A_1255 = arith.extui %eq3A_1254 : vector<32x100xi1> to vector<32x100xi32>
    %convert_element_type3A_1256 = arith.sitofp %convert_element_type3A_1255 : vector<32x100xi32> to vector<32x100xf32>
    %iota3A_1257 = tpu.iota {dimensions = array<i32: 1>} : vector<32x32xi32>
    %eq3A_1258 = vector.broadcast %get3A_1245 : vector<32x1xi32> to vector<32x32xi32>
    %eq3A_1259 = arith.cmpi eq, %eq3A_1258, %iota3A_1257 : vector<32x32xi32>
    %convert_element_type3A_1260 = arith.extui %eq3A_1259 : vector<32x32xi1> to vector<32x32xi32>
    %convert_element_type3A_1261 = arith.sitofp %convert_element_type3A_1260 : vector<32x32xi32> to vector<32x32xf32>
    %get3A_1262 = arith.constant 7 : index
    %get3A_1263 = arith.constant 0 : index
    %get3A_1264 = arith.constant 0 : index
    %get3A_1265 = vector.load %arg11[%get3A_1262, %get3A_1263, %get3A_1264] : memref<8x100x60xf32, #tpu.memory_space<vmem>>, vector<1x100x60xf32>
    %get3A_1266 = vector.shape_cast %get3A_1265 : vector<1x100x60xf32> to vector<100x60xf32>
    %dot_general3A_1267 = arith.constant dense<0.000000e+00> : vector<32x60xf32>
    %dot_general3A_1268 = tpu.matmul %convert_element_type3A_1256, %get3A_1266, %dot_general3A_1267 {dimension_numbers = #tpu.dot_dimension_numbers<[1], [0], [0], [1], [0, 0, 1, 1], [], []>, precision = #tpu.contract_precision<fp32>, transpose_lhs_hint = false} : vector<32x100xf32>, vector<100x60xf32>, vector<32x60xf32> -> vector<32x60xf32>
    %get3A_1269 = arith.constant 7 : index
    %get3A_1270 = arith.constant 0 : index
    %get3A_1271 = arith.constant 0 : index
    %get3A_1272 = vector.load %arg12[%get3A_1269, %get3A_1270, %get3A_1271] : memref<8x32x60xf32, #tpu.memory_space<vmem>>, vector<1x32x60xf32>
    %get3A_1273 = vector.shape_cast %get3A_1272 : vector<1x32x60xf32> to vector<32x60xf32>
    %dot_general3A_1274 = arith.constant dense<0.000000e+00> : vector<32x60xf32>
    %dot_general3A_1275 = tpu.matmul %convert_element_type3A_1261, %get3A_1273, %dot_general3A_1274 {dimension_numbers = #tpu.dot_dimension_numbers<[1], [0], [0], [1], [0, 0, 1, 1], [], []>, precision = #tpu.contract_precision<fp32>, transpose_lhs_hint = false} : vector<32x32xf32>, vector<32x60xf32>, vector<32x60xf32> -> vector<32x60xf32>
    %sub3A_1276 = arith.subf %dot_general3A_1268, %dot_general3A_1275 : vector<32x60xf32>
    %abs3A_1277 = math.absf %sub3A_1276 : vector<32x60xf32>
    %lt3A_1278 = arith.constant 1.000000e+00 : f32
    %lt3A_1279 = vector.broadcast %lt3A_1278 : f32 to vector<32x60xf32>
    %lt3A_1280 = arith.cmpf olt, %abs3A_1277, %lt3A_1279 : vector<32x60xf32>
    %mul3A_1281 = arith.constant 5.000000e-01 : f32
    %mul3A_1282 = vector.broadcast %mul3A_1281 : f32 to vector<32x60xf32>
    %mul3A_1283 = arith.mulf %mul3A_1282, %sub3A_1276 : vector<32x60xf32>
    %mul3A_1284 = arith.mulf %mul3A_1283, %sub3A_1276 : vector<32x60xf32>
    %sub3A_1285 = arith.constant 5.000000e-01 : f32
    %sub3A_1286 = vector.broadcast %sub3A_1285 : f32 to vector<32x60xf32>
    %sub3A_1287 = arith.subf %abs3A_1277, %sub3A_1286 : vector<32x60xf32>
    %select_n3A_1288 = arith.select %lt3A_1280, %mul3A_1284, %sub3A_1287 : vector<32x60xi1>, vector<32x60xf32>
    %mul3A_1289 = vector.broadcast %convert_element_type3A_1251 : vector<32x1xf32> to vector<32x60xf32>
    %mul3A_1290 = arith.mulf %select_n3A_1288, %mul3A_1289 : vector<32x60xf32>
    %reduce_sum3A_1291 = vector.shape_cast %mul3A_1290 : vector<32x60xf32> to vector<1x32x60xf32>
    %reduce_sum3A_1292 = arith.constant dense<0.000000e+00> : vector<1xf32>
    %reduce_sum3A_1293 = vector.multi_reduction <add>, %reduce_sum3A_1291, %reduce_sum3A_1292 [1, 2] : vector<1x32x60xf32> to vector<1xf32>
    %reduce_sum3A_1294 = vector.shape_cast %reduce_sum3A_1293 : vector<1xf32> to vector<1x1x1xf32>
    %reduce_sum3A_1295 = vector.extract %reduce_sum3A_1294[0, 0, 0] : f32 from vector<1x1x1xf32>
    %add3A_1296 = arith.addf %add3A_1131, %reduce_sum3A_1295 : f32
    %get3A_1297 = arith.constant 7 : index
    %get3A_1298 = arith.constant 0 : index
    %get3A_1299 = arith.constant 0 : index
    %get3A_1300 = vector.load %arg10[%get3A_1297, %get3A_1298, %get3A_1299] : memref<8x1x100xf32, #tpu.memory_space<vmem>>, vector<1x1x100xf32>
    %get3A_1301 = vector.shape_cast %get3A_1300 : vector<1x1x100xf32> to vector<1x100xf32>
    %mul3A_1302 = vector.broadcast %get3A_1301 : vector<1x100xf32> to vector<32x100xf32>
    %mul3A_1303 = arith.mulf %convert_element_type3A_1256, %mul3A_1302 : vector<32x100xf32>
    %mul3A_1304 = vector.broadcast %convert_element_type3A_1251 : vector<32x1xf32> to vector<32x100xf32>
    %mul3A_1305 = arith.mulf %mul3A_1303, %mul3A_1304 : vector<32x100xf32>
    %reduce_sum3A_1306 = vector.shape_cast %mul3A_1305 : vector<32x100xf32> to vector<1x32x100xf32>
    %reduce_sum3A_1307 = arith.constant dense<0.000000e+00> : vector<1xf32>
    %reduce_sum3A_1308 = vector.multi_reduction <add>, %reduce_sum3A_1306, %reduce_sum3A_1307 [1, 2] : vector<1x32x100xf32> to vector<1xf32>
    %reduce_sum3A_1309 = vector.shape_cast %reduce_sum3A_1308 : vector<1xf32> to vector<1x1x1xf32>
    %reduce_sum3A_1310 = vector.extract %reduce_sum3A_1309[0, 0, 0] : f32 from vector<1x1x1xf32>
    %add3A_1311 = arith.addf %add3A_1146, %reduce_sum3A_1310 : f32
    %get3A_1312 = arith.constant 0 : index
    %get3A_1313 = arith.constant 0 : index
    %get3A_1314 = arith.constant 0 : index
    %get3A_1315 = vector.load %arg13[%get3A_1312, %get3A_1313, %get3A_1314] : memref<8x1x1xf32, #tpu.memory_space<vmem>>, vector<8x1x1xf32>
    %reduce_sum3A_1316 = vector.shape_cast %get3A_1315 : vector<8x1x1xf32> to vector<1x8x1x1xf32>
    %reduce_sum3A_1317 = arith.constant dense<0.000000e+00> : vector<1xf32>
    %reduce_sum3A_1318 = vector.multi_reduction <add>, %reduce_sum3A_1316, %reduce_sum3A_1317 [1, 2, 3] : vector<1x8x1x1xf32> to vector<1xf32>
    %reduce_sum3A_1319 = vector.shape_cast %reduce_sum3A_1318 : vector<1xf32> to vector<1x1x1x1xf32>
    %reduce_sum3A_1320 = vector.extract %reduce_sum3A_1319[0, 0, 0, 0] : f32 from vector<1x1x1x1xf32>
    %get3A_1321 = arith.constant 0 : index
    %get3A_1322 = arith.constant 0 : index
    %get3A_1323 = arith.constant 0 : index
    %get3A_1324 = vector.load %arg14[%get3A_1321, %get3A_1322, %get3A_1323] : memref<8x1x1xf32, #tpu.memory_space<vmem>>, vector<8x1x1xf32>
    %reduce_sum3A_1325 = vector.shape_cast %get3A_1324 : vector<8x1x1xf32> to vector<1x8x1x1xf32>
    %reduce_sum3A_1326 = arith.constant dense<0.000000e+00> : vector<1xf32>
    %reduce_sum3A_1327 = vector.multi_reduction <add>, %reduce_sum3A_1325, %reduce_sum3A_1326 [1, 2, 3] : vector<1x8x1x1xf32> to vector<1xf32>
    %reduce_sum3A_1328 = vector.shape_cast %reduce_sum3A_1327 : vector<1xf32> to vector<1x1x1x1xf32>
    %reduce_sum3A_1329 = vector.extract %reduce_sum3A_1328[0, 0, 0, 0] : f32 from vector<1x1x1x1xf32>
    %get3A_1330 = arith.constant 0 : index
    %get3A_1331 = arith.constant 0 : index
    %get3A_1332 = arith.constant 0 : index
    %get3A_1333 = vector.load %arg15[%get3A_1330, %get3A_1331, %get3A_1332] : memref<8x1x1xf32, #tpu.memory_space<vmem>>, vector<8x1x1xf32>
    %reduce_sum3A_1334 = vector.shape_cast %get3A_1333 : vector<8x1x1xf32> to vector<1x8x1x1xf32>
    %reduce_sum3A_1335 = arith.constant dense<0.000000e+00> : vector<1xf32>
    %reduce_sum3A_1336 = vector.multi_reduction <add>, %reduce_sum3A_1334, %reduce_sum3A_1335 [1, 2, 3] : vector<1x8x1x1xf32> to vector<1xf32>
    %reduce_sum3A_1337 = vector.shape_cast %reduce_sum3A_1336 : vector<1xf32> to vector<1x1x1x1xf32>
    %reduce_sum3A_1338 = vector.extract %reduce_sum3A_1337[0, 0, 0, 0] : f32 from vector<1x1x1x1xf32>
    %max3A = arith.constant 1.000000e+00 : f32
    %max3A_1339 = arith.maximumf %reduce_sum3A_1338, %max3A : f32
    %get3A_1340 = arith.constant 0 : index
    %get3A_1341 = arith.constant 0 : index
    %get3A_1342 = arith.constant 0 : index
    %get3A_1343 = vector.load %arg16[%get3A_1340, %get3A_1341, %get3A_1342] : memref<8x1x1xf32, #tpu.memory_space<vmem>>, vector<8x1x1xf32>
    %reduce_sum3A_1344 = vector.shape_cast %get3A_1343 : vector<8x1x1xf32> to vector<1x8x1x1xf32>
    %reduce_sum3A_1345 = arith.constant dense<0.000000e+00> : vector<1xf32>
    %reduce_sum3A_1346 = vector.multi_reduction <add>, %reduce_sum3A_1344, %reduce_sum3A_1345 [1, 2, 3] : vector<1x8x1x1xf32> to vector<1xf32>
    %reduce_sum3A_1347 = vector.shape_cast %reduce_sum3A_1346 : vector<1xf32> to vector<1x1x1x1xf32>
    %reduce_sum3A_1348 = vector.extract %reduce_sum3A_1347[0, 0, 0, 0] : f32 from vector<1x1x1x1xf32>
    %max3A_1349 = arith.constant 1.000000e+00 : f32
    %max3A_1350 = arith.maximumf %reduce_sum3A_1348, %max3A_1349 : f32
    %iota3A_1351 = tpu.iota {dimensions = array<i32: 1>} : vector<1x6xi32>
    %eq3A_1352 = arith.constant 1 : i32
    %eq3A_1353 = vector.broadcast %eq3A_1352 : i32 to vector<1x6xi32>
    %eq3A_1354 = arith.cmpi eq, %iota3A_1351, %eq3A_1353 : vector<1x6xi32>
    %convert_element_type3A_1355 = arith.extui %eq3A_1354 : vector<1x6xi1> to vector<1x6xi32>
    %convert_element_type3A_1356 = arith.sitofp %convert_element_type3A_1355 : vector<1x6xi32> to vector<1x6xf32>
    %sub3A_1357 = arith.subf %reduce_sum3A_1320, %add3A_1235 : f32
    %div3A = arith.divf %sub3A_1357, %max3A_1339 : f32
    %mul3A_1358 = vector.broadcast %div3A : f32 to vector<1x6xf32>
    %mul3A_1359 = arith.mulf %convert_element_type3A_1356, %mul3A_1358 : vector<1x6xf32>
    %eq3A_1360 = arith.constant 2 : i32
    %eq3A_1361 = vector.broadcast %eq3A_1360 : i32 to vector<1x6xi32>
    %eq3A_1362 = arith.cmpi eq, %iota3A_1351, %eq3A_1361 : vector<1x6xi32>
    %convert_element_type3A_1363 = arith.extui %eq3A_1362 : vector<1x6xi1> to vector<1x6xi32>
    %convert_element_type3A_1364 = arith.sitofp %convert_element_type3A_1363 : vector<1x6xi32> to vector<1x6xf32>
    %div3A_1365 = arith.divf %add3A_1207, %max3A_1339 : f32
    %mul3A_1366 = vector.broadcast %div3A_1365 : f32 to vector<1x6xf32>
    %mul3A_1367 = arith.mulf %convert_element_type3A_1364, %mul3A_1366 : vector<1x6xf32>
    %add3A_1368 = arith.addf %mul3A_1359, %mul3A_1367 : vector<1x6xf32>
    %eq3A_1369 = arith.constant 4 : i32
    %eq3A_1370 = vector.broadcast %eq3A_1369 : i32 to vector<1x6xi32>
    %eq3A_1371 = arith.cmpi eq, %iota3A_1351, %eq3A_1370 : vector<1x6xi32>
    %convert_element_type3A_1372 = arith.extui %eq3A_1371 : vector<1x6xi1> to vector<1x6xi32>
    %convert_element_type3A_1373 = arith.sitofp %convert_element_type3A_1372 : vector<1x6xi32> to vector<1x6xf32>
    %sub3A_1374 = arith.subf %reduce_sum3A_1329, %add3A_1311 : f32
    %div3A_1375 = arith.divf %sub3A_1374, %max3A_1350 : f32
    %mul3A_1376 = vector.broadcast %div3A_1375 : f32 to vector<1x6xf32>
    %mul3A_1377 = arith.mulf %convert_element_type3A_1373, %mul3A_1376 : vector<1x6xf32>
    %add3A_1378 = arith.addf %add3A_1368, %mul3A_1377 : vector<1x6xf32>
    %eq3A_1379 = arith.constant 5 : i32
    %eq3A_1380 = vector.broadcast %eq3A_1379 : i32 to vector<1x6xi32>
    %eq3A_1381 = arith.cmpi eq, %iota3A_1351, %eq3A_1380 : vector<1x6xi32>
    %convert_element_type3A_1382 = arith.extui %eq3A_1381 : vector<1x6xi1> to vector<1x6xi32>
    %convert_element_type3A_1383 = arith.sitofp %convert_element_type3A_1382 : vector<1x6xi32> to vector<1x6xf32>
    %div3A_1384 = arith.divf %add3A_1296, %max3A_1350 : f32
    %mul3A_1385 = vector.broadcast %div3A_1384 : f32 to vector<1x6xf32>
    %mul3A_1386 = arith.mulf %convert_element_type3A_1383, %mul3A_1385 : vector<1x6xf32>
    %add3A_1387 = arith.addf %add3A_1378, %mul3A_1386 : vector<1x6xf32>
    %swap3A = arith.constant 0 : index
    %swap3A_1388 = arith.constant 0 : index
    %swap3A_1389 = vector.load %arg17[%swap3A, %swap3A_1388] : memref<1x6xf32, #tpu.memory_space<vmem>>, vector<1x6xf32>
    tpu.vector_store %arg17[%swap3A, %swap3A_1388], %add3A_1387 {strides = array<i32>} : memref<1x6xf32, #tpu.memory_space<vmem>>, vector<1x6xf32>,
    return
  }
}

</mosaic_0001>

<sc_bundles>
// kernel: kernel.5.cloned.1.call-start
scs
__scs_entry_jumppad:
0x0: {  	(pc) =	sbr.rel $0x88, $3  }
0x1: {  	(tag) =	ssettag $0x0;
	lr =	simm.s32 $0x1  }
0x2: {  	[smem:$0x3F98] =	sst lr;
	_ =	strace $0xD0000000  }
0x3: {  	_ = 	snop  }
0x4: {  	_ = 	snop  }
0x5: {  	_ = 	snop  }
0x6: {  	_ = 	snop  }
0x7: {  	_ = 	snop  }
__scs_overlays_trampoline_lowered:
0x8: {  	[smem:$0x3FA7] =	sst s0  }
0x9: {  	[smem:$0x3FA8] =	sst s1  }
0xa: {  	[smem:$0x3FA9] =	sst s2  }
0xb: {  	[smem:$0x3FAA] =	sst s3  }
0xc: {  	[smem:$0x3FAB] =	sst s4  }
0xd: {  	[smem:$0x3FAC] =	sst s5  }
0xe: {  	[smem:$0x3FAD] =	sst s6  }
0xf: {  	[smem:$0x3FAE] =	sst s7  }
0x10: {  	[smem:$0x3FAF] =	sst s8  }
0x11: {  	[smem:$0x3FB0] =	sst s9;
	s0 =	simm.s32 @!p0 $0x0  }
0x12: {  	s1 =	sld [smem:$0x3F96];
	s0 =	simm.s32 @p0 $0x1  }
0x13: {  	[smem:$0x3FB1] =	sst s0;
	s0 =	simm.s32 @!p1 $0x0  }
0x14: {  	s2 =	sld [smem:$0x3F95];
	s0 =	simm.s32 @p1 $0x1  }
0x15: {  	[smem:$0x3FB2] =	sst s0;
	s0 =	simm.s32 @!p2 $0x0  }
0x16: {  	s3 =	sld [smem:$0x3FDB];
	s0 =	simm.s32 @p2 $0x1  }
0x17: {  	s4 =	simm.s32 $0x1BF5;
	[smem:$0x3FB4] =	sst s0  }
0x18: {  	s0 =	sld [smem:$0x3F97];
	_ =	swait.ge [sflag:s4], $0x0  }
0x19: {  	s7 =	sld [smem:$0x3F98]  }
0x1a: {  	s8 =	sadd.s32 $0xFFFFE003, lr  }
0x1b: {  	s9 =	sadd.s32 $0xFFFFFEF7, lr;
	s5 =	simm.s32 $0xFFFFFFFF;
	p2 =	slt.u32 s8, $0xFFFFF086  }
0x1c: {  	p1 =	slt.u32 s9, $0xF7A;
	s5 =	simm.s32 @!p2 $0x0  }
0x1d: {  	s5 =	simm.s32 @p1 $0x1;
	p0 =	seq.s32 s7, s2  }
0x1e: {  	s7 =	smul.u32 @!p0 $0xF7A, s2;
	p2 =	seq.s32 @!p0 s5, $0x0  }
0x1f: {  	s9 =	smul.u32 $0xF7A, s1;
	s8 =	simm.s32 @!p0 $0x1BF5;
	p2 =	por !p2, p0  }
0x20: {  	[sflag:s8] =	ssyncset.s32 @!p0 $0xFFFFF086;
	s6 =	sadd.s32 @!p0 s3, s7;
	s7 =	simm.s32 @!p0 $0x108  }
0x21: {  	s3 =	sadd.s32 s3, s9;
	s6 =	sadd.s32 @!p0 $0x88, s6;
	s7 =	simm.s32 @p2 $0x1082  }
0x22: {  	[simem:s7], [sflag:s8] =	dma.local @!p0 [hbm:s6], $0xF7A  }
0x23: {  	s9 =	sor.u32 $0xD0000000, s2;
	s6 =	simm.s32 $0x108;
	_ =	swait.ge @!p0 [sflag:s8], $0x0  }
0x24: {  	s3 =	sadd.s32 $0x88, s3;
	s6 =	simm.s32 @!p1 $0x1082;
	[sflag:s4] =	ssyncset.s32 $0xFFFFF086  }
0x25: {  	[simem:s6], [sflag:s4] =	dma.local [hbm:s3], $0xF7A  }
0x26: {  	[smem:$0x3F98] =	sst s1;
	(tag) =	ssettag s2;
	_ =	strace s9  }
0x27: {  	s1 =	sld [smem:$0x3FA8]  }
0x28: {  	s2 =	sld [smem:$0x3FA9]  }
0x29: {  	s4 =	sld [smem:$0x3FAB]  }
0x2a: {  	p0 =	seq.s32 s5, $0x0;
	s5 =	sld [smem:$0x3FAC]  }
0x2b: {  	s6 =	sld [smem:$0x3FAD]  }
0x2c: {  	s7 =	sld [smem:$0x3FAE]  }
0x2d: {  	s3 =	simm.s32 $0x108;
	s8 =	sld [smem:$0x3FAF]  }
0x2e: {  	s3 =	simm.s32 @!p0 $0x1082;
	s9 =	sld [smem:$0x3FB0]  }
0x2f: {  	lr =	sadd.s32 s0, s3;
	s0 =	sld [smem:$0x3FA7]  }
0x30: {  	s3 =	sld [smem:$0x3FAA]  }
0x31: {  	[smem:$0x3FB3] =	sst s10  }
0x32: {  	s10 =	sld [smem:$0x3FB1];
	_ =	sdelay $0x3  }
0x33: {  	p0 =	seq.s32 s10, $0x1;
	s10 =	sld [smem:$0x3FB3];
	_ =	sdelay $0x3  }
0x34: {  	[smem:$0x3FB3] =	sst s10  }
0x35: {  	s10 =	sld [smem:$0x3FB2];
	_ =	sdelay $0x3  }
0x36: {  	p1 =	seq.s32 s10, $0x1;
	s10 =	sld [smem:$0x3FB3];
	_ =	sdelay $0x3  }
0x37: {  	[smem:$0x3FB3] =	sst s10  }
0x38: {  	s10 =	sld [smem:$0x3FB4]  }
0x39: {  	_ = 	snop;
	(pc) =	sbr.ind lr, $3  }
0x3a: {  	_ = 	snop  }
0x3b: {  	_ = 	snop  }
0x3c: {  	p2 =	seq.s32 s10, $0x1;
	s10 =	sld [smem:$0x3FB3]  }
0x3d: {  	_ =	shalt  }
0x3e: {  	_ =	shalt  }
0x3f: {  	_ =	shalt  }
0x40: {  	_ =	shalt  }
0x41: {  	_ =	shalt  }
0x42: {  	_ =	shalt  }
0x43: {  	_ =	shalt  }
0x44: {  	_ =	shalt  }
0x45: {  	_ =	shalt  }
0x46: {  	_ =	shalt  }
0x47: {  	_ =	shalt  }
0x48: {  	_ =	shalt  }
0x49: {  	_ =	shalt  }
0x4a: {  	_ =	shalt  }
0x4b: {  	_ =	shalt  }
0x4c: {  	_ =	shalt  }
0x4d: {  	_ =	shalt  }
0x4e: {  	_ =	shalt  }
0x4f: {  	_ =	shalt  }
0x50: {  	_ =	shalt  }
0x51: {  	_ =	shalt  }
0x52: {  	_ =	shalt  }
0x53: {  	_ =	shalt  }
0x54: {  	_ =	shalt  }
0x55: {  	_ =	shalt  }
0x56: {  	_ =	shalt  }
0x57: {  	_ =	shalt  }
0x58: {  	_ =	shalt  }
0x59: {  	_ =	shalt  }
0x5a: {  	_ =	shalt  }
0x5b: {  	_ =	shalt  }
0x5c: {  	_ =	shalt  }
0x5d: {  	_ =	shalt  }
0x5e: {  	_ =	shalt  }
0x5f: {  	_ =	shalt  }
0x60: {  	_ =	shalt  }
0x61: {  	_ =	shalt  }
0x62: {  	_ =	shalt  }
0x63: {  	_ =	shalt  }
0x64: {  	_ =	shalt  }
0x65: {  	_ =	shalt  }
0x66: {  	_ =	shalt  }
0x67: {  	_ =	shalt  }
0x68: {  	_ =	shalt  }
0x69: {  	_ =	shalt  }
0x6a: {  	_ =	shalt  }
0x6b: {  	_ =	shalt  }
0x6c: {  	_ =	shalt  }
0x6d: {  	_ =	shalt  }
0x6e: {  	_ =	shalt  }
0x6f: {  	_ =	shalt  }
0x70: {  	_ =	shalt  }
0x71: {  	_ =	shalt  }
0x72: {  	_ =	shalt  }
0x73: {  	_ =	shalt  }
0x74: {  	_ =	shalt  }
0x75: {  	_ =	shalt  }
0x76: {  	_ =	shalt  }
0x77: {  	_ =	shalt  }
0x78: {  	_ =	shalt  }
0x79: {  	_ =	shalt  }
0x7a: {  	_ =	shalt  }
0x7b: {  	_ =	shalt  }
0x7c: {  	_ =	shalt  }
0x7d: {  	_ =	shalt  }
0x7e: {  	_ =	shalt  }
0x7f: {  	_ =	shalt  }
0x80: {  	_ =	shalt  }
0x81: {  	_ =	shalt  }
0x82: {  	_ =	shalt  }
0x83: {  	_ =	shalt  }
0x84: {  	_ =	shalt  }
0x85: {  	_ =	shalt  }
0x86: {  	_ =	shalt  }
0x87: {  	_ =	shalt  }
.Lfunc_end0:
.L_simem_size_0:
called_computation_lowered:
.L_overlay_start_0:
0x88: {  	s2 =	sld [smem:$0x3FD9]  }
0x89: {  	s3 =	sld [smem:$0x3FFE];
	_ =	sdelay $0x1  }
0x8a: {  	s1 =	srdreg.scid  }
0x8b: {  	s0 =	sand.u32 $0x1, s1  }
0x8c: {  	s16 =	sshll.u32 s0, $0xA;
	s2 =	sadd.s32 s3, s2  }
0x8d: {  	s2 =	sadd.s32 s2, s16  }
0x8e: {  	[smem:$0x3FBF] =	sst s2  }
0x8f: {  	_ = 	snop  }
0x90: {  	(tm) =	ssettm $0x1  }
0x91: {  	s17 =	sld [smem:$0x3FFB];
	_ =	sdelay $0x3  }
0x92: {  	_ =	strace s17  }
0x93: {  	s2 =	sld [smem:$0x3FFC];
	_ =	sdelay $0x3  }
0x94: {  	_ =	strace s2  }
0x95: {  	s2 =	sld [smem:$0x3FFD];
	_ =	sdelay $0x3  }
0x96: {  	_ =	strace s2  }
0x97: {  	_ =	strace $0x8FFFFFFF  }
0x98: {  	s18 =	sld [smem:$0x3FDB];
	_ =	sdelay $0x1  }
0x99: {  	s19 =	simm.s32 $_scs_section_size  }
0x9a: {  	s4 =	simm.s32 $_size__tile_overlayer_lowered;
	s5 =	simm.s32 $_tile_overlayer_lowered  }
0x9b: {  	s22 =	simm.s32 $0x1BFF;
	s21 =	sshll.u32 s5, $0x1;
	s2 =	sadd.s32 s19, s18  }
0x9c: {  	s6 =	simm.s32 $0x0;
	s20 =	sshll.u32 s4, $0x1;
	s4 =	sadd.s32 s21, s2  }
0x9d: {  	[timem:s6], [sflag:s22] =	dma.local [hbm:s4], s20  }
0x9e: {  	_ =	swait.ge [sflag:s22], s20  }
0x9f: {  	s3 =	ssub.s32 $0x0, s20;
	[sflag:s22] =	ssyncset.done $0x0  }
0xa0: {  	[sflag:s22] =	ssyncadd.s32 s3;
	_ =	sdelay $0x1  }
0xa1: {  	s23 =	simm.s32 $0x1B8B  }
0xa2: {  	_ =	swait.ge [sflag:s23], $0x1  }
0xa3: {  	[sflag:s23] =	ssyncset.done $0x0  }
0xa4: {  	s25 =	simm.s32 $0x1B8E;
	s24 =	sld [smem:$0x3FFE];
	[sflag:s23] =	ssyncadd.s32 $0xFFFFFFFF  }
0xa5: {  	s26 =	simm.s32 $execute0_lowered;
	[smem:$0x3FD2] =	sst s25  }
0xa6: {  	s4 =	sshll.u32 s26, $0x1;
	_ =	strace $0x80000046;
	[dreg:$0x1] =	wrdreg $0xFFFFFFFF  }
0xa7: {  	s28 =	simm.s32 $_size_execute0_lowered;
	s2 =	sadd.s32 s2, s4;
	[dreg:$0x0] =	wrdreg $0x0  }
0xa8: {  	s4 =	sshll.u32 s28, $0x1;
	[dreg:$0x2] =	wrdreg s2  }
0xa9: {  	[dreg:$0x3] =	wrdreg s4  }
0xaa: {  	[dreg:$0x4] =	wrdreg $0xC0  }
0xab: {  	_ =	task [dreg:s6], $0x5FFFF  }
0xac: {  	[dreg:$0x1] =	wrdreg $0xFFFFFFFF  }
0xad: {  	[dreg:$0x0] =	wrdreg $0x60  }
0xae: {  	[dreg:$0x2] =	wrdreg s24  }
0xaf: {  	[dreg:$0x3] =	wrdreg $0x9  }
0xb0: {  	_ =	task.clear_ibuf [dreg:s6], $0x4FFFF;
	_ =	strace $0x90000046  }
0xb1: {  	s29 =	simm.s32 $0x9;
	_ =	strace $0x80000048  }
0xb2: {  	_ =	swait.ge [sflag:s29], $0x1  }
0xb3: {  	[sflag:s29] =	ssyncadd.s32 $0xFFFFFFFF  }
0xb4: {  	_ =	strace $0x90000048  }
0xb5: {  	_ =	sfence  }
0xb6: {  	s30 =	sld [smem:$0x0];
	_ =	sdelay $0x2  }
0xb7: {  	s31 =	sshll.u32 s1, $0xD;
	s1 =	sshrl.u32 s1, $0x2  }
0xb8: {  	s3 =	sand.u32 $0x4000, s31;
	s1 =	sadd.s32 s1, s30  }
0xb9: {  	s0 =	sor.u32 s3, s0;
	s1 =	sshll.u32 s1, $0x11  }
0xba: {  	s0 =	sor.u32 s1, s0  }
0xbb: {  	s0 =	sadd.s32 $0x8F2B, s0  }
0xbc: {  	[sflag:s0] =	ssyncadd.remote.s32 $0x1  }
0xbd: {  	_ =	sfence.sel $0xFFFF  }
0xbe: {  	[dreg:$0x0] =	wrdreg $0xFFFFFFFF;
	(pc) =	sbr.abs _section_cstart, $3  }
0xbf: {  	[dreg:$0x1] =	wrdreg $0xFFFFFFFF  }
0xc0: {  	_ =	task.clear_ibuf [dreg:s6], $0x2FFFF;
	_ =	strace $0x9FFFFFFF  }
0xc1: {  	(tm) =	ssettm $0x7FFFFFFF  }
tec
execute0_lowered:
.L_overlay_start_1:
0x0: {  	(tag) =	ssettag $0x1  }
0x1: {  	s1 =	srdreg.scid  }
0x2: {  	s0 =	stileid.u32;
	s9 =	rddreg [dreg:$0x0]  }
0x3: {  	s2 =	simm.s32 $0x0;
	s16 =	simm.s32 $0x1;
	s17 =	simm.s32 $0x1C800  }
0x4: {  	s18 =	simm.s32 $0x1C880;
	s19 =	simm.s32 $0x1C900;
	s20 =	simm.s32 $0x1CD00  }
0x5: {  	s21 =	simm.s32 $0x1CD80;
	s3 =	sand.u32 $0x1, s1;
	s1 =	rddreg [dreg:$0x1]  }
0x6: {  	s22 =	simm.s32 $0x1CE00;
	s4 =	sshll.u32 s0, $0x1;
	[smem:$0x7FF] =	sst s2  }
0x7: {  	s23 =	sand.u32 $0xC, s0;
	p0 =	sgt.u32 s0, $0x3;
	s8 =	sor.u32 s3, s4  }
0x8: {  	s3 =	ssub.s32 $0x2, s3;
	_ =	strace $0x80000047;
	p1 =	sne.s32 s23, $0x4  }
0x9: {  	s23 =	simm.s32 $0x0;
	s4 =	smul.u32 $0x3900, s8;
	s5 =	sshll.u32 s8, $0x4  }
0xa: {  	s6 =	sshrl.u32 s3, $0x1;
	s11 =	smul.u32 $0x1C0, s8;
	s12 =	sshll.u32 s8, $0x2  }
0xb: {  	s10 =	sadd.s32 s5, s9;
	s15 =	ssub.s32 s3, s6;
	s14 =	sadd.s32 s9, s12  }
.Ltmp0:
0xc: {  	s3 =	sadd.s32 s9, s4;
	s4 =	sadd.s32 $0x1C800, s10;
	(pc) =	sbr.rel .LBB2_1-.Ltmp0, $4  }
0xd: {  	s5 =	sadd.s32 $0x1CC00, s10;
	s6 =	sadd.s32 $0x1E600, s10;
	s7 =	sadd.s32 $0x1E400, s10  }
0xe: {  	s8 =	sadd.s32 $0x1E800, s10;
	s31 =	sadd.s32 s9, s11;
	s10 =	sadd.s32 $0x1C9E0, s14  }
0xf: {  	s11 =	sadd.s32 $0x1CDE0, s14;
	s12 =	sadd.s32 $0x1DDE0, s14;
	s13 =	sadd.s32 $0x1DFE0, s14  }
0x10: {  	v0 =	vimm.f32 $0.0e+00;
	v1 =	vlaneseq.u32;
	s14 =	sadd.s32 $0x1E1E0, s14;
	s15 =	smax.u32 s15, $0x1;
	s9 =	sadd.s32 $0x1C200, s31  }
.LBB2_18:
0x11: {  	[hbm4b:s12+s2] =	stream.linear.scatter [tilespmem:s20], [sflag:$0x1], $0x20, $0x38;
	[tilespmem:$0x1CE80] =	vst v63  }
0x12: {  	_ =	swait.ge [sflag:s16], $0x20  }
0x13: {  	[sflag:s16] =	ssyncset.done $0x0  }
0x14: {  	[sflag:s16] =	ssyncadd.s32 $0xFFFFFFE0  }
0x15: {  	[hbm4b:s13+s2] =	stream.linear.scatter [tilespmem:s21], [sflag:$0x1], $0x20, $0x38;
	[tilespmem:$0x1CE80] =	vst v63  }
0x16: {  	_ =	swait.ge [sflag:s16], $0x20  }
0x17: {  	[sflag:s16] =	ssyncset.done $0x0  }
0x18: {  	[sflag:s16] =	ssyncadd.s32 $0xFFFFFFE0  }
0x19: {  	[hbm4b:s14+s2] =	stream.linear.scatter [tilespmem:s22], [sflag:$0x1], $0x20, $0x38;
	[tilespmem:$0x1CE80] =	vst v63  }
0x1a: {  	_ =	swait.ge [sflag:s16], $0x20  }
0x1b: {  	[sflag:s16] =	ssyncset.done $0x0  }
0x1c: {  	[sflag:s16] =	ssyncadd.s32 $0xFFFFFFE0  }
.LBB2_19:
0x1d: {  	s23 =	sadd.s32 $0x1, s23  }
0x1e: {  	p2 =	sne.s32 s23, s15  }
.Ltmp1:
0x1f: {  	_ = 	snop;
	(pc) =	sbr.rel @!p2 .LBB2_20-.Ltmp1, $1  }
0x20: {  	_ =	sdelay $0x3  }
.LBB2_1:
.Ltmp2:
0x21: {  	(pc) =	sbr.rel @p0 .LBB2_11-.Ltmp2, $1  }
0x22: {  	_ =	sdelay $0x3  }
0x23: {  	s24 =	simm.s32 $0x0  }
0x24: {  	[tilespmem:s24], [sflag:$0x1] =	stream.linear.gather [hbm4b:s3+s24], $0x1C800, $0x38;
	[tilespmem:$0x1CE80] =	vst v63  }
0x25: {  	_ =	swait.ge [sflag:s16], $0x1C800  }
0x26: {  	[sflag:s16] =	ssyncset.done $0x0  }
0x27: {  	[sflag:s16] =	ssyncadd.s32 $0xFFFE3800  }
0x28: {  	[tilespmem:s17], [sflag:$0x1] =	stream.linear.gather [hbm4b:s4+s24], $0x80, $0x38;
	[tilespmem:$0x1CE80] =	vst v63  }
0x29: {  	_ =	swait.ge [sflag:s16], $0x80  }
0x2a: {  	[sflag:s16] =	ssyncset.done $0x0  }
0x2b: {  	[sflag:s16] =	ssyncadd.s32 $0xFFFFFF80  }
0x2c: {  	[tilespmem:s18], [sflag:$0x1] =	stream.linear.gather [hbm4b:s5+s24], $0x80, $0x38;
	[tilespmem:$0x1CE80] =	vst v63  }
0x2d: {  	_ =	swait.ge [sflag:s16], $0x80  }
0x2e: {  	[sflag:s16] =	ssyncset.done $0x0  }
0x2f: {  	[sflag:s16] =	ssyncadd.s32 $0xFFFFFF80  }
0x30: {  	[tilespmem:$0x1C900] =	vst v0  }
0x31: {  	[tilespmem:$0x1C910] =	vst v0  }
0x32: {  	[tilespmem:$0x1C920] =	vst v0  }
0x33: {  	[tilespmem:$0x1C930] =	vst v0  }
0x34: {  	[tilespmem:$0x1C940] =	vst v0  }
0x35: {  	[tilespmem:$0x1C950] =	vst v0  }
0x36: {  	[tilespmem:$0x1C960] =	vst v0  }
0x37: {  	[tilespmem:$0x1C970] =	vst v0  }
0x38: {  	[tilespmem:$0x1C980] =	vst v0  }
0x39: {  	[tilespmem:$0x1C990] =	vst v0  }
0x3a: {  	[tilespmem:$0x1C9A0] =	vst v0  }
0x3b: {  	[tilespmem:$0x1C9B0] =	vst v0  }
0x3c: {  	[tilespmem:$0x1C9C0] =	vst v0  }
0x3d: {  	[tilespmem:$0x1C9D0] =	vst v0  }
0x3e: {  	[tilespmem:$0x1C9E0] =	vst v0  }
0x3f: {  	[tilespmem:$0x1C9F0] =	vst v0  }
0x40: {  	[tilespmem:$0x1CA00] =	vst v0  }
0x41: {  	[tilespmem:$0x1CA10] =	vst v0  }
0x42: {  	[tilespmem:$0x1CA20] =	vst v0  }
0x43: {  	[tilespmem:$0x1CA30] =	vst v0  }
0x44: {  	[tilespmem:$0x1CA40] =	vst v0  }
0x45: {  	[tilespmem:$0x1CA50] =	vst v0  }
0x46: {  	[tilespmem:$0x1CA60] =	vst v0  }
0x47: {  	[tilespmem:$0x1CA70] =	vst v0  }
0x48: {  	[tilespmem:$0x1CA80] =	vst v0  }
0x49: {  	[tilespmem:$0x1CA90] =	vst v0  }
0x4a: {  	[tilespmem:$0x1CAA0] =	vst v0  }
0x4b: {  	[tilespmem:$0x1CAB0] =	vst v0  }
0x4c: {  	[tilespmem:$0x1CAC0] =	vst v0  }
0x4d: {  	[tilespmem:$0x1CAD0] =	vst v0  }
0x4e: {  	[tilespmem:$0x1CAE0] =	vst v0  }
0x4f: {  	[tilespmem:$0x1CAF0] =	vst v0  }
0x50: {  	[tilespmem:$0x1CB00] =	vst v0  }
0x51: {  	[tilespmem:$0x1CB10] =	vst v0  }
0x52: {  	[tilespmem:$0x1CB20] =	vst v0  }
0x53: {  	[tilespmem:$0x1CB30] =	vst v0  }
0x54: {  	[tilespmem:$0x1CB40] =	vst v0  }
0x55: {  	[tilespmem:$0x1CB50] =	vst v0  }
0x56: {  	[tilespmem:$0x1CB60] =	vst v0  }
0x57: {  	[tilespmem:$0x1CB70] =	vst v0  }
0x58: {  	[tilespmem:$0x1CB80] =	vst v0  }
0x59: {  	[tilespmem:$0x1CB90] =	vst v0  }
0x5a: {  	[tilespmem:$0x1CBA0] =	vst v0  }
0x5b: {  	[tilespmem:$0x1CBB0] =	vst v0  }
0x5c: {  	[tilespmem:$0x1CBC0] =	vst v0  }
0x5d: {  	[tilespmem:$0x1CBD0] =	vst v0  }
0x5e: {  	[tilespmem:$0x1CBE0] =	vst v0  }
0x5f: {  	[tilespmem:$0x1CBF0] =	vst v0  }
0x60: {  	[tilespmem:$0x1CC00] =	vst v0  }
0x61: {  	[tilespmem:$0x1CC10] =	vst v0  }
0x62: {  	[tilespmem:$0x1CC20] =	vst v0  }
0x63: {  	[tilespmem:$0x1CC30] =	vst v0  }
.Ltmp3:
0x64: {  	[tilespmem:$0x1CC40] =	vst v0;
	(pc) =	sbr.rel .LBB2_3-.Ltmp3, $4  }
0x65: {  	[tilespmem:$0x1CC50] =	vst v0  }
0x66: {  	[tilespmem:$0x1CC60] =	vst v0  }
0x67: {  	[tilespmem:$0x1CC70] =	vst v0  }
0x68: {  	[tilespmem:$0x1CC80] =	vst v0  }
.LBB2_4:
0x69: {  	v14 =	vpsel p2, v14, v14  }
0x6a: {  	v10 =	vpsel p2, v10, v10;
	v13 =	vpsel p2, v13, v13;
	v8 =	vpsel p2, v8, v8  }
0x6b: {  	v16 =	vpsel p2, v16, v16;
	v7 =	vpsel p2, v7, v7;
	v15 =	vpsel p2, v15, v15  }
0x6c: {  	v6 =	vpsel p2, v6, v6;
	v12 =	vpsel p2, v12, v12;
	v5 =	vpsel p2, v5, v5  }
0x6d: {  	v17 =	vpsel p2, v17, v17;
	v4 =	vpsel p2, v4, v4;
	v11 =	vpsel p2, v11, v11  }
0x6e: {  	v3 =	vpsel p2, v3, v3;
	v9 =	vpsel p2, v9, v9;
	v2 =	vpsel p2, v2, v2;
	s25 =	smov.u32 @p2 s25  }
.LBB2_9:
0x6f: {  	v9 =	vshll.u32 v9, $0x7  }
0x70: {  	v9 =	vor.u32 v1, v9  }
0x71: {  	vm0 =	veq.f32 v2, s25;
	vm1 =	vlt.s32 v9, $0x40000000  }
0x72: {  	v49 =	vshll.u32 v11, $0x7;
	v50 =	vor.u32 $0x10, v1;
	v2 =	vnsel vm1, $0x40000000, v9  }
0x73: {  	v9 =	vor.u32 v50, v49;
	v2 =	vnsel vm0, $0x40000000, v2  }
0x74: {  	vm8 =	veq.f32 v3, s25;
	vm9 =	vlt.s32 v2, v9  }
0x75: {  	v51 =	vshll.u32 v17, $0x7;
	v52 =	vor.u32 $0x20, v1;
	v3 =	vsel vm9, v2, v9  }
0x76: {  	vm10 =	veq.f32 v4, s25;
	v2 =	vsel vm8, v3, v2;
	v3 =	vor.u32 v52, v51  }
0x77: {  	v53 =	vshll.u32 v12, $0x7;
	v54 =	vor.u32 $0x30, v1;
	v3 =	vnsel vm10, $0x40000000, v3  }
0x78: {  	vm11 =	veq.f32 v5, s25;
	v4 =	vor.u32 v54, v53;
	vm0 =	vlt.s32 v2, v3  }
0x79: {  	v2 =	vsel vm0, v2, v3;
	v3 =	vnsel vm11, $0x40000000, v4  }
0x7a: {  	v55 =	vshll.u32 v15, $0x7;
	v56 =	vor.u32 $0x40, v1;
	vm0 =	vlt.s32 v2, v3  }
0x7b: {  	vm12 =	veq.f32 v6, s25;
	v2 =	vsel vm0, v2, v3;
	v3 =	vor.u32 v56, v55  }
0x7c: {  	v57 =	vshll.u32 v16, $0x7;
	v58 =	vor.u32 $0x50, v1;
	v3 =	vnsel vm12, $0x40000000, v3  }
0x7d: {  	vm13 =	veq.f32 v7, s25;
	v4 =	vor.u32 v58, v57;
	vm0 =	vlt.s32 v2, v3  }
0x7e: {  	v2 =	vsel vm0, v2, v3;
	v3 =	vnsel vm13, $0x40000000, v4  }
0x7f: {  	v59 =	vshll.u32 v13, $0x7;
	v60 =	vor.u32 $0x60, v1;
	vm0 =	vlt.s32 v2, v3  }
0x80: {  	vm14 =	veq.f32 v8, s25;
	v2 =	vsel vm0, v2, v3;
	v3 =	vor.u32 v60, v59  }
0x81: {  	v61 =	vshll.u32 v14, $0x7;
	v62 =	vor.u32 $0x70, v1;
	v3 =	vnsel vm14, $0x40000000, v3  }
0x82: {  	vm15 =	veq.f32 v10, s25;
	v4 =	vor.u32 v62, v61;
	vm0 =	vlt.s32 v2, v3  }
0x83: {  	v2 =	vsel vm0, v2, v3;
	v3 =	vnsel vm15, $0x40000000, v4  }
0x84: {  	vm0 =	vlt.s32 v2, v3  }
0x85: {  	v2 =	vsel vm0, v2, v3  }
0x86: {  	v2 =	vxor.u32 $0x80000000, v2  }
0x87: {  	(xrf0) =	vmin.scan.msk.u32 $0xffff, v2;
	_ =	sdelay $0x5  }
0x88: {  	v2, _, _ =	vpop (xrf0)  }
0x89: {  	(v2sf) =	vpush v2, $0xF;
	_ =	sdelay $0xe  }
0x8a: {  	v2 =	vmov s24;
	s26 =	spop (v2sf)  }
0x8b: {  	s28 =	sshra.s32 s26, $0x7  }
0x8c: {  	s28 =	sxor.u32 $0xFF000000, s28  }
0x8d: {  	p2 =	slt.f32 s25, $1.000000020e+29;
	s26 =	sand.u32 $0x7F, s26;
	v3 =	vmov s28  }
0x8e: {  	s25 =	simm.s32 $0x1;
	s24 =	sadd.s32 $0x1, s24;
	v4 =	vmov s26  }
0x8f: {  	s25 =	simm.s32 @!p2 $0x0;
	p3 =	sne.s32 s24, $0x80;
	[tilespmem:v2+s20+$0x0] =	vst.idx.msk $0x1, v3  }
.Ltmp4:
0x90: {  	v63 =	vmov s25;
	[tilespmem:v2+s21+$0x0] =	vst.idx.msk $0x1, v4;
	(pc) =	sbr.rel @!p3 .LBB2_10-.Ltmp4, $4  }
0x91: {  	s25 =	simm.s32 @p2 $0x1C900;
	[tilespmem:v2+s22+$0x0] =	vst.idx.msk $0x1, v63;
	v2 =	vimm.f32 @p2 $1.000000020e+30  }
0x92: {  	[tilespmem:v3+s25+$0x0] =	vst.idx.msk @p2 $0x1, v2;
	v2 =	vimm.f32 @p2 $2.999999890e+30;
	s25 =	simm.s32 @p2 $0x1C800  }
0x93: {  	[tilespmem:v4+s25+$0x0] =	vst.idx.msk @p2 $0x1, v2;
	v2 =	vimm.s32 @p2 $0xFFFFFFFF;
	s25 =	simm.s32 @p2 $0x1C880  }
0x94: {  	[tilespmem:v4+s25+$0x0] =	vst.idx.msk @p2 $0x1, v2  }
.LBB2_3:
0x95: {  	v2 =	vld [tilespmem:$0x1C800]  }
0x96: {  	v3 =	vld [tilespmem:$0x1C810]  }
0x97: {  	v4 =	vld [tilespmem:$0x1C820]  }
0x98: {  	v5 =	vld [tilespmem:$0x1C830]  }
0x99: {  	v6 =	vld [tilespmem:$0x1C840]  }
0x9a: {  	v7 =	vld [tilespmem:$0x1C850];
	v8 =	vmin.f32 v2, $3.500000130e+30  }
0x9b: {  	v9 =	vmin.f32 v8, v3;
	v8 =	vld [tilespmem:$0x1C860]  }
0x9c: {  	v10 =	vld [tilespmem:$0x1C870];
	v9 =	vmin.f32 v9, v4  }
0x9d: {  	v9 =	vmin.f32 v9, v5  }
0x9e: {  	v9 =	vmin.f32 v9, v6  }
0x9f: {  	v9 =	vmin.f32 v9, v7  }
0xa0: {  	v9 =	vmin.f32 v9, v8  }
0xa1: {  	v9 =	vmin.f32 v9, v10  }
0xa2: {  	(xrf0) =	vmin.scan.msk.f32 $0xffff, v9;
	_ =	sdelay $0x5  }
0xa3: {  	v17, _, _ =	vpop (xrf0)  }
0xa4: {  	(v2sf) =	vpush v17, $0xF;
	_ =	sdelay $0x3  }
0xa5: {  	v13 =	vld [tilespmem:$0x1C8E0];
	_ =	sdelay $0x1  }
0xa6: {  	v14 =	vld [tilespmem:$0x1C8F0];
	_ =	sdelay $0x2  }
0xa7: {  	v11 =	vld [tilespmem:$0x1C890];
	vm1 =	vgt.s32 v13, $0x0  }
0xa8: {  	v12 =	vld [tilespmem:$0x1C8B0];
	v19 =	vnsel vm1, $0x0, v13  }
0xa9: {  	v16 =	vld [tilespmem:$0x1C8D0];
	vm0 =	vgt.s32 v14, $0x0  }
0xaa: {  	v15 =	vld [tilespmem:$0x1C8C0];
	v18 =	vnsel vm0, $0x0, v14  }
0xab: {  	v9 =	vld [tilespmem:$0x1C880];
	_ =	sdelay $0x1  }
0xac: {  	v19 =	vld.idx.msk [tilespmem:v19+s19+$0x0], $0xffff;
	s25 =	spop (v2sf)  }
0xad: {  	vm12 =	vgt.s32 v11, $0x0;
	vm13 =	vgt.s32 v12, $0x0;
	vm2 =	vgt.s32 v16, $0x0;
	p2 =	slt.f32 s25, $1.000000020e+29  }
0xae: {  	vm14 =	vgt.s32 v15, $0x0;
	v22 =	vnsel vm13, $0x0, v12;
	v23 =	vnsel vm2, $0x0, v16;
	v18 =	vld.idx.msk [tilespmem:v18+s19+$0x0], $0xffff  }
0xaf: {  	v24 =	vnsel vm14, $0x0, v15;
	vm11 =	vgt.s32 v9, $0x0;
	v21 =	vbroadcast @p2 v17, $0xF  }
0xb0: {  	v26 =	vnsel vm12, $0x0, v11;
	v20 =	vnsel vm11, $0x0, v9;
	v17 =	vld [tilespmem:$0x1C8A0];
	vm2 =	vgt.s32 @p2 v13, $0xFFFFFFFF  }
0xb1: {  	vm3 =	vgt.s32 @p2 v14, $0xFFFFFFFF;
	vm4 =	vgt.f32 @p2 v19, $0.0e+00;
	vm1 =	veq.f32 @p2 v8, v21  }
0xb2: {  	vm0 =	veq.f32 @p2 v2, v21;
	vm1 =	vmand @p2 vm1, vm2;
	vm2 =	veq.f32 @p2 v10, v21  }
0xb3: {  	vm2 =	vmand @p2 vm2, vm3;
	vm3 =	vgt.f32 @p2 v18, $0.0e+00;
	v18 =	vlaneseq.u32 @p2  }
0xb4: {  	v23 =	vld.idx.msk [tilespmem:v23+s19+$0x0], $0xffff;
	vm1 =	vmand @p2 vm1, vm4;
	vm2 =	vmand @p2 vm2, vm3;
	v19 =	vor.u32 @p2 $0x80000070, v18  }
0xb5: {  	v25 =	vor.u32 @p2 $0x80000060, v18;
	vm15 =	vgt.s32 v17, $0x0;
	v19 =	vnsel @p2 vm2, $0xC0000000, v19  }
0xb6: {  	v63 =	vnsel vm15, $0x0, v17;
	v19 =	vsel @p2 vm1, v25, v19;
	vm1 =	vgt.s32 @p2 v9, $0xFFFFFFFF  }
0xb7: {  	v22 =	vld.idx.msk [tilespmem:v22+s19+$0x0], $0xffff;
	vm2 =	vgt.s32 @p2 v11, $0xFFFFFFFF;
	vm0 =	vmand @p2 vm1, vm0;
	vm1 =	veq.f32 @p2 v3, v21  }
0xb8: {  	v24 =	vld.idx.msk [tilespmem:v24+s19+$0x0], $0xffff;
	vm3 =	vgt.s32 @p2 v16, $0xFFFFFFFF;
	vm1 =	vmand @p2 vm2, vm1;
	vm2 =	veq.f32 @p2 v7, v21  }
0xb9: {  	v20 =	vld.idx.msk [tilespmem:v20+s19+$0x0], $0xffff;
	vm4 =	veq.f32 @p2 v4, v21;
	vm2 =	vmand @p2 vm2, vm3;
	vm3 =	vgt.f32 @p2 v23, $0.0e+00  }
0xba: {  	vm5 =	vgt.s32 @p2 v17, $0xFFFFFFFF;
	v23 =	vld.idx.msk [tilespmem:v26+s19+$0x0], $0xffff;
	v26 =	vor.u32 @p2 $0x80000050, v18;
	vm2 =	vmand @p2 vm2, vm3  }
0xbb: {  	v25 =	vld.idx.msk [tilespmem:v63+s19+$0x0], $0xffff;
	vm3 =	vgt.s32 @p2 v12, $0xFFFFFFFF;
	v19 =	vsel @p2 vm2, v26, v19;
	vm2 =	veq.f32 @p2 v5, v21  }
0xbc: {  	vm4 =	vmand @p2 vm4, vm5;
	vm2 =	vmand @p2 vm2, vm3;
	vm3 =	vgt.f32 @p2 v22, $0.0e+00  }
0xbd: {  	vm5 =	vgt.s32 @p2 v15, $0xFFFFFFFF;
	vm2 =	vmand @p2 vm2, vm3;
	vm3 =	veq.f32 @p2 v6, v21  }
0xbe: {  	vm6 =	vgt.f32 @p2 v24, $0.0e+00;
	vm3 =	vmand @p2 vm3, vm5;
	vm5 =	vgt.f32 @p2 v20, $0.0e+00  }
0xbf: {  	vm7 =	vgt.f32 @p2 v23, $0.0e+00;
	v20 =	vor.u32 @p2 $0x80000040, v18;
	vm3 =	vmand @p2 vm3, vm6  }
0xc0: {  	vm6 =	vgt.f32 @p2 v25, $0.0e+00;
	v19 =	vsel @p2 vm3, v20, v19;
	v20 =	vor.u32 @p2 $0x80000030, v18  }
0xc1: {  	vm3 =	vmand @p2 vm4, vm6;
	v19 =	vsel @p2 vm2, v20, v19;
	v20 =	vor.u32 @p2 $0x80000020, v18  }
0xc2: {  	vm1 =	vmand @p2 vm7, vm1;
	v19 =	vsel @p2 vm3, v20, v19;
	v20 =	vor.u32 @p2 $0x80000010, v18  }
0xc3: {  	vm0 =	vmand @p2 vm5, vm0;
	v18 =	vor.u32 @p2 $0x80000000, v18;
	v19 =	vsel @p2 vm1, v20, v19  }
0xc4: {  	v18 =	vsel @p2 vm0, v18, v19  }
0xc5: {  	(xrf0) =	vmin.scan.msk.u32 @p2 $0xffff, v18;
	_ =	sdelay $0x5  }
0xc6: {  	v18, _, _ =	vpop @p2 (xrf0)  }
0xc7: {  	(v2sf) =	vpush @p2 v18, $0xF;
	_ =	sdelay $0xe  }
0xc8: {  	s26 =	spop @p2 (v2sf)  }
0xc9: {  	s26 =	sxor.u32 @p2 $0x80000000, s26  }
0xca: {  	p3 =	sgt.s32 @p2 s26, $0x3FFFFFFF  }
0xcb: {  	p3 =	por !p2, p3  }
.Ltmp5:
0xcc: {  	_ = 	snop;
	(pc) =	sbr.rel @p3 .LBB2_4-.Ltmp5, $1  }
0xcd: {  	_ =	sdelay $0x3  }
.LBB2_5:
0xce: {  	s25 =	smul.u32 $0xE40, s26  }
0xcf: {  	s28 =	simm.s32 $0x1C900  }
0xd0: {  	v3 =	vld [tilespmem:s28+$0x0];
	s25 =	sshra.s32 s25, $0x2  }
0xd1: {  	v2 =	vld [tilespmem:s25+$0x0];
	_ =	sdelay $0x1  }
0xd2: {  	s28 =	simm.s32 $0x1C910  }
0xd3: {  	v6 =	vld [tilespmem:s28+$0x0];
	s30 =	sadd.s32 $0x10, s25  }
0xd4: {  	v5 =	vld [tilespmem:s30+$0x0]  }
0xd5: {  	v3 =	vadd.f32 v3, v2  }
0xd6: {  	s29 =	simm.s32 $0x0;
	v2 =	vimm.f32 $3.500000130e+30  }
0xd7: {  	v4 =	vimm.s32 $0x0;
	v7 =	vor.u32 s29, v1;
	vm0 =	vlt.f32 v3, v2  }
0xd8: {  	s29 =	simm.s32 $0x20;
	s25 =	simm.s32 $0x10;
	s30 =	sadd.s32 $0x10, s30;
	v4 =	vsel vm0, v7, v4  }
.LBB2_6:
0xd9: {  	v7 =	vadd.f32 v6, v5;
	v5 =	vld [tilespmem:s30+$0x0];
	s28 =	sadd.s32 $0x10, s28;
	s31 =	smov.u32 s29;
	p2 =	sne.s32 s29, $0x380  }
.Ltmp6:
0xda: {  	s29 =	sadd.s32 $0x10, s29;
	v2 =	vmin.f32 v2, v3;
	v6 =	vld [tilespmem:s28+$0x0];
	(pc) =	sbr.rel @p2 .LBB2_6-.Ltmp6, $3  }
0xdb: {  	v8 =	vor.u32 s25, v1;
	s25 =	smov.u32 s31;
	vm0 =	vlt.f32 v7, v2;
	v3 =	vmov v7  }
0xdc: {  	v4 =	vsel vm0, v8, v4;
	_ =	sdelay $0x1  }
0xdd: {  	s30 =	sadd.s32 $0x10, s30  }
0xde: {  	v5 =	vadd.f32 v6, v5  }
0xdf: {  	v2 =	vmin.f32 v2, v3  }
0xe0: {  	v3 =	vmin.f32 v2, v5  }
0xe1: {  	(xrf0) =	vmin.scan.msk.f32 $0xffff, v3;
	_ =	sdelay $0x5  }
0xe2: {  	v6, _, _ =	vpop (xrf0)  }
0xe3: {  	v7 =	vor.u32 s25, v1;
	vm0 =	vlt.f32 v5, v2;
	v2 =	vbroadcast v6, $0xF  }
0xe4: {  	v4 =	vsel vm0, v7, v4  }
0xe5: {  	vm9 =	veq.f32 v3, v2;
	v3 =	vxor.u32 $0x80000000, v4  }
0xe6: {  	v3 =	vnsel vm9, $0xC0000000, v3  }
0xe7: {  	(xrf0) =	vmin.scan.msk.u32 $0xffff, v3;
	_ =	sdelay $0x5  }
0xe8: {  	v3, _, _ =	vpop (xrf0)  }
0xe9: {  	(v2sf) =	vpush v3, $0xF;
	_ =	sdelay $0xb  }
0xea: {  	v3 =	vmov s26;
	_ =	sdelay $0x2  }
0xeb: {  	s31 =	spop (v2sf)  }
0xec: {  	s25 =	sxor.u32 $0x80000000, s31  }
0xed: {  	[tilespmem:v3+s17+$0x0] =	vst.idx.msk $0x1, v2;
	v2 =	vmov s25  }
0xee: {  	[tilespmem:v3+s18+$0x0] =	vst.idx.msk $0x1, v2  }
0xef: {  	v2 =	vld [tilespmem:$0x1C800]  }
0xf0: {  	v3 =	vld [tilespmem:$0x1C810]  }
0xf1: {  	v4 =	vld [tilespmem:$0x1C820]  }
0xf2: {  	v5 =	vld [tilespmem:$0x1C830]  }
0xf3: {  	v6 =	vld [tilespmem:$0x1C840]  }
0xf4: {  	v7 =	vld [tilespmem:$0x1C850];
	v8 =	vmin.f32 v2, $3.500000130e+30  }
0xf5: {  	v9 =	vmin.f32 v8, v3;
	v8 =	vld [tilespmem:$0x1C860]  }
0xf6: {  	v10 =	vld [tilespmem:$0x1C870];
	v9 =	vmin.f32 v9, v4  }
0xf7: {  	v9 =	vmin.f32 v9, v5  }
0xf8: {  	v9 =	vmin.f32 v9, v6  }
0xf9: {  	v9 =	vmin.f32 v9, v7  }
0xfa: {  	v9 =	vmin.f32 v9, v8  }
0xfb: {  	v9 =	vmin.f32 v9, v10  }
0xfc: {  	(xrf0) =	vmin.scan.msk.f32 $0xffff, v9;
	_ =	sdelay $0x5  }
0xfd: {  	v17, _, _ =	vpop (xrf0)  }
0xfe: {  	(v2sf) =	vpush v17, $0xF;
	_ =	sdelay $0x3  }
0xff: {  	v13 =	vld [tilespmem:$0x1C8E0];
	_ =	sdelay $0x1  }
0x100: {  	v14 =	vld [tilespmem:$0x1C8F0];
	_ =	sdelay $0x2  }
0x101: {  	v11 =	vld [tilespmem:$0x1C890];
	vm1 =	vgt.s32 v13, $0x0  }
0x102: {  	v12 =	vld [tilespmem:$0x1C8B0];
	v19 =	vnsel vm1, $0x0, v13  }
0x103: {  	v16 =	vld [tilespmem:$0x1C8D0];
	vm10 =	vgt.s32 v14, $0x0  }
0x104: {  	v15 =	vld [tilespmem:$0x1C8C0];
	v18 =	vnsel vm10, $0x0, v14  }
0x105: {  	v9 =	vld [tilespmem:$0x1C880];
	_ =	sdelay $0x1  }
0x106: {  	v19 =	vld.idx.msk [tilespmem:v19+s19+$0x0], $0xffff;
	s25 =	spop (v2sf)  }
0x107: {  	vm12 =	vgt.s32 v11, $0x0;
	vm13 =	vgt.s32 v12, $0x0;
	vm2 =	vgt.s32 v16, $0x0;
	p2 =	slt.f32 s25, $1.000000020e+29  }
0x108: {  	vm14 =	vgt.s32 v15, $0x0;
	v22 =	vnsel vm13, $0x0, v12;
	v23 =	vnsel vm2, $0x0, v16;
	v18 =	vld.idx.msk [tilespmem:v18+s19+$0x0], $0xffff  }
0x109: {  	v24 =	vnsel vm14, $0x0, v15;
	vm11 =	vgt.s32 v9, $0x0;
	v21 =	vbroadcast @p2 v17, $0xF  }
0x10a: {  	v26 =	vnsel vm12, $0x0, v11;
	v20 =	vnsel vm11, $0x0, v9;
	v17 =	vld [tilespmem:$0x1C8A0];
	vm2 =	vgt.s32 @p2 v13, $0xFFFFFFFF  }
0x10b: {  	vm3 =	vgt.s32 @p2 v14, $0xFFFFFFFF;
	vm4 =	vgt.f32 @p2 v19, $0.0e+00;
	vm1 =	veq.f32 @p2 v8, v21  }
0x10c: {  	vm0 =	veq.f32 @p2 v2, v21;
	vm1 =	vmand @p2 vm1, vm2;
	vm2 =	veq.f32 @p2 v10, v21  }
0x10d: {  	vm2 =	vmand @p2 vm2, vm3;
	vm3 =	vgt.f32 @p2 v18, $0.0e+00;
	v18 =	vlaneseq.u32 @p2  }
0x10e: {  	v23 =	vld.idx.msk [tilespmem:v23+s19+$0x0], $0xffff;
	vm1 =	vmand @p2 vm1, vm4;
	vm2 =	vmand @p2 vm2, vm3;
	v19 =	vor.u32 @p2 $0x80000070, v18  }
0x10f: {  	v25 =	vor.u32 @p2 $0x80000060, v18;
	vm15 =	vgt.s32 v17, $0x0;
	v19 =	vnsel @p2 vm2, $0xC0000000, v19  }
0x110: {  	v63 =	vnsel vm15, $0x0, v17;
	v19 =	vsel @p2 vm1, v25, v19;
	vm1 =	vgt.s32 @p2 v9, $0xFFFFFFFF  }
0x111: {  	v22 =	vld.idx.msk [tilespmem:v22+s19+$0x0], $0xffff;
	vm2 =	vgt.s32 @p2 v11, $0xFFFFFFFF;
	vm0 =	vmand @p2 vm1, vm0;
	vm1 =	veq.f32 @p2 v3, v21  }
0x112: {  	v24 =	vld.idx.msk [tilespmem:v24+s19+$0x0], $0xffff;
	vm3 =	vgt.s32 @p2 v16, $0xFFFFFFFF;
	vm1 =	vmand @p2 vm2, vm1;
	vm2 =	veq.f32 @p2 v7, v21  }
0x113: {  	v20 =	vld.idx.msk [tilespmem:v20+s19+$0x0], $0xffff;
	vm4 =	veq.f32 @p2 v4, v21;
	vm2 =	vmand @p2 vm2, vm3;
	vm3 =	vgt.f32 @p2 v23, $0.0e+00  }
0x114: {  	vm5 =	vgt.s32 @p2 v17, $0xFFFFFFFF;
	v23 =	vld.idx.msk [tilespmem:v26+s19+$0x0], $0xffff;
	v26 =	vor.u32 @p2 $0x80000050, v18;
	vm2 =	vmand @p2 vm2, vm3  }
0x115: {  	v25 =	vld.idx.msk [tilespmem:v63+s19+$0x0], $0xffff;
	vm3 =	vgt.s32 @p2 v12, $0xFFFFFFFF;
	v19 =	vsel @p2 vm2, v26, v19;
	vm2 =	veq.f32 @p2 v5, v21  }
0x116: {  	vm4 =	vmand @p2 vm4, vm5;
	vm2 =	vmand @p2 vm2, vm3;
	vm3 =	vgt.f32 @p2 v22, $0.0e+00  }
0x117: {  	vm5 =	vgt.s32 @p2 v15, $0xFFFFFFFF;
	vm2 =	vmand @p2 vm2, vm3;
	vm3 =	veq.f32 @p2 v6, v21  }
0x118: {  	vm6 =	vgt.f32 @p2 v24, $0.0e+00;
	vm3 =	vmand @p2 vm3, vm5;
	vm5 =	vgt.f32 @p2 v20, $0.0e+00  }
0x119: {  	vm7 =	vgt.f32 @p2 v23, $0.0e+00;
	v20 =	vor.u32 @p2 $0x80000040, v18;
	vm3 =	vmand @p2 vm3, vm6  }
0x11a: {  	vm6 =	vgt.f32 @p2 v25, $0.0e+00;
	v19 =	vsel @p2 vm3, v20, v19;
	v20 =	vor.u32 @p2 $0x80000030, v18  }
0x11b: {  	vm3 =	vmand @p2 vm4, vm6;
	v19 =	vsel @p2 vm2, v20, v19;
	v20 =	vor.u32 @p2 $0x80000020, v18  }
0x11c: {  	vm1 =	vmand @p2 vm7, vm1;
	v19 =	vsel @p2 vm3, v20, v19;
	v20 =	vor.u32 @p2 $0x80000010, v18  }
0x11d: {  	vm0 =	vmand @p2 vm5, vm0;
	v18 =	vor.u32 @p2 $0x80000000, v18;
	v19 =	vsel @p2 vm1, v20, v19  }
0x11e: {  	v18 =	vsel @p2 vm0, v18, v19  }
0x11f: {  	(xrf0) =	vmin.scan.msk.u32 @p2 $0xffff, v18;
	_ =	sdelay $0x5  }
0x120: {  	v18, _, _ =	vpop @p2 (xrf0)  }
0x121: {  	(v2sf) =	vpush @p2 v18, $0xF;
	_ =	sdelay $0xe  }
0x122: {  	s26 =	spop @p2 (v2sf)  }
0x123: {  	s26 =	sxor.u32 @p2 $0x80000000, s26  }
0x124: {  	p3 =	slt.s32 @p2 s26, $0x40000000  }
0x125: {  	p3 =	por !p2, !p3  }
.Ltmp7:
0x126: {  	_ = 	snop;
	(pc) =	sbr.rel @!p3 .LBB2_5-.Ltmp7, $1  }
0x127: {  	_ =	sdelay $0x3  }
0x128: {  	v14 =	vpsel p2, v14, v14  }
.Ltmp8:
0x129: {  	v10 =	vpsel p2, v10, v10;
	v13 =	vpsel p2, v13, v13;
	v8 =	vpsel p2, v8, v8;
	(pc) =	sbr.rel .LBB2_9-.Ltmp8, $4  }
0x12a: {  	v16 =	vpsel p2, v16, v16;
	v7 =	vpsel p2, v7, v7;
	v15 =	vpsel p2, v15, v15  }
0x12b: {  	v6 =	vpsel p2, v6, v6;
	v12 =	vpsel p2, v12, v12;
	v5 =	vpsel p2, v5, v5  }
0x12c: {  	v17 =	vpsel p2, v17, v17;
	v4 =	vpsel p2, v4, v4;
	v11 =	vpsel p2, v11, v11  }
0x12d: {  	v3 =	vpsel p2, v3, v3;
	v9 =	vpsel p2, v9, v9;
	v2 =	vpsel p2, v2, v2;
	s25 =	smov.u32 @p2 s25  }
.LBB2_10:
0x12e: {  	[hbm4b:s6+s2] =	stream.linear.scatter [tilespmem:s20], [sflag:$0x1], $0x80, $0x38;
	[tilespmem:$0x1CE80] =	vst v63  }
0x12f: {  	_ =	swait.ge [sflag:s16], $0x80  }
0x130: {  	[sflag:s16] =	ssyncset.done $0x0  }
0x131: {  	[sflag:s16] =	ssyncadd.s32 $0xFFFFFF80  }
0x132: {  	[hbm4b:s7+s2] =	stream.linear.scatter [tilespmem:s21], [sflag:$0x1], $0x80, $0x38;
	[tilespmem:$0x1CE80] =	vst v63  }
0x133: {  	_ =	swait.ge [sflag:s16], $0x80  }
0x134: {  	[sflag:s16] =	ssyncset.done $0x0  }
0x135: {  	[sflag:s16] =	ssyncadd.s32 $0xFFFFFF80  }
0x136: {  	[hbm4b:s8+s2] =	stream.linear.scatter [tilespmem:s22], [sflag:$0x1], $0x80, $0x38;
	[tilespmem:$0x1CE80] =	vst v63  }
0x137: {  	_ =	swait.ge [sflag:s16], $0x80  }
0x138: {  	[sflag:s16] =	ssyncset.done $0x0  }
0x139: {  	[sflag:s16] =	ssyncadd.s32 $0xFFFFFF80  }
.LBB2_11:
.Ltmp9:
0x13a: {  	(pc) =	sbr.rel @p1 .LBB2_19-.Ltmp9, $1  }
0x13b: {  	_ =	sdelay $0x3  }
0x13c: {  	s24 =	simm.s32 $0x0  }
0x13d: {  	[tilespmem:s24], [sflag:$0x1] =	stream.linear.gather [hbm4b:s9+s24], $0xE00, $0x38;
	[tilespmem:$0x1CE80] =	vst v63  }
0x13e: {  	_ =	swait.ge [sflag:s16], $0xE00  }
0x13f: {  	[sflag:s16] =	ssyncset.done $0x0  }
0x140: {  	[sflag:s16] =	ssyncadd.s32 $0xFFFFF200  }
0x141: {  	[tilespmem:s17], [sflag:$0x1] =	stream.linear.gather [hbm4b:s10+s24], $0x20, $0x38;
	[tilespmem:$0x1CE80] =	vst v63  }
0x142: {  	_ =	swait.ge [sflag:s16], $0x20  }
0x143: {  	[sflag:s16] =	ssyncset.done $0x0  }
0x144: {  	[sflag:s16] =	ssyncadd.s32 $0xFFFFFFE0  }
0x145: {  	[tilespmem:s18], [sflag:$0x1] =	stream.linear.gather [hbm4b:s11+s24], $0x20, $0x38;
	[tilespmem:$0x1CE80] =	vst v63  }
0x146: {  	_ =	swait.ge [sflag:s16], $0x20  }
0x147: {  	[sflag:s16] =	ssyncset.done $0x0  }
0x148: {  	[sflag:s16] =	ssyncadd.s32 $0xFFFFFFE0  }
0x149: {  	[tilespmem:$0x1C900] =	vst v0  }
0x14a: {  	[tilespmem:$0x1C910] =	vst v0  }
.Ltmp10:
0x14b: {  	[tilespmem:$0x1C920] =	vst v0;
	(pc) =	sbr.rel .LBB2_13-.Ltmp10, $4  }
0x14c: {  	[tilespmem:$0x1C930] =	vst v0  }
0x14d: {  	[tilespmem:$0x1C940] =	vst v0  }
0x14e: {  	[tilespmem:$0x1C950] =	vst v0  }
0x14f: {  	[tilespmem:$0x1C960] =	vst v0  }
.LBB2_14:
0x150: {  	v5 =	vpsel p2, v5, v5  }
0x151: {  	v3 =	vpsel p2, v3, v3;
	v4 =	vpsel p2, v4, v4;
	v2 =	vpsel p2, v2, v2;
	s25 =	smov.u32 @p2 s25  }
.LBB2_17:
0x152: {  	v4 =	vshll.u32 v4, $0x7  }
0x153: {  	v4 =	vor.u32 v1, v4  }
0x154: {  	vm0 =	veq.f32 v2, s25;
	vm1 =	vlt.s32 v4, $0x40000000  }
0x155: {  	v61 =	vshll.u32 v5, $0x7;
	v62 =	vor.u32 $0x10, v1;
	v2 =	vnsel vm1, $0x40000000, v4  }
0x156: {  	v4 =	vor.u32 v62, v61;
	v2 =	vnsel vm0, $0x40000000, v2  }
0x157: {  	vm0 =	vlt.s32 v2, v4  }
0x158: {  	vm15 =	veq.f32 v3, s25;
	v3 =	vsel vm0, v2, v4  }
0x159: {  	v2 =	vsel vm15, v3, v2  }
0x15a: {  	v2 =	vxor.u32 $0x80000000, v2  }
0x15b: {  	(xrf0) =	vmin.scan.msk.u32 $0xffff, v2;
	_ =	sdelay $0x5  }
0x15c: {  	v2, _, _ =	vpop (xrf0)  }
0x15d: {  	(v2sf) =	vpush v2, $0xF;
	_ =	sdelay $0xe  }
0x15e: {  	v2 =	vmov s24;
	s26 =	spop (v2sf)  }
0x15f: {  	s28 =	sshra.s32 s26, $0x7  }
0x160: {  	s28 =	sxor.u32 $0xFF000000, s28  }
0x161: {  	p2 =	slt.f32 s25, $1.000000020e+29;
	s26 =	sand.u32 $0x7F, s26;
	v3 =	vmov s28  }
0x162: {  	s25 =	simm.s32 $0x1;
	s24 =	sadd.s32 $0x1, s24;
	v4 =	vmov s26  }
0x163: {  	s25 =	simm.s32 @!p2 $0x0;
	p3 =	sne.s32 s24, $0x20;
	[tilespmem:v2+s20+$0x0] =	vst.idx.msk $0x1, v3  }
.Ltmp11:
0x164: {  	v63 =	vmov s25;
	[tilespmem:v2+s21+$0x0] =	vst.idx.msk $0x1, v4;
	(pc) =	sbr.rel @!p3 .LBB2_18-.Ltmp11, $4  }
0x165: {  	s25 =	simm.s32 @p2 $0x1C900;
	[tilespmem:v2+s22+$0x0] =	vst.idx.msk $0x1, v63;
	v2 =	vimm.f32 @p2 $1.000000020e+30  }
0x166: {  	[tilespmem:v3+s25+$0x0] =	vst.idx.msk @p2 $0x1, v2;
	v2 =	vimm.f32 @p2 $2.999999890e+30;
	s25 =	simm.s32 @p2 $0x1C800  }
0x167: {  	[tilespmem:v4+s25+$0x0] =	vst.idx.msk @p2 $0x1, v2;
	v2 =	vimm.s32 @p2 $0xFFFFFFFF;
	s25 =	simm.s32 @p2 $0x1C880  }
0x168: {  	[tilespmem:v4+s25+$0x0] =	vst.idx.msk @p2 $0x1, v2  }
.LBB2_13:
0x169: {  	v2 =	vld [tilespmem:$0x1C800]  }
0x16a: {  	v3 =	vld [tilespmem:$0x1C810];
	_ =	sdelay $0x3  }
0x16b: {  	v4 =	vmin.f32 v2, $3.500000130e+30  }
0x16c: {  	v4 =	vmin.f32 v4, v3  }
0x16d: {  	(xrf0) =	vmin.scan.msk.f32 $0xffff, v4;
	_ =	sdelay $0x5  }
0x16e: {  	v6, _, _ =	vpop (xrf0)  }
0x16f: {  	(v2sf) =	vpush v6, $0xF;
	_ =	sdelay $0x5  }
0x170: {  	v5 =	vld [tilespmem:$0x1C890]  }
0x171: {  	v4 =	vld [tilespmem:$0x1C880];
	_ =	sdelay $0x3  }
0x172: {  	vm0 =	vgt.s32 v5, $0x0  }
0x173: {  	v7 =	vnsel vm0, $0x0, v5;
	vm1 =	vgt.s32 v4, $0x0  }
0x174: {  	v8 =	vnsel vm1, $0x0, v4;
	_ =	sdelay $0x1  }
0x175: {  	s25 =	spop (v2sf)  }
0x176: {  	p2 =	slt.f32 s25, $1.000000020e+29  }
0x177: {  	v7 =	vld.idx.msk [tilespmem:v7+s19+$0x0], $0xffff  }
0x178: {  	v8 =	vld.idx.msk [tilespmem:v8+s19+$0x0], $0xffff;
	v6 =	vbroadcast @p2 v6, $0xF;
	_ =	sdelay $0x1  }
0x179: {  	vm1 =	vgt.s32 @p2 v4, $0xFFFFFFFF;
	vm0 =	veq.f32 @p2 v2, v6  }
0x17a: {  	vm2 =	vgt.s32 @p2 v5, $0xFFFFFFFF;
	vm0 =	vmand @p2 vm1, vm0;
	vm1 =	veq.f32 @p2 v3, v6  }
0x17b: {  	v6 =	vlaneseq.u32 @p2;
	vm1 =	vmand @p2 vm2, vm1;
	vm2 =	vgt.f32 @p2 v7, $0.0e+00  }
0x17c: {  	v7 =	vor.u32 @p2 $0x80000010, v6;
	vm1 =	vmand @p2 vm2, vm1;
	vm2 =	vgt.f32 @p2 v8, $0.0e+00  }
0x17d: {  	v6 =	vor.u32 @p2 $0x80000000, v6;
	vm0 =	vmand @p2 vm2, vm0;
	v7 =	vnsel @p2 vm1, $0xC0000000, v7  }
0x17e: {  	v6 =	vsel @p2 vm0, v6, v7  }
0x17f: {  	(xrf0) =	vmin.scan.msk.u32 @p2 $0xffff, v6;
	_ =	sdelay $0x5  }
0x180: {  	v6, _, _ =	vpop @p2 (xrf0)  }
0x181: {  	(v2sf) =	vpush @p2 v6, $0xF;
	_ =	sdelay $0xe  }
0x182: {  	s26 =	spop @p2 (v2sf)  }
0x183: {  	s26 =	sxor.u32 @p2 $0x80000000, s26  }
0x184: {  	p3 =	sgt.s32 @p2 s26, $0x3FFFFFFF  }
0x185: {  	p3 =	por !p2, p3  }
.Ltmp12:
0x186: {  	_ = 	snop;
	(pc) =	sbr.rel @p3 .LBB2_14-.Ltmp12, $1  }
0x187: {  	_ =	sdelay $0x3  }
.LBB2_15:
0x188: {  	v3 =	vld [tilespmem:$0x1C900]  }
0x189: {  	v5 =	vld [tilespmem:$0x1C910]  }
0x18a: {  	v7 =	vld [tilespmem:$0x1C920]  }
0x18b: {  	s25 =	smul.u32 $0x1C0, s26;
	v9 =	vld [tilespmem:$0x1C930]  }
0x18c: {  	v11 =	vld [tilespmem:$0x1C940]  }
0x18d: {  	v13 =	vld [tilespmem:$0x1C950];
	s25 =	sshra.s32 s25, $0x2  }
0x18e: {  	v2 =	vld [tilespmem:s25+$0x0]  }
0x18f: {  	v4 =	vld [tilespmem:s25+$0x10]  }
0x190: {  	v6 =	vld [tilespmem:s25+$0x20]  }
0x191: {  	v8 =	vld [tilespmem:s25+$0x30]  }
0x192: {  	v10 =	vld [tilespmem:s25+$0x40]  }
0x193: {  	v12 =	vld [tilespmem:s25+$0x50]  }
0x194: {  	v2 =	vadd.f32 v3, v2;
	v3 =	vld [tilespmem:s25+$0x60]  }
0x195: {  	v4 =	vadd.f32 v5, v4;
	v5 =	vld [tilespmem:$0x1C960]  }
0x196: {  	v6 =	vadd.f32 v7, v6;
	v14 =	vmin.f32 v2, $3.500000130e+30  }
0x197: {  	v8 =	vadd.f32 v9, v8;
	v7 =	vmin.f32 v14, v4  }
0x198: {  	v10 =	vadd.f32 v11, v10;
	v60 =	vmin.f32 v7, v6  }
0x199: {  	v12 =	vadd.f32 v13, v12;
	v61 =	vmin.f32 v60, v8  }
0x19a: {  	v3 =	vadd.f32 v5, v3;
	v62 =	vmin.f32 v61, v10  }
0x19b: {  	v5 =	vmin.f32 v62, v12  }
0x19c: {  	v15 =	vmin.f32 v5, v3  }
0x19d: {  	(xrf0) =	vmin.scan.msk.f32 $0xffff, v15;
	_ =	sdelay $0x1  }
0x19e: {  	vm1 =	vlt.f32 v2, $3.500000130e+30;
	v2 =	vor.u32 $0x80000000, v1;
	vm0 =	vlt.f32 v4, v14  }
0x19f: {  	v2 =	vnsel vm1, $0x80000000, v2;
	v4 =	vor.u32 $0x80000010, v1;
	vm2 =	vlt.f32 v6, v7  }
0x1a0: {  	v2 =	vsel vm0, v4, v2;
	v4 =	vor.u32 $0x80000020, v1;
	vm9 =	vlt.f32 v8, v60  }
0x1a1: {  	v2 =	vsel vm2, v4, v2;
	v4 =	vor.u32 $0x80000030, v1;
	vm10 =	vlt.f32 v10, v61  }
0x1a2: {  	v2 =	vsel vm9, v4, v2;
	v4 =	vor.u32 $0x80000040, v1;
	vm11 =	vlt.f32 v12, v62;
	v6, _, _ =	vpop (xrf0)  }
0x1a3: {  	v2 =	vsel vm10, v4, v2;
	v4 =	vor.u32 $0x80000050, v1;
	v6 =	vbroadcast v6, $0xF  }
0x1a4: {  	vm12 =	vlt.f32 v3, v5;
	v2 =	vsel vm11, v4, v2;
	v3 =	vor.u32 $0x80000060, v1  }
0x1a5: {  	v2 =	vsel vm12, v3, v2;
	vm13 =	veq.f32 v15, v6  }
0x1a6: {  	v2 =	vnsel vm13, $0xC0000000, v2  }
0x1a7: {  	(xrf0) =	vmin.scan.msk.u32 $0xffff, v2;
	_ =	sdelay $0x5  }
0x1a8: {  	v2, _, _ =	vpop (xrf0)  }
0x1a9: {  	(v2sf) =	vpush v2, $0xF;
	_ =	sdelay $0xb  }
0x1aa: {  	v2 =	vmov s26;
	_ =	sdelay $0x2  }
0x1ab: {  	s31 =	spop (v2sf)  }
0x1ac: {  	s25 =	sxor.u32 $0x80000000, s31  }
0x1ad: {  	[tilespmem:v2+s17+$0x0] =	vst.idx.msk $0x1, v6;
	v3 =	vmov s25  }
0x1ae: {  	[tilespmem:v2+s18+$0x0] =	vst.idx.msk $0x1, v3  }
0x1af: {  	v2 =	vld [tilespmem:$0x1C800]  }
0x1b0: {  	v3 =	vld [tilespmem:$0x1C810];
	_ =	sdelay $0x3  }
0x1b1: {  	v4 =	vmin.f32 v2, $3.500000130e+30  }
0x1b2: {  	v4 =	vmin.f32 v4, v3  }
0x1b3: {  	(xrf0) =	vmin.scan.msk.f32 $0xffff, v4;
	_ =	sdelay $0x5  }
0x1b4: {  	v6, _, _ =	vpop (xrf0)  }
0x1b5: {  	(v2sf) =	vpush v6, $0xF;
	_ =	sdelay $0x5  }
0x1b6: {  	v5 =	vld [tilespmem:$0x1C890]  }
0x1b7: {  	v4 =	vld [tilespmem:$0x1C880];
	_ =	sdelay $0x3  }
0x1b8: {  	vm14 =	vgt.s32 v5, $0x0  }
0x1b9: {  	v7 =	vnsel vm14, $0x0, v5;
	vm15 =	vgt.s32 v4, $0x0  }
0x1ba: {  	v63 =	vnsel vm15, $0x0, v4;
	_ =	sdelay $0x1  }
0x1bb: {  	s25 =	spop (v2sf)  }
0x1bc: {  	p2 =	slt.f32 s25, $1.000000020e+29  }
0x1bd: {  	v7 =	vld.idx.msk [tilespmem:v7+s19+$0x0], $0xffff  }
0x1be: {  	v8 =	vld.idx.msk [tilespmem:v63+s19+$0x0], $0xffff;
	v6 =	vbroadcast @p2 v6, $0xF;
	_ =	sdelay $0x1  }
0x1bf: {  	vm1 =	vgt.s32 @p2 v4, $0xFFFFFFFF;
	vm0 =	veq.f32 @p2 v2, v6  }
0x1c0: {  	vm2 =	vgt.s32 @p2 v5, $0xFFFFFFFF;
	vm0 =	vmand @p2 vm1, vm0;
	vm1 =	veq.f32 @p2 v3, v6  }
0x1c1: {  	v6 =	vlaneseq.u32 @p2;
	vm1 =	vmand @p2 vm2, vm1;
	vm2 =	vgt.f32 @p2 v7, $0.0e+00  }
0x1c2: {  	vm3 =	vgt.f32 @p2 v8, $0.0e+00;
	v7 =	vor.u32 @p2 $0x80000010, v6;
	vm1 =	vmand @p2 vm2, vm1  }
0x1c3: {  	vm0 =	vmand @p2 vm3, vm0;
	v6 =	vor.u32 @p2 $0x80000000, v6;
	v7 =	vnsel @p2 vm1, $0xC0000000, v7  }
0x1c4: {  	v6 =	vsel @p2 vm0, v6, v7  }
0x1c5: {  	(xrf0) =	vmin.scan.msk.u32 @p2 $0xffff, v6;
	_ =	sdelay $0x5  }
0x1c6: {  	v6, _, _ =	vpop @p2 (xrf0)  }
0x1c7: {  	(v2sf) =	vpush @p2 v6, $0xF;
	_ =	sdelay $0xe  }
0x1c8: {  	s26 =	spop @p2 (v2sf)  }
0x1c9: {  	s26 =	sxor.u32 @p2 $0x80000000, s26  }
0x1ca: {  	p3 =	slt.s32 @p2 s26, $0x40000000  }
0x1cb: {  	p3 =	por !p2, !p3  }
.Ltmp13:
0x1cc: {  	_ = 	snop;
	(pc) =	sbr.rel @!p3 .LBB2_15-.Ltmp13, $1  }
0x1cd: {  	_ =	sdelay $0x3  }
.Ltmp14:
0x1ce: {  	(pc) =	sbr.rel .LBB2_17-.Ltmp14, $3  }
0x1cf: {  	_ =	sdelay $0x1  }
0x1d0: {  	v5 =	vpsel p2, v5, v5  }
0x1d1: {  	v3 =	vpsel p2, v3, v3;
	v4 =	vpsel p2, v4, v4;
	v2 =	vpsel p2, v2, v2;
	s25 =	smov.u32 @p2 s25  }
.LBB2_20:
0x1d2: {  	_ =	sfence.sel $0x180000  }
0x1d3: {  	[bflag:$0x0] =	sbarrier.arrive $0xFFFF  }
0x1d4: {  	p0 =	sne.s32 s0, $0x0;
	_ =	strace $0x90000047  }
0x1d5: {  	s0 =	sadd.s32 @!p0 $0x100000, s1;
	[bflag:$0x2] =	sbarrier.arrive $0xFFFF  }
0x1d6: {  	[sflag:s0] =	ssyncadd.tile.s32 @!p0 $0x1;
	_ =	shalt  }
.Lfunc_end2:
_tile_overlayer_lowered:
.L_overlay_start_2:
0x1d7: {  	(tag) =	ssettag $0x2  }
0x1d8: {  	s0 =	rddreg [dreg:$0x0];
	s2 =	stileid.u32  }
0x1d9: {  	s1 =	rddreg [dreg:$0x1];
	p0 =	sne.s32 s2, $0x0  }
0x1da: {  	s3 =	rddreg [dreg:$0x2];
	[bflag:$0x3] =	sbarrier.arrive $0xFFFF;
	s2 =	simm.s32 @!p0 $0x1C01  }
0x1db: {  	[timem:s3], [sflag:s2] =	dma.local @!p0 [hbm:s0], s1  }
0x1dc: {  	s0 =	simm.s32 @!p0 $0x1  }
0x1dd: {  	_ =	swait.ge @!p0 [sflag:s0], s1  }
0x1de: {  	s1 =	ssub.s32 @!p0 $0x0, s1;
	[sflag:s0] =	ssyncset.done @!p0 $0x0  }
0x1df: {  	[sflag:s0] =	ssyncadd.s32 @!p0 s1  }
0x1e0: {  	[bflag:$0x3] =	sbarrier.arrive $0xFFFF  }
0x1e1: {  	_ =	shalt  }

</sc_bundles>
